<compile_context>
chip_gen: v7x
topology: tpu7x:2x2x1
jax: 0.10.2.dev20260603
libtpu: 0.0.44.dev20260713+nightly
codegen_flags: <defaults>
</compile_context>

<pallas_src>
import functools

import jax
import jax.numpy as jnp
from jax import lax
from jax.experimental import pallas as pl
from jax.experimental.pallas import tpu as pltpu
from jax.experimental.pallas import tpu_sc as plsc



def _node_body(x_ref, xsa_ref, xsb_ref, wda_ref, wsa_ref, wdb_ref, wsb_ref,
               hda_ref, hsa_ref, hdb_ref, hsb_ref):
    x = x_ref[...]
    hda_ref[...] = jnp.dot(x, wda_ref[...], preferred_element_type=jnp.float32)
    hdb_ref[...] = jnp.dot(x, wdb_ref[...], preferred_element_type=jnp.float32)
    hsa_ref[...] = jnp.dot(xsa_ref[...], wsa_ref[...],
                           preferred_element_type=jnp.float32)
    hsb_ref[...] = jnp.dot(xsb_ref[...], wsb_ref[...],
                           preferred_element_type=jnp.float32)


def _node_transform(x, xs_a, xs_b, Wda, Wsa, Wdb, Wsb):
    n, d = x.shape
    bn = 1000
    grid = (n // bn,)
    row_spec = pl.BlockSpec((bn, d), lambda i: (i, 0))
    w_spec = pl.BlockSpec((d, d), lambda i: (0, 0))
    out = jax.ShapeDtypeStruct((n, d), jnp.float32)
    return pl.pallas_call(
        _node_body,
        grid=grid,
        in_specs=[row_spec, row_spec, row_spec, w_spec, w_spec, w_spec, w_spec],
        out_specs=[row_spec, row_spec, row_spec, row_spec],
        out_shape=[out, out, out, out],
    )(x, xs_a, xs_b, Wda, Wsa, Wdb, Wsb)


def _edge_body(aa_ref, wea_ref, ba_ref, ea_ref):
    ea_ref[...] = (jnp.dot(aa_ref[...], wea_ref[...],
                           preferred_element_type=jnp.float32) + ba_ref[...])


def _edge_transform(attr, We, b):
    e, de = attr.shape
    d = We.shape[1]
    be = 8000
    grid = (e // be,)
    a_spec = pl.BlockSpec((be, de), lambda i: (i, 0))
    w_spec = pl.BlockSpec((de, d), lambda i: (0, 0))
    b_spec = pl.BlockSpec((1, d), lambda i: (0, 0))
    o_spec = pl.BlockSpec((be, d), lambda i: (i, 0))
    out = jax.ShapeDtypeStruct((e, d), jnp.float32)
    return pl.pallas_call(
        _edge_body,
        grid=grid,
        in_specs=[a_spec, w_spec, b_spec],
        out_specs=o_spec,
        out_shape=out,
    )(attr, We, b.reshape(1, d))


def _half_body(acc_ref, wu_ref, bu_ref, out_ref):
    msg = acc_ref[0] + acc_ref[1]
    out_ref[...] = (
        jnp.dot(msg, wu_ref[...], preferred_element_type=jnp.float32)
        + bu_ref[...])


def _half_matmul(acc, Wu, bu):
    n, d = acc.shape[1], acc.shape[2]
    bn = 1000
    grid = (n // bn,)
    return pl.pallas_call(
        _half_body,
        grid=grid,
        in_specs=[
            pl.BlockSpec((2, bn, d), lambda i: (0, i, 0)),
            pl.BlockSpec((d, d), lambda i: (0, 0)),
            pl.BlockSpec((1, d), lambda i: (0, 0)),
        ],
        out_specs=pl.BlockSpec((bn, d), lambda i: (i, 0)),
        out_shape=jax.ShapeDtypeStruct((n, d), jnp.float32),
    )(acc, Wu, bu.reshape(1, d))


def _half_add_body(acc_ref, wu_ref, prev_ref, out_ref):
    msg = acc_ref[0] + acc_ref[1]
    out_ref[...] = (
        jnp.dot(msg, wu_ref[...], preferred_element_type=jnp.float32)
        + prev_ref[...])


def _half_add_matmul(acc, Wu, prev):
    n, d = acc.shape[1], acc.shape[2]
    bn = 1000
    grid = (n // bn,)
    return pl.pallas_call(
        _half_add_body,
        grid=grid,
        in_specs=[
            pl.BlockSpec((2, bn, d), lambda i: (0, i, 0)),
            pl.BlockSpec((d, d), lambda i: (0, 0)),
            pl.BlockSpec((bn, d), lambda i: (i, 0)),
        ],
        out_specs=pl.BlockSpec((bn, d), lambda i: (i, 0)),
        out_shape=jax.ShapeDtypeStruct((n, d), jnp.float32),
    )(acc, Wu, prev)



_CH = 40


def _sc_message_passing(hd_in, hs_in, e_in, dst_in, src_in):
    n, d = hd_in.shape
    e = dst_in.shape[0]
    info = plsc.get_sparse_core_info()
    nc, ns, nl = info.num_cores, info.num_subcores, info.num_lanes
    nw = nc * ns
    ept = e // nw
    chunks = ept // _CH
    assert ept * nw == e and chunks * _CH == ept
    zrows = _CH
    units = n // zrows
    assert units * zrows == n
    nvec = d // nl

    assert chunks >= 4
    nst = 3
    triples = chunks // nst
    rem = chunks % nst

    mesh = plsc.VectorSubcoreMesh(core_axis_name="c", subcore_axis_name="s")

    buf_t = pltpu.VMEM((_CH, d), jnp.float32)
    idx_t = pltpu.VMEM((_CH,), jnp.int32)

    @functools.partial(
        pl.kernel,
        mesh=mesh,
        out_type=jax.ShapeDtypeStruct((2, n, d), jnp.float32),
        scratch_types=(
            [idx_t] * (2 * nst)
            + [buf_t] * (3 * nst)
            + [pltpu.VMEM_SHARED((n, d), jnp.float32)]
            + [pltpu.SemaphoreType.DMA] * (3 * nst)
        ),
    )
    def sc_kernel(hd, hs, ee, dst, src, out, *scr):
        idxs = scr[:2 * nst]
        bufs = scr[2 * nst:5 * nst]
        acc_sh = scr[5 * nst]
        sems = scr[5 * nst + 1:]
        stage = tuple(
            (idxs[2 * r], idxs[2 * r + 1],
             bufs[3 * r], bufs[3 * r + 1], bufs[3 * r + 2],
             sems[3 * r], sems[3 * r + 1], sems[3 * r + 2])
            for r in range(nst))
        c = lax.axis_index("c")
        s = lax.axis_index("s")
        wid = s * nc + c

        def _process():
            def _launch_idx(g, st):
                idx_d, idx_s = st[0], st[1]
                sem_i = st[6]
                base = wid * ept + g * _CH
                pltpu.async_copy(dst.at[pl.ds(base, _CH)], idx_d, sem_i)
                pltpu.async_copy(src.at[pl.ds(base, _CH)], idx_s, sem_i)

            def _wait_idx(st):
                idx_d, idx_s = st[0], st[1]
                sem_i = st[6]
                pltpu.make_async_copy(dst.at[pl.ds(0, _CH)], idx_d,
                                      sem_i).wait()
                pltpu.make_async_copy(src.at[pl.ds(0, _CH)], idx_s,
                                      sem_i).wait()

            def _launch_gather(g, st):
                idx_d, idx_s, hd_buf, hs_buf, e_buf = st[:5]
                sem_g = st[5]
                base = wid * ept + g * _CH
                pltpu.async_copy(hd.at[idx_d], hd_buf, sem_g)
                pltpu.async_copy(hs.at[idx_s], hs_buf, sem_g)
                pltpu.async_copy(ee.at[pl.ds(base, _CH)], e_buf, sem_g)

            def _wait_gather(st):
                idx_d, idx_s, hd_buf, hs_buf, e_buf = st[:5]
                sem_g = st[5]
                pltpu.make_async_copy(hd.at[idx_d], hd_buf, sem_g).wait()
                pltpu.make_async_copy(hs.at[idx_s], hs_buf, sem_g).wait()
                pltpu.make_async_copy(ee.at[pl.ds(0, _CH)], e_buf,
                                      sem_g).wait()

            def _compute_scatter(st):
                idx_d, _, hd_buf, hs_buf, e_buf = st[:5]
                sem_s = st[7]

                def _row(i, _):
                    for j in range(nvec):
                        sl = pl.ds(j * nl, nl)
                        m = hd_buf[i, sl] + hs_buf[i, sl] + e_buf[i, sl]
                        e_buf[i, sl] = jnp.maximum(m, 0.0)
                    return 0
                lax.fori_loop(0, _CH, _row, 0)
                pltpu.async_copy(e_buf, acc_sh.at[idx_d], sem_s, add=True)

            def _drain_scatter(st):
                idx_d, e_buf, sem_s = st[0], st[4], st[7]
                pltpu.make_async_copy(e_buf, acc_sh.at[idx_d], sem_s).wait()

            zsrc = stage[0][4]

            def _zero_body(i, _):
                for j in range(nvec):
                    zsrc[i, pl.ds(j * nl, nl)] = jnp.zeros((nl,), jnp.float32)
                return 0
            lax.fori_loop(0, zrows, _zero_body, 0)

            def _z(u, _):
                @pl.when(u % ns == s)
                def _():
                    pltpu.sync_copy(zsrc, acc_sh.at[pl.ds(u * zrows, zrows)])
                return 0
            lax.fori_loop(0, units, _z, 0)
            plsc.subcore_barrier()

            def _iter(g, r):
                n1 = (r + 1) % nst
                n2 = (r + 2) % nst

                @pl.when(g + 1 < chunks)
                def _():
                    _wait_idx(stage[n1])
                    _launch_gather(g + 1, stage[n1])
                _wait_gather(stage[r])
                _compute_scatter(stage[r])

                @pl.when((g >= 1) & (g + 2 < chunks))
                def _():
                    _drain_scatter(stage[n2])

                @pl.when(g + 2 < chunks)
                def _():
                    _launch_idx(g + 2, stage[n2])

            pltpu.sync_copy(dst.at[pl.ds(wid * ept, _CH)], stage[0][0])
            pltpu.sync_copy(src.at[pl.ds(wid * ept, _CH)], stage[0][1])
            _launch_gather(0, stage[0])
            _launch_idx(1, stage[1])

            def _triple(k, _):
                for off in range(nst):
                    _iter(nst * k + off, off)
                return 0
            lax.fori_loop(0, triples, _triple, 0)
            for off in range(rem):
                _iter(nst * triples + off, off)
            for g in range(chunks - 3, chunks):
                _drain_scatter(stage[g % nst])
            plsc.subcore_barrier()

            def _flush(u, _):
                @pl.when(u % ns == s)
                def _():
                    r0 = u * zrows
                    pltpu.sync_copy(acc_sh.at[pl.ds(r0, zrows)],
                                    out.at[c, pl.ds(r0, zrows)])
                return 0
            lax.fori_loop(0, units, _flush, 0)

        _process()

    return sc_kernel(hd_in, hs_in, e_in, dst_in, src_in)




def kernel(x, xs_a, xs_b, edge_index_a, edge_index_b, edge_attr_a, edge_attr_b,
           W_dst_a, W_src_a, W_edge_a, b_a,
           W_dst_b, W_src_b, W_edge_b, b_b,
           W_u, b_u):
    d = x.shape[1]

    hd_a, hs_a, hd_b, hs_b = _node_transform(
        x, xs_a, xs_b, W_dst_a, W_src_a, W_dst_b, W_src_b)

    dst_a = edge_index_a[0]
    src_a = edge_index_a[1]
    src_b = edge_index_b[0]
    dst_b = edge_index_b[1]

    e_a = _edge_transform(edge_attr_a, W_edge_a, b_a)
    acc_a = _sc_message_passing(hd_a, hs_a, e_a, dst_a, src_a)
    e_b = _edge_transform(edge_attr_b, W_edge_b, b_b)
    acc_b = _sc_message_passing(hd_b, hs_b, e_b, dst_b, src_b)
    out_a = _half_matmul(acc_a, W_u[:d], b_u)
    return _half_add_matmul(acc_b, W_u[d:], out_a)

# --- scband reference (transcript-rebuilt; emitter-appended) ---
"""Pipeline reference for scband-node-type-model-25194278158681 (READ-ONLY COPY).

The authoritative reference and input builder live on the scoring server;
editing this copy changes nothing except your own understanding.
"""

import jax, jax.numpy as jnp
import numpy as np

N = 10000
E = 320000
D = 128
DE = 16


def setup_inputs(seed: int = 0) -> dict:
    key = jax.random.key(seed)
    ks = jax.random.split(key, 20)
    s = 0.02
    inp = {
        "x": jax.random.normal(ks[0], (N, D), dtype=jnp.float32),
        "xs_a": jax.random.normal(ks[1], (N, D), dtype=jnp.float32),
        "xs_b": jax.random.normal(ks[2], (N, D), dtype=jnp.float32),
        "edge_index_a": jax.random.randint(ks[3], (2, E), 0, N, dtype=jnp.int32),
        "edge_index_b": jax.random.randint(ks[4], (2, E), 0, N, dtype=jnp.int32),
        "edge_attr_a": jax.random.normal(ks[5], (E, DE), dtype=jnp.float32),
        "edge_attr_b": jax.random.normal(ks[6], (E, DE), dtype=jnp.float32),
        # learned parameters: one message model per node type + update model
        "W_dst_a": s * jax.random.normal(ks[7], (D, D), dtype=jnp.float32),
        "W_src_a": s * jax.random.normal(ks[8], (D, D), dtype=jnp.float32),
        "W_edge_a": s * jax.random.normal(ks[9], (DE, D), dtype=jnp.float32),
        "b_a": jnp.zeros((D,), dtype=jnp.float32),
        "W_dst_b": s * jax.random.normal(ks[10], (D, D), dtype=jnp.float32),
        "W_src_b": s * jax.random.normal(ks[11], (D, D), dtype=jnp.float32),
        "W_edge_b": s * jax.random.normal(ks[12], (DE, D), dtype=jnp.float32),
        "b_b": jnp.zeros((D,), dtype=jnp.float32),
        "W_u": s * jax.random.normal(ks[13], (2 * D, D), dtype=jnp.float32),
        "b_u": jnp.zeros((D,), dtype=jnp.float32),
    }
    return inp


def reference(x, xs_a, xs_b, edge_index_a, edge_index_b, edge_attr_a, edge_attr_b,
              W_dst_a, W_src_a, W_edge_a, b_a,
              W_dst_b, W_src_b, W_edge_b, b_b,
              W_u, b_u):
    n = x.shape[0]

    def message(x_dst_nodes, x_src_nodes, ei, attr, Wd, Ws, We, b):
        src = ei[0]
        dst = ei[1]
        # transform node features once, then gather per edge (memory-bound)
        hd = x_dst_nodes @ Wd
        hs = x_src_nodes @ Ws
        m = jax.nn.relu(hd[dst] + hs[src] + attr @ We + b)
        return jax.ops.segment_sum(m, dst, num_segments=n)

    # node_types = ["a", "b"], this model is for node_type "b" (node_type_ix = 1)
    # -> for type "a" (i=0 < 1) the edge_index rows are swapped
    ei_a = edge_index_a[jnp.array([1, 0])]
    msg_a = message(x, xs_a, ei_a, edge_attr_a, W_dst_a, W_src_a, W_edge_a, b_a)
    msg_b = message(x, xs_b, edge_index_b, edge_attr_b, W_dst_b, W_src_b, W_edge_b, b_b)
    inp = jnp.concatenate([msg_a, msg_b], axis=1)
    out = inp @ W_u + b_u
    return out

if __name__ == "__main__":
    import jax
    _d = setup_inputs()
    print(jax.jit(kernel)(*tuple(_d.values())))

</pallas_src>

<mosaic_0001>
#map = affine_map<(d0, d1) -> (0, 0)>
#map1 = affine_map<(d0, d1) -> (0)>
#map2 = affine_map<(d0, d1) -> (0, 0, 0)>
module attributes {stable_mosaic.version = 14 : i64} {
  func.func @sc_kernel(%arg0: i32, %arg1: i32, %arg2: memref<10000x128xf32, #tpu.memory_space<hbm>>, %arg3: memref<10000x128xf32, #tpu.memory_space<hbm>>, %arg4: memref<320000x128xf32, #tpu.memory_space<hbm>>, %arg5: memref<320000xi32, #tpu.memory_space<hbm>>, %arg6: memref<320000xi32, #tpu.memory_space<hbm>>, %arg7: memref<2x10000x128xf32, #tpu.memory_space<hbm>>, %arg8: memref<40xi32, #tpu.memory_space<vmem>>, %arg9: memref<40xi32, #tpu.memory_space<vmem>>, %arg10: memref<40xi32, #tpu.memory_space<vmem>>, %arg11: memref<40xi32, #tpu.memory_space<vmem>>, %arg12: memref<40xi32, #tpu.memory_space<vmem>>, %arg13: memref<40xi32, #tpu.memory_space<vmem>>, %arg14: memref<40x128xf32, #tpu.memory_space<vmem>>, %arg15: memref<40x128xf32, #tpu.memory_space<vmem>>, %arg16: memref<40x128xf32, #tpu.memory_space<vmem>>, %arg17: memref<40x128xf32, #tpu.memory_space<vmem>>, %arg18: memref<40x128xf32, #tpu.memory_space<vmem>>, %arg19: memref<40x128xf32, #tpu.memory_space<vmem>>, %arg20: memref<40x128xf32, #tpu.memory_space<vmem>>, %arg21: memref<40x128xf32, #tpu.memory_space<vmem>>, %arg22: memref<40x128xf32, #tpu.memory_space<vmem>>, %arg23: memref<10000x128xf32, #tpu.memory_space<vmem_shared>>, %arg24: memref<!tpu.dma_semaphore, #tpu.memory_space<semaphore_mem>>, %arg25: memref<!tpu.dma_semaphore, #tpu.memory_space<semaphore_mem>>, %arg26: memref<!tpu.dma_semaphore, #tpu.memory_space<semaphore_mem>>, %arg27: memref<!tpu.dma_semaphore, #tpu.memory_space<semaphore_mem>>, %arg28: memref<!tpu.dma_semaphore, #tpu.memory_space<semaphore_mem>>, %arg29: memref<!tpu.dma_semaphore, #tpu.memory_space<semaphore_mem>>, %arg30: memref<!tpu.dma_semaphore, #tpu.memory_space<semaphore_mem>>, %arg31: memref<!tpu.dma_semaphore, #tpu.memory_space<semaphore_mem>>, %arg32: memref<!tpu.dma_semaphore, #tpu.memory_space<semaphore_mem>>) attributes {dimension_semantics = [#tpu.dimension_semantics<core_parallel>, #tpu.dimension_semantics<subcore_parallel>], iteration_bounds = array<i64: 2, 16>, scalar_prefetch = 0 : i64, scratch_operands = 25 : i64, tpu.core_type = #tpu.core_type<sc_vector_subcore>, window_params = [{transform_indices = #map}, {transform_indices = #map}, {transform_indices = #map}, {transform_indices = #map1}, {transform_indices = #map1}, {transform_indices = #map2}]} {
    %mul3A = arith.constant 2 : i32
    %mul3A_0 = arith.muli %arg1, %mul3A : i32
    %add3A = arith.addi %mul3A_0, %arg0 : i32
    %scan3A = arith.constant 0 : i32
    %scan3A_1 = arith.constant 0 : i32
    %scan3A_2 = arith.constant 40 : i32
    %scan3A_3 = arith.addi %scan3A_1, %scan3A_2 : i32
    %scan3A_4 = arith.constant 1 : i32
    %scan3A_5 = scf.for %scan3A_84 = %scan3A_1 to %scan3A_3 step %scan3A_4 iter_args(%scan3A_85 = %scan3A) -> (i32)  : i32 {
      %broadcast_in_dim3A = arith.constant 0.000000e+00 : f32
      %broadcast_in_dim3A_86 = vector.broadcast %broadcast_in_dim3A : f32 to vector<16xf32>
      %swap3A = arith.index_cast %scan3A_84 : i32 to index
      %swap3A_87 = arith.constant 0 : index
      %swap3A_88 = tpu.vector_load %arg16[%swap3A, %swap3A_87] {strides = array<i32>} : memref<40x128xf32, #tpu.memory_space<vmem>>, vector<1x16xf32>,
      %swap3A_89 = vector.shape_cast %swap3A_88 : vector<1x16xf32> to vector<16xf32>
      %swap3A_90 = vector.shape_cast %broadcast_in_dim3A_86 : vector<16xf32> to vector<1x16xf32>
      tpu.vector_store %arg16[%swap3A, %swap3A_87], %swap3A_90 {strides = array<i32>} : memref<40x128xf32, #tpu.memory_space<vmem>>, vector<1x16xf32>,
      %broadcast_in_dim3A_91 = arith.constant 0.000000e+00 : f32
      %broadcast_in_dim3A_92 = vector.broadcast %broadcast_in_dim3A_91 : f32 to vector<16xf32>
      %swap3A_93 = arith.index_cast %scan3A_84 : i32 to index
      %swap3A_94 = arith.constant 16 : index
      %swap3A_95 = tpu.vector_load %arg16[%swap3A_93, %swap3A_94] {strides = array<i32>} : memref<40x128xf32, #tpu.memory_space<vmem>>, vector<1x16xf32>,
      %swap3A_96 = vector.shape_cast %swap3A_95 : vector<1x16xf32> to vector<16xf32>
      %swap3A_97 = vector.shape_cast %broadcast_in_dim3A_92 : vector<16xf32> to vector<1x16xf32>
      tpu.vector_store %arg16[%swap3A_93, %swap3A_94], %swap3A_97 {strides = array<i32>} : memref<40x128xf32, #tpu.memory_space<vmem>>, vector<1x16xf32>,
      %broadcast_in_dim3A_98 = arith.constant 0.000000e+00 : f32
      %broadcast_in_dim3A_99 = vector.broadcast %broadcast_in_dim3A_98 : f32 to vector<16xf32>
      %swap3A_100 = arith.index_cast %scan3A_84 : i32 to index
      %swap3A_101 = arith.constant 32 : index
      %swap3A_102 = tpu.vector_load %arg16[%swap3A_100, %swap3A_101] {strides = array<i32>} : memref<40x128xf32, #tpu.memory_space<vmem>>, vector<1x16xf32>,
      %swap3A_103 = vector.shape_cast %swap3A_102 : vector<1x16xf32> to vector<16xf32>
      %swap3A_104 = vector.shape_cast %broadcast_in_dim3A_99 : vector<16xf32> to vector<1x16xf32>
      tpu.vector_store %arg16[%swap3A_100, %swap3A_101], %swap3A_104 {strides = array<i32>} : memref<40x128xf32, #tpu.memory_space<vmem>>, vector<1x16xf32>,
      %broadcast_in_dim3A_105 = arith.constant 0.000000e+00 : f32
      %broadcast_in_dim3A_106 = vector.broadcast %broadcast_in_dim3A_105 : f32 to vector<16xf32>
      %swap3A_107 = arith.index_cast %scan3A_84 : i32 to index
      %swap3A_108 = arith.constant 48 : index
      %swap3A_109 = tpu.vector_load %arg16[%swap3A_107, %swap3A_108] {strides = array<i32>} : memref<40x128xf32, #tpu.memory_space<vmem>>, vector<1x16xf32>,
      %swap3A_110 = vector.shape_cast %swap3A_109 : vector<1x16xf32> to vector<16xf32>
      %swap3A_111 = vector.shape_cast %broadcast_in_dim3A_106 : vector<16xf32> to vector<1x16xf32>
      tpu.vector_store %arg16[%swap3A_107, %swap3A_108], %swap3A_111 {strides = array<i32>} : memref<40x128xf32, #tpu.memory_space<vmem>>, vector<1x16xf32>,
      %broadcast_in_dim3A_112 = arith.constant 0.000000e+00 : f32
      %broadcast_in_dim3A_113 = vector.broadcast %broadcast_in_dim3A_112 : f32 to vector<16xf32>
      %swap3A_114 = arith.index_cast %scan3A_84 : i32 to index
      %swap3A_115 = arith.constant 64 : index
      %swap3A_116 = tpu.vector_load %arg16[%swap3A_114, %swap3A_115] {strides = array<i32>} : memref<40x128xf32, #tpu.memory_space<vmem>>, vector<1x16xf32>,
      %swap3A_117 = vector.shape_cast %swap3A_116 : vector<1x16xf32> to vector<16xf32>
      %swap3A_118 = vector.shape_cast %broadcast_in_dim3A_113 : vector<16xf32> to vector<1x16xf32>
      tpu.vector_store %arg16[%swap3A_114, %swap3A_115], %swap3A_118 {strides = array<i32>} : memref<40x128xf32, #tpu.memory_space<vmem>>, vector<1x16xf32>,
      %broadcast_in_dim3A_119 = arith.constant 0.000000e+00 : f32
      %broadcast_in_dim3A_120 = vector.broadcast %broadcast_in_dim3A_119 : f32 to vector<16xf32>
      %swap3A_121 = arith.index_cast %scan3A_84 : i32 to index
      %swap3A_122 = arith.constant 80 : index
      %swap3A_123 = tpu.vector_load %arg16[%swap3A_121, %swap3A_122] {strides = array<i32>} : memref<40x128xf32, #tpu.memory_space<vmem>>, vector<1x16xf32>,
      %swap3A_124 = vector.shape_cast %swap3A_123 : vector<1x16xf32> to vector<16xf32>
      %swap3A_125 = vector.shape_cast %broadcast_in_dim3A_120 : vector<16xf32> to vector<1x16xf32>
      tpu.vector_store %arg16[%swap3A_121, %swap3A_122], %swap3A_125 {strides = array<i32>} : memref<40x128xf32, #tpu.memory_space<vmem>>, vector<1x16xf32>,
      %broadcast_in_dim3A_126 = arith.constant 0.000000e+00 : f32
      %broadcast_in_dim3A_127 = vector.broadcast %broadcast_in_dim3A_126 : f32 to vector<16xf32>
      %swap3A_128 = arith.index_cast %scan3A_84 : i32 to index
      %swap3A_129 = arith.constant 96 : index
      %swap3A_130 = tpu.vector_load %arg16[%swap3A_128, %swap3A_129] {strides = array<i32>} : memref<40x128xf32, #tpu.memory_space<vmem>>, vector<1x16xf32>,
      %swap3A_131 = vector.shape_cast %swap3A_130 : vector<1x16xf32> to vector<16xf32>
      %swap3A_132 = vector.shape_cast %broadcast_in_dim3A_127 : vector<16xf32> to vector<1x16xf32>
      tpu.vector_store %arg16[%swap3A_128, %swap3A_129], %swap3A_132 {strides = array<i32>} : memref<40x128xf32, #tpu.memory_space<vmem>>, vector<1x16xf32>,
      %broadcast_in_dim3A_133 = arith.constant 0.000000e+00 : f32
      %broadcast_in_dim3A_134 = vector.broadcast %broadcast_in_dim3A_133 : f32 to vector<16xf32>
      %swap3A_135 = arith.index_cast %scan3A_84 : i32 to index
      %swap3A_136 = arith.constant 112 : index
      %swap3A_137 = tpu.vector_load %arg16[%swap3A_135, %swap3A_136] {strides = array<i32>} : memref<40x128xf32, #tpu.memory_space<vmem>>, vector<1x16xf32>,
      %swap3A_138 = vector.shape_cast %swap3A_137 : vector<1x16xf32> to vector<16xf32>
      %swap3A_139 = vector.shape_cast %broadcast_in_dim3A_134 : vector<16xf32> to vector<1x16xf32>
      tpu.vector_store %arg16[%swap3A_135, %swap3A_136], %swap3A_139 {strides = array<i32>} : memref<40x128xf32, #tpu.memory_space<vmem>>, vector<1x16xf32>,
      %scan3A_140 = arith.constant 0 : i32
      scf.yield %scan3A_140 : i32
    }
    %scan3A_6 = arith.constant 40 : i32
    %scan3A_7 = arith.constant 0 : i32
    %scan3A_8 = arith.constant 0 : i32
    %scan3A_9 = arith.constant 250 : i32
    %scan3A_10 = arith.addi %scan3A_8, %scan3A_9 : i32
    %scan3A_11 = arith.constant 1 : i32
    %scan3A_12 = scf.for %scan3A_84 = %scan3A_8 to %scan3A_10 step %scan3A_11 iter_args(%scan3A_85 = %scan3A_7) -> (i32)  : i32 {
      %jit3A = arith.constant 16 : i32
      %eq3A = arith.constant 0 : i32
      %eq3A_86 = arith.cmpi eq, %jit3A, %eq3A : i32
      %jit3A_87 = arith.constant 1 : i32
      %select_n3A = arith.select %eq3A_86, %jit3A_87, %jit3A : i32
      %rem3A = arith.remsi %scan3A_84, %select_n3A : i32
      %ne3A = arith.constant 0 : i32
      %ne3A_88 = arith.cmpi ne, %rem3A, %ne3A : i32
      %lt3A = arith.constant 0 : i32
      %lt3A_89 = arith.cmpi slt, %rem3A, %lt3A : i32
      %lt3A_90 = arith.constant 0 : i32
      %lt3A_91 = arith.cmpi slt, %select_n3A, %lt3A_90 : i32
      %ne3A_92 = arith.xori %lt3A_89, %lt3A_91 : i1
      %and3A = arith.andi %ne3A_92, %ne3A_88 : i1
      %add3A_93 = arith.addi %rem3A, %select_n3A : i32
      %select_n3A_94 = arith.select %and3A, %add3A_93, %rem3A : i32
      %eq3A_95 = arith.cmpi eq, %select_n3A_94, %arg1 : i32
      %convert_element_type3A = arith.extui %eq3A_95 : i1 to i32
      %cond3A = arith.constant 0 : i32
      %cond3A_96 = arith.cmpi ne, %convert_element_type3A, %cond3A : i32
      scf.if %cond3A_96 {
        %mul3A_98 = arith.constant 40 : i32
        %mul3A_99 = arith.muli %scan3A_84, %mul3A_98 : i32
        "tpu.region"() ({
          %run_scoped3A = tpu.sem_alloc : memref<!tpu.dma_semaphore, #tpu.memory_space<semaphore_mem>>
          %dma_start3A_100 = arith.constant 0 : i32
          %dma_start3A_101 = tpu.memref_slice %arg23[%mul3A_99, %dma_start3A_100] : memref<10000x128xf32, #tpu.memory_space<vmem_shared>> -> memref<40x128xf32, #tpu.memory_space<vmem_shared>>
          %dma_start3A_102 = arith.constant 0 : i32
          %dma_start3A_103 = tpu.memref_slice %arg23[%mul3A_99, %dma_start3A_102] : memref<10000x128xf32, #tpu.memory_space<vmem_shared>> -> memref<40x128xf32, #tpu.memory_space<vmem_shared>>
          tpu.enqueue_dma source(%arg16 : memref<40x128xf32, #tpu.memory_space<vmem>>) target(%dma_start3A_103 : memref<40x128xf32, #tpu.memory_space<vmem_shared>>) target_semaphore(%run_scoped3A : memref<!tpu.dma_semaphore, #tpu.memory_space<semaphore_mem>>)
          %dma_wait3A_104 = arith.constant 0 : i32
          %dma_wait3A_105 = tpu.memref_slice %arg23[%mul3A_99, %dma_wait3A_104] : memref<10000x128xf32, #tpu.memory_space<vmem_shared>> -> memref<40x128xf32, #tpu.memory_space<vmem_shared>>
          %dma_wait3A_106 = arith.constant 0 : i32
          %dma_wait3A_107 = tpu.memref_slice %arg23[%mul3A_99, %dma_wait3A_106] : memref<10000x128xf32, #tpu.memory_space<vmem_shared>> -> memref<40x128xf32, #tpu.memory_space<vmem_shared>>
          tpu.wait_dma2 semaphore(%run_scoped3A : memref<!tpu.dma_semaphore, #tpu.memory_space<semaphore_mem>>) src(%arg16 : memref<40x128xf32, #tpu.memory_space<vmem>>) dst(%dma_wait3A_107 : memref<40x128xf32, #tpu.memory_space<vmem_shared>>)
          tpu.yield
        }) : () -> ()
      } else {
      }
      %scan3A_97 = arith.constant 0 : i32
      scf.yield %scan3A_97 : i32
    }
    %scan3A_13 = arith.constant 250 : i32
    %barrier3A = arith.constant 0 : index
    tpu.barrier barrier_id(%barrier3A)
    %mul3A_14 = arith.constant 10000 : i32
    %mul3A_15 = arith.muli %add3A, %mul3A_14 : i32
    "tpu.region"() ({
      %run_scoped3A = tpu.sem_alloc : memref<!tpu.dma_semaphore, #tpu.memory_space<semaphore_mem>>
      %dma_start3A_84 = tpu.memref_slice %arg5[%mul3A_15] : memref<320000xi32, #tpu.memory_space<hbm>> -> memref<40xi32, #tpu.memory_space<hbm>>
      %dma_start3A_85 = tpu.memref_slice %arg5[%mul3A_15] : memref<320000xi32, #tpu.memory_space<hbm>> -> memref<40xi32, #tpu.memory_space<hbm>>
      tpu.enqueue_dma source(%dma_start3A_85 : memref<40xi32, #tpu.memory_space<hbm>>) target(%arg8 : memref<40xi32, #tpu.memory_space<vmem>>) target_semaphore(%run_scoped3A : memref<!tpu.dma_semaphore, #tpu.memory_space<semaphore_mem>>)
      %dma_wait3A_86 = tpu.memref_slice %arg5[%mul3A_15] : memref<320000xi32, #tpu.memory_space<hbm>> -> memref<40xi32, #tpu.memory_space<hbm>>
      %dma_wait3A_87 = tpu.memref_slice %arg5[%mul3A_15] : memref<320000xi32, #tpu.memory_space<hbm>> -> memref<40xi32, #tpu.memory_space<hbm>>
      tpu.wait_dma2 semaphore(%run_scoped3A : memref<!tpu.dma_semaphore, #tpu.memory_space<semaphore_mem>>) src(%dma_wait3A_87 : memref<40xi32, #tpu.memory_space<hbm>>) dst(%arg8 : memref<40xi32, #tpu.memory_space<vmem>>)
      tpu.yield
    }) : () -> ()
    %mul3A_16 = arith.constant 10000 : i32
    %mul3A_17 = arith.muli %add3A, %mul3A_16 : i32
    "tpu.region"() ({
      %run_scoped3A = tpu.sem_alloc : memref<!tpu.dma_semaphore, #tpu.memory_space<semaphore_mem>>
      %dma_start3A_84 = tpu.memref_slice %arg6[%mul3A_17] : memref<320000xi32, #tpu.memory_space<hbm>> -> memref<40xi32, #tpu.memory_space<hbm>>
      %dma_start3A_85 = tpu.memref_slice %arg6[%mul3A_17] : memref<320000xi32, #tpu.memory_space<hbm>> -> memref<40xi32, #tpu.memory_space<hbm>>
      tpu.enqueue_dma source(%dma_start3A_85 : memref<40xi32, #tpu.memory_space<hbm>>) target(%arg9 : memref<40xi32, #tpu.memory_space<vmem>>) target_semaphore(%run_scoped3A : memref<!tpu.dma_semaphore, #tpu.memory_space<semaphore_mem>>)
      %dma_wait3A_86 = tpu.memref_slice %arg6[%mul3A_17] : memref<320000xi32, #tpu.memory_space<hbm>> -> memref<40xi32, #tpu.memory_space<hbm>>
      %dma_wait3A_87 = tpu.memref_slice %arg6[%mul3A_17] : memref<320000xi32, #tpu.memory_space<hbm>> -> memref<40xi32, #tpu.memory_space<hbm>>
      tpu.wait_dma2 semaphore(%run_scoped3A : memref<!tpu.dma_semaphore, #tpu.memory_space<semaphore_mem>>) src(%dma_wait3A_87 : memref<40xi32, #tpu.memory_space<hbm>>) dst(%arg9 : memref<40xi32, #tpu.memory_space<vmem>>)
      tpu.yield
    }) : () -> ()
    %mul3A_18 = arith.constant 10000 : i32
    %mul3A_19 = arith.muli %add3A, %mul3A_18 : i32
    %add3A_20 = arith.constant 0 : i32
    %add3A_21 = arith.addi %mul3A_19, %add3A_20 : i32
    %dma_start3A = arith.constant 0 : i32
    %dma_start3A_22 = arith.constant 0 : i32
    %dma_start3A_23 = tpu.memref_slice %arg2[%dma_start3A, %dma_start3A_22] : memref<10000x128xf32, #tpu.memory_space<hbm>> -> memref<10000x128xf32, #tpu.memory_space<hbm>>
    tpu.enqueue_indirect_dma source(%dma_start3A_23 : memref<10000x128xf32, #tpu.memory_space<hbm>>) target(%arg14 : memref<40x128xf32, #tpu.memory_space<vmem>>) offsets(%arg8 : memref<40xi32, #tpu.memory_space<vmem>>) semaphore(%arg24 : memref<!tpu.dma_semaphore, #tpu.memory_space<semaphore_mem>>)
    %dma_start3A_24 = arith.constant 0 : i32
    %dma_start3A_25 = arith.constant 0 : i32
    %dma_start3A_26 = tpu.memref_slice %arg3[%dma_start3A_24, %dma_start3A_25] : memref<10000x128xf32, #tpu.memory_space<hbm>> -> memref<10000x128xf32, #tpu.memory_space<hbm>>
    tpu.enqueue_indirect_dma source(%dma_start3A_26 : memref<10000x128xf32, #tpu.memory_space<hbm>>) target(%arg15 : memref<40x128xf32, #tpu.memory_space<vmem>>) offsets(%arg9 : memref<40xi32, #tpu.memory_space<vmem>>) semaphore(%arg24 : memref<!tpu.dma_semaphore, #tpu.memory_space<semaphore_mem>>)
    %dma_start3A_27 = arith.constant 0 : i32
    %dma_start3A_28 = tpu.memref_slice %arg4[%add3A_21, %dma_start3A_27] : memref<320000x128xf32, #tpu.memory_space<hbm>> -> memref<40x128xf32, #tpu.memory_space<hbm>>
    %dma_start3A_29 = arith.constant 0 : i32
    %dma_start3A_30 = tpu.memref_slice %arg4[%add3A_21, %dma_start3A_29] : memref<320000x128xf32, #tpu.memory_space<hbm>> -> memref<40x128xf32, #tpu.memory_space<hbm>>
    tpu.enqueue_dma source(%dma_start3A_30 : memref<40x128xf32, #tpu.memory_space<hbm>>) target(%arg16 : memref<40x128xf32, #tpu.memory_space<vmem>>) target_semaphore(%arg24 : memref<!tpu.dma_semaphore, #tpu.memory_space<semaphore_mem>>)
    %mul3A_31 = arith.constant 10000 : i32
    %mul3A_32 = arith.muli %add3A, %mul3A_31 : i32
    %add3A_33 = arith.constant 40 : i32
    %add3A_34 = arith.addi %mul3A_32, %add3A_33 : i32
    %dma_start3A_35 = tpu.memref_slice %arg5[%add3A_34] : memref<320000xi32, #tpu.memory_space<hbm>> -> memref<40xi32, #tpu.memory_space<hbm>>
    %dma_start3A_36 = tpu.memref_slice %arg5[%add3A_34] : memref<320000xi32, #tpu.memory_space<hbm>> -> memref<40xi32, #tpu.memory_space<hbm>>
    tpu.enqueue_dma source(%dma_start3A_36 : memref<40xi32, #tpu.memory_space<hbm>>) target(%arg10 : memref<40xi32, #tpu.memory_space<vmem>>) target_semaphore(%arg28 : memref<!tpu.dma_semaphore, #tpu.memory_space<semaphore_mem>>)
    %dma_start3A_37 = tpu.memref_slice %arg6[%add3A_34] : memref<320000xi32, #tpu.memory_space<hbm>> -> memref<40xi32, #tpu.memory_space<hbm>>
    %dma_start3A_38 = tpu.memref_slice %arg6[%add3A_34] : memref<320000xi32, #tpu.memory_space<hbm>> -> memref<40xi32, #tpu.memory_space<hbm>>
    tpu.enqueue_dma source(%dma_start3A_38 : memref<40xi32, #tpu.memory_space<hbm>>) target(%arg11 : memref<40xi32, #tpu.memory_space<vmem>>) target_semaphore(%arg28 : memref<!tpu.dma_semaphore, #tpu.memory_space<semaphore_mem>>)
    %scan3A_39 = arith.constant 0 : i32
    %scan3A_40 = arith.constant 0 : i32
    %scan3A_41 = arith.constant 83 : i32
    %scan3A_42 = arith.addi %scan3A_40, %scan3A_41 : i32
    %scan3A_43 = arith.constant 1 : i32
    %scan3A_44 = scf.for %scan3A_84 = %scan3A_40 to %scan3A_42 step %scan3A_43 iter_args(%scan3A_85 = %scan3A_39) -> (i32)  : i32 {
      %mul3A_86 = arith.constant 3 : i32
      %mul3A_87 = arith.muli %mul3A_86, %scan3A_84 : i32
      %add3A_88 = arith.constant 0 : i32
      %add3A_89 = arith.addi %mul3A_87, %add3A_88 : i32
      %add3A_90 = arith.constant 1 : i32
      %add3A_91 = arith.addi %add3A_89, %add3A_90 : i32
      %lt3A = arith.constant 250 : i32
      %lt3A_92 = arith.cmpi slt, %add3A_91, %lt3A : i32
      %convert_element_type3A = arith.extui %lt3A_92 : i1 to i32
      %cond3A = arith.constant 0 : i32
      %cond3A_93 = arith.cmpi ne, %convert_element_type3A, %cond3A : i32
      scf.if %cond3A_93 {
        %dma_wait3A_232 = arith.constant 0 : i32
        %dma_wait3A_233 = tpu.memref_slice %arg5[%dma_wait3A_232] : memref<320000xi32, #tpu.memory_space<hbm>> -> memref<40xi32, #tpu.memory_space<hbm>>
        %dma_wait3A_234 = arith.constant 0 : i32
        %dma_wait3A_235 = tpu.memref_slice %arg5[%dma_wait3A_234] : memref<320000xi32, #tpu.memory_space<hbm>> -> memref<40xi32, #tpu.memory_space<hbm>>
        tpu.wait_dma2 semaphore(%arg28 : memref<!tpu.dma_semaphore, #tpu.memory_space<semaphore_mem>>) src(%dma_wait3A_235 : memref<40xi32, #tpu.memory_space<hbm>>) dst(%arg10 : memref<40xi32, #tpu.memory_space<vmem>>)
        %dma_wait3A_236 = arith.constant 0 : i32
        %dma_wait3A_237 = tpu.memref_slice %arg6[%dma_wait3A_236] : memref<320000xi32, #tpu.memory_space<hbm>> -> memref<40xi32, #tpu.memory_space<hbm>>
        %dma_wait3A_238 = arith.constant 0 : i32
        %dma_wait3A_239 = tpu.memref_slice %arg6[%dma_wait3A_238] : memref<320000xi32, #tpu.memory_space<hbm>> -> memref<40xi32, #tpu.memory_space<hbm>>
        tpu.wait_dma2 semaphore(%arg28 : memref<!tpu.dma_semaphore, #tpu.memory_space<semaphore_mem>>) src(%dma_wait3A_239 : memref<40xi32, #tpu.memory_space<hbm>>) dst(%arg11 : memref<40xi32, #tpu.memory_space<vmem>>)
        %add3A_240 = arith.constant 1 : i32
        %add3A_241 = arith.addi %add3A_89, %add3A_240 : i32
        %mul3A_242 = arith.constant 10000 : i32
        %mul3A_243 = arith.muli %add3A, %mul3A_242 : i32
        %mul3A_244 = arith.constant 40 : i32
        %mul3A_245 = arith.muli %add3A_241, %mul3A_244 : i32
        %add3A_246 = arith.addi %mul3A_243, %mul3A_245 : i32
        %dma_start3A_247 = arith.constant 0 : i32
        %dma_start3A_248 = arith.constant 0 : i32
        %dma_start3A_249 = tpu.memref_slice %arg2[%dma_start3A_247, %dma_start3A_248] : memref<10000x128xf32, #tpu.memory_space<hbm>> -> memref<10000x128xf32, #tpu.memory_space<hbm>>
        tpu.enqueue_indirect_dma source(%dma_start3A_249 : memref<10000x128xf32, #tpu.memory_space<hbm>>) target(%arg17 : memref<40x128xf32, #tpu.memory_space<vmem>>) offsets(%arg10 : memref<40xi32, #tpu.memory_space<vmem>>) semaphore(%arg27 : memref<!tpu.dma_semaphore, #tpu.memory_space<semaphore_mem>>)
        %dma_start3A_250 = arith.constant 0 : i32
        %dma_start3A_251 = arith.constant 0 : i32
        %dma_start3A_252 = tpu.memref_slice %arg3[%dma_start3A_250, %dma_start3A_251] : memref<10000x128xf32, #tpu.memory_space<hbm>> -> memref<10000x128xf32, #tpu.memory_space<hbm>>
        tpu.enqueue_indirect_dma source(%dma_start3A_252 : memref<10000x128xf32, #tpu.memory_space<hbm>>) target(%arg18 : memref<40x128xf32, #tpu.memory_space<vmem>>) offsets(%arg11 : memref<40xi32, #tpu.memory_space<vmem>>) semaphore(%arg27 : memref<!tpu.dma_semaphore, #tpu.memory_space<semaphore_mem>>)
        %dma_start3A_253 = arith.constant 0 : i32
        %dma_start3A_254 = tpu.memref_slice %arg4[%add3A_246, %dma_start3A_253] : memref<320000x128xf32, #tpu.memory_space<hbm>> -> memref<40x128xf32, #tpu.memory_space<hbm>>
        %dma_start3A_255 = arith.constant 0 : i32
        %dma_start3A_256 = tpu.memref_slice %arg4[%add3A_246, %dma_start3A_255] : memref<320000x128xf32, #tpu.memory_space<hbm>> -> memref<40x128xf32, #tpu.memory_space<hbm>>
        tpu.enqueue_dma source(%dma_start3A_256 : memref<40x128xf32, #tpu.memory_space<hbm>>) target(%arg19 : memref<40x128xf32, #tpu.memory_space<vmem>>) target_semaphore(%arg27 : memref<!tpu.dma_semaphore, #tpu.memory_space<semaphore_mem>>)
      } else {
      }
      %dma_wait3A_94 = arith.constant 0 : i32
      %dma_wait3A_95 = arith.constant 0 : i32
      %dma_wait3A_96 = tpu.memref_slice %arg2[%dma_wait3A_94, %dma_wait3A_95] : memref<10000x128xf32, #tpu.memory_space<hbm>> -> memref<10000x128xf32, #tpu.memory_space<hbm>>
      tpu.wait_indirect_dma semaphore(%arg24 : memref<!tpu.dma_semaphore, #tpu.memory_space<semaphore_mem>>) src(%dma_wait3A_96 : memref<10000x128xf32, #tpu.memory_space<hbm>>) dst(%arg14 : memref<40x128xf32, #tpu.memory_space<vmem>>)
      %dma_wait3A_97 = arith.constant 0 : i32
      %dma_wait3A_98 = arith.constant 0 : i32
      %dma_wait3A_99 = tpu.memref_slice %arg3[%dma_wait3A_97, %dma_wait3A_98] : memref<10000x128xf32, #tpu.memory_space<hbm>> -> memref<10000x128xf32, #tpu.memory_space<hbm>>
      tpu.wait_indirect_dma semaphore(%arg24 : memref<!tpu.dma_semaphore, #tpu.memory_space<semaphore_mem>>) src(%dma_wait3A_99 : memref<10000x128xf32, #tpu.memory_space<hbm>>) dst(%arg15 : memref<40x128xf32, #tpu.memory_space<vmem>>)
      %dma_wait3A_100 = arith.constant 0 : i32
      %dma_wait3A_101 = arith.constant 0 : i32
      %dma_wait3A_102 = tpu.memref_slice %arg4[%dma_wait3A_100, %dma_wait3A_101] : memref<320000x128xf32, #tpu.memory_space<hbm>> -> memref<40x128xf32, #tpu.memory_space<hbm>>
      %dma_wait3A_103 = arith.constant 0 : i32
      %dma_wait3A_104 = arith.constant 0 : i32
      %dma_wait3A_105 = tpu.memref_slice %arg4[%dma_wait3A_103, %dma_wait3A_104] : memref<320000x128xf32, #tpu.memory_space<hbm>> -> memref<40x128xf32, #tpu.memory_space<hbm>>
      tpu.wait_dma2 semaphore(%arg24 : memref<!tpu.dma_semaphore, #tpu.memory_space<semaphore_mem>>) src(%dma_wait3A_105 : memref<40x128xf32, #tpu.memory_space<hbm>>) dst(%arg16 : memref<40x128xf32, #tpu.memory_space<vmem>>)
      %scan3A_106 = arith.constant 0 : i32
      %scan3A_107 = arith.constant 0 : i32
      %scan3A_108 = arith.constant 40 : i32
      %scan3A_109 = arith.addi %scan3A_107, %scan3A_108 : i32
      %scan3A_110 = arith.constant 1 : i32
      %scan3A_111 = scf.for %scan3A_232 = %scan3A_107 to %scan3A_109 step %scan3A_110 iter_args(%scan3A_233 = %scan3A_106) -> (i32)  : i32 {
        %get3A = arith.index_cast %scan3A_232 : i32 to index
        %get3A_234 = arith.constant 0 : index
        %get3A_235 = tpu.vector_load %arg14[%get3A, %get3A_234] {strides = array<i32>} : memref<40x128xf32, #tpu.memory_space<vmem>>, vector<1x16xf32>,
        %get3A_236 = vector.shape_cast %get3A_235 : vector<1x16xf32> to vector<16xf32>
        %get3A_237 = arith.index_cast %scan3A_232 : i32 to index
        %get3A_238 = arith.constant 0 : index
        %get3A_239 = tpu.vector_load %arg15[%get3A_237, %get3A_238] {strides = array<i32>} : memref<40x128xf32, #tpu.memory_space<vmem>>, vector<1x16xf32>,
        %get3A_240 = vector.shape_cast %get3A_239 : vector<1x16xf32> to vector<16xf32>
        %add3A_241 = arith.addf %get3A_236, %get3A_240 : vector<16xf32>
        %get3A_242 = arith.index_cast %scan3A_232 : i32 to index
        %get3A_243 = arith.constant 0 : index
        %get3A_244 = tpu.vector_load %arg16[%get3A_242, %get3A_243] {strides = array<i32>} : memref<40x128xf32, #tpu.memory_space<vmem>>, vector<1x16xf32>,
        %get3A_245 = vector.shape_cast %get3A_244 : vector<1x16xf32> to vector<16xf32>
        %add3A_246 = arith.addf %add3A_241, %get3A_245 : vector<16xf32>
        %max3A = arith.constant 0.000000e+00 : f32
        %max3A_247 = vector.broadcast %max3A : f32 to vector<16xf32>
        %max3A_248 = arith.maximumf %add3A_246, %max3A_247 : vector<16xf32>
        %swap3A = arith.index_cast %scan3A_232 : i32 to index
        %swap3A_249 = arith.constant 0 : index
        %swap3A_250 = tpu.vector_load %arg16[%swap3A, %swap3A_249] {strides = array<i32>} : memref<40x128xf32, #tpu.memory_space<vmem>>, vector<1x16xf32>,
        %swap3A_251 = vector.shape_cast %swap3A_250 : vector<1x16xf32> to vector<16xf32>
        %swap3A_252 = vector.shape_cast %max3A_248 : vector<16xf32> to vector<1x16xf32>
        tpu.vector_store %arg16[%swap3A, %swap3A_249], %swap3A_252 {strides = array<i32>} : memref<40x128xf32, #tpu.memory_space<vmem>>, vector<1x16xf32>,
        %get3A_253 = arith.index_cast %scan3A_232 : i32 to index
        %get3A_254 = arith.constant 16 : index
        %get3A_255 = tpu.vector_load %arg14[%get3A_253, %get3A_254] {strides = array<i32>} : memref<40x128xf32, #tpu.memory_space<vmem>>, vector<1x16xf32>,
        %get3A_256 = vector.shape_cast %get3A_255 : vector<1x16xf32> to vector<16xf32>
        %get3A_257 = arith.index_cast %scan3A_232 : i32 to index
        %get3A_258 = arith.constant 16 : index
        %get3A_259 = tpu.vector_load %arg15[%get3A_257, %get3A_258] {strides = array<i32>} : memref<40x128xf32, #tpu.memory_space<vmem>>, vector<1x16xf32>,
        %get3A_260 = vector.shape_cast %get3A_259 : vector<1x16xf32> to vector<16xf32>
        %add3A_261 = arith.addf %get3A_256, %get3A_260 : vector<16xf32>
        %get3A_262 = arith.index_cast %scan3A_232 : i32 to index
        %get3A_263 = arith.constant 16 : index
        %get3A_264 = tpu.vector_load %arg16[%get3A_262, %get3A_263] {strides = array<i32>} : memref<40x128xf32, #tpu.memory_space<vmem>>, vector<1x16xf32>,
        %get3A_265 = vector.shape_cast %get3A_264 : vector<1x16xf32> to vector<16xf32>
        %add3A_266 = arith.addf %add3A_261, %get3A_265 : vector<16xf32>
        %max3A_267 = arith.constant 0.000000e+00 : f32
        %max3A_268 = vector.broadcast %max3A_267 : f32 to vector<16xf32>
        %max3A_269 = arith.maximumf %add3A_266, %max3A_268 : vector<16xf32>
        %swap3A_270 = arith.index_cast %scan3A_232 : i32 to index
        %swap3A_271 = arith.constant 16 : index
        %swap3A_272 = tpu.vector_load %arg16[%swap3A_270, %swap3A_271] {strides = array<i32>} : memref<40x128xf32, #tpu.memory_space<vmem>>, vector<1x16xf32>,
        %swap3A_273 = vector.shape_cast %swap3A_272 : vector<1x16xf32> to vector<16xf32>
        %swap3A_274 = vector.shape_cast %max3A_269 : vector<16xf32> to vector<1x16xf32>
        tpu.vector_store %arg16[%swap3A_270, %swap3A_271], %swap3A_274 {strides = array<i32>} : memref<40x128xf32, #tpu.memory_space<vmem>>, vector<1x16xf32>,
        %get3A_275 = arith.index_cast %scan3A_232 : i32 to index
        %get3A_276 = arith.constant 32 : index
        %get3A_277 = tpu.vector_load %arg14[%get3A_275, %get3A_276] {strides = array<i32>} : memref<40x128xf32, #tpu.memory_space<vmem>>, vector<1x16xf32>,
        %get3A_278 = vector.shape_cast %get3A_277 : vector<1x16xf32> to vector<16xf32>
        %get3A_279 = arith.index_cast %scan3A_232 : i32 to index
        %get3A_280 = arith.constant 32 : index
        %get3A_281 = tpu.vector_load %arg15[%get3A_279, %get3A_280] {strides = array<i32>} : memref<40x128xf32, #tpu.memory_space<vmem>>, vector<1x16xf32>,
        %get3A_282 = vector.shape_cast %get3A_281 : vector<1x16xf32> to vector<16xf32>
        %add3A_283 = arith.addf %get3A_278, %get3A_282 : vector<16xf32>
        %get3A_284 = arith.index_cast %scan3A_232 : i32 to index
        %get3A_285 = arith.constant 32 : index
        %get3A_286 = tpu.vector_load %arg16[%get3A_284, %get3A_285] {strides = array<i32>} : memref<40x128xf32, #tpu.memory_space<vmem>>, vector<1x16xf32>,
        %get3A_287 = vector.shape_cast %get3A_286 : vector<1x16xf32> to vector<16xf32>
        %add3A_288 = arith.addf %add3A_283, %get3A_287 : vector<16xf32>
        %max3A_289 = arith.constant 0.000000e+00 : f32
        %max3A_290 = vector.broadcast %max3A_289 : f32 to vector<16xf32>
        %max3A_291 = arith.maximumf %add3A_288, %max3A_290 : vector<16xf32>
        %swap3A_292 = arith.index_cast %scan3A_232 : i32 to index
        %swap3A_293 = arith.constant 32 : index
        %swap3A_294 = tpu.vector_load %arg16[%swap3A_292, %swap3A_293] {strides = array<i32>} : memref<40x128xf32, #tpu.memory_space<vmem>>, vector<1x16xf32>,
        %swap3A_295 = vector.shape_cast %swap3A_294 : vector<1x16xf32> to vector<16xf32>
        %swap3A_296 = vector.shape_cast %max3A_291 : vector<16xf32> to vector<1x16xf32>
        tpu.vector_store %arg16[%swap3A_292, %swap3A_293], %swap3A_296 {strides = array<i32>} : memref<40x128xf32, #tpu.memory_space<vmem>>, vector<1x16xf32>,
        %get3A_297 = arith.index_cast %scan3A_232 : i32 to index
        %get3A_298 = arith.constant 48 : index
        %get3A_299 = tpu.vector_load %arg14[%get3A_297, %get3A_298] {strides = array<i32>} : memref<40x128xf32, #tpu.memory_space<vmem>>, vector<1x16xf32>,
        %get3A_300 = vector.shape_cast %get3A_299 : vector<1x16xf32> to vector<16xf32>
        %get3A_301 = arith.index_cast %scan3A_232 : i32 to index
        %get3A_302 = arith.constant 48 : index
        %get3A_303 = tpu.vector_load %arg15[%get3A_301, %get3A_302] {strides = array<i32>} : memref<40x128xf32, #tpu.memory_space<vmem>>, vector<1x16xf32>,
        %get3A_304 = vector.shape_cast %get3A_303 : vector<1x16xf32> to vector<16xf32>
        %add3A_305 = arith.addf %get3A_300, %get3A_304 : vector<16xf32>
        %get3A_306 = arith.index_cast %scan3A_232 : i32 to index
        %get3A_307 = arith.constant 48 : index
        %get3A_308 = tpu.vector_load %arg16[%get3A_306, %get3A_307] {strides = array<i32>} : memref<40x128xf32, #tpu.memory_space<vmem>>, vector<1x16xf32>,
        %get3A_309 = vector.shape_cast %get3A_308 : vector<1x16xf32> to vector<16xf32>
        %add3A_310 = arith.addf %add3A_305, %get3A_309 : vector<16xf32>
        %max3A_311 = arith.constant 0.000000e+00 : f32
        %max3A_312 = vector.broadcast %max3A_311 : f32 to vector<16xf32>
        %max3A_313 = arith.maximumf %add3A_310, %max3A_312 : vector<16xf32>
        %swap3A_314 = arith.index_cast %scan3A_232 : i32 to index
        %swap3A_315 = arith.constant 48 : index
        %swap3A_316 = tpu.vector_load %arg16[%swap3A_314, %swap3A_315] {strides = array<i32>} : memref<40x128xf32, #tpu.memory_space<vmem>>, vector<1x16xf32>,
        %swap3A_317 = vector.shape_cast %swap3A_316 : vector<1x16xf32> to vector<16xf32>
        %swap3A_318 = vector.shape_cast %max3A_313 : vector<16xf32> to vector<1x16xf32>
        tpu.vector_store %arg16[%swap3A_314, %swap3A_315], %swap3A_318 {strides = array<i32>} : memref<40x128xf32, #tpu.memory_space<vmem>>, vector<1x16xf32>,
        %get3A_319 = arith.index_cast %scan3A_232 : i32 to index
        %get3A_320 = arith.constant 64 : index
        %get3A_321 = tpu.vector_load %arg14[%get3A_319, %get3A_320] {strides = array<i32>} : memref<40x128xf32, #tpu.memory_space<vmem>>, vector<1x16xf32>,
        %get3A_322 = vector.shape_cast %get3A_321 : vector<1x16xf32> to vector<16xf32>
        %get3A_323 = arith.index_cast %scan3A_232 : i32 to index
        %get3A_324 = arith.constant 64 : index
        %get3A_325 = tpu.vector_load %arg15[%get3A_323, %get3A_324] {strides = array<i32>} : memref<40x128xf32, #tpu.memory_space<vmem>>, vector<1x16xf32>,
        %get3A_326 = vector.shape_cast %get3A_325 : vector<1x16xf32> to vector<16xf32>
        %add3A_327 = arith.addf %get3A_322, %get3A_326 : vector<16xf32>
        %get3A_328 = arith.index_cast %scan3A_232 : i32 to index
        %get3A_329 = arith.constant 64 : index
        %get3A_330 = tpu.vector_load %arg16[%get3A_328, %get3A_329] {strides = array<i32>} : memref<40x128xf32, #tpu.memory_space<vmem>>, vector<1x16xf32>,
        %get3A_331 = vector.shape_cast %get3A_330 : vector<1x16xf32> to vector<16xf32>
        %add3A_332 = arith.addf %add3A_327, %get3A_331 : vector<16xf32>
        %max3A_333 = arith.constant 0.000000e+00 : f32
        %max3A_334 = vector.broadcast %max3A_333 : f32 to vector<16xf32>
        %max3A_335 = arith.maximumf %add3A_332, %max3A_334 : vector<16xf32>
        %swap3A_336 = arith.index_cast %scan3A_232 : i32 to index
        %swap3A_337 = arith.constant 64 : index
        %swap3A_338 = tpu.vector_load %arg16[%swap3A_336, %swap3A_337] {strides = array<i32>} : memref<40x128xf32, #tpu.memory_space<vmem>>, vector<1x16xf32>,
        %swap3A_339 = vector.shape_cast %swap3A_338 : vector<1x16xf32> to vector<16xf32>
        %swap3A_340 = vector.shape_cast %max3A_335 : vector<16xf32> to vector<1x16xf32>
        tpu.vector_store %arg16[%swap3A_336, %swap3A_337], %swap3A_340 {strides = array<i32>} : memref<40x128xf32, #tpu.memory_space<vmem>>, vector<1x16xf32>,
        %get3A_341 = arith.index_cast %scan3A_232 : i32 to index
        %get3A_342 = arith.constant 80 : index
        %get3A_343 = tpu.vector_load %arg14[%get3A_341, %get3A_342] {strides = array<i32>} : memref<40x128xf32, #tpu.memory_space<vmem>>, vector<1x16xf32>,
        %get3A_344 = vector.shape_cast %get3A_343 : vector<1x16xf32> to vector<16xf32>
        %get3A_345 = arith.index_cast %scan3A_232 : i32 to index
        %get3A_346 = arith.constant 80 : index
        %get3A_347 = tpu.vector_load %arg15[%get3A_345, %get3A_346] {strides = array<i32>} : memref<40x128xf32, #tpu.memory_space<vmem>>, vector<1x16xf32>,
        %get3A_348 = vector.shape_cast %get3A_347 : vector<1x16xf32> to vector<16xf32>
        %add3A_349 = arith.addf %get3A_344, %get3A_348 : vector<16xf32>
        %get3A_350 = arith.index_cast %scan3A_232 : i32 to index
        %get3A_351 = arith.constant 80 : index
        %get3A_352 = tpu.vector_load %arg16[%get3A_350, %get3A_351] {strides = array<i32>} : memref<40x128xf32, #tpu.memory_space<vmem>>, vector<1x16xf32>,
        %get3A_353 = vector.shape_cast %get3A_352 : vector<1x16xf32> to vector<16xf32>
        %add3A_354 = arith.addf %add3A_349, %get3A_353 : vector<16xf32>
        %max3A_355 = arith.constant 0.000000e+00 : f32
        %max3A_356 = vector.broadcast %max3A_355 : f32 to vector<16xf32>
        %max3A_357 = arith.maximumf %add3A_354, %max3A_356 : vector<16xf32>
        %swap3A_358 = arith.index_cast %scan3A_232 : i32 to index
        %swap3A_359 = arith.constant 80 : index
        %swap3A_360 = tpu.vector_load %arg16[%swap3A_358, %swap3A_359] {strides = array<i32>} : memref<40x128xf32, #tpu.memory_space<vmem>>, vector<1x16xf32>,
        %swap3A_361 = vector.shape_cast %swap3A_360 : vector<1x16xf32> to vector<16xf32>
        %swap3A_362 = vector.shape_cast %max3A_357 : vector<16xf32> to vector<1x16xf32>
        tpu.vector_store %arg16[%swap3A_358, %swap3A_359], %swap3A_362 {strides = array<i32>} : memref<40x128xf32, #tpu.memory_space<vmem>>, vector<1x16xf32>,
        %get3A_363 = arith.index_cast %scan3A_232 : i32 to index
        %get3A_364 = arith.constant 96 : index
        %get3A_365 = tpu.vector_load %arg14[%get3A_363, %get3A_364] {strides = array<i32>} : memref<40x128xf32, #tpu.memory_space<vmem>>, vector<1x16xf32>,
        %get3A_366 = vector.shape_cast %get3A_365 : vector<1x16xf32> to vector<16xf32>
        %get3A_367 = arith.index_cast %scan3A_232 : i32 to index
        %get3A_368 = arith.constant 96 : index
        %get3A_369 = tpu.vector_load %arg15[%get3A_367, %get3A_368] {strides = array<i32>} : memref<40x128xf32, #tpu.memory_space<vmem>>, vector<1x16xf32>,
        %get3A_370 = vector.shape_cast %get3A_369 : vector<1x16xf32> to vector<16xf32>
        %add3A_371 = arith.addf %get3A_366, %get3A_370 : vector<16xf32>
        %get3A_372 = arith.index_cast %scan3A_232 : i32 to index
        %get3A_373 = arith.constant 96 : index
        %get3A_374 = tpu.vector_load %arg16[%get3A_372, %get3A_373] {strides = array<i32>} : memref<40x128xf32, #tpu.memory_space<vmem>>, vector<1x16xf32>,
        %get3A_375 = vector.shape_cast %get3A_374 : vector<1x16xf32> to vector<16xf32>
        %add3A_376 = arith.addf %add3A_371, %get3A_375 : vector<16xf32>
        %max3A_377 = arith.constant 0.000000e+00 : f32
        %max3A_378 = vector.broadcast %max3A_377 : f32 to vector<16xf32>
        %max3A_379 = arith.maximumf %add3A_376, %max3A_378 : vector<16xf32>
        %swap3A_380 = arith.index_cast %scan3A_232 : i32 to index
        %swap3A_381 = arith.constant 96 : index
        %swap3A_382 = tpu.vector_load %arg16[%swap3A_380, %swap3A_381] {strides = array<i32>} : memref<40x128xf32, #tpu.memory_space<vmem>>, vector<1x16xf32>,
        %swap3A_383 = vector.shape_cast %swap3A_382 : vector<1x16xf32> to vector<16xf32>
        %swap3A_384 = vector.shape_cast %max3A_379 : vector<16xf32> to vector<1x16xf32>
        tpu.vector_store %arg16[%swap3A_380, %swap3A_381], %swap3A_384 {strides = array<i32>} : memref<40x128xf32, #tpu.memory_space<vmem>>, vector<1x16xf32>,
        %get3A_385 = arith.index_cast %scan3A_232 : i32 to index
        %get3A_386 = arith.constant 112 : index
        %get3A_387 = tpu.vector_load %arg14[%get3A_385, %get3A_386] {strides = array<i32>} : memref<40x128xf32, #tpu.memory_space<vmem>>, vector<1x16xf32>,
        %get3A_388 = vector.shape_cast %get3A_387 : vector<1x16xf32> to vector<16xf32>
        %get3A_389 = arith.index_cast %scan3A_232 : i32 to index
        %get3A_390 = arith.constant 112 : index
        %get3A_391 = tpu.vector_load %arg15[%get3A_389, %get3A_390] {strides = array<i32>} : memref<40x128xf32, #tpu.memory_space<vmem>>, vector<1x16xf32>,
        %get3A_392 = vector.shape_cast %get3A_391 : vector<1x16xf32> to vector<16xf32>
        %add3A_393 = arith.addf %get3A_388, %get3A_392 : vector<16xf32>
        %get3A_394 = arith.index_cast %scan3A_232 : i32 to index
        %get3A_395 = arith.constant 112 : index
        %get3A_396 = tpu.vector_load %arg16[%get3A_394, %get3A_395] {strides = array<i32>} : memref<40x128xf32, #tpu.memory_space<vmem>>, vector<1x16xf32>,
        %get3A_397 = vector.shape_cast %get3A_396 : vector<1x16xf32> to vector<16xf32>
        %add3A_398 = arith.addf %add3A_393, %get3A_397 : vector<16xf32>
        %max3A_399 = arith.constant 0.000000e+00 : f32
        %max3A_400 = vector.broadcast %max3A_399 : f32 to vector<16xf32>
        %max3A_401 = arith.maximumf %add3A_398, %max3A_400 : vector<16xf32>
        %swap3A_402 = arith.index_cast %scan3A_232 : i32 to index
        %swap3A_403 = arith.constant 112 : index
        %swap3A_404 = tpu.vector_load %arg16[%swap3A_402, %swap3A_403] {strides = array<i32>} : memref<40x128xf32, #tpu.memory_space<vmem>>, vector<1x16xf32>,
        %swap3A_405 = vector.shape_cast %swap3A_404 : vector<1x16xf32> to vector<16xf32>
        %swap3A_406 = vector.shape_cast %max3A_401 : vector<16xf32> to vector<1x16xf32>
        tpu.vector_store %arg16[%swap3A_402, %swap3A_403], %swap3A_406 {strides = array<i32>} : memref<40x128xf32, #tpu.memory_space<vmem>>, vector<1x16xf32>,
        %scan3A_407 = arith.constant 0 : i32
        scf.yield %scan3A_407 : i32
      }
      %scan3A_112 = arith.constant 40 : i32
      %dma_start3A_113 = arith.constant 0 : i32
      %dma_start3A_114 = arith.constant 0 : i32
      %dma_start3A_115 = tpu.memref_slice %arg23[%dma_start3A_113, %dma_start3A_114] : memref<10000x128xf32, #tpu.memory_space<vmem_shared>> -> memref<10000x128xf32, #tpu.memory_space<vmem_shared>>
      tpu.enqueue_indirect_dma source(%arg16 : memref<40x128xf32, #tpu.memory_space<vmem>>) target(%dma_start3A_115 : memref<10000x128xf32, #tpu.memory_space<vmem_shared>>) offsets(%arg8 : memref<40xi32, #tpu.memory_space<vmem>>) semaphore(%arg26 : memref<!tpu.dma_semaphore, #tpu.memory_space<semaphore_mem>>) {add = true}
      %ge3A = arith.constant 1 : i32
      %ge3A_116 = arith.cmpi sge, %add3A_89, %ge3A : i32
      %add3A_117 = arith.constant 2 : i32
      %add3A_118 = arith.addi %add3A_89, %add3A_117 : i32
      %lt3A_119 = arith.constant 250 : i32
      %lt3A_120 = arith.cmpi slt, %add3A_118, %lt3A_119 : i32
      %and3A = arith.andi %ge3A_116, %lt3A_120 : i1
      %convert_element_type3A_121 = arith.extui %and3A : i1 to i32
      %cond3A_122 = arith.constant 0 : i32
      %cond3A_123 = arith.cmpi ne, %convert_element_type3A_121, %cond3A_122 : i32
      scf.if %cond3A_123 {
        %dma_wait3A_232 = arith.constant 0 : i32
        %dma_wait3A_233 = arith.constant 0 : i32
        %dma_wait3A_234 = tpu.memref_slice %arg23[%dma_wait3A_232, %dma_wait3A_233] : memref<10000x128xf32, #tpu.memory_space<vmem_shared>> -> memref<10000x128xf32, #tpu.memory_space<vmem_shared>>
        tpu.wait_indirect_dma semaphore(%arg32 : memref<!tpu.dma_semaphore, #tpu.memory_space<semaphore_mem>>) src(%arg22 : memref<40x128xf32, #tpu.memory_space<vmem>>) dst(%dma_wait3A_234 : memref<10000x128xf32, #tpu.memory_space<vmem_shared>>)
      } else {
      }
      %add3A_124 = arith.constant 2 : i32
      %add3A_125 = arith.addi %add3A_89, %add3A_124 : i32
      %lt3A_126 = arith.constant 250 : i32
      %lt3A_127 = arith.cmpi slt, %add3A_125, %lt3A_126 : i32
      %convert_element_type3A_128 = arith.extui %lt3A_127 : i1 to i32
      %cond3A_129 = arith.constant 0 : i32
      %cond3A_130 = arith.cmpi ne, %convert_element_type3A_128, %cond3A_129 : i32
      scf.if %cond3A_130 {
        %add3A_232 = arith.constant 2 : i32
        %add3A_233 = arith.addi %add3A_89, %add3A_232 : i32
        %mul3A_234 = arith.constant 10000 : i32
        %mul3A_235 = arith.muli %add3A, %mul3A_234 : i32
        %mul3A_236 = arith.constant 40 : i32
        %mul3A_237 = arith.muli %add3A_233, %mul3A_236 : i32
        %add3A_238 = arith.addi %mul3A_235, %mul3A_237 : i32
        %dma_start3A_239 = tpu.memref_slice %arg5[%add3A_238] : memref<320000xi32, #tpu.memory_space<hbm>> -> memref<40xi32, #tpu.memory_space<hbm>>
        %dma_start3A_240 = tpu.memref_slice %arg5[%add3A_238] : memref<320000xi32, #tpu.memory_space<hbm>> -> memref<40xi32, #tpu.memory_space<hbm>>
        tpu.enqueue_dma source(%dma_start3A_240 : memref<40xi32, #tpu.memory_space<hbm>>) target(%arg12 : memref<40xi32, #tpu.memory_space<vmem>>) target_semaphore(%arg31 : memref<!tpu.dma_semaphore, #tpu.memory_space<semaphore_mem>>)
        %dma_start3A_241 = tpu.memref_slice %arg6[%add3A_238] : memref<320000xi32, #tpu.memory_space<hbm>> -> memref<40xi32, #tpu.memory_space<hbm>>
        %dma_start3A_242 = tpu.memref_slice %arg6[%add3A_238] : memref<320000xi32, #tpu.memory_space<hbm>> -> memref<40xi32, #tpu.memory_space<hbm>>
        tpu.enqueue_dma source(%dma_start3A_242 : memref<40xi32, #tpu.memory_space<hbm>>) target(%arg13 : memref<40xi32, #tpu.memory_space<vmem>>) target_semaphore(%arg31 : memref<!tpu.dma_semaphore, #tpu.memory_space<semaphore_mem>>)
      } else {
      }
      %mul3A_131 = arith.constant 3 : i32
      %mul3A_132 = arith.muli %mul3A_131, %scan3A_84 : i32
      %add3A_133 = arith.constant 1 : i32
      %add3A_134 = arith.addi %mul3A_132, %add3A_133 : i32
      %add3A_135 = arith.constant 1 : i32
      %add3A_136 = arith.addi %add3A_134, %add3A_135 : i32
      %lt3A_137 = arith.constant 250 : i32
      %lt3A_138 = arith.cmpi slt, %add3A_136, %lt3A_137 : i32
      %convert_element_type3A_139 = arith.extui %lt3A_138 : i1 to i32
      %cond3A_140 = arith.constant 0 : i32
      %cond3A_141 = arith.cmpi ne, %convert_element_type3A_139, %cond3A_140 : i32
      scf.if %cond3A_141 {
        %dma_wait3A_232 = arith.constant 0 : i32
        %dma_wait3A_233 = tpu.memref_slice %arg5[%dma_wait3A_232] : memref<320000xi32, #tpu.memory_space<hbm>> -> memref<40xi32, #tpu.memory_space<hbm>>
        %dma_wait3A_234 = arith.constant 0 : i32
        %dma_wait3A_235 = tpu.memref_slice %arg5[%dma_wait3A_234] : memref<320000xi32, #tpu.memory_space<hbm>> -> memref<40xi32, #tpu.memory_space<hbm>>
        tpu.wait_dma2 semaphore(%arg31 : memref<!tpu.dma_semaphore, #tpu.memory_space<semaphore_mem>>) src(%dma_wait3A_235 : memref<40xi32, #tpu.memory_space<hbm>>) dst(%arg12 : memref<40xi32, #tpu.memory_space<vmem>>)
        %dma_wait3A_236 = arith.constant 0 : i32
        %dma_wait3A_237 = tpu.memref_slice %arg6[%dma_wait3A_236] : memref<320000xi32, #tpu.memory_space<hbm>> -> memref<40xi32, #tpu.memory_space<hbm>>
        %dma_wait3A_238 = arith.constant 0 : i32
        %dma_wait3A_239 = tpu.memref_slice %arg6[%dma_wait3A_238] : memref<320000xi32, #tpu.memory_space<hbm>> -> memref<40xi32, #tpu.memory_space<hbm>>
        tpu.wait_dma2 semaphore(%arg31 : memref<!tpu.dma_semaphore, #tpu.memory_space<semaphore_mem>>) src(%dma_wait3A_239 : memref<40xi32, #tpu.memory_space<hbm>>) dst(%arg13 : memref<40xi32, #tpu.memory_space<vmem>>)
        %add3A_240 = arith.constant 1 : i32
        %add3A_241 = arith.addi %add3A_134, %add3A_240 : i32
        %mul3A_242 = arith.constant 10000 : i32
        %mul3A_243 = arith.muli %add3A, %mul3A_242 : i32
        %mul3A_244 = arith.constant 40 : i32
        %mul3A_245 = arith.muli %add3A_241, %mul3A_244 : i32
        %add3A_246 = arith.addi %mul3A_243, %mul3A_245 : i32
        %dma_start3A_247 = arith.constant 0 : i32
        %dma_start3A_248 = arith.constant 0 : i32
        %dma_start3A_249 = tpu.memref_slice %arg2[%dma_start3A_247, %dma_start3A_248] : memref<10000x128xf32, #tpu.memory_space<hbm>> -> memref<10000x128xf32, #tpu.memory_space<hbm>>
        tpu.enqueue_indirect_dma source(%dma_start3A_249 : memref<10000x128xf32, #tpu.memory_space<hbm>>) target(%arg20 : memref<40x128xf32, #tpu.memory_space<vmem>>) offsets(%arg12 : memref<40xi32, #tpu.memory_space<vmem>>) semaphore(%arg30 : memref<!tpu.dma_semaphore, #tpu.memory_space<semaphore_mem>>)
        %dma_start3A_250 = arith.constant 0 : i32
        %dma_start3A_251 = arith.constant 0 : i32
        %dma_start3A_252 = tpu.memref_slice %arg3[%dma_start3A_250, %dma_start3A_251] : memref<10000x128xf32, #tpu.memory_space<hbm>> -> memref<10000x128xf32, #tpu.memory_space<hbm>>
        tpu.enqueue_indirect_dma source(%dma_start3A_252 : memref<10000x128xf32, #tpu.memory_space<hbm>>) target(%arg21 : memref<40x128xf32, #tpu.memory_space<vmem>>) offsets(%arg13 : memref<40xi32, #tpu.memory_space<vmem>>) semaphore(%arg30 : memref<!tpu.dma_semaphore, #tpu.memory_space<semaphore_mem>>)
        %dma_start3A_253 = arith.constant 0 : i32
        %dma_start3A_254 = tpu.memref_slice %arg4[%add3A_246, %dma_start3A_253] : memref<320000x128xf32, #tpu.memory_space<hbm>> -> memref<40x128xf32, #tpu.memory_space<hbm>>
        %dma_start3A_255 = arith.constant 0 : i32
        %dma_start3A_256 = tpu.memref_slice %arg4[%add3A_246, %dma_start3A_255] : memref<320000x128xf32, #tpu.memory_space<hbm>> -> memref<40x128xf32, #tpu.memory_space<hbm>>
        tpu.enqueue_dma source(%dma_start3A_256 : memref<40x128xf32, #tpu.memory_space<hbm>>) target(%arg22 : memref<40x128xf32, #tpu.memory_space<vmem>>) target_semaphore(%arg30 : memref<!tpu.dma_semaphore, #tpu.memory_space<semaphore_mem>>)
      } else {
      }
      %dma_wait3A_142 = arith.constant 0 : i32
      %dma_wait3A_143 = arith.constant 0 : i32
      %dma_wait3A_144 = tpu.memref_slice %arg2[%dma_wait3A_142, %dma_wait3A_143] : memref<10000x128xf32, #tpu.memory_space<hbm>> -> memref<10000x128xf32, #tpu.memory_space<hbm>>
      tpu.wait_indirect_dma semaphore(%arg27 : memref<!tpu.dma_semaphore, #tpu.memory_space<semaphore_mem>>) src(%dma_wait3A_144 : memref<10000x128xf32, #tpu.memory_space<hbm>>) dst(%arg17 : memref<40x128xf32, #tpu.memory_space<vmem>>)
      %dma_wait3A_145 = arith.constant 0 : i32
      %dma_wait3A_146 = arith.constant 0 : i32
      %dma_wait3A_147 = tpu.memref_slice %arg3[%dma_wait3A_145, %dma_wait3A_146] : memref<10000x128xf32, #tpu.memory_space<hbm>> -> memref<10000x128xf32, #tpu.memory_space<hbm>>
      tpu.wait_indirect_dma semaphore(%arg27 : memref<!tpu.dma_semaphore, #tpu.memory_space<semaphore_mem>>) src(%dma_wait3A_147 : memref<10000x128xf32, #tpu.memory_space<hbm>>) dst(%arg18 : memref<40x128xf32, #tpu.memory_space<vmem>>)
      %dma_wait3A_148 = arith.constant 0 : i32
      %dma_wait3A_149 = arith.constant 0 : i32
      %dma_wait3A_150 = tpu.memref_slice %arg4[%dma_wait3A_148, %dma_wait3A_149] : memref<320000x128xf32, #tpu.memory_space<hbm>> -> memref<40x128xf32, #tpu.memory_space<hbm>>
      %dma_wait3A_151 = arith.constant 0 : i32
      %dma_wait3A_152 = arith.constant 0 : i32
      %dma_wait3A_153 = tpu.memref_slice %arg4[%dma_wait3A_151, %dma_wait3A_152] : memref<320000x128xf32, #tpu.memory_space<hbm>> -> memref<40x128xf32, #tpu.memory_space<hbm>>
      tpu.wait_dma2 semaphore(%arg27 : memref<!tpu.dma_semaphore, #tpu.memory_space<semaphore_mem>>) src(%dma_wait3A_153 : memref<40x128xf32, #tpu.memory_space<hbm>>) dst(%arg19 : memref<40x128xf32, #tpu.memory_space<vmem>>)
      %scan3A_154 = arith.constant 0 : i32
      %scan3A_155 = arith.constant 0 : i32
      %scan3A_156 = arith.constant 40 : i32
      %scan3A_157 = arith.addi %scan3A_155, %scan3A_156 : i32
      %scan3A_158 = arith.constant 1 : i32
      %scan3A_159 = scf.for %scan3A_232 = %scan3A_155 to %scan3A_157 step %scan3A_158 iter_args(%scan3A_233 = %scan3A_154) -> (i32)  : i32 {
        %get3A = arith.index_cast %scan3A_232 : i32 to index
        %get3A_234 = arith.constant 0 : index
        %get3A_235 = tpu.vector_load %arg17[%get3A, %get3A_234] {strides = array<i32>} : memref<40x128xf32, #tpu.memory_space<vmem>>, vector<1x16xf32>,
        %get3A_236 = vector.shape_cast %get3A_235 : vector<1x16xf32> to vector<16xf32>
        %get3A_237 = arith.index_cast %scan3A_232 : i32 to index
        %get3A_238 = arith.constant 0 : index
        %get3A_239 = tpu.vector_load %arg18[%get3A_237, %get3A_238] {strides = array<i32>} : memref<40x128xf32, #tpu.memory_space<vmem>>, vector<1x16xf32>,
        %get3A_240 = vector.shape_cast %get3A_239 : vector<1x16xf32> to vector<16xf32>
        %add3A_241 = arith.addf %get3A_236, %get3A_240 : vector<16xf32>
        %get3A_242 = arith.index_cast %scan3A_232 : i32 to index
        %get3A_243 = arith.constant 0 : index
        %get3A_244 = tpu.vector_load %arg19[%get3A_242, %get3A_243] {strides = array<i32>} : memref<40x128xf32, #tpu.memory_space<vmem>>, vector<1x16xf32>,
        %get3A_245 = vector.shape_cast %get3A_244 : vector<1x16xf32> to vector<16xf32>
        %add3A_246 = arith.addf %add3A_241, %get3A_245 : vector<16xf32>
        %max3A = arith.constant 0.000000e+00 : f32
        %max3A_247 = vector.broadcast %max3A : f32 to vector<16xf32>
        %max3A_248 = arith.maximumf %add3A_246, %max3A_247 : vector<16xf32>
        %swap3A = arith.index_cast %scan3A_232 : i32 to index
        %swap3A_249 = arith.constant 0 : index
        %swap3A_250 = tpu.vector_load %arg19[%swap3A, %swap3A_249] {strides = array<i32>} : memref<40x128xf32, #tpu.memory_space<vmem>>, vector<1x16xf32>,
        %swap3A_251 = vector.shape_cast %swap3A_250 : vector<1x16xf32> to vector<16xf32>
        %swap3A_252 = vector.shape_cast %max3A_248 : vector<16xf32> to vector<1x16xf32>
        tpu.vector_store %arg19[%swap3A, %swap3A_249], %swap3A_252 {strides = array<i32>} : memref<40x128xf32, #tpu.memory_space<vmem>>, vector<1x16xf32>,
        %get3A_253 = arith.index_cast %scan3A_232 : i32 to index
        %get3A_254 = arith.constant 16 : index
        %get3A_255 = tpu.vector_load %arg17[%get3A_253, %get3A_254] {strides = array<i32>} : memref<40x128xf32, #tpu.memory_space<vmem>>, vector<1x16xf32>,
        %get3A_256 = vector.shape_cast %get3A_255 : vector<1x16xf32> to vector<16xf32>
        %get3A_257 = arith.index_cast %scan3A_232 : i32 to index
        %get3A_258 = arith.constant 16 : index
        %get3A_259 = tpu.vector_load %arg18[%get3A_257, %get3A_258] {strides = array<i32>} : memref<40x128xf32, #tpu.memory_space<vmem>>, vector<1x16xf32>,
        %get3A_260 = vector.shape_cast %get3A_259 : vector<1x16xf32> to vector<16xf32>
        %add3A_261 = arith.addf %get3A_256, %get3A_260 : vector<16xf32>
        %get3A_262 = arith.index_cast %scan3A_232 : i32 to index
        %get3A_263 = arith.constant 16 : index
        %get3A_264 = tpu.vector_load %arg19[%get3A_262, %get3A_263] {strides = array<i32>} : memref<40x128xf32, #tpu.memory_space<vmem>>, vector<1x16xf32>,
        %get3A_265 = vector.shape_cast %get3A_264 : vector<1x16xf32> to vector<16xf32>
        %add3A_266 = arith.addf %add3A_261, %get3A_265 : vector<16xf32>
        %max3A_267 = arith.constant 0.000000e+00 : f32
        %max3A_268 = vector.broadcast %max3A_267 : f32 to vector<16xf32>
        %max3A_269 = arith.maximumf %add3A_266, %max3A_268 : vector<16xf32>
        %swap3A_270 = arith.index_cast %scan3A_232 : i32 to index
        %swap3A_271 = arith.constant 16 : index
        %swap3A_272 = tpu.vector_load %arg19[%swap3A_270, %swap3A_271] {strides = array<i32>} : memref<40x128xf32, #tpu.memory_space<vmem>>, vector<1x16xf32>,
        %swap3A_273 = vector.shape_cast %swap3A_272 : vector<1x16xf32> to vector<16xf32>
        %swap3A_274 = vector.shape_cast %max3A_269 : vector<16xf32> to vector<1x16xf32>
        tpu.vector_store %arg19[%swap3A_270, %swap3A_271], %swap3A_274 {strides = array<i32>} : memref<40x128xf32, #tpu.memory_space<vmem>>, vector<1x16xf32>,
        %get3A_275 = arith.index_cast %scan3A_232 : i32 to index
        %get3A_276 = arith.constant 32 : index
        %get3A_277 = tpu.vector_load %arg17[%get3A_275, %get3A_276] {strides = array<i32>} : memref<40x128xf32, #tpu.memory_space<vmem>>, vector<1x16xf32>,
        %get3A_278 = vector.shape_cast %get3A_277 : vector<1x16xf32> to vector<16xf32>
        %get3A_279 = arith.index_cast %scan3A_232 : i32 to index
        %get3A_280 = arith.constant 32 : index
        %get3A_281 = tpu.vector_load %arg18[%get3A_279, %get3A_280] {strides = array<i32>} : memref<40x128xf32, #tpu.memory_space<vmem>>, vector<1x16xf32>,
        %get3A_282 = vector.shape_cast %get3A_281 : vector<1x16xf32> to vector<16xf32>
        %add3A_283 = arith.addf %get3A_278, %get3A_282 : vector<16xf32>
        %get3A_284 = arith.index_cast %scan3A_232 : i32 to index
        %get3A_285 = arith.constant 32 : index
        %get3A_286 = tpu.vector_load %arg19[%get3A_284, %get3A_285] {strides = array<i32>} : memref<40x128xf32, #tpu.memory_space<vmem>>, vector<1x16xf32>,
        %get3A_287 = vector.shape_cast %get3A_286 : vector<1x16xf32> to vector<16xf32>
        %add3A_288 = arith.addf %add3A_283, %get3A_287 : vector<16xf32>
        %max3A_289 = arith.constant 0.000000e+00 : f32
        %max3A_290 = vector.broadcast %max3A_289 : f32 to vector<16xf32>
        %max3A_291 = arith.maximumf %add3A_288, %max3A_290 : vector<16xf32>
        %swap3A_292 = arith.index_cast %scan3A_232 : i32 to index
        %swap3A_293 = arith.constant 32 : index
        %swap3A_294 = tpu.vector_load %arg19[%swap3A_292, %swap3A_293] {strides = array<i32>} : memref<40x128xf32, #tpu.memory_space<vmem>>, vector<1x16xf32>,
        %swap3A_295 = vector.shape_cast %swap3A_294 : vector<1x16xf32> to vector<16xf32>
        %swap3A_296 = vector.shape_cast %max3A_291 : vector<16xf32> to vector<1x16xf32>
        tpu.vector_store %arg19[%swap3A_292, %swap3A_293], %swap3A_296 {strides = array<i32>} : memref<40x128xf32, #tpu.memory_space<vmem>>, vector<1x16xf32>,
        %get3A_297 = arith.index_cast %scan3A_232 : i32 to index
        %get3A_298 = arith.constant 48 : index
        %get3A_299 = tpu.vector_load %arg17[%get3A_297, %get3A_298] {strides = array<i32>} : memref<40x128xf32, #tpu.memory_space<vmem>>, vector<1x16xf32>,
        %get3A_300 = vector.shape_cast %get3A_299 : vector<1x16xf32> to vector<16xf32>
        %get3A_301 = arith.index_cast %scan3A_232 : i32 to index
        %get3A_302 = arith.constant 48 : index
        %get3A_303 = tpu.vector_load %arg18[%get3A_301, %get3A_302] {strides = array<i32>} : memref<40x128xf32, #tpu.memory_space<vmem>>, vector<1x16xf32>,
        %get3A_304 = vector.shape_cast %get3A_303 : vector<1x16xf32> to vector<16xf32>
        %add3A_305 = arith.addf %get3A_300, %get3A_304 : vector<16xf32>
        %get3A_306 = arith.index_cast %scan3A_232 : i32 to index
        %get3A_307 = arith.constant 48 : index
        %get3A_308 = tpu.vector_load %arg19[%get3A_306, %get3A_307] {strides = array<i32>} : memref<40x128xf32, #tpu.memory_space<vmem>>, vector<1x16xf32>,
        %get3A_309 = vector.shape_cast %get3A_308 : vector<1x16xf32> to vector<16xf32>
        %add3A_310 = arith.addf %add3A_305, %get3A_309 : vector<16xf32>
        %max3A_311 = arith.constant 0.000000e+00 : f32
        %max3A_312 = vector.broadcast %max3A_311 : f32 to vector<16xf32>
        %max3A_313 = arith.maximumf %add3A_310, %max3A_312 : vector<16xf32>
        %swap3A_314 = arith.index_cast %scan3A_232 : i32 to index
        %swap3A_315 = arith.constant 48 : index
        %swap3A_316 = tpu.vector_load %arg19[%swap3A_314, %swap3A_315] {strides = array<i32>} : memref<40x128xf32, #tpu.memory_space<vmem>>, vector<1x16xf32>,
        %swap3A_317 = vector.shape_cast %swap3A_316 : vector<1x16xf32> to vector<16xf32>
        %swap3A_318 = vector.shape_cast %max3A_313 : vector<16xf32> to vector<1x16xf32>
        tpu.vector_store %arg19[%swap3A_314, %swap3A_315], %swap3A_318 {strides = array<i32>} : memref<40x128xf32, #tpu.memory_space<vmem>>, vector<1x16xf32>,
        %get3A_319 = arith.index_cast %scan3A_232 : i32 to index
        %get3A_320 = arith.constant 64 : index
        %get3A_321 = tpu.vector_load %arg17[%get3A_319, %get3A_320] {strides = array<i32>} : memref<40x128xf32, #tpu.memory_space<vmem>>, vector<1x16xf32>,
        %get3A_322 = vector.shape_cast %get3A_321 : vector<1x16xf32> to vector<16xf32>
        %get3A_323 = arith.index_cast %scan3A_232 : i32 to index
        %get3A_324 = arith.constant 64 : index
        %get3A_325 = tpu.vector_load %arg18[%get3A_323, %get3A_324] {strides = array<i32>} : memref<40x128xf32, #tpu.memory_space<vmem>>, vector<1x16xf32>,
        %get3A_326 = vector.shape_cast %get3A_325 : vector<1x16xf32> to vector<16xf32>
        %add3A_327 = arith.addf %get3A_322, %get3A_326 : vector<16xf32>
        %get3A_328 = arith.index_cast %scan3A_232 : i32 to index
        %get3A_329 = arith.constant 64 : index
        %get3A_330 = tpu.vector_load %arg19[%get3A_328, %get3A_329] {strides = array<i32>} : memref<40x128xf32, #tpu.memory_space<vmem>>, vector<1x16xf32>,
        %get3A_331 = vector.shape_cast %get3A_330 : vector<1x16xf32> to vector<16xf32>
        %add3A_332 = arith.addf %add3A_327, %get3A_331 : vector<16xf32>
        %max3A_333 = arith.constant 0.000000e+00 : f32
        %max3A_334 = vector.broadcast %max3A_333 : f32 to vector<16xf32>
        %max3A_335 = arith.maximumf %add3A_332, %max3A_334 : vector<16xf32>
        %swap3A_336 = arith.index_cast %scan3A_232 : i32 to index
        %swap3A_337 = arith.constant 64 : index
        %swap3A_338 = tpu.vector_load %arg19[%swap3A_336, %swap3A_337] {strides = array<i32>} : memref<40x128xf32, #tpu.memory_space<vmem>>, vector<1x16xf32>,
        %swap3A_339 = vector.shape_cast %swap3A_338 : vector<1x16xf32> to vector<16xf32>
        %swap3A_340 = vector.shape_cast %max3A_335 : vector<16xf32> to vector<1x16xf32>
        tpu.vector_store %arg19[%swap3A_336, %swap3A_337], %swap3A_340 {strides = array<i32>} : memref<40x128xf32, #tpu.memory_space<vmem>>, vector<1x16xf32>,
        %get3A_341 = arith.index_cast %scan3A_232 : i32 to index
        %get3A_342 = arith.constant 80 : index
        %get3A_343 = tpu.vector_load %arg17[%get3A_341, %get3A_342] {strides = array<i32>} : memref<40x128xf32, #tpu.memory_space<vmem>>, vector<1x16xf32>,
        %get3A_344 = vector.shape_cast %get3A_343 : vector<1x16xf32> to vector<16xf32>
        %get3A_345 = arith.index_cast %scan3A_232 : i32 to index
        %get3A_346 = arith.constant 80 : index
        %get3A_347 = tpu.vector_load %arg18[%get3A_345, %get3A_346] {strides = array<i32>} : memref<40x128xf32, #tpu.memory_space<vmem>>, vector<1x16xf32>,
        %get3A_348 = vector.shape_cast %get3A_347 : vector<1x16xf32> to vector<16xf32>
        %add3A_349 = arith.addf %get3A_344, %get3A_348 : vector<16xf32>
        %get3A_350 = arith.index_cast %scan3A_232 : i32 to index
        %get3A_351 = arith.constant 80 : index
        %get3A_352 = tpu.vector_load %arg19[%get3A_350, %get3A_351] {strides = array<i32>} : memref<40x128xf32, #tpu.memory_space<vmem>>, vector<1x16xf32>,
        %get3A_353 = vector.shape_cast %get3A_352 : vector<1x16xf32> to vector<16xf32>
        %add3A_354 = arith.addf %add3A_349, %get3A_353 : vector<16xf32>
        %max3A_355 = arith.constant 0.000000e+00 : f32
        %max3A_356 = vector.broadcast %max3A_355 : f32 to vector<16xf32>
        %max3A_357 = arith.maximumf %add3A_354, %max3A_356 : vector<16xf32>
        %swap3A_358 = arith.index_cast %scan3A_232 : i32 to index
        %swap3A_359 = arith.constant 80 : index
        %swap3A_360 = tpu.vector_load %arg19[%swap3A_358, %swap3A_359] {strides = array<i32>} : memref<40x128xf32, #tpu.memory_space<vmem>>, vector<1x16xf32>,
        %swap3A_361 = vector.shape_cast %swap3A_360 : vector<1x16xf32> to vector<16xf32>
        %swap3A_362 = vector.shape_cast %max3A_357 : vector<16xf32> to vector<1x16xf32>
        tpu.vector_store %arg19[%swap3A_358, %swap3A_359], %swap3A_362 {strides = array<i32>} : memref<40x128xf32, #tpu.memory_space<vmem>>, vector<1x16xf32>,
        %get3A_363 = arith.index_cast %scan3A_232 : i32 to index
        %get3A_364 = arith.constant 96 : index
        %get3A_365 = tpu.vector_load %arg17[%get3A_363, %get3A_364] {strides = array<i32>} : memref<40x128xf32, #tpu.memory_space<vmem>>, vector<1x16xf32>,
        %get3A_366 = vector.shape_cast %get3A_365 : vector<1x16xf32> to vector<16xf32>
        %get3A_367 = arith.index_cast %scan3A_232 : i32 to index
        %get3A_368 = arith.constant 96 : index
        %get3A_369 = tpu.vector_load %arg18[%get3A_367, %get3A_368] {strides = array<i32>} : memref<40x128xf32, #tpu.memory_space<vmem>>, vector<1x16xf32>,
        %get3A_370 = vector.shape_cast %get3A_369 : vector<1x16xf32> to vector<16xf32>
        %add3A_371 = arith.addf %get3A_366, %get3A_370 : vector<16xf32>
        %get3A_372 = arith.index_cast %scan3A_232 : i32 to index
        %get3A_373 = arith.constant 96 : index
        %get3A_374 = tpu.vector_load %arg19[%get3A_372, %get3A_373] {strides = array<i32>} : memref<40x128xf32, #tpu.memory_space<vmem>>, vector<1x16xf32>,
        %get3A_375 = vector.shape_cast %get3A_374 : vector<1x16xf32> to vector<16xf32>
        %add3A_376 = arith.addf %add3A_371, %get3A_375 : vector<16xf32>
        %max3A_377 = arith.constant 0.000000e+00 : f32
        %max3A_378 = vector.broadcast %max3A_377 : f32 to vector<16xf32>
        %max3A_379 = arith.maximumf %add3A_376, %max3A_378 : vector<16xf32>
        %swap3A_380 = arith.index_cast %scan3A_232 : i32 to index
        %swap3A_381 = arith.constant 96 : index
        %swap3A_382 = tpu.vector_load %arg19[%swap3A_380, %swap3A_381] {strides = array<i32>} : memref<40x128xf32, #tpu.memory_space<vmem>>, vector<1x16xf32>,
        %swap3A_383 = vector.shape_cast %swap3A_382 : vector<1x16xf32> to vector<16xf32>
        %swap3A_384 = vector.shape_cast %max3A_379 : vector<16xf32> to vector<1x16xf32>
        tpu.vector_store %arg19[%swap3A_380, %swap3A_381], %swap3A_384 {strides = array<i32>} : memref<40x128xf32, #tpu.memory_space<vmem>>, vector<1x16xf32>,
        %get3A_385 = arith.index_cast %scan3A_232 : i32 to index
        %get3A_386 = arith.constant 112 : index
        %get3A_387 = tpu.vector_load %arg17[%get3A_385, %get3A_386] {strides = array<i32>} : memref<40x128xf32, #tpu.memory_space<vmem>>, vector<1x16xf32>,
        %get3A_388 = vector.shape_cast %get3A_387 : vector<1x16xf32> to vector<16xf32>
        %get3A_389 = arith.index_cast %scan3A_232 : i32 to index
        %get3A_390 = arith.constant 112 : index
        %get3A_391 = tpu.vector_load %arg18[%get3A_389, %get3A_390] {strides = array<i32>} : memref<40x128xf32, #tpu.memory_space<vmem>>, vector<1x16xf32>,
        %get3A_392 = vector.shape_cast %get3A_391 : vector<1x16xf32> to vector<16xf32>
        %add3A_393 = arith.addf %get3A_388, %get3A_392 : vector<16xf32>
        %get3A_394 = arith.index_cast %scan3A_232 : i32 to index
        %get3A_395 = arith.constant 112 : index
        %get3A_396 = tpu.vector_load %arg19[%get3A_394, %get3A_395] {strides = array<i32>} : memref<40x128xf32, #tpu.memory_space<vmem>>, vector<1x16xf32>,
        %get3A_397 = vector.shape_cast %get3A_396 : vector<1x16xf32> to vector<16xf32>
        %add3A_398 = arith.addf %add3A_393, %get3A_397 : vector<16xf32>
        %max3A_399 = arith.constant 0.000000e+00 : f32
        %max3A_400 = vector.broadcast %max3A_399 : f32 to vector<16xf32>
        %max3A_401 = arith.maximumf %add3A_398, %max3A_400 : vector<16xf32>
        %swap3A_402 = arith.index_cast %scan3A_232 : i32 to index
        %swap3A_403 = arith.constant 112 : index
        %swap3A_404 = tpu.vector_load %arg19[%swap3A_402, %swap3A_403] {strides = array<i32>} : memref<40x128xf32, #tpu.memory_space<vmem>>, vector<1x16xf32>,
        %swap3A_405 = vector.shape_cast %swap3A_404 : vector<1x16xf32> to vector<16xf32>
        %swap3A_406 = vector.shape_cast %max3A_401 : vector<16xf32> to vector<1x16xf32>
        tpu.vector_store %arg19[%swap3A_402, %swap3A_403], %swap3A_406 {strides = array<i32>} : memref<40x128xf32, #tpu.memory_space<vmem>>, vector<1x16xf32>,
        %scan3A_407 = arith.constant 0 : i32
        scf.yield %scan3A_407 : i32
      }
      %scan3A_160 = arith.constant 40 : i32
      %dma_start3A_161 = arith.constant 0 : i32
      %dma_start3A_162 = arith.constant 0 : i32
      %dma_start3A_163 = tpu.memref_slice %arg23[%dma_start3A_161, %dma_start3A_162] : memref<10000x128xf32, #tpu.memory_space<vmem_shared>> -> memref<10000x128xf32, #tpu.memory_space<vmem_shared>>
      tpu.enqueue_indirect_dma source(%arg19 : memref<40x128xf32, #tpu.memory_space<vmem>>) target(%dma_start3A_163 : memref<10000x128xf32, #tpu.memory_space<vmem_shared>>) offsets(%arg10 : memref<40xi32, #tpu.memory_space<vmem>>) semaphore(%arg29 : memref<!tpu.dma_semaphore, #tpu.memory_space<semaphore_mem>>) {add = true}
      %ge3A_164 = arith.constant 1 : i32
      %ge3A_165 = arith.cmpi sge, %add3A_134, %ge3A_164 : i32
      %add3A_166 = arith.constant 2 : i32
      %add3A_167 = arith.addi %add3A_134, %add3A_166 : i32
      %lt3A_168 = arith.constant 250 : i32
      %lt3A_169 = arith.cmpi slt, %add3A_167, %lt3A_168 : i32
      %and3A_170 = arith.andi %ge3A_165, %lt3A_169 : i1
      %convert_element_type3A_171 = arith.extui %and3A_170 : i1 to i32
      %cond3A_172 = arith.constant 0 : i32
      %cond3A_173 = arith.cmpi ne, %convert_element_type3A_171, %cond3A_172 : i32
      scf.if %cond3A_173 {
        %dma_wait3A_232 = arith.constant 0 : i32
        %dma_wait3A_233 = arith.constant 0 : i32
        %dma_wait3A_234 = tpu.memref_slice %arg23[%dma_wait3A_232, %dma_wait3A_233] : memref<10000x128xf32, #tpu.memory_space<vmem_shared>> -> memref<10000x128xf32, #tpu.memory_space<vmem_shared>>
        tpu.wait_indirect_dma semaphore(%arg26 : memref<!tpu.dma_semaphore, #tpu.memory_space<semaphore_mem>>) src(%arg16 : memref<40x128xf32, #tpu.memory_space<vmem>>) dst(%dma_wait3A_234 : memref<10000x128xf32, #tpu.memory_space<vmem_shared>>)
      } else {
      }
      %add3A_174 = arith.constant 2 : i32
      %add3A_175 = arith.addi %add3A_134, %add3A_174 : i32
      %lt3A_176 = arith.constant 250 : i32
      %lt3A_177 = arith.cmpi slt, %add3A_175, %lt3A_176 : i32
      %convert_element_type3A_178 = arith.extui %lt3A_177 : i1 to i32
      %cond3A_179 = arith.constant 0 : i32
      %cond3A_180 = arith.cmpi ne, %convert_element_type3A_178, %cond3A_179 : i32
      scf.if %cond3A_180 {
        %add3A_232 = arith.constant 2 : i32
        %add3A_233 = arith.addi %add3A_134, %add3A_232 : i32
        %mul3A_234 = arith.constant 10000 : i32
        %mul3A_235 = arith.muli %add3A, %mul3A_234 : i32
        %mul3A_236 = arith.constant 40 : i32
        %mul3A_237 = arith.muli %add3A_233, %mul3A_236 : i32
        %add3A_238 = arith.addi %mul3A_235, %mul3A_237 : i32
        %dma_start3A_239 = tpu.memref_slice %arg5[%add3A_238] : memref<320000xi32, #tpu.memory_space<hbm>> -> memref<40xi32, #tpu.memory_space<hbm>>
        %dma_start3A_240 = tpu.memref_slice %arg5[%add3A_238] : memref<320000xi32, #tpu.memory_space<hbm>> -> memref<40xi32, #tpu.memory_space<hbm>>
        tpu.enqueue_dma source(%dma_start3A_240 : memref<40xi32, #tpu.memory_space<hbm>>) target(%arg8 : memref<40xi32, #tpu.memory_space<vmem>>) target_semaphore(%arg25 : memref<!tpu.dma_semaphore, #tpu.memory_space<semaphore_mem>>)
        %dma_start3A_241 = tpu.memref_slice %arg6[%add3A_238] : memref<320000xi32, #tpu.memory_space<hbm>> -> memref<40xi32, #tpu.memory_space<hbm>>
        %dma_start3A_242 = tpu.memref_slice %arg6[%add3A_238] : memref<320000xi32, #tpu.memory_space<hbm>> -> memref<40xi32, #tpu.memory_space<hbm>>
        tpu.enqueue_dma source(%dma_start3A_242 : memref<40xi32, #tpu.memory_space<hbm>>) target(%arg9 : memref<40xi32, #tpu.memory_space<vmem>>) target_semaphore(%arg25 : memref<!tpu.dma_semaphore, #tpu.memory_space<semaphore_mem>>)
      } else {
      }
      %mul3A_181 = arith.constant 3 : i32
      %mul3A_182 = arith.muli %mul3A_181, %scan3A_84 : i32
      %add3A_183 = arith.constant 2 : i32
      %add3A_184 = arith.addi %mul3A_182, %add3A_183 : i32
      %add3A_185 = arith.constant 1 : i32
      %add3A_186 = arith.addi %add3A_184, %add3A_185 : i32
      %lt3A_187 = arith.constant 250 : i32
      %lt3A_188 = arith.cmpi slt, %add3A_186, %lt3A_187 : i32
      %convert_element_type3A_189 = arith.extui %lt3A_188 : i1 to i32
      %cond3A_190 = arith.constant 0 : i32
      %cond3A_191 = arith.cmpi ne, %convert_element_type3A_189, %cond3A_190 : i32
      scf.if %cond3A_191 {
        %dma_wait3A_232 = arith.constant 0 : i32
        %dma_wait3A_233 = tpu.memref_slice %arg5[%dma_wait3A_232] : memref<320000xi32, #tpu.memory_space<hbm>> -> memref<40xi32, #tpu.memory_space<hbm>>
        %dma_wait3A_234 = arith.constant 0 : i32
        %dma_wait3A_235 = tpu.memref_slice %arg5[%dma_wait3A_234] : memref<320000xi32, #tpu.memory_space<hbm>> -> memref<40xi32, #tpu.memory_space<hbm>>
        tpu.wait_dma2 semaphore(%arg25 : memref<!tpu.dma_semaphore, #tpu.memory_space<semaphore_mem>>) src(%dma_wait3A_235 : memref<40xi32, #tpu.memory_space<hbm>>) dst(%arg8 : memref<40xi32, #tpu.memory_space<vmem>>)
        %dma_wait3A_236 = arith.constant 0 : i32
        %dma_wait3A_237 = tpu.memref_slice %arg6[%dma_wait3A_236] : memref<320000xi32, #tpu.memory_space<hbm>> -> memref<40xi32, #tpu.memory_space<hbm>>
        %dma_wait3A_238 = arith.constant 0 : i32
        %dma_wait3A_239 = tpu.memref_slice %arg6[%dma_wait3A_238] : memref<320000xi32, #tpu.memory_space<hbm>> -> memref<40xi32, #tpu.memory_space<hbm>>
        tpu.wait_dma2 semaphore(%arg25 : memref<!tpu.dma_semaphore, #tpu.memory_space<semaphore_mem>>) src(%dma_wait3A_239 : memref<40xi32, #tpu.memory_space<hbm>>) dst(%arg9 : memref<40xi32, #tpu.memory_space<vmem>>)
        %add3A_240 = arith.constant 1 : i32
        %add3A_241 = arith.addi %add3A_184, %add3A_240 : i32
        %mul3A_242 = arith.constant 10000 : i32
        %mul3A_243 = arith.muli %add3A, %mul3A_242 : i32
        %mul3A_244 = arith.constant 40 : i32
        %mul3A_245 = arith.muli %add3A_241, %mul3A_244 : i32
        %add3A_246 = arith.addi %mul3A_243, %mul3A_245 : i32
        %dma_start3A_247 = arith.constant 0 : i32
        %dma_start3A_248 = arith.constant 0 : i32
        %dma_start3A_249 = tpu.memref_slice %arg2[%dma_start3A_247, %dma_start3A_248] : memref<10000x128xf32, #tpu.memory_space<hbm>> -> memref<10000x128xf32, #tpu.memory_space<hbm>>
        tpu.enqueue_indirect_dma source(%dma_start3A_249 : memref<10000x128xf32, #tpu.memory_space<hbm>>) target(%arg14 : memref<40x128xf32, #tpu.memory_space<vmem>>) offsets(%arg8 : memref<40xi32, #tpu.memory_space<vmem>>) semaphore(%arg24 : memref<!tpu.dma_semaphore, #tpu.memory_space<semaphore_mem>>)
        %dma_start3A_250 = arith.constant 0 : i32
        %dma_start3A_251 = arith.constant 0 : i32
        %dma_start3A_252 = tpu.memref_slice %arg3[%dma_start3A_250, %dma_start3A_251] : memref<10000x128xf32, #tpu.memory_space<hbm>> -> memref<10000x128xf32, #tpu.memory_space<hbm>>
        tpu.enqueue_indirect_dma source(%dma_start3A_252 : memref<10000x128xf32, #tpu.memory_space<hbm>>) target(%arg15 : memref<40x128xf32, #tpu.memory_space<vmem>>) offsets(%arg9 : memref<40xi32, #tpu.memory_space<vmem>>) semaphore(%arg24 : memref<!tpu.dma_semaphore, #tpu.memory_space<semaphore_mem>>)
        %dma_start3A_253 = arith.constant 0 : i32
        %dma_start3A_254 = tpu.memref_slice %arg4[%add3A_246, %dma_start3A_253] : memref<320000x128xf32, #tpu.memory_space<hbm>> -> memref<40x128xf32, #tpu.memory_space<hbm>>
        %dma_start3A_255 = arith.constant 0 : i32
        %dma_start3A_256 = tpu.memref_slice %arg4[%add3A_246, %dma_start3A_255] : memref<320000x128xf32, #tpu.memory_space<hbm>> -> memref<40x128xf32, #tpu.memory_space<hbm>>
        tpu.enqueue_dma source(%dma_start3A_256 : memref<40x128xf32, #tpu.memory_space<hbm>>) target(%arg16 : memref<40x128xf32, #tpu.memory_space<vmem>>) target_semaphore(%arg24 : memref<!tpu.dma_semaphore, #tpu.memory_space<semaphore_mem>>)
      } else {
      }
      %dma_wait3A_192 = arith.constant 0 : i32
      %dma_wait3A_193 = arith.constant 0 : i32
      %dma_wait3A_194 = tpu.memref_slice %arg2[%dma_wait3A_192, %dma_wait3A_193] : memref<10000x128xf32, #tpu.memory_space<hbm>> -> memref<10000x128xf32, #tpu.memory_space<hbm>>
      tpu.wait_indirect_dma semaphore(%arg30 : memref<!tpu.dma_semaphore, #tpu.memory_space<semaphore_mem>>) src(%dma_wait3A_194 : memref<10000x128xf32, #tpu.memory_space<hbm>>) dst(%arg20 : memref<40x128xf32, #tpu.memory_space<vmem>>)
      %dma_wait3A_195 = arith.constant 0 : i32
      %dma_wait3A_196 = arith.constant 0 : i32
      %dma_wait3A_197 = tpu.memref_slice %arg3[%dma_wait3A_195, %dma_wait3A_196] : memref<10000x128xf32, #tpu.memory_space<hbm>> -> memref<10000x128xf32, #tpu.memory_space<hbm>>
      tpu.wait_indirect_dma semaphore(%arg30 : memref<!tpu.dma_semaphore, #tpu.memory_space<semaphore_mem>>) src(%dma_wait3A_197 : memref<10000x128xf32, #tpu.memory_space<hbm>>) dst(%arg21 : memref<40x128xf32, #tpu.memory_space<vmem>>)
      %dma_wait3A_198 = arith.constant 0 : i32
      %dma_wait3A_199 = arith.constant 0 : i32
      %dma_wait3A_200 = tpu.memref_slice %arg4[%dma_wait3A_198, %dma_wait3A_199] : memref<320000x128xf32, #tpu.memory_space<hbm>> -> memref<40x128xf32, #tpu.memory_space<hbm>>
      %dma_wait3A_201 = arith.constant 0 : i32
      %dma_wait3A_202 = arith.constant 0 : i32
      %dma_wait3A_203 = tpu.memref_slice %arg4[%dma_wait3A_201, %dma_wait3A_202] : memref<320000x128xf32, #tpu.memory_space<hbm>> -> memref<40x128xf32, #tpu.memory_space<hbm>>
      tpu.wait_dma2 semaphore(%arg30 : memref<!tpu.dma_semaphore, #tpu.memory_space<semaphore_mem>>) src(%dma_wait3A_203 : memref<40x128xf32, #tpu.memory_space<hbm>>) dst(%arg22 : memref<40x128xf32, #tpu.memory_space<vmem>>)
      %scan3A_204 = arith.constant 0 : i32
      %scan3A_205 = arith.constant 0 : i32
      %scan3A_206 = arith.constant 40 : i32
      %scan3A_207 = arith.addi %scan3A_205, %scan3A_206 : i32
      %scan3A_208 = arith.constant 1 : i32
      %scan3A_209 = scf.for %scan3A_232 = %scan3A_205 to %scan3A_207 step %scan3A_208 iter_args(%scan3A_233 = %scan3A_204) -> (i32)  : i32 {
        %get3A = arith.index_cast %scan3A_232 : i32 to index
        %get3A_234 = arith.constant 0 : index
        %get3A_235 = tpu.vector_load %arg20[%get3A, %get3A_234] {strides = array<i32>} : memref<40x128xf32, #tpu.memory_space<vmem>>, vector<1x16xf32>,
        %get3A_236 = vector.shape_cast %get3A_235 : vector<1x16xf32> to vector<16xf32>
        %get3A_237 = arith.index_cast %scan3A_232 : i32 to index
        %get3A_238 = arith.constant 0 : index
        %get3A_239 = tpu.vector_load %arg21[%get3A_237, %get3A_238] {strides = array<i32>} : memref<40x128xf32, #tpu.memory_space<vmem>>, vector<1x16xf32>,
        %get3A_240 = vector.shape_cast %get3A_239 : vector<1x16xf32> to vector<16xf32>
        %add3A_241 = arith.addf %get3A_236, %get3A_240 : vector<16xf32>
        %get3A_242 = arith.index_cast %scan3A_232 : i32 to index
        %get3A_243 = arith.constant 0 : index
        %get3A_244 = tpu.vector_load %arg22[%get3A_242, %get3A_243] {strides = array<i32>} : memref<40x128xf32, #tpu.memory_space<vmem>>, vector<1x16xf32>,
        %get3A_245 = vector.shape_cast %get3A_244 : vector<1x16xf32> to vector<16xf32>
        %add3A_246 = arith.addf %add3A_241, %get3A_245 : vector<16xf32>
        %max3A = arith.constant 0.000000e+00 : f32
        %max3A_247 = vector.broadcast %max3A : f32 to vector<16xf32>
        %max3A_248 = arith.maximumf %add3A_246, %max3A_247 : vector<16xf32>
        %swap3A = arith.index_cast %scan3A_232 : i32 to index
        %swap3A_249 = arith.constant 0 : index
        %swap3A_250 = tpu.vector_load %arg22[%swap3A, %swap3A_249] {strides = array<i32>} : memref<40x128xf32, #tpu.memory_space<vmem>>, vector<1x16xf32>,
        %swap3A_251 = vector.shape_cast %swap3A_250 : vector<1x16xf32> to vector<16xf32>
        %swap3A_252 = vector.shape_cast %max3A_248 : vector<16xf32> to vector<1x16xf32>
        tpu.vector_store %arg22[%swap3A, %swap3A_249], %swap3A_252 {strides = array<i32>} : memref<40x128xf32, #tpu.memory_space<vmem>>, vector<1x16xf32>,
        %get3A_253 = arith.index_cast %scan3A_232 : i32 to index
        %get3A_254 = arith.constant 16 : index
        %get3A_255 = tpu.vector_load %arg20[%get3A_253, %get3A_254] {strides = array<i32>} : memref<40x128xf32, #tpu.memory_space<vmem>>, vector<1x16xf32>,
        %get3A_256 = vector.shape_cast %get3A_255 : vector<1x16xf32> to vector<16xf32>
        %get3A_257 = arith.index_cast %scan3A_232 : i32 to index
        %get3A_258 = arith.constant 16 : index
        %get3A_259 = tpu.vector_load %arg21[%get3A_257, %get3A_258] {strides = array<i32>} : memref<40x128xf32, #tpu.memory_space<vmem>>, vector<1x16xf32>,
        %get3A_260 = vector.shape_cast %get3A_259 : vector<1x16xf32> to vector<16xf32>
        %add3A_261 = arith.addf %get3A_256, %get3A_260 : vector<16xf32>
        %get3A_262 = arith.index_cast %scan3A_232 : i32 to index
        %get3A_263 = arith.constant 16 : index
        %get3A_264 = tpu.vector_load %arg22[%get3A_262, %get3A_263] {strides = array<i32>} : memref<40x128xf32, #tpu.memory_space<vmem>>, vector<1x16xf32>,
        %get3A_265 = vector.shape_cast %get3A_264 : vector<1x16xf32> to vector<16xf32>
        %add3A_266 = arith.addf %add3A_261, %get3A_265 : vector<16xf32>
        %max3A_267 = arith.constant 0.000000e+00 : f32
        %max3A_268 = vector.broadcast %max3A_267 : f32 to vector<16xf32>
        %max3A_269 = arith.maximumf %add3A_266, %max3A_268 : vector<16xf32>
        %swap3A_270 = arith.index_cast %scan3A_232 : i32 to index
        %swap3A_271 = arith.constant 16 : index
        %swap3A_272 = tpu.vector_load %arg22[%swap3A_270, %swap3A_271] {strides = array<i32>} : memref<40x128xf32, #tpu.memory_space<vmem>>, vector<1x16xf32>,
        %swap3A_273 = vector.shape_cast %swap3A_272 : vector<1x16xf32> to vector<16xf32>
        %swap3A_274 = vector.shape_cast %max3A_269 : vector<16xf32> to vector<1x16xf32>
        tpu.vector_store %arg22[%swap3A_270, %swap3A_271], %swap3A_274 {strides = array<i32>} : memref<40x128xf32, #tpu.memory_space<vmem>>, vector<1x16xf32>,
        %get3A_275 = arith.index_cast %scan3A_232 : i32 to index
        %get3A_276 = arith.constant 32 : index
        %get3A_277 = tpu.vector_load %arg20[%get3A_275, %get3A_276] {strides = array<i32>} : memref<40x128xf32, #tpu.memory_space<vmem>>, vector<1x16xf32>,
        %get3A_278 = vector.shape_cast %get3A_277 : vector<1x16xf32> to vector<16xf32>
        %get3A_279 = arith.index_cast %scan3A_232 : i32 to index
        %get3A_280 = arith.constant 32 : index
        %get3A_281 = tpu.vector_load %arg21[%get3A_279, %get3A_280] {strides = array<i32>} : memref<40x128xf32, #tpu.memory_space<vmem>>, vector<1x16xf32>,
        %get3A_282 = vector.shape_cast %get3A_281 : vector<1x16xf32> to vector<16xf32>
        %add3A_283 = arith.addf %get3A_278, %get3A_282 : vector<16xf32>
        %get3A_284 = arith.index_cast %scan3A_232 : i32 to index
        %get3A_285 = arith.constant 32 : index
        %get3A_286 = tpu.vector_load %arg22[%get3A_284, %get3A_285] {strides = array<i32>} : memref<40x128xf32, #tpu.memory_space<vmem>>, vector<1x16xf32>,
        %get3A_287 = vector.shape_cast %get3A_286 : vector<1x16xf32> to vector<16xf32>
        %add3A_288 = arith.addf %add3A_283, %get3A_287 : vector<16xf32>
        %max3A_289 = arith.constant 0.000000e+00 : f32
        %max3A_290 = vector.broadcast %max3A_289 : f32 to vector<16xf32>
        %max3A_291 = arith.maximumf %add3A_288, %max3A_290 : vector<16xf32>
        %swap3A_292 = arith.index_cast %scan3A_232 : i32 to index
        %swap3A_293 = arith.constant 32 : index
        %swap3A_294 = tpu.vector_load %arg22[%swap3A_292, %swap3A_293] {strides = array<i32>} : memref<40x128xf32, #tpu.memory_space<vmem>>, vector<1x16xf32>,
        %swap3A_295 = vector.shape_cast %swap3A_294 : vector<1x16xf32> to vector<16xf32>
        %swap3A_296 = vector.shape_cast %max3A_291 : vector<16xf32> to vector<1x16xf32>
        tpu.vector_store %arg22[%swap3A_292, %swap3A_293], %swap3A_296 {strides = array<i32>} : memref<40x128xf32, #tpu.memory_space<vmem>>, vector<1x16xf32>,
        %get3A_297 = arith.index_cast %scan3A_232 : i32 to index
        %get3A_298 = arith.constant 48 : index
        %get3A_299 = tpu.vector_load %arg20[%get3A_297, %get3A_298] {strides = array<i32>} : memref<40x128xf32, #tpu.memory_space<vmem>>, vector<1x16xf32>,
        %get3A_300 = vector.shape_cast %get3A_299 : vector<1x16xf32> to vector<16xf32>
        %get3A_301 = arith.index_cast %scan3A_232 : i32 to index
        %get3A_302 = arith.constant 48 : index
        %get3A_303 = tpu.vector_load %arg21[%get3A_301, %get3A_302] {strides = array<i32>} : memref<40x128xf32, #tpu.memory_space<vmem>>, vector<1x16xf32>,
        %get3A_304 = vector.shape_cast %get3A_303 : vector<1x16xf32> to vector<16xf32>
        %add3A_305 = arith.addf %get3A_300, %get3A_304 : vector<16xf32>
        %get3A_306 = arith.index_cast %scan3A_232 : i32 to index
        %get3A_307 = arith.constant 48 : index
        %get3A_308 = tpu.vector_load %arg22[%get3A_306, %get3A_307] {strides = array<i32>} : memref<40x128xf32, #tpu.memory_space<vmem>>, vector<1x16xf32>,
        %get3A_309 = vector.shape_cast %get3A_308 : vector<1x16xf32> to vector<16xf32>
        %add3A_310 = arith.addf %add3A_305, %get3A_309 : vector<16xf32>
        %max3A_311 = arith.constant 0.000000e+00 : f32
        %max3A_312 = vector.broadcast %max3A_311 : f32 to vector<16xf32>
        %max3A_313 = arith.maximumf %add3A_310, %max3A_312 : vector<16xf32>
        %swap3A_314 = arith.index_cast %scan3A_232 : i32 to index
        %swap3A_315 = arith.constant 48 : index
        %swap3A_316 = tpu.vector_load %arg22[%swap3A_314, %swap3A_315] {strides = array<i32>} : memref<40x128xf32, #tpu.memory_space<vmem>>, vector<1x16xf32>,
        %swap3A_317 = vector.shape_cast %swap3A_316 : vector<1x16xf32> to vector<16xf32>
        %swap3A_318 = vector.shape_cast %max3A_313 : vector<16xf32> to vector<1x16xf32>
        tpu.vector_store %arg22[%swap3A_314, %swap3A_315], %swap3A_318 {strides = array<i32>} : memref<40x128xf32, #tpu.memory_space<vmem>>, vector<1x16xf32>,
        %get3A_319 = arith.index_cast %scan3A_232 : i32 to index
        %get3A_320 = arith.constant 64 : index
        %get3A_321 = tpu.vector_load %arg20[%get3A_319, %get3A_320] {strides = array<i32>} : memref<40x128xf32, #tpu.memory_space<vmem>>, vector<1x16xf32>,
        %get3A_322 = vector.shape_cast %get3A_321 : vector<1x16xf32> to vector<16xf32>
        %get3A_323 = arith.index_cast %scan3A_232 : i32 to index
        %get3A_324 = arith.constant 64 : index
        %get3A_325 = tpu.vector_load %arg21[%get3A_323, %get3A_324] {strides = array<i32>} : memref<40x128xf32, #tpu.memory_space<vmem>>, vector<1x16xf32>,
        %get3A_326 = vector.shape_cast %get3A_325 : vector<1x16xf32> to vector<16xf32>
        %add3A_327 = arith.addf %get3A_322, %get3A_326 : vector<16xf32>
        %get3A_328 = arith.index_cast %scan3A_232 : i32 to index
        %get3A_329 = arith.constant 64 : index
        %get3A_330 = tpu.vector_load %arg22[%get3A_328, %get3A_329] {strides = array<i32>} : memref<40x128xf32, #tpu.memory_space<vmem>>, vector<1x16xf32>,
        %get3A_331 = vector.shape_cast %get3A_330 : vector<1x16xf32> to vector<16xf32>
        %add3A_332 = arith.addf %add3A_327, %get3A_331 : vector<16xf32>
        %max3A_333 = arith.constant 0.000000e+00 : f32
        %max3A_334 = vector.broadcast %max3A_333 : f32 to vector<16xf32>
        %max3A_335 = arith.maximumf %add3A_332, %max3A_334 : vector<16xf32>
        %swap3A_336 = arith.index_cast %scan3A_232 : i32 to index
        %swap3A_337 = arith.constant 64 : index
        %swap3A_338 = tpu.vector_load %arg22[%swap3A_336, %swap3A_337] {strides = array<i32>} : memref<40x128xf32, #tpu.memory_space<vmem>>, vector<1x16xf32>,
        %swap3A_339 = vector.shape_cast %swap3A_338 : vector<1x16xf32> to vector<16xf32>
        %swap3A_340 = vector.shape_cast %max3A_335 : vector<16xf32> to vector<1x16xf32>
        tpu.vector_store %arg22[%swap3A_336, %swap3A_337], %swap3A_340 {strides = array<i32>} : memref<40x128xf32, #tpu.memory_space<vmem>>, vector<1x16xf32>,
        %get3A_341 = arith.index_cast %scan3A_232 : i32 to index
        %get3A_342 = arith.constant 80 : index
        %get3A_343 = tpu.vector_load %arg20[%get3A_341, %get3A_342] {strides = array<i32>} : memref<40x128xf32, #tpu.memory_space<vmem>>, vector<1x16xf32>,
        %get3A_344 = vector.shape_cast %get3A_343 : vector<1x16xf32> to vector<16xf32>
        %get3A_345 = arith.index_cast %scan3A_232 : i32 to index
        %get3A_346 = arith.constant 80 : index
        %get3A_347 = tpu.vector_load %arg21[%get3A_345, %get3A_346] {strides = array<i32>} : memref<40x128xf32, #tpu.memory_space<vmem>>, vector<1x16xf32>,
        %get3A_348 = vector.shape_cast %get3A_347 : vector<1x16xf32> to vector<16xf32>
        %add3A_349 = arith.addf %get3A_344, %get3A_348 : vector<16xf32>
        %get3A_350 = arith.index_cast %scan3A_232 : i32 to index
        %get3A_351 = arith.constant 80 : index
        %get3A_352 = tpu.vector_load %arg22[%get3A_350, %get3A_351] {strides = array<i32>} : memref<40x128xf32, #tpu.memory_space<vmem>>, vector<1x16xf32>,
        %get3A_353 = vector.shape_cast %get3A_352 : vector<1x16xf32> to vector<16xf32>
        %add3A_354 = arith.addf %add3A_349, %get3A_353 : vector<16xf32>
        %max3A_355 = arith.constant 0.000000e+00 : f32
        %max3A_356 = vector.broadcast %max3A_355 : f32 to vector<16xf32>
        %max3A_357 = arith.maximumf %add3A_354, %max3A_356 : vector<16xf32>
        %swap3A_358 = arith.index_cast %scan3A_232 : i32 to index
        %swap3A_359 = arith.constant 80 : index
        %swap3A_360 = tpu.vector_load %arg22[%swap3A_358, %swap3A_359] {strides = array<i32>} : memref<40x128xf32, #tpu.memory_space<vmem>>, vector<1x16xf32>,
        %swap3A_361 = vector.shape_cast %swap3A_360 : vector<1x16xf32> to vector<16xf32>
        %swap3A_362 = vector.shape_cast %max3A_357 : vector<16xf32> to vector<1x16xf32>
        tpu.vector_store %arg22[%swap3A_358, %swap3A_359], %swap3A_362 {strides = array<i32>} : memref<40x128xf32, #tpu.memory_space<vmem>>, vector<1x16xf32>,
        %get3A_363 = arith.index_cast %scan3A_232 : i32 to index
        %get3A_364 = arith.constant 96 : index
        %get3A_365 = tpu.vector_load %arg20[%get3A_363, %get3A_364] {strides = array<i32>} : memref<40x128xf32, #tpu.memory_space<vmem>>, vector<1x16xf32>,
        %get3A_366 = vector.shape_cast %get3A_365 : vector<1x16xf32> to vector<16xf32>
        %get3A_367 = arith.index_cast %scan3A_232 : i32 to index
        %get3A_368 = arith.constant 96 : index
        %get3A_369 = tpu.vector_load %arg21[%get3A_367, %get3A_368] {strides = array<i32>} : memref<40x128xf32, #tpu.memory_space<vmem>>, vector<1x16xf32>,
        %get3A_370 = vector.shape_cast %get3A_369 : vector<1x16xf32> to vector<16xf32>
        %add3A_371 = arith.addf %get3A_366, %get3A_370 : vector<16xf32>
        %get3A_372 = arith.index_cast %scan3A_232 : i32 to index
        %get3A_373 = arith.constant 96 : index
        %get3A_374 = tpu.vector_load %arg22[%get3A_372, %get3A_373] {strides = array<i32>} : memref<40x128xf32, #tpu.memory_space<vmem>>, vector<1x16xf32>,
        %get3A_375 = vector.shape_cast %get3A_374 : vector<1x16xf32> to vector<16xf32>
        %add3A_376 = arith.addf %add3A_371, %get3A_375 : vector<16xf32>
        %max3A_377 = arith.constant 0.000000e+00 : f32
        %max3A_378 = vector.broadcast %max3A_377 : f32 to vector<16xf32>
        %max3A_379 = arith.maximumf %add3A_376, %max3A_378 : vector<16xf32>
        %swap3A_380 = arith.index_cast %scan3A_232 : i32 to index
        %swap3A_381 = arith.constant 96 : index
        %swap3A_382 = tpu.vector_load %arg22[%swap3A_380, %swap3A_381] {strides = array<i32>} : memref<40x128xf32, #tpu.memory_space<vmem>>, vector<1x16xf32>,
        %swap3A_383 = vector.shape_cast %swap3A_382 : vector<1x16xf32> to vector<16xf32>
        %swap3A_384 = vector.shape_cast %max3A_379 : vector<16xf32> to vector<1x16xf32>
        tpu.vector_store %arg22[%swap3A_380, %swap3A_381], %swap3A_384 {strides = array<i32>} : memref<40x128xf32, #tpu.memory_space<vmem>>, vector<1x16xf32>,
        %get3A_385 = arith.index_cast %scan3A_232 : i32 to index
        %get3A_386 = arith.constant 112 : index
        %get3A_387 = tpu.vector_load %arg20[%get3A_385, %get3A_386] {strides = array<i32>} : memref<40x128xf32, #tpu.memory_space<vmem>>, vector<1x16xf32>,
        %get3A_388 = vector.shape_cast %get3A_387 : vector<1x16xf32> to vector<16xf32>
        %get3A_389 = arith.index_cast %scan3A_232 : i32 to index
        %get3A_390 = arith.constant 112 : index
        %get3A_391 = tpu.vector_load %arg21[%get3A_389, %get3A_390] {strides = array<i32>} : memref<40x128xf32, #tpu.memory_space<vmem>>, vector<1x16xf32>,
        %get3A_392 = vector.shape_cast %get3A_391 : vector<1x16xf32> to vector<16xf32>
        %add3A_393 = arith.addf %get3A_388, %get3A_392 : vector<16xf32>
        %get3A_394 = arith.index_cast %scan3A_232 : i32 to index
        %get3A_395 = arith.constant 112 : index
        %get3A_396 = tpu.vector_load %arg22[%get3A_394, %get3A_395] {strides = array<i32>} : memref<40x128xf32, #tpu.memory_space<vmem>>, vector<1x16xf32>,
        %get3A_397 = vector.shape_cast %get3A_396 : vector<1x16xf32> to vector<16xf32>
        %add3A_398 = arith.addf %add3A_393, %get3A_397 : vector<16xf32>
        %max3A_399 = arith.constant 0.000000e+00 : f32
        %max3A_400 = vector.broadcast %max3A_399 : f32 to vector<16xf32>
        %max3A_401 = arith.maximumf %add3A_398, %max3A_400 : vector<16xf32>
        %swap3A_402 = arith.index_cast %scan3A_232 : i32 to index
        %swap3A_403 = arith.constant 112 : index
        %swap3A_404 = tpu.vector_load %arg22[%swap3A_402, %swap3A_403] {strides = array<i32>} : memref<40x128xf32, #tpu.memory_space<vmem>>, vector<1x16xf32>,
        %swap3A_405 = vector.shape_cast %swap3A_404 : vector<1x16xf32> to vector<16xf32>
        %swap3A_406 = vector.shape_cast %max3A_401 : vector<16xf32> to vector<1x16xf32>
        tpu.vector_store %arg22[%swap3A_402, %swap3A_403], %swap3A_406 {strides = array<i32>} : memref<40x128xf32, #tpu.memory_space<vmem>>, vector<1x16xf32>,
        %scan3A_407 = arith.constant 0 : i32
        scf.yield %scan3A_407 : i32
      }
      %scan3A_210 = arith.constant 40 : i32
      %dma_start3A_211 = arith.constant 0 : i32
      %dma_start3A_212 = arith.constant 0 : i32
      %dma_start3A_213 = tpu.memref_slice %arg23[%dma_start3A_211, %dma_start3A_212] : memref<10000x128xf32, #tpu.memory_space<vmem_shared>> -> memref<10000x128xf32, #tpu.memory_space<vmem_shared>>
      tpu.enqueue_indirect_dma source(%arg22 : memref<40x128xf32, #tpu.memory_space<vmem>>) target(%dma_start3A_213 : memref<10000x128xf32, #tpu.memory_space<vmem_shared>>) offsets(%arg12 : memref<40xi32, #tpu.memory_space<vmem>>) semaphore(%arg32 : memref<!tpu.dma_semaphore, #tpu.memory_space<semaphore_mem>>) {add = true}
      %ge3A_214 = arith.constant 1 : i32
      %ge3A_215 = arith.cmpi sge, %add3A_184, %ge3A_214 : i32
      %add3A_216 = arith.constant 2 : i32
      %add3A_217 = arith.addi %add3A_184, %add3A_216 : i32
      %lt3A_218 = arith.constant 250 : i32
      %lt3A_219 = arith.cmpi slt, %add3A_217, %lt3A_218 : i32
      %and3A_220 = arith.andi %ge3A_215, %lt3A_219 : i1
      %convert_element_type3A_221 = arith.extui %and3A_220 : i1 to i32
      %cond3A_222 = arith.constant 0 : i32
      %cond3A_223 = arith.cmpi ne, %convert_element_type3A_221, %cond3A_222 : i32
      scf.if %cond3A_223 {
        %dma_wait3A_232 = arith.constant 0 : i32
        %dma_wait3A_233 = arith.constant 0 : i32
        %dma_wait3A_234 = tpu.memref_slice %arg23[%dma_wait3A_232, %dma_wait3A_233] : memref<10000x128xf32, #tpu.memory_space<vmem_shared>> -> memref<10000x128xf32, #tpu.memory_space<vmem_shared>>
        tpu.wait_indirect_dma semaphore(%arg29 : memref<!tpu.dma_semaphore, #tpu.memory_space<semaphore_mem>>) src(%arg19 : memref<40x128xf32, #tpu.memory_space<vmem>>) dst(%dma_wait3A_234 : memref<10000x128xf32, #tpu.memory_space<vmem_shared>>)
      } else {
      }
      %add3A_224 = arith.constant 2 : i32
      %add3A_225 = arith.addi %add3A_184, %add3A_224 : i32
      %lt3A_226 = arith.constant 250 : i32
      %lt3A_227 = arith.cmpi slt, %add3A_225, %lt3A_226 : i32
      %convert_element_type3A_228 = arith.extui %lt3A_227 : i1 to i32
      %cond3A_229 = arith.constant 0 : i32
      %cond3A_230 = arith.cmpi ne, %convert_element_type3A_228, %cond3A_229 : i32
      scf.if %cond3A_230 {
        %add3A_232 = arith.constant 2 : i32
        %add3A_233 = arith.addi %add3A_184, %add3A_232 : i32
        %mul3A_234 = arith.constant 10000 : i32
        %mul3A_235 = arith.muli %add3A, %mul3A_234 : i32
        %mul3A_236 = arith.constant 40 : i32
        %mul3A_237 = arith.muli %add3A_233, %mul3A_236 : i32
        %add3A_238 = arith.addi %mul3A_235, %mul3A_237 : i32
        %dma_start3A_239 = tpu.memref_slice %arg5[%add3A_238] : memref<320000xi32, #tpu.memory_space<hbm>> -> memref<40xi32, #tpu.memory_space<hbm>>
        %dma_start3A_240 = tpu.memref_slice %arg5[%add3A_238] : memref<320000xi32, #tpu.memory_space<hbm>> -> memref<40xi32, #tpu.memory_space<hbm>>
        tpu.enqueue_dma source(%dma_start3A_240 : memref<40xi32, #tpu.memory_space<hbm>>) target(%arg10 : memref<40xi32, #tpu.memory_space<vmem>>) target_semaphore(%arg28 : memref<!tpu.dma_semaphore, #tpu.memory_space<semaphore_mem>>)
        %dma_start3A_241 = tpu.memref_slice %arg6[%add3A_238] : memref<320000xi32, #tpu.memory_space<hbm>> -> memref<40xi32, #tpu.memory_space<hbm>>
        %dma_start3A_242 = tpu.memref_slice %arg6[%add3A_238] : memref<320000xi32, #tpu.memory_space<hbm>> -> memref<40xi32, #tpu.memory_space<hbm>>
        tpu.enqueue_dma source(%dma_start3A_242 : memref<40xi32, #tpu.memory_space<hbm>>) target(%arg11 : memref<40xi32, #tpu.memory_space<vmem>>) target_semaphore(%arg28 : memref<!tpu.dma_semaphore, #tpu.memory_space<semaphore_mem>>)
      } else {
      }
      %scan3A_231 = arith.constant 0 : i32
      scf.yield %scan3A_231 : i32
    }
    %scan3A_45 = arith.constant 83 : i32
    %dma_wait3A = arith.constant 0 : i32
    %dma_wait3A_46 = arith.constant 0 : i32
    %dma_wait3A_47 = tpu.memref_slice %arg2[%dma_wait3A, %dma_wait3A_46] : memref<10000x128xf32, #tpu.memory_space<hbm>> -> memref<10000x128xf32, #tpu.memory_space<hbm>>
    tpu.wait_indirect_dma semaphore(%arg24 : memref<!tpu.dma_semaphore, #tpu.memory_space<semaphore_mem>>) src(%dma_wait3A_47 : memref<10000x128xf32, #tpu.memory_space<hbm>>) dst(%arg14 : memref<40x128xf32, #tpu.memory_space<vmem>>)
    %dma_wait3A_48 = arith.constant 0 : i32
    %dma_wait3A_49 = arith.constant 0 : i32
    %dma_wait3A_50 = tpu.memref_slice %arg3[%dma_wait3A_48, %dma_wait3A_49] : memref<10000x128xf32, #tpu.memory_space<hbm>> -> memref<10000x128xf32, #tpu.memory_space<hbm>>
    tpu.wait_indirect_dma semaphore(%arg24 : memref<!tpu.dma_semaphore, #tpu.memory_space<semaphore_mem>>) src(%dma_wait3A_50 : memref<10000x128xf32, #tpu.memory_space<hbm>>) dst(%arg15 : memref<40x128xf32, #tpu.memory_space<vmem>>)
    %dma_wait3A_51 = arith.constant 0 : i32
    %dma_wait3A_52 = arith.constant 0 : i32
    %dma_wait3A_53 = tpu.memref_slice %arg4[%dma_wait3A_51, %dma_wait3A_52] : memref<320000x128xf32, #tpu.memory_space<hbm>> -> memref<40x128xf32, #tpu.memory_space<hbm>>
    %dma_wait3A_54 = arith.constant 0 : i32
    %dma_wait3A_55 = arith.constant 0 : i32
    %dma_wait3A_56 = tpu.memref_slice %arg4[%dma_wait3A_54, %dma_wait3A_55] : memref<320000x128xf32, #tpu.memory_space<hbm>> -> memref<40x128xf32, #tpu.memory_space<hbm>>
    tpu.wait_dma2 semaphore(%arg24 : memref<!tpu.dma_semaphore, #tpu.memory_space<semaphore_mem>>) src(%dma_wait3A_56 : memref<40x128xf32, #tpu.memory_space<hbm>>) dst(%arg16 : memref<40x128xf32, #tpu.memory_space<vmem>>)
    %scan3A_57 = arith.constant 0 : i32
    %scan3A_58 = arith.constant 0 : i32
    %scan3A_59 = arith.constant 40 : i32
    %scan3A_60 = arith.addi %scan3A_58, %scan3A_59 : i32
    %scan3A_61 = arith.constant 1 : i32
    %scan3A_62 = scf.for %scan3A_84 = %scan3A_58 to %scan3A_60 step %scan3A_61 iter_args(%scan3A_85 = %scan3A_57) -> (i32)  : i32 {
      %get3A = arith.index_cast %scan3A_84 : i32 to index
      %get3A_86 = arith.constant 0 : index
      %get3A_87 = tpu.vector_load %arg14[%get3A, %get3A_86] {strides = array<i32>} : memref<40x128xf32, #tpu.memory_space<vmem>>, vector<1x16xf32>,
      %get3A_88 = vector.shape_cast %get3A_87 : vector<1x16xf32> to vector<16xf32>
      %get3A_89 = arith.index_cast %scan3A_84 : i32 to index
      %get3A_90 = arith.constant 0 : index
      %get3A_91 = tpu.vector_load %arg15[%get3A_89, %get3A_90] {strides = array<i32>} : memref<40x128xf32, #tpu.memory_space<vmem>>, vector<1x16xf32>,
      %get3A_92 = vector.shape_cast %get3A_91 : vector<1x16xf32> to vector<16xf32>
      %add3A_93 = arith.addf %get3A_88, %get3A_92 : vector<16xf32>
      %get3A_94 = arith.index_cast %scan3A_84 : i32 to index
      %get3A_95 = arith.constant 0 : index
      %get3A_96 = tpu.vector_load %arg16[%get3A_94, %get3A_95] {strides = array<i32>} : memref<40x128xf32, #tpu.memory_space<vmem>>, vector<1x16xf32>,
      %get3A_97 = vector.shape_cast %get3A_96 : vector<1x16xf32> to vector<16xf32>
      %add3A_98 = arith.addf %add3A_93, %get3A_97 : vector<16xf32>
      %max3A = arith.constant 0.000000e+00 : f32
      %max3A_99 = vector.broadcast %max3A : f32 to vector<16xf32>
      %max3A_100 = arith.maximumf %add3A_98, %max3A_99 : vector<16xf32>
      %swap3A = arith.index_cast %scan3A_84 : i32 to index
      %swap3A_101 = arith.constant 0 : index
      %swap3A_102 = tpu.vector_load %arg16[%swap3A, %swap3A_101] {strides = array<i32>} : memref<40x128xf32, #tpu.memory_space<vmem>>, vector<1x16xf32>,
      %swap3A_103 = vector.shape_cast %swap3A_102 : vector<1x16xf32> to vector<16xf32>
      %swap3A_104 = vector.shape_cast %max3A_100 : vector<16xf32> to vector<1x16xf32>
      tpu.vector_store %arg16[%swap3A, %swap3A_101], %swap3A_104 {strides = array<i32>} : memref<40x128xf32, #tpu.memory_space<vmem>>, vector<1x16xf32>,
      %get3A_105 = arith.index_cast %scan3A_84 : i32 to index
      %get3A_106 = arith.constant 16 : index
      %get3A_107 = tpu.vector_load %arg14[%get3A_105, %get3A_106] {strides = array<i32>} : memref<40x128xf32, #tpu.memory_space<vmem>>, vector<1x16xf32>,
      %get3A_108 = vector.shape_cast %get3A_107 : vector<1x16xf32> to vector<16xf32>
      %get3A_109 = arith.index_cast %scan3A_84 : i32 to index
      %get3A_110 = arith.constant 16 : index
      %get3A_111 = tpu.vector_load %arg15[%get3A_109, %get3A_110] {strides = array<i32>} : memref<40x128xf32, #tpu.memory_space<vmem>>, vector<1x16xf32>,
      %get3A_112 = vector.shape_cast %get3A_111 : vector<1x16xf32> to vector<16xf32>
      %add3A_113 = arith.addf %get3A_108, %get3A_112 : vector<16xf32>
      %get3A_114 = arith.index_cast %scan3A_84 : i32 to index
      %get3A_115 = arith.constant 16 : index
      %get3A_116 = tpu.vector_load %arg16[%get3A_114, %get3A_115] {strides = array<i32>} : memref<40x128xf32, #tpu.memory_space<vmem>>, vector<1x16xf32>,
      %get3A_117 = vector.shape_cast %get3A_116 : vector<1x16xf32> to vector<16xf32>
      %add3A_118 = arith.addf %add3A_113, %get3A_117 : vector<16xf32>
      %max3A_119 = arith.constant 0.000000e+00 : f32
      %max3A_120 = vector.broadcast %max3A_119 : f32 to vector<16xf32>
      %max3A_121 = arith.maximumf %add3A_118, %max3A_120 : vector<16xf32>
      %swap3A_122 = arith.index_cast %scan3A_84 : i32 to index
      %swap3A_123 = arith.constant 16 : index
      %swap3A_124 = tpu.vector_load %arg16[%swap3A_122, %swap3A_123] {strides = array<i32>} : memref<40x128xf32, #tpu.memory_space<vmem>>, vector<1x16xf32>,
      %swap3A_125 = vector.shape_cast %swap3A_124 : vector<1x16xf32> to vector<16xf32>
      %swap3A_126 = vector.shape_cast %max3A_121 : vector<16xf32> to vector<1x16xf32>
      tpu.vector_store %arg16[%swap3A_122, %swap3A_123], %swap3A_126 {strides = array<i32>} : memref<40x128xf32, #tpu.memory_space<vmem>>, vector<1x16xf32>,
      %get3A_127 = arith.index_cast %scan3A_84 : i32 to index
      %get3A_128 = arith.constant 32 : index
      %get3A_129 = tpu.vector_load %arg14[%get3A_127, %get3A_128] {strides = array<i32>} : memref<40x128xf32, #tpu.memory_space<vmem>>, vector<1x16xf32>,
      %get3A_130 = vector.shape_cast %get3A_129 : vector<1x16xf32> to vector<16xf32>
      %get3A_131 = arith.index_cast %scan3A_84 : i32 to index
      %get3A_132 = arith.constant 32 : index
      %get3A_133 = tpu.vector_load %arg15[%get3A_131, %get3A_132] {strides = array<i32>} : memref<40x128xf32, #tpu.memory_space<vmem>>, vector<1x16xf32>,
      %get3A_134 = vector.shape_cast %get3A_133 : vector<1x16xf32> to vector<16xf32>
      %add3A_135 = arith.addf %get3A_130, %get3A_134 : vector<16xf32>
      %get3A_136 = arith.index_cast %scan3A_84 : i32 to index
      %get3A_137 = arith.constant 32 : index
      %get3A_138 = tpu.vector_load %arg16[%get3A_136, %get3A_137] {strides = array<i32>} : memref<40x128xf32, #tpu.memory_space<vmem>>, vector<1x16xf32>,
      %get3A_139 = vector.shape_cast %get3A_138 : vector<1x16xf32> to vector<16xf32>
      %add3A_140 = arith.addf %add3A_135, %get3A_139 : vector<16xf32>
      %max3A_141 = arith.constant 0.000000e+00 : f32
      %max3A_142 = vector.broadcast %max3A_141 : f32 to vector<16xf32>
      %max3A_143 = arith.maximumf %add3A_140, %max3A_142 : vector<16xf32>
      %swap3A_144 = arith.index_cast %scan3A_84 : i32 to index
      %swap3A_145 = arith.constant 32 : index
      %swap3A_146 = tpu.vector_load %arg16[%swap3A_144, %swap3A_145] {strides = array<i32>} : memref<40x128xf32, #tpu.memory_space<vmem>>, vector<1x16xf32>,
      %swap3A_147 = vector.shape_cast %swap3A_146 : vector<1x16xf32> to vector<16xf32>
      %swap3A_148 = vector.shape_cast %max3A_143 : vector<16xf32> to vector<1x16xf32>
      tpu.vector_store %arg16[%swap3A_144, %swap3A_145], %swap3A_148 {strides = array<i32>} : memref<40x128xf32, #tpu.memory_space<vmem>>, vector<1x16xf32>,
      %get3A_149 = arith.index_cast %scan3A_84 : i32 to index
      %get3A_150 = arith.constant 48 : index
      %get3A_151 = tpu.vector_load %arg14[%get3A_149, %get3A_150] {strides = array<i32>} : memref<40x128xf32, #tpu.memory_space<vmem>>, vector<1x16xf32>,
      %get3A_152 = vector.shape_cast %get3A_151 : vector<1x16xf32> to vector<16xf32>
      %get3A_153 = arith.index_cast %scan3A_84 : i32 to index
      %get3A_154 = arith.constant 48 : index
      %get3A_155 = tpu.vector_load %arg15[%get3A_153, %get3A_154] {strides = array<i32>} : memref<40x128xf32, #tpu.memory_space<vmem>>, vector<1x16xf32>,
      %get3A_156 = vector.shape_cast %get3A_155 : vector<1x16xf32> to vector<16xf32>
      %add3A_157 = arith.addf %get3A_152, %get3A_156 : vector<16xf32>
      %get3A_158 = arith.index_cast %scan3A_84 : i32 to index
      %get3A_159 = arith.constant 48 : index
      %get3A_160 = tpu.vector_load %arg16[%get3A_158, %get3A_159] {strides = array<i32>} : memref<40x128xf32, #tpu.memory_space<vmem>>, vector<1x16xf32>,
      %get3A_161 = vector.shape_cast %get3A_160 : vector<1x16xf32> to vector<16xf32>
      %add3A_162 = arith.addf %add3A_157, %get3A_161 : vector<16xf32>
      %max3A_163 = arith.constant 0.000000e+00 : f32
      %max3A_164 = vector.broadcast %max3A_163 : f32 to vector<16xf32>
      %max3A_165 = arith.maximumf %add3A_162, %max3A_164 : vector<16xf32>
      %swap3A_166 = arith.index_cast %scan3A_84 : i32 to index
      %swap3A_167 = arith.constant 48 : index
      %swap3A_168 = tpu.vector_load %arg16[%swap3A_166, %swap3A_167] {strides = array<i32>} : memref<40x128xf32, #tpu.memory_space<vmem>>, vector<1x16xf32>,
      %swap3A_169 = vector.shape_cast %swap3A_168 : vector<1x16xf32> to vector<16xf32>
      %swap3A_170 = vector.shape_cast %max3A_165 : vector<16xf32> to vector<1x16xf32>
      tpu.vector_store %arg16[%swap3A_166, %swap3A_167], %swap3A_170 {strides = array<i32>} : memref<40x128xf32, #tpu.memory_space<vmem>>, vector<1x16xf32>,
      %get3A_171 = arith.index_cast %scan3A_84 : i32 to index
      %get3A_172 = arith.constant 64 : index
      %get3A_173 = tpu.vector_load %arg14[%get3A_171, %get3A_172] {strides = array<i32>} : memref<40x128xf32, #tpu.memory_space<vmem>>, vector<1x16xf32>,
      %get3A_174 = vector.shape_cast %get3A_173 : vector<1x16xf32> to vector<16xf32>
      %get3A_175 = arith.index_cast %scan3A_84 : i32 to index
      %get3A_176 = arith.constant 64 : index
      %get3A_177 = tpu.vector_load %arg15[%get3A_175, %get3A_176] {strides = array<i32>} : memref<40x128xf32, #tpu.memory_space<vmem>>, vector<1x16xf32>,
      %get3A_178 = vector.shape_cast %get3A_177 : vector<1x16xf32> to vector<16xf32>
      %add3A_179 = arith.addf %get3A_174, %get3A_178 : vector<16xf32>
      %get3A_180 = arith.index_cast %scan3A_84 : i32 to index
      %get3A_181 = arith.constant 64 : index
      %get3A_182 = tpu.vector_load %arg16[%get3A_180, %get3A_181] {strides = array<i32>} : memref<40x128xf32, #tpu.memory_space<vmem>>, vector<1x16xf32>,
      %get3A_183 = vector.shape_cast %get3A_182 : vector<1x16xf32> to vector<16xf32>
      %add3A_184 = arith.addf %add3A_179, %get3A_183 : vector<16xf32>
      %max3A_185 = arith.constant 0.000000e+00 : f32
      %max3A_186 = vector.broadcast %max3A_185 : f32 to vector<16xf32>
      %max3A_187 = arith.maximumf %add3A_184, %max3A_186 : vector<16xf32>
      %swap3A_188 = arith.index_cast %scan3A_84 : i32 to index
      %swap3A_189 = arith.constant 64 : index
      %swap3A_190 = tpu.vector_load %arg16[%swap3A_188, %swap3A_189] {strides = array<i32>} : memref<40x128xf32, #tpu.memory_space<vmem>>, vector<1x16xf32>,
      %swap3A_191 = vector.shape_cast %swap3A_190 : vector<1x16xf32> to vector<16xf32>
      %swap3A_192 = vector.shape_cast %max3A_187 : vector<16xf32> to vector<1x16xf32>
      tpu.vector_store %arg16[%swap3A_188, %swap3A_189], %swap3A_192 {strides = array<i32>} : memref<40x128xf32, #tpu.memory_space<vmem>>, vector<1x16xf32>,
      %get3A_193 = arith.index_cast %scan3A_84 : i32 to index
      %get3A_194 = arith.constant 80 : index
      %get3A_195 = tpu.vector_load %arg14[%get3A_193, %get3A_194] {strides = array<i32>} : memref<40x128xf32, #tpu.memory_space<vmem>>, vector<1x16xf32>,
      %get3A_196 = vector.shape_cast %get3A_195 : vector<1x16xf32> to vector<16xf32>
      %get3A_197 = arith.index_cast %scan3A_84 : i32 to index
      %get3A_198 = arith.constant 80 : index
      %get3A_199 = tpu.vector_load %arg15[%get3A_197, %get3A_198] {strides = array<i32>} : memref<40x128xf32, #tpu.memory_space<vmem>>, vector<1x16xf32>,
      %get3A_200 = vector.shape_cast %get3A_199 : vector<1x16xf32> to vector<16xf32>
      %add3A_201 = arith.addf %get3A_196, %get3A_200 : vector<16xf32>
      %get3A_202 = arith.index_cast %scan3A_84 : i32 to index
      %get3A_203 = arith.constant 80 : index
      %get3A_204 = tpu.vector_load %arg16[%get3A_202, %get3A_203] {strides = array<i32>} : memref<40x128xf32, #tpu.memory_space<vmem>>, vector<1x16xf32>,
      %get3A_205 = vector.shape_cast %get3A_204 : vector<1x16xf32> to vector<16xf32>
      %add3A_206 = arith.addf %add3A_201, %get3A_205 : vector<16xf32>
      %max3A_207 = arith.constant 0.000000e+00 : f32
      %max3A_208 = vector.broadcast %max3A_207 : f32 to vector<16xf32>
      %max3A_209 = arith.maximumf %add3A_206, %max3A_208 : vector<16xf32>
      %swap3A_210 = arith.index_cast %scan3A_84 : i32 to index
      %swap3A_211 = arith.constant 80 : index
      %swap3A_212 = tpu.vector_load %arg16[%swap3A_210, %swap3A_211] {strides = array<i32>} : memref<40x128xf32, #tpu.memory_space<vmem>>, vector<1x16xf32>,
      %swap3A_213 = vector.shape_cast %swap3A_212 : vector<1x16xf32> to vector<16xf32>
      %swap3A_214 = vector.shape_cast %max3A_209 : vector<16xf32> to vector<1x16xf32>
      tpu.vector_store %arg16[%swap3A_210, %swap3A_211], %swap3A_214 {strides = array<i32>} : memref<40x128xf32, #tpu.memory_space<vmem>>, vector<1x16xf32>,
      %get3A_215 = arith.index_cast %scan3A_84 : i32 to index
      %get3A_216 = arith.constant 96 : index
      %get3A_217 = tpu.vector_load %arg14[%get3A_215, %get3A_216] {strides = array<i32>} : memref<40x128xf32, #tpu.memory_space<vmem>>, vector<1x16xf32>,
      %get3A_218 = vector.shape_cast %get3A_217 : vector<1x16xf32> to vector<16xf32>
      %get3A_219 = arith.index_cast %scan3A_84 : i32 to index
      %get3A_220 = arith.constant 96 : index
      %get3A_221 = tpu.vector_load %arg15[%get3A_219, %get3A_220] {strides = array<i32>} : memref<40x128xf32, #tpu.memory_space<vmem>>, vector<1x16xf32>,
      %get3A_222 = vector.shape_cast %get3A_221 : vector<1x16xf32> to vector<16xf32>
      %add3A_223 = arith.addf %get3A_218, %get3A_222 : vector<16xf32>
      %get3A_224 = arith.index_cast %scan3A_84 : i32 to index
      %get3A_225 = arith.constant 96 : index
      %get3A_226 = tpu.vector_load %arg16[%get3A_224, %get3A_225] {strides = array<i32>} : memref<40x128xf32, #tpu.memory_space<vmem>>, vector<1x16xf32>,
      %get3A_227 = vector.shape_cast %get3A_226 : vector<1x16xf32> to vector<16xf32>
      %add3A_228 = arith.addf %add3A_223, %get3A_227 : vector<16xf32>
      %max3A_229 = arith.constant 0.000000e+00 : f32
      %max3A_230 = vector.broadcast %max3A_229 : f32 to vector<16xf32>
      %max3A_231 = arith.maximumf %add3A_228, %max3A_230 : vector<16xf32>
      %swap3A_232 = arith.index_cast %scan3A_84 : i32 to index
      %swap3A_233 = arith.constant 96 : index
      %swap3A_234 = tpu.vector_load %arg16[%swap3A_232, %swap3A_233] {strides = array<i32>} : memref<40x128xf32, #tpu.memory_space<vmem>>, vector<1x16xf32>,
      %swap3A_235 = vector.shape_cast %swap3A_234 : vector<1x16xf32> to vector<16xf32>
      %swap3A_236 = vector.shape_cast %max3A_231 : vector<16xf32> to vector<1x16xf32>
      tpu.vector_store %arg16[%swap3A_232, %swap3A_233], %swap3A_236 {strides = array<i32>} : memref<40x128xf32, #tpu.memory_space<vmem>>, vector<1x16xf32>,
      %get3A_237 = arith.index_cast %scan3A_84 : i32 to index
      %get3A_238 = arith.constant 112 : index
      %get3A_239 = tpu.vector_load %arg14[%get3A_237, %get3A_238] {strides = array<i32>} : memref<40x128xf32, #tpu.memory_space<vmem>>, vector<1x16xf32>,
      %get3A_240 = vector.shape_cast %get3A_239 : vector<1x16xf32> to vector<16xf32>
      %get3A_241 = arith.index_cast %scan3A_84 : i32 to index
      %get3A_242 = arith.constant 112 : index
      %get3A_243 = tpu.vector_load %arg15[%get3A_241, %get3A_242] {strides = array<i32>} : memref<40x128xf32, #tpu.memory_space<vmem>>, vector<1x16xf32>,
      %get3A_244 = vector.shape_cast %get3A_243 : vector<1x16xf32> to vector<16xf32>
      %add3A_245 = arith.addf %get3A_240, %get3A_244 : vector<16xf32>
      %get3A_246 = arith.index_cast %scan3A_84 : i32 to index
      %get3A_247 = arith.constant 112 : index
      %get3A_248 = tpu.vector_load %arg16[%get3A_246, %get3A_247] {strides = array<i32>} : memref<40x128xf32, #tpu.memory_space<vmem>>, vector<1x16xf32>,
      %get3A_249 = vector.shape_cast %get3A_248 : vector<1x16xf32> to vector<16xf32>
      %add3A_250 = arith.addf %add3A_245, %get3A_249 : vector<16xf32>
      %max3A_251 = arith.constant 0.000000e+00 : f32
      %max3A_252 = vector.broadcast %max3A_251 : f32 to vector<16xf32>
      %max3A_253 = arith.maximumf %add3A_250, %max3A_252 : vector<16xf32>
      %swap3A_254 = arith.index_cast %scan3A_84 : i32 to index
      %swap3A_255 = arith.constant 112 : index
      %swap3A_256 = tpu.vector_load %arg16[%swap3A_254, %swap3A_255] {strides = array<i32>} : memref<40x128xf32, #tpu.memory_space<vmem>>, vector<1x16xf32>,
      %swap3A_257 = vector.shape_cast %swap3A_256 : vector<1x16xf32> to vector<16xf32>
      %swap3A_258 = vector.shape_cast %max3A_253 : vector<16xf32> to vector<1x16xf32>
      tpu.vector_store %arg16[%swap3A_254, %swap3A_255], %swap3A_258 {strides = array<i32>} : memref<40x128xf32, #tpu.memory_space<vmem>>, vector<1x16xf32>,
      %scan3A_259 = arith.constant 0 : i32
      scf.yield %scan3A_259 : i32
    }
    %scan3A_63 = arith.constant 40 : i32
    %dma_start3A_64 = arith.constant 0 : i32
    %dma_start3A_65 = arith.constant 0 : i32
    %dma_start3A_66 = tpu.memref_slice %arg23[%dma_start3A_64, %dma_start3A_65] : memref<10000x128xf32, #tpu.memory_space<vmem_shared>> -> memref<10000x128xf32, #tpu.memory_space<vmem_shared>>
    tpu.enqueue_indirect_dma source(%arg16 : memref<40x128xf32, #tpu.memory_space<vmem>>) target(%dma_start3A_66 : memref<10000x128xf32, #tpu.memory_space<vmem_shared>>) offsets(%arg8 : memref<40xi32, #tpu.memory_space<vmem>>) semaphore(%arg26 : memref<!tpu.dma_semaphore, #tpu.memory_space<semaphore_mem>>) {add = true}
    %dma_wait3A_67 = arith.constant 0 : i32
    %dma_wait3A_68 = arith.constant 0 : i32
    %dma_wait3A_69 = tpu.memref_slice %arg23[%dma_wait3A_67, %dma_wait3A_68] : memref<10000x128xf32, #tpu.memory_space<vmem_shared>> -> memref<10000x128xf32, #tpu.memory_space<vmem_shared>>
    tpu.wait_indirect_dma semaphore(%arg29 : memref<!tpu.dma_semaphore, #tpu.memory_space<semaphore_mem>>) src(%arg19 : memref<40x128xf32, #tpu.memory_space<vmem>>) dst(%dma_wait3A_69 : memref<10000x128xf32, #tpu.memory_space<vmem_shared>>)
    %dma_wait3A_70 = arith.constant 0 : i32
    %dma_wait3A_71 = arith.constant 0 : i32
    %dma_wait3A_72 = tpu.memref_slice %arg23[%dma_wait3A_70, %dma_wait3A_71] : memref<10000x128xf32, #tpu.memory_space<vmem_shared>> -> memref<10000x128xf32, #tpu.memory_space<vmem_shared>>
    tpu.wait_indirect_dma semaphore(%arg32 : memref<!tpu.dma_semaphore, #tpu.memory_space<semaphore_mem>>) src(%arg22 : memref<40x128xf32, #tpu.memory_space<vmem>>) dst(%dma_wait3A_72 : memref<10000x128xf32, #tpu.memory_space<vmem_shared>>)
    %dma_wait3A_73 = arith.constant 0 : i32
    %dma_wait3A_74 = arith.constant 0 : i32
    %dma_wait3A_75 = tpu.memref_slice %arg23[%dma_wait3A_73, %dma_wait3A_74] : memref<10000x128xf32, #tpu.memory_space<vmem_shared>> -> memref<10000x128xf32, #tpu.memory_space<vmem_shared>>
    tpu.wait_indirect_dma semaphore(%arg26 : memref<!tpu.dma_semaphore, #tpu.memory_space<semaphore_mem>>) src(%arg16 : memref<40x128xf32, #tpu.memory_space<vmem>>) dst(%dma_wait3A_75 : memref<10000x128xf32, #tpu.memory_space<vmem_shared>>)
    %barrier3A_76 = arith.constant 0 : index
    tpu.barrier barrier_id(%barrier3A_76)
    %scan3A_77 = arith.constant 0 : i32
    %scan3A_78 = arith.constant 0 : i32
    %scan3A_79 = arith.constant 250 : i32
    %scan3A_80 = arith.addi %scan3A_78, %scan3A_79 : i32
    %scan3A_81 = arith.constant 1 : i32
    %scan3A_82 = scf.for %scan3A_84 = %scan3A_78 to %scan3A_80 step %scan3A_81 iter_args(%scan3A_85 = %scan3A_77) -> (i32)  : i32 {
      %jit3A = arith.constant 16 : i32
      %eq3A = arith.constant 0 : i32
      %eq3A_86 = arith.cmpi eq, %jit3A, %eq3A : i32
      %jit3A_87 = arith.constant 1 : i32
      %select_n3A = arith.select %eq3A_86, %jit3A_87, %jit3A : i32
      %rem3A = arith.remsi %scan3A_84, %select_n3A : i32
      %ne3A = arith.constant 0 : i32
      %ne3A_88 = arith.cmpi ne, %rem3A, %ne3A : i32
      %lt3A = arith.constant 0 : i32
      %lt3A_89 = arith.cmpi slt, %rem3A, %lt3A : i32
      %lt3A_90 = arith.constant 0 : i32
      %lt3A_91 = arith.cmpi slt, %select_n3A, %lt3A_90 : i32
      %ne3A_92 = arith.xori %lt3A_89, %lt3A_91 : i1
      %and3A = arith.andi %ne3A_92, %ne3A_88 : i1
      %add3A_93 = arith.addi %rem3A, %select_n3A : i32
      %select_n3A_94 = arith.select %and3A, %add3A_93, %rem3A : i32
      %eq3A_95 = arith.cmpi eq, %select_n3A_94, %arg1 : i32
      %convert_element_type3A = arith.extui %eq3A_95 : i1 to i32
      %cond3A = arith.constant 0 : i32
      %cond3A_96 = arith.cmpi ne, %convert_element_type3A, %cond3A : i32
      scf.if %cond3A_96 {
        %mul3A_98 = arith.constant 40 : i32
        %mul3A_99 = arith.muli %scan3A_84, %mul3A_98 : i32
        "tpu.region"() ({
          %run_scoped3A = tpu.sem_alloc : memref<!tpu.dma_semaphore, #tpu.memory_space<semaphore_mem>>
          %dma_start3A_100 = arith.constant 0 : i32
          %dma_start3A_101 = tpu.memref_slice %arg7[%arg0, %mul3A_99, %dma_start3A_100] : memref<2x10000x128xf32, #tpu.memory_space<hbm>> -> memref<1x40x128xf32, #tpu.memory_space<hbm>>
          %dma_start3A_102 = tpu.memref_squeeze %dma_start3A_101 : memref<1x40x128xf32, #tpu.memory_space<hbm>> -> memref<40x128xf32, #tpu.memory_space<hbm>>
          %dma_start3A_103 = arith.constant 0 : i32
          %dma_start3A_104 = tpu.memref_slice %arg23[%mul3A_99, %dma_start3A_103] : memref<10000x128xf32, #tpu.memory_space<vmem_shared>> -> memref<40x128xf32, #tpu.memory_space<vmem_shared>>
          tpu.enqueue_dma source(%dma_start3A_104 : memref<40x128xf32, #tpu.memory_space<vmem_shared>>) target(%dma_start3A_102 : memref<40x128xf32, #tpu.memory_space<hbm>>) target_semaphore(%run_scoped3A : memref<!tpu.dma_semaphore, #tpu.memory_space<semaphore_mem>>)
          %dma_wait3A_105 = arith.constant 0 : i32
          %dma_wait3A_106 = tpu.memref_slice %arg7[%arg0, %mul3A_99, %dma_wait3A_105] : memref<2x10000x128xf32, #tpu.memory_space<hbm>> -> memref<1x40x128xf32, #tpu.memory_space<hbm>>
          %dma_wait3A_107 = tpu.memref_squeeze %dma_wait3A_106 : memref<1x40x128xf32, #tpu.memory_space<hbm>> -> memref<40x128xf32, #tpu.memory_space<hbm>>
          %dma_wait3A_108 = arith.constant 0 : i32
          %dma_wait3A_109 = tpu.memref_slice %arg23[%mul3A_99, %dma_wait3A_108] : memref<10000x128xf32, #tpu.memory_space<vmem_shared>> -> memref<40x128xf32, #tpu.memory_space<vmem_shared>>
          tpu.wait_dma2 semaphore(%run_scoped3A : memref<!tpu.dma_semaphore, #tpu.memory_space<semaphore_mem>>) src(%dma_wait3A_109 : memref<40x128xf32, #tpu.memory_space<vmem_shared>>) dst(%dma_wait3A_107 : memref<40x128xf32, #tpu.memory_space<hbm>>)
          tpu.yield
        }) : () -> ()
      } else {
      }
      %scan3A_97 = arith.constant 0 : i32
      scf.yield %scan3A_97 : i32
    }
    %scan3A_83 = arith.constant 250 : i32
    return
  }
}

#map = affine_map<(d0, d1) -> (0, 0)>
#map1 = affine_map<(d0, d1) -> (0)>
#map2 = affine_map<(d0, d1) -> (0, 0, 0)>
module attributes {stable_mosaic.version = 14 : i64} {
  func.func @sc_kernel(%arg0: i32, %arg1: i32, %arg2: memref<10000x128xf32, #tpu.memory_space<hbm>>, %arg3: memref<10000x128xf32, #tpu.memory_space<hbm>>, %arg4: memref<320000x128xf32, #tpu.memory_space<hbm>>, %arg5: memref<320000xi32, #tpu.memory_space<hbm>>, %arg6: memref<320000xi32, #tpu.memory_space<hbm>>, %arg7: memref<2x10000x128xf32, #tpu.memory_space<hbm>>, %arg8: memref<40xi32, #tpu.memory_space<vmem>>, %arg9: memref<40xi32, #tpu.memory_space<vmem>>, %arg10: memref<40xi32, #tpu.memory_space<vmem>>, %arg11: memref<40xi32, #tpu.memory_space<vmem>>, %arg12: memref<40xi32, #tpu.memory_space<vmem>>, %arg13: memref<40xi32, #tpu.memory_space<vmem>>, %arg14: memref<40x128xf32, #tpu.memory_space<vmem>>, %arg15: memref<40x128xf32, #tpu.memory_space<vmem>>, %arg16: memref<40x128xf32, #tpu.memory_space<vmem>>, %arg17: memref<40x128xf32, #tpu.memory_space<vmem>>, %arg18: memref<40x128xf32, #tpu.memory_space<vmem>>, %arg19: memref<40x128xf32, #tpu.memory_space<vmem>>, %arg20: memref<40x128xf32, #tpu.memory_space<vmem>>, %arg21: memref<40x128xf32, #tpu.memory_space<vmem>>, %arg22: memref<40x128xf32, #tpu.memory_space<vmem>>, %arg23: memref<10000x128xf32, #tpu.memory_space<vmem_shared>>, %arg24: memref<!tpu.dma_semaphore, #tpu.memory_space<semaphore_mem>>, %arg25: memref<!tpu.dma_semaphore, #tpu.memory_space<semaphore_mem>>, %arg26: memref<!tpu.dma_semaphore, #tpu.memory_space<semaphore_mem>>, %arg27: memref<!tpu.dma_semaphore, #tpu.memory_space<semaphore_mem>>, %arg28: memref<!tpu.dma_semaphore, #tpu.memory_space<semaphore_mem>>, %arg29: memref<!tpu.dma_semaphore, #tpu.memory_space<semaphore_mem>>, %arg30: memref<!tpu.dma_semaphore, #tpu.memory_space<semaphore_mem>>, %arg31: memref<!tpu.dma_semaphore, #tpu.memory_space<semaphore_mem>>, %arg32: memref<!tpu.dma_semaphore, #tpu.memory_space<semaphore_mem>>) attributes {dimension_semantics = [#tpu.dimension_semantics<core_parallel>, #tpu.dimension_semantics<subcore_parallel>], iteration_bounds = array<i64: 2, 16>, scalar_prefetch = 0 : i64, scratch_operands = 25 : i64, tpu.core_type = #tpu.core_type<sc_vector_subcore>, window_params = [{transform_indices = #map}, {transform_indices = #map}, {transform_indices = #map}, {transform_indices = #map1}, {transform_indices = #map1}, {transform_indices = #map2}]} {
    %mul3A = arith.constant 2 : i32
    %mul3A_0 = arith.muli %arg1, %mul3A : i32
    %add3A = arith.addi %mul3A_0, %arg0 : i32
    %scan3A = arith.constant 0 : i32
    %scan3A_1 = arith.constant 0 : i32
    %scan3A_2 = arith.constant 40 : i32
    %scan3A_3 = arith.addi %scan3A_1, %scan3A_2 : i32
    %scan3A_4 = arith.constant 1 : i32
    %scan3A_5 = scf.for %scan3A_84 = %scan3A_1 to %scan3A_3 step %scan3A_4 iter_args(%scan3A_85 = %scan3A) -> (i32)  : i32 {
      %broadcast_in_dim3A = arith.constant 0.000000e+00 : f32
      %broadcast_in_dim3A_86 = vector.broadcast %broadcast_in_dim3A : f32 to vector<16xf32>
      %swap3A = arith.index_cast %scan3A_84 : i32 to index
      %swap3A_87 = arith.constant 0 : index
      %swap3A_88 = tpu.vector_load %arg16[%swap3A, %swap3A_87] {strides = array<i32>} : memref<40x128xf32, #tpu.memory_space<vmem>>, vector<1x16xf32>,
      %swap3A_89 = vector.shape_cast %swap3A_88 : vector<1x16xf32> to vector<16xf32>
      %swap3A_90 = vector.shape_cast %broadcast_in_dim3A_86 : vector<16xf32> to vector<1x16xf32>
      tpu.vector_store %arg16[%swap3A, %swap3A_87], %swap3A_90 {strides = array<i32>} : memref<40x128xf32, #tpu.memory_space<vmem>>, vector<1x16xf32>,
      %broadcast_in_dim3A_91 = arith.constant 0.000000e+00 : f32
      %broadcast_in_dim3A_92 = vector.broadcast %broadcast_in_dim3A_91 : f32 to vector<16xf32>
      %swap3A_93 = arith.index_cast %scan3A_84 : i32 to index
      %swap3A_94 = arith.constant 16 : index
      %swap3A_95 = tpu.vector_load %arg16[%swap3A_93, %swap3A_94] {strides = array<i32>} : memref<40x128xf32, #tpu.memory_space<vmem>>, vector<1x16xf32>,
      %swap3A_96 = vector.shape_cast %swap3A_95 : vector<1x16xf32> to vector<16xf32>
      %swap3A_97 = vector.shape_cast %broadcast_in_dim3A_92 : vector<16xf32> to vector<1x16xf32>
      tpu.vector_store %arg16[%swap3A_93, %swap3A_94], %swap3A_97 {strides = array<i32>} : memref<40x128xf32, #tpu.memory_space<vmem>>, vector<1x16xf32>,
      %broadcast_in_dim3A_98 = arith.constant 0.000000e+00 : f32
      %broadcast_in_dim3A_99 = vector.broadcast %broadcast_in_dim3A_98 : f32 to vector<16xf32>
      %swap3A_100 = arith.index_cast %scan3A_84 : i32 to index
      %swap3A_101 = arith.constant 32 : index
      %swap3A_102 = tpu.vector_load %arg16[%swap3A_100, %swap3A_101] {strides = array<i32>} : memref<40x128xf32, #tpu.memory_space<vmem>>, vector<1x16xf32>,
      %swap3A_103 = vector.shape_cast %swap3A_102 : vector<1x16xf32> to vector<16xf32>
      %swap3A_104 = vector.shape_cast %broadcast_in_dim3A_99 : vector<16xf32> to vector<1x16xf32>
      tpu.vector_store %arg16[%swap3A_100, %swap3A_101], %swap3A_104 {strides = array<i32>} : memref<40x128xf32, #tpu.memory_space<vmem>>, vector<1x16xf32>,
      %broadcast_in_dim3A_105 = arith.constant 0.000000e+00 : f32
      %broadcast_in_dim3A_106 = vector.broadcast %broadcast_in_dim3A_105 : f32 to vector<16xf32>
      %swap3A_107 = arith.index_cast %scan3A_84 : i32 to index
      %swap3A_108 = arith.constant 48 : index
      %swap3A_109 = tpu.vector_load %arg16[%swap3A_107, %swap3A_108] {strides = array<i32>} : memref<40x128xf32, #tpu.memory_space<vmem>>, vector<1x16xf32>,
      %swap3A_110 = vector.shape_cast %swap3A_109 : vector<1x16xf32> to vector<16xf32>
      %swap3A_111 = vector.shape_cast %broadcast_in_dim3A_106 : vector<16xf32> to vector<1x16xf32>
      tpu.vector_store %arg16[%swap3A_107, %swap3A_108], %swap3A_111 {strides = array<i32>} : memref<40x128xf32, #tpu.memory_space<vmem>>, vector<1x16xf32>,
      %broadcast_in_dim3A_112 = arith.constant 0.000000e+00 : f32
      %broadcast_in_dim3A_113 = vector.broadcast %broadcast_in_dim3A_112 : f32 to vector<16xf32>
      %swap3A_114 = arith.index_cast %scan3A_84 : i32 to index
      %swap3A_115 = arith.constant 64 : index
      %swap3A_116 = tpu.vector_load %arg16[%swap3A_114, %swap3A_115] {strides = array<i32>} : memref<40x128xf32, #tpu.memory_space<vmem>>, vector<1x16xf32>,
      %swap3A_117 = vector.shape_cast %swap3A_116 : vector<1x16xf32> to vector<16xf32>
      %swap3A_118 = vector.shape_cast %broadcast_in_dim3A_113 : vector<16xf32> to vector<1x16xf32>
      tpu.vector_store %arg16[%swap3A_114, %swap3A_115], %swap3A_118 {strides = array<i32>} : memref<40x128xf32, #tpu.memory_space<vmem>>, vector<1x16xf32>,
      %broadcast_in_dim3A_119 = arith.constant 0.000000e+00 : f32
      %broadcast_in_dim3A_120 = vector.broadcast %broadcast_in_dim3A_119 : f32 to vector<16xf32>
      %swap3A_121 = arith.index_cast %scan3A_84 : i32 to index
      %swap3A_122 = arith.constant 80 : index
      %swap3A_123 = tpu.vector_load %arg16[%swap3A_121, %swap3A_122] {strides = array<i32>} : memref<40x128xf32, #tpu.memory_space<vmem>>, vector<1x16xf32>,
      %swap3A_124 = vector.shape_cast %swap3A_123 : vector<1x16xf32> to vector<16xf32>
      %swap3A_125 = vector.shape_cast %broadcast_in_dim3A_120 : vector<16xf32> to vector<1x16xf32>
      tpu.vector_store %arg16[%swap3A_121, %swap3A_122], %swap3A_125 {strides = array<i32>} : memref<40x128xf32, #tpu.memory_space<vmem>>, vector<1x16xf32>,
      %broadcast_in_dim3A_126 = arith.constant 0.000000e+00 : f32
      %broadcast_in_dim3A_127 = vector.broadcast %broadcast_in_dim3A_126 : f32 to vector<16xf32>
      %swap3A_128 = arith.index_cast %scan3A_84 : i32 to index
      %swap3A_129 = arith.constant 96 : index
      %swap3A_130 = tpu.vector_load %arg16[%swap3A_128, %swap3A_129] {strides = array<i32>} : memref<40x128xf32, #tpu.memory_space<vmem>>, vector<1x16xf32>,
      %swap3A_131 = vector.shape_cast %swap3A_130 : vector<1x16xf32> to vector<16xf32>
      %swap3A_132 = vector.shape_cast %broadcast_in_dim3A_127 : vector<16xf32> to vector<1x16xf32>
      tpu.vector_store %arg16[%swap3A_128, %swap3A_129], %swap3A_132 {strides = array<i32>} : memref<40x128xf32, #tpu.memory_space<vmem>>, vector<1x16xf32>,
      %broadcast_in_dim3A_133 = arith.constant 0.000000e+00 : f32
      %broadcast_in_dim3A_134 = vector.broadcast %broadcast_in_dim3A_133 : f32 to vector<16xf32>
      %swap3A_135 = arith.index_cast %scan3A_84 : i32 to index
      %swap3A_136 = arith.constant 112 : index
      %swap3A_137 = tpu.vector_load %arg16[%swap3A_135, %swap3A_136] {strides = array<i32>} : memref<40x128xf32, #tpu.memory_space<vmem>>, vector<1x16xf32>,
      %swap3A_138 = vector.shape_cast %swap3A_137 : vector<1x16xf32> to vector<16xf32>
      %swap3A_139 = vector.shape_cast %broadcast_in_dim3A_134 : vector<16xf32> to vector<1x16xf32>
      tpu.vector_store %arg16[%swap3A_135, %swap3A_136], %swap3A_139 {strides = array<i32>} : memref<40x128xf32, #tpu.memory_space<vmem>>, vector<1x16xf32>,
      %scan3A_140 = arith.constant 0 : i32
      scf.yield %scan3A_140 : i32
    }
    %scan3A_6 = arith.constant 40 : i32
    %scan3A_7 = arith.constant 0 : i32
    %scan3A_8 = arith.constant 0 : i32
    %scan3A_9 = arith.constant 250 : i32
    %scan3A_10 = arith.addi %scan3A_8, %scan3A_9 : i32
    %scan3A_11 = arith.constant 1 : i32
    %scan3A_12 = scf.for %scan3A_84 = %scan3A_8 to %scan3A_10 step %scan3A_11 iter_args(%scan3A_85 = %scan3A_7) -> (i32)  : i32 {
      %jit3A = arith.constant 16 : i32
      %eq3A = arith.constant 0 : i32
      %eq3A_86 = arith.cmpi eq, %jit3A, %eq3A : i32
      %jit3A_87 = arith.constant 1 : i32
      %select_n3A = arith.select %eq3A_86, %jit3A_87, %jit3A : i32
      %rem3A = arith.remsi %scan3A_84, %select_n3A : i32
      %ne3A = arith.constant 0 : i32
      %ne3A_88 = arith.cmpi ne, %rem3A, %ne3A : i32
      %lt3A = arith.constant 0 : i32
      %lt3A_89 = arith.cmpi slt, %rem3A, %lt3A : i32
      %lt3A_90 = arith.constant 0 : i32
      %lt3A_91 = arith.cmpi slt, %select_n3A, %lt3A_90 : i32
      %ne3A_92 = arith.xori %lt3A_89, %lt3A_91 : i1
      %and3A = arith.andi %ne3A_92, %ne3A_88 : i1
      %add3A_93 = arith.addi %rem3A, %select_n3A : i32
      %select_n3A_94 = arith.select %and3A, %add3A_93, %rem3A : i32
      %eq3A_95 = arith.cmpi eq, %select_n3A_94, %arg1 : i32
      %convert_element_type3A = arith.extui %eq3A_95 : i1 to i32
      %cond3A = arith.constant 0 : i32
      %cond3A_96 = arith.cmpi ne, %convert_element_type3A, %cond3A : i32
      scf.if %cond3A_96 {
        %mul3A_98 = arith.constant 40 : i32
        %mul3A_99 = arith.muli %scan3A_84, %mul3A_98 : i32
        "tpu.region"() ({
          %run_scoped3A = tpu.sem_alloc : memref<!tpu.dma_semaphore, #tpu.memory_space<semaphore_mem>>
          %dma_start3A_100 = arith.constant 0 : i32
          %dma_start3A_101 = tpu.memref_slice %arg23[%mul3A_99, %dma_start3A_100] : memref<10000x128xf32, #tpu.memory_space<vmem_shared>> -> memref<40x128xf32, #tpu.memory_space<vmem_shared>>
          %dma_start3A_102 = arith.constant 0 : i32
          %dma_start3A_103 = tpu.memref_slice %arg23[%mul3A_99, %dma_start3A_102] : memref<10000x128xf32, #tpu.memory_space<vmem_shared>> -> memref<40x128xf32, #tpu.memory_space<vmem_shared>>
          tpu.enqueue_dma source(%arg16 : memref<40x128xf32, #tpu.memory_space<vmem>>) target(%dma_start3A_103 : memref<40x128xf32, #tpu.memory_space<vmem_shared>>) target_semaphore(%run_scoped3A : memref<!tpu.dma_semaphore, #tpu.memory_space<semaphore_mem>>)
          %dma_wait3A_104 = arith.constant 0 : i32
          %dma_wait3A_105 = tpu.memref_slice %arg23[%mul3A_99, %dma_wait3A_104] : memref<10000x128xf32, #tpu.memory_space<vmem_shared>> -> memref<40x128xf32, #tpu.memory_space<vmem_shared>>
          %dma_wait3A_106 = arith.constant 0 : i32
          %dma_wait3A_107 = tpu.memref_slice %arg23[%mul3A_99, %dma_wait3A_106] : memref<10000x128xf32, #tpu.memory_space<vmem_shared>> -> memref<40x128xf32, #tpu.memory_space<vmem_shared>>
          tpu.wait_dma2 semaphore(%run_scoped3A : memref<!tpu.dma_semaphore, #tpu.memory_space<semaphore_mem>>) src(%arg16 : memref<40x128xf32, #tpu.memory_space<vmem>>) dst(%dma_wait3A_107 : memref<40x128xf32, #tpu.memory_space<vmem_shared>>)
          tpu.yield
        }) : () -> ()
      } else {
      }
      %scan3A_97 = arith.constant 0 : i32
      scf.yield %scan3A_97 : i32
    }
    %scan3A_13 = arith.constant 250 : i32
    %barrier3A = arith.constant 0 : index
    tpu.barrier barrier_id(%barrier3A)
    %mul3A_14 = arith.constant 10000 : i32
    %mul3A_15 = arith.muli %add3A, %mul3A_14 : i32
    "tpu.region"() ({
      %run_scoped3A = tpu.sem_alloc : memref<!tpu.dma_semaphore, #tpu.memory_space<semaphore_mem>>
      %dma_start3A_84 = tpu.memref_slice %arg5[%mul3A_15] : memref<320000xi32, #tpu.memory_space<hbm>> -> memref<40xi32, #tpu.memory_space<hbm>>
      %dma_start3A_85 = tpu.memref_slice %arg5[%mul3A_15] : memref<320000xi32, #tpu.memory_space<hbm>> -> memref<40xi32, #tpu.memory_space<hbm>>
      tpu.enqueue_dma source(%dma_start3A_85 : memref<40xi32, #tpu.memory_space<hbm>>) target(%arg8 : memref<40xi32, #tpu.memory_space<vmem>>) target_semaphore(%run_scoped3A : memref<!tpu.dma_semaphore, #tpu.memory_space<semaphore_mem>>)
      %dma_wait3A_86 = tpu.memref_slice %arg5[%mul3A_15] : memref<320000xi32, #tpu.memory_space<hbm>> -> memref<40xi32, #tpu.memory_space<hbm>>
      %dma_wait3A_87 = tpu.memref_slice %arg5[%mul3A_15] : memref<320000xi32, #tpu.memory_space<hbm>> -> memref<40xi32, #tpu.memory_space<hbm>>
      tpu.wait_dma2 semaphore(%run_scoped3A : memref<!tpu.dma_semaphore, #tpu.memory_space<semaphore_mem>>) src(%dma_wait3A_87 : memref<40xi32, #tpu.memory_space<hbm>>) dst(%arg8 : memref<40xi32, #tpu.memory_space<vmem>>)
      tpu.yield
    }) : () -> ()
    %mul3A_16 = arith.constant 10000 : i32
    %mul3A_17 = arith.muli %add3A, %mul3A_16 : i32
    "tpu.region"() ({
      %run_scoped3A = tpu.sem_alloc : memref<!tpu.dma_semaphore, #tpu.memory_space<semaphore_mem>>
      %dma_start3A_84 = tpu.memref_slice %arg6[%mul3A_17] : memref<320000xi32, #tpu.memory_space<hbm>> -> memref<40xi32, #tpu.memory_space<hbm>>
      %dma_start3A_85 = tpu.memref_slice %arg6[%mul3A_17] : memref<320000xi32, #tpu.memory_space<hbm>> -> memref<40xi32, #tpu.memory_space<hbm>>
      tpu.enqueue_dma source(%dma_start3A_85 : memref<40xi32, #tpu.memory_space<hbm>>) target(%arg9 : memref<40xi32, #tpu.memory_space<vmem>>) target_semaphore(%run_scoped3A : memref<!tpu.dma_semaphore, #tpu.memory_space<semaphore_mem>>)
      %dma_wait3A_86 = tpu.memref_slice %arg6[%mul3A_17] : memref<320000xi32, #tpu.memory_space<hbm>> -> memref<40xi32, #tpu.memory_space<hbm>>
      %dma_wait3A_87 = tpu.memref_slice %arg6[%mul3A_17] : memref<320000xi32, #tpu.memory_space<hbm>> -> memref<40xi32, #tpu.memory_space<hbm>>
      tpu.wait_dma2 semaphore(%run_scoped3A : memref<!tpu.dma_semaphore, #tpu.memory_space<semaphore_mem>>) src(%dma_wait3A_87 : memref<40xi32, #tpu.memory_space<hbm>>) dst(%arg9 : memref<40xi32, #tpu.memory_space<vmem>>)
      tpu.yield
    }) : () -> ()
    %mul3A_18 = arith.constant 10000 : i32
    %mul3A_19 = arith.muli %add3A, %mul3A_18 : i32
    %add3A_20 = arith.constant 0 : i32
    %add3A_21 = arith.addi %mul3A_19, %add3A_20 : i32
    %dma_start3A = arith.constant 0 : i32
    %dma_start3A_22 = arith.constant 0 : i32
    %dma_start3A_23 = tpu.memref_slice %arg2[%dma_start3A, %dma_start3A_22] : memref<10000x128xf32, #tpu.memory_space<hbm>> -> memref<10000x128xf32, #tpu.memory_space<hbm>>
    tpu.enqueue_indirect_dma source(%dma_start3A_23 : memref<10000x128xf32, #tpu.memory_space<hbm>>) target(%arg14 : memref<40x128xf32, #tpu.memory_space<vmem>>) offsets(%arg8 : memref<40xi32, #tpu.memory_space<vmem>>) semaphore(%arg24 : memref<!tpu.dma_semaphore, #tpu.memory_space<semaphore_mem>>)
    %dma_start3A_24 = arith.constant 0 : i32
    %dma_start3A_25 = arith.constant 0 : i32
    %dma_start3A_26 = tpu.memref_slice %arg3[%dma_start3A_24, %dma_start3A_25] : memref<10000x128xf32, #tpu.memory_space<hbm>> -> memref<10000x128xf32, #tpu.memory_space<hbm>>
    tpu.enqueue_indirect_dma source(%dma_start3A_26 : memref<10000x128xf32, #tpu.memory_space<hbm>>) target(%arg15 : memref<40x128xf32, #tpu.memory_space<vmem>>) offsets(%arg9 : memref<40xi32, #tpu.memory_space<vmem>>) semaphore(%arg24 : memref<!tpu.dma_semaphore, #tpu.memory_space<semaphore_mem>>)
    %dma_start3A_27 = arith.constant 0 : i32
    %dma_start3A_28 = tpu.memref_slice %arg4[%add3A_21, %dma_start3A_27] : memref<320000x128xf32, #tpu.memory_space<hbm>> -> memref<40x128xf32, #tpu.memory_space<hbm>>
    %dma_start3A_29 = arith.constant 0 : i32
    %dma_start3A_30 = tpu.memref_slice %arg4[%add3A_21, %dma_start3A_29] : memref<320000x128xf32, #tpu.memory_space<hbm>> -> memref<40x128xf32, #tpu.memory_space<hbm>>
    tpu.enqueue_dma source(%dma_start3A_30 : memref<40x128xf32, #tpu.memory_space<hbm>>) target(%arg16 : memref<40x128xf32, #tpu.memory_space<vmem>>) target_semaphore(%arg24 : memref<!tpu.dma_semaphore, #tpu.memory_space<semaphore_mem>>)
    %mul3A_31 = arith.constant 10000 : i32
    %mul3A_32 = arith.muli %add3A, %mul3A_31 : i32
    %add3A_33 = arith.constant 40 : i32
    %add3A_34 = arith.addi %mul3A_32, %add3A_33 : i32
    %dma_start3A_35 = tpu.memref_slice %arg5[%add3A_34] : memref<320000xi32, #tpu.memory_space<hbm>> -> memref<40xi32, #tpu.memory_space<hbm>>
    %dma_start3A_36 = tpu.memref_slice %arg5[%add3A_34] : memref<320000xi32, #tpu.memory_space<hbm>> -> memref<40xi32, #tpu.memory_space<hbm>>
    tpu.enqueue_dma source(%dma_start3A_36 : memref<40xi32, #tpu.memory_space<hbm>>) target(%arg10 : memref<40xi32, #tpu.memory_space<vmem>>) target_semaphore(%arg28 : memref<!tpu.dma_semaphore, #tpu.memory_space<semaphore_mem>>)
    %dma_start3A_37 = tpu.memref_slice %arg6[%add3A_34] : memref<320000xi32, #tpu.memory_space<hbm>> -> memref<40xi32, #tpu.memory_space<hbm>>
    %dma_start3A_38 = tpu.memref_slice %arg6[%add3A_34] : memref<320000xi32, #tpu.memory_space<hbm>> -> memref<40xi32, #tpu.memory_space<hbm>>
    tpu.enqueue_dma source(%dma_start3A_38 : memref<40xi32, #tpu.memory_space<hbm>>) target(%arg11 : memref<40xi32, #tpu.memory_space<vmem>>) target_semaphore(%arg28 : memref<!tpu.dma_semaphore, #tpu.memory_space<semaphore_mem>>)
    %scan3A_39 = arith.constant 0 : i32
    %scan3A_40 = arith.constant 0 : i32
    %scan3A_41 = arith.constant 83 : i32
    %scan3A_42 = arith.addi %scan3A_40, %scan3A_41 : i32
    %scan3A_43 = arith.constant 1 : i32
    %scan3A_44 = scf.for %scan3A_84 = %scan3A_40 to %scan3A_42 step %scan3A_43 iter_args(%scan3A_85 = %scan3A_39) -> (i32)  : i32 {
      %mul3A_86 = arith.constant 3 : i32
      %mul3A_87 = arith.muli %mul3A_86, %scan3A_84 : i32
      %add3A_88 = arith.constant 0 : i32
      %add3A_89 = arith.addi %mul3A_87, %add3A_88 : i32
      %add3A_90 = arith.constant 1 : i32
      %add3A_91 = arith.addi %add3A_89, %add3A_90 : i32
      %lt3A = arith.constant 250 : i32
      %lt3A_92 = arith.cmpi slt, %add3A_91, %lt3A : i32
      %convert_element_type3A = arith.extui %lt3A_92 : i1 to i32
      %cond3A = arith.constant 0 : i32
      %cond3A_93 = arith.cmpi ne, %convert_element_type3A, %cond3A : i32
      scf.if %cond3A_93 {
        %dma_wait3A_232 = arith.constant 0 : i32
        %dma_wait3A_233 = tpu.memref_slice %arg5[%dma_wait3A_232] : memref<320000xi32, #tpu.memory_space<hbm>> -> memref<40xi32, #tpu.memory_space<hbm>>
        %dma_wait3A_234 = arith.constant 0 : i32
        %dma_wait3A_235 = tpu.memref_slice %arg5[%dma_wait3A_234] : memref<320000xi32, #tpu.memory_space<hbm>> -> memref<40xi32, #tpu.memory_space<hbm>>
        tpu.wait_dma2 semaphore(%arg28 : memref<!tpu.dma_semaphore, #tpu.memory_space<semaphore_mem>>) src(%dma_wait3A_235 : memref<40xi32, #tpu.memory_space<hbm>>) dst(%arg10 : memref<40xi32, #tpu.memory_space<vmem>>)
        %dma_wait3A_236 = arith.constant 0 : i32
        %dma_wait3A_237 = tpu.memref_slice %arg6[%dma_wait3A_236] : memref<320000xi32, #tpu.memory_space<hbm>> -> memref<40xi32, #tpu.memory_space<hbm>>
        %dma_wait3A_238 = arith.constant 0 : i32
        %dma_wait3A_239 = tpu.memref_slice %arg6[%dma_wait3A_238] : memref<320000xi32, #tpu.memory_space<hbm>> -> memref<40xi32, #tpu.memory_space<hbm>>
        tpu.wait_dma2 semaphore(%arg28 : memref<!tpu.dma_semaphore, #tpu.memory_space<semaphore_mem>>) src(%dma_wait3A_239 : memref<40xi32, #tpu.memory_space<hbm>>) dst(%arg11 : memref<40xi32, #tpu.memory_space<vmem>>)
        %add3A_240 = arith.constant 1 : i32
        %add3A_241 = arith.addi %add3A_89, %add3A_240 : i32
        %mul3A_242 = arith.constant 10000 : i32
        %mul3A_243 = arith.muli %add3A, %mul3A_242 : i32
        %mul3A_244 = arith.constant 40 : i32
        %mul3A_245 = arith.muli %add3A_241, %mul3A_244 : i32
        %add3A_246 = arith.addi %mul3A_243, %mul3A_245 : i32
        %dma_start3A_247 = arith.constant 0 : i32
        %dma_start3A_248 = arith.constant 0 : i32
        %dma_start3A_249 = tpu.memref_slice %arg2[%dma_start3A_247, %dma_start3A_248] : memref<10000x128xf32, #tpu.memory_space<hbm>> -> memref<10000x128xf32, #tpu.memory_space<hbm>>
        tpu.enqueue_indirect_dma source(%dma_start3A_249 : memref<10000x128xf32, #tpu.memory_space<hbm>>) target(%arg17 : memref<40x128xf32, #tpu.memory_space<vmem>>) offsets(%arg10 : memref<40xi32, #tpu.memory_space<vmem>>) semaphore(%arg27 : memref<!tpu.dma_semaphore, #tpu.memory_space<semaphore_mem>>)
        %dma_start3A_250 = arith.constant 0 : i32
        %dma_start3A_251 = arith.constant 0 : i32
        %dma_start3A_252 = tpu.memref_slice %arg3[%dma_start3A_250, %dma_start3A_251] : memref<10000x128xf32, #tpu.memory_space<hbm>> -> memref<10000x128xf32, #tpu.memory_space<hbm>>
        tpu.enqueue_indirect_dma source(%dma_start3A_252 : memref<10000x128xf32, #tpu.memory_space<hbm>>) target(%arg18 : memref<40x128xf32, #tpu.memory_space<vmem>>) offsets(%arg11 : memref<40xi32, #tpu.memory_space<vmem>>) semaphore(%arg27 : memref<!tpu.dma_semaphore, #tpu.memory_space<semaphore_mem>>)
        %dma_start3A_253 = arith.constant 0 : i32
        %dma_start3A_254 = tpu.memref_slice %arg4[%add3A_246, %dma_start3A_253] : memref<320000x128xf32, #tpu.memory_space<hbm>> -> memref<40x128xf32, #tpu.memory_space<hbm>>
        %dma_start3A_255 = arith.constant 0 : i32
        %dma_start3A_256 = tpu.memref_slice %arg4[%add3A_246, %dma_start3A_255] : memref<320000x128xf32, #tpu.memory_space<hbm>> -> memref<40x128xf32, #tpu.memory_space<hbm>>
        tpu.enqueue_dma source(%dma_start3A_256 : memref<40x128xf32, #tpu.memory_space<hbm>>) target(%arg19 : memref<40x128xf32, #tpu.memory_space<vmem>>) target_semaphore(%arg27 : memref<!tpu.dma_semaphore, #tpu.memory_space<semaphore_mem>>)
      } else {
      }
      %dma_wait3A_94 = arith.constant 0 : i32
      %dma_wait3A_95 = arith.constant 0 : i32
      %dma_wait3A_96 = tpu.memref_slice %arg2[%dma_wait3A_94, %dma_wait3A_95] : memref<10000x128xf32, #tpu.memory_space<hbm>> -> memref<10000x128xf32, #tpu.memory_space<hbm>>
      tpu.wait_indirect_dma semaphore(%arg24 : memref<!tpu.dma_semaphore, #tpu.memory_space<semaphore_mem>>) src(%dma_wait3A_96 : memref<10000x128xf32, #tpu.memory_space<hbm>>) dst(%arg14 : memref<40x128xf32, #tpu.memory_space<vmem>>)
      %dma_wait3A_97 = arith.constant 0 : i32
      %dma_wait3A_98 = arith.constant 0 : i32
      %dma_wait3A_99 = tpu.memref_slice %arg3[%dma_wait3A_97, %dma_wait3A_98] : memref<10000x128xf32, #tpu.memory_space<hbm>> -> memref<10000x128xf32, #tpu.memory_space<hbm>>
      tpu.wait_indirect_dma semaphore(%arg24 : memref<!tpu.dma_semaphore, #tpu.memory_space<semaphore_mem>>) src(%dma_wait3A_99 : memref<10000x128xf32, #tpu.memory_space<hbm>>) dst(%arg15 : memref<40x128xf32, #tpu.memory_space<vmem>>)
      %dma_wait3A_100 = arith.constant 0 : i32
      %dma_wait3A_101 = arith.constant 0 : i32
      %dma_wait3A_102 = tpu.memref_slice %arg4[%dma_wait3A_100, %dma_wait3A_101] : memref<320000x128xf32, #tpu.memory_space<hbm>> -> memref<40x128xf32, #tpu.memory_space<hbm>>
      %dma_wait3A_103 = arith.constant 0 : i32
      %dma_wait3A_104 = arith.constant 0 : i32
      %dma_wait3A_105 = tpu.memref_slice %arg4[%dma_wait3A_103, %dma_wait3A_104] : memref<320000x128xf32, #tpu.memory_space<hbm>> -> memref<40x128xf32, #tpu.memory_space<hbm>>
      tpu.wait_dma2 semaphore(%arg24 : memref<!tpu.dma_semaphore, #tpu.memory_space<semaphore_mem>>) src(%dma_wait3A_105 : memref<40x128xf32, #tpu.memory_space<hbm>>) dst(%arg16 : memref<40x128xf32, #tpu.memory_space<vmem>>)
      %scan3A_106 = arith.constant 0 : i32
      %scan3A_107 = arith.constant 0 : i32
      %scan3A_108 = arith.constant 40 : i32
      %scan3A_109 = arith.addi %scan3A_107, %scan3A_108 : i32
      %scan3A_110 = arith.constant 1 : i32
      %scan3A_111 = scf.for %scan3A_232 = %scan3A_107 to %scan3A_109 step %scan3A_110 iter_args(%scan3A_233 = %scan3A_106) -> (i32)  : i32 {
        %get3A = arith.index_cast %scan3A_232 : i32 to index
        %get3A_234 = arith.constant 0 : index
        %get3A_235 = tpu.vector_load %arg14[%get3A, %get3A_234] {strides = array<i32>} : memref<40x128xf32, #tpu.memory_space<vmem>>, vector<1x16xf32>,
        %get3A_236 = vector.shape_cast %get3A_235 : vector<1x16xf32> to vector<16xf32>
        %get3A_237 = arith.index_cast %scan3A_232 : i32 to index
        %get3A_238 = arith.constant 0 : index
        %get3A_239 = tpu.vector_load %arg15[%get3A_237, %get3A_238] {strides = array<i32>} : memref<40x128xf32, #tpu.memory_space<vmem>>, vector<1x16xf32>,
        %get3A_240 = vector.shape_cast %get3A_239 : vector<1x16xf32> to vector<16xf32>
        %add3A_241 = arith.addf %get3A_236, %get3A_240 : vector<16xf32>
        %get3A_242 = arith.index_cast %scan3A_232 : i32 to index
        %get3A_243 = arith.constant 0 : index
        %get3A_244 = tpu.vector_load %arg16[%get3A_242, %get3A_243] {strides = array<i32>} : memref<40x128xf32, #tpu.memory_space<vmem>>, vector<1x16xf32>,
        %get3A_245 = vector.shape_cast %get3A_244 : vector<1x16xf32> to vector<16xf32>
        %add3A_246 = arith.addf %add3A_241, %get3A_245 : vector<16xf32>
        %max3A = arith.constant 0.000000e+00 : f32
        %max3A_247 = vector.broadcast %max3A : f32 to vector<16xf32>
        %max3A_248 = arith.maximumf %add3A_246, %max3A_247 : vector<16xf32>
        %swap3A = arith.index_cast %scan3A_232 : i32 to index
        %swap3A_249 = arith.constant 0 : index
        %swap3A_250 = tpu.vector_load %arg16[%swap3A, %swap3A_249] {strides = array<i32>} : memref<40x128xf32, #tpu.memory_space<vmem>>, vector<1x16xf32>,
        %swap3A_251 = vector.shape_cast %swap3A_250 : vector<1x16xf32> to vector<16xf32>
        %swap3A_252 = vector.shape_cast %max3A_248 : vector<16xf32> to vector<1x16xf32>
        tpu.vector_store %arg16[%swap3A, %swap3A_249], %swap3A_252 {strides = array<i32>} : memref<40x128xf32, #tpu.memory_space<vmem>>, vector<1x16xf32>,
        %get3A_253 = arith.index_cast %scan3A_232 : i32 to index
        %get3A_254 = arith.constant 16 : index
        %get3A_255 = tpu.vector_load %arg14[%get3A_253, %get3A_254] {strides = array<i32>} : memref<40x128xf32, #tpu.memory_space<vmem>>, vector<1x16xf32>,
        %get3A_256 = vector.shape_cast %get3A_255 : vector<1x16xf32> to vector<16xf32>
        %get3A_257 = arith.index_cast %scan3A_232 : i32 to index
        %get3A_258 = arith.constant 16 : index
        %get3A_259 = tpu.vector_load %arg15[%get3A_257, %get3A_258] {strides = array<i32>} : memref<40x128xf32, #tpu.memory_space<vmem>>, vector<1x16xf32>,
        %get3A_260 = vector.shape_cast %get3A_259 : vector<1x16xf32> to vector<16xf32>
        %add3A_261 = arith.addf %get3A_256, %get3A_260 : vector<16xf32>
        %get3A_262 = arith.index_cast %scan3A_232 : i32 to index
        %get3A_263 = arith.constant 16 : index
        %get3A_264 = tpu.vector_load %arg16[%get3A_262, %get3A_263] {strides = array<i32>} : memref<40x128xf32, #tpu.memory_space<vmem>>, vector<1x16xf32>,
        %get3A_265 = vector.shape_cast %get3A_264 : vector<1x16xf32> to vector<16xf32>
        %add3A_266 = arith.addf %add3A_261, %get3A_265 : vector<16xf32>
        %max3A_267 = arith.constant 0.000000e+00 : f32
        %max3A_268 = vector.broadcast %max3A_267 : f32 to vector<16xf32>
        %max3A_269 = arith.maximumf %add3A_266, %max3A_268 : vector<16xf32>
        %swap3A_270 = arith.index_cast %scan3A_232 : i32 to index
        %swap3A_271 = arith.constant 16 : index
        %swap3A_272 = tpu.vector_load %arg16[%swap3A_270, %swap3A_271] {strides = array<i32>} : memref<40x128xf32, #tpu.memory_space<vmem>>, vector<1x16xf32>,
        %swap3A_273 = vector.shape_cast %swap3A_272 : vector<1x16xf32> to vector<16xf32>
        %swap3A_274 = vector.shape_cast %max3A_269 : vector<16xf32> to vector<1x16xf32>
        tpu.vector_store %arg16[%swap3A_270, %swap3A_271], %swap3A_274 {strides = array<i32>} : memref<40x128xf32, #tpu.memory_space<vmem>>, vector<1x16xf32>,
        %get3A_275 = arith.index_cast %scan3A_232 : i32 to index
        %get3A_276 = arith.constant 32 : index
        %get3A_277 = tpu.vector_load %arg14[%get3A_275, %get3A_276] {strides = array<i32>} : memref<40x128xf32, #tpu.memory_space<vmem>>, vector<1x16xf32>,
        %get3A_278 = vector.shape_cast %get3A_277 : vector<1x16xf32> to vector<16xf32>
        %get3A_279 = arith.index_cast %scan3A_232 : i32 to index
        %get3A_280 = arith.constant 32 : index
        %get3A_281 = tpu.vector_load %arg15[%get3A_279, %get3A_280] {strides = array<i32>} : memref<40x128xf32, #tpu.memory_space<vmem>>, vector<1x16xf32>,
        %get3A_282 = vector.shape_cast %get3A_281 : vector<1x16xf32> to vector<16xf32>
        %add3A_283 = arith.addf %get3A_278, %get3A_282 : vector<16xf32>
        %get3A_284 = arith.index_cast %scan3A_232 : i32 to index
        %get3A_285 = arith.constant 32 : index
        %get3A_286 = tpu.vector_load %arg16[%get3A_284, %get3A_285] {strides = array<i32>} : memref<40x128xf32, #tpu.memory_space<vmem>>, vector<1x16xf32>,
        %get3A_287 = vector.shape_cast %get3A_286 : vector<1x16xf32> to vector<16xf32>
        %add3A_288 = arith.addf %add3A_283, %get3A_287 : vector<16xf32>
        %max3A_289 = arith.constant 0.000000e+00 : f32
        %max3A_290 = vector.broadcast %max3A_289 : f32 to vector<16xf32>
        %max3A_291 = arith.maximumf %add3A_288, %max3A_290 : vector<16xf32>
        %swap3A_292 = arith.index_cast %scan3A_232 : i32 to index
        %swap3A_293 = arith.constant 32 : index
        %swap3A_294 = tpu.vector_load %arg16[%swap3A_292, %swap3A_293] {strides = array<i32>} : memref<40x128xf32, #tpu.memory_space<vmem>>, vector<1x16xf32>,
        %swap3A_295 = vector.shape_cast %swap3A_294 : vector<1x16xf32> to vector<16xf32>
        %swap3A_296 = vector.shape_cast %max3A_291 : vector<16xf32> to vector<1x16xf32>
        tpu.vector_store %arg16[%swap3A_292, %swap3A_293], %swap3A_296 {strides = array<i32>} : memref<40x128xf32, #tpu.memory_space<vmem>>, vector<1x16xf32>,
        %get3A_297 = arith.index_cast %scan3A_232 : i32 to index
        %get3A_298 = arith.constant 48 : index
        %get3A_299 = tpu.vector_load %arg14[%get3A_297, %get3A_298] {strides = array<i32>} : memref<40x128xf32, #tpu.memory_space<vmem>>, vector<1x16xf32>,
        %get3A_300 = vector.shape_cast %get3A_299 : vector<1x16xf32> to vector<16xf32>
        %get3A_301 = arith.index_cast %scan3A_232 : i32 to index
        %get3A_302 = arith.constant 48 : index
        %get3A_303 = tpu.vector_load %arg15[%get3A_301, %get3A_302] {strides = array<i32>} : memref<40x128xf32, #tpu.memory_space<vmem>>, vector<1x16xf32>,
        %get3A_304 = vector.shape_cast %get3A_303 : vector<1x16xf32> to vector<16xf32>
        %add3A_305 = arith.addf %get3A_300, %get3A_304 : vector<16xf32>
        %get3A_306 = arith.index_cast %scan3A_232 : i32 to index
        %get3A_307 = arith.constant 48 : index
        %get3A_308 = tpu.vector_load %arg16[%get3A_306, %get3A_307] {strides = array<i32>} : memref<40x128xf32, #tpu.memory_space<vmem>>, vector<1x16xf32>,
        %get3A_309 = vector.shape_cast %get3A_308 : vector<1x16xf32> to vector<16xf32>
        %add3A_310 = arith.addf %add3A_305, %get3A_309 : vector<16xf32>
        %max3A_311 = arith.constant 0.000000e+00 : f32
        %max3A_312 = vector.broadcast %max3A_311 : f32 to vector<16xf32>
        %max3A_313 = arith.maximumf %add3A_310, %max3A_312 : vector<16xf32>
        %swap3A_314 = arith.index_cast %scan3A_232 : i32 to index
        %swap3A_315 = arith.constant 48 : index
        %swap3A_316 = tpu.vector_load %arg16[%swap3A_314, %swap3A_315] {strides = array<i32>} : memref<40x128xf32, #tpu.memory_space<vmem>>, vector<1x16xf32>,
        %swap3A_317 = vector.shape_cast %swap3A_316 : vector<1x16xf32> to vector<16xf32>
        %swap3A_318 = vector.shape_cast %max3A_313 : vector<16xf32> to vector<1x16xf32>
        tpu.vector_store %arg16[%swap3A_314, %swap3A_315], %swap3A_318 {strides = array<i32>} : memref<40x128xf32, #tpu.memory_space<vmem>>, vector<1x16xf32>,
        %get3A_319 = arith.index_cast %scan3A_232 : i32 to index
        %get3A_320 = arith.constant 64 : index
        %get3A_321 = tpu.vector_load %arg14[%get3A_319, %get3A_320] {strides = array<i32>} : memref<40x128xf32, #tpu.memory_space<vmem>>, vector<1x16xf32>,
        %get3A_322 = vector.shape_cast %get3A_321 : vector<1x16xf32> to vector<16xf32>
        %get3A_323 = arith.index_cast %scan3A_232 : i32 to index
        %get3A_324 = arith.constant 64 : index
        %get3A_325 = tpu.vector_load %arg15[%get3A_323, %get3A_324] {strides = array<i32>} : memref<40x128xf32, #tpu.memory_space<vmem>>, vector<1x16xf32>,
        %get3A_326 = vector.shape_cast %get3A_325 : vector<1x16xf32> to vector<16xf32>
        %add3A_327 = arith.addf %get3A_322, %get3A_326 : vector<16xf32>
        %get3A_328 = arith.index_cast %scan3A_232 : i32 to index
        %get3A_329 = arith.constant 64 : index
        %get3A_330 = tpu.vector_load %arg16[%get3A_328, %get3A_329] {strides = array<i32>} : memref<40x128xf32, #tpu.memory_space<vmem>>, vector<1x16xf32>,
        %get3A_331 = vector.shape_cast %get3A_330 : vector<1x16xf32> to vector<16xf32>
        %add3A_332 = arith.addf %add3A_327, %get3A_331 : vector<16xf32>
        %max3A_333 = arith.constant 0.000000e+00 : f32
        %max3A_334 = vector.broadcast %max3A_333 : f32 to vector<16xf32>
        %max3A_335 = arith.maximumf %add3A_332, %max3A_334 : vector<16xf32>
        %swap3A_336 = arith.index_cast %scan3A_232 : i32 to index
        %swap3A_337 = arith.constant 64 : index
        %swap3A_338 = tpu.vector_load %arg16[%swap3A_336, %swap3A_337] {strides = array<i32>} : memref<40x128xf32, #tpu.memory_space<vmem>>, vector<1x16xf32>,
        %swap3A_339 = vector.shape_cast %swap3A_338 : vector<1x16xf32> to vector<16xf32>
        %swap3A_340 = vector.shape_cast %max3A_335 : vector<16xf32> to vector<1x16xf32>
        tpu.vector_store %arg16[%swap3A_336, %swap3A_337], %swap3A_340 {strides = array<i32>} : memref<40x128xf32, #tpu.memory_space<vmem>>, vector<1x16xf32>,
        %get3A_341 = arith.index_cast %scan3A_232 : i32 to index
        %get3A_342 = arith.constant 80 : index
        %get3A_343 = tpu.vector_load %arg14[%get3A_341, %get3A_342] {strides = array<i32>} : memref<40x128xf32, #tpu.memory_space<vmem>>, vector<1x16xf32>,
        %get3A_344 = vector.shape_cast %get3A_343 : vector<1x16xf32> to vector<16xf32>
        %get3A_345 = arith.index_cast %scan3A_232 : i32 to index
        %get3A_346 = arith.constant 80 : index
        %get3A_347 = tpu.vector_load %arg15[%get3A_345, %get3A_346] {strides = array<i32>} : memref<40x128xf32, #tpu.memory_space<vmem>>, vector<1x16xf32>,
        %get3A_348 = vector.shape_cast %get3A_347 : vector<1x16xf32> to vector<16xf32>
        %add3A_349 = arith.addf %get3A_344, %get3A_348 : vector<16xf32>
        %get3A_350 = arith.index_cast %scan3A_232 : i32 to index
        %get3A_351 = arith.constant 80 : index
        %get3A_352 = tpu.vector_load %arg16[%get3A_350, %get3A_351] {strides = array<i32>} : memref<40x128xf32, #tpu.memory_space<vmem>>, vector<1x16xf32>,
        %get3A_353 = vector.shape_cast %get3A_352 : vector<1x16xf32> to vector<16xf32>
        %add3A_354 = arith.addf %add3A_349, %get3A_353 : vector<16xf32>
        %max3A_355 = arith.constant 0.000000e+00 : f32
        %max3A_356 = vector.broadcast %max3A_355 : f32 to vector<16xf32>
        %max3A_357 = arith.maximumf %add3A_354, %max3A_356 : vector<16xf32>
        %swap3A_358 = arith.index_cast %scan3A_232 : i32 to index
        %swap3A_359 = arith.constant 80 : index
        %swap3A_360 = tpu.vector_load %arg16[%swap3A_358, %swap3A_359] {strides = array<i32>} : memref<40x128xf32, #tpu.memory_space<vmem>>, vector<1x16xf32>,
        %swap3A_361 = vector.shape_cast %swap3A_360 : vector<1x16xf32> to vector<16xf32>
        %swap3A_362 = vector.shape_cast %max3A_357 : vector<16xf32> to vector<1x16xf32>
        tpu.vector_store %arg16[%swap3A_358, %swap3A_359], %swap3A_362 {strides = array<i32>} : memref<40x128xf32, #tpu.memory_space<vmem>>, vector<1x16xf32>,
        %get3A_363 = arith.index_cast %scan3A_232 : i32 to index
        %get3A_364 = arith.constant 96 : index
        %get3A_365 = tpu.vector_load %arg14[%get3A_363, %get3A_364] {strides = array<i32>} : memref<40x128xf32, #tpu.memory_space<vmem>>, vector<1x16xf32>,
        %get3A_366 = vector.shape_cast %get3A_365 : vector<1x16xf32> to vector<16xf32>
        %get3A_367 = arith.index_cast %scan3A_232 : i32 to index
        %get3A_368 = arith.constant 96 : index
        %get3A_369 = tpu.vector_load %arg15[%get3A_367, %get3A_368] {strides = array<i32>} : memref<40x128xf32, #tpu.memory_space<vmem>>, vector<1x16xf32>,
        %get3A_370 = vector.shape_cast %get3A_369 : vector<1x16xf32> to vector<16xf32>
        %add3A_371 = arith.addf %get3A_366, %get3A_370 : vector<16xf32>
        %get3A_372 = arith.index_cast %scan3A_232 : i32 to index
        %get3A_373 = arith.constant 96 : index
        %get3A_374 = tpu.vector_load %arg16[%get3A_372, %get3A_373] {strides = array<i32>} : memref<40x128xf32, #tpu.memory_space<vmem>>, vector<1x16xf32>,
        %get3A_375 = vector.shape_cast %get3A_374 : vector<1x16xf32> to vector<16xf32>
        %add3A_376 = arith.addf %add3A_371, %get3A_375 : vector<16xf32>
        %max3A_377 = arith.constant 0.000000e+00 : f32
        %max3A_378 = vector.broadcast %max3A_377 : f32 to vector<16xf32>
        %max3A_379 = arith.maximumf %add3A_376, %max3A_378 : vector<16xf32>
        %swap3A_380 = arith.index_cast %scan3A_232 : i32 to index
        %swap3A_381 = arith.constant 96 : index
        %swap3A_382 = tpu.vector_load %arg16[%swap3A_380, %swap3A_381] {strides = array<i32>} : memref<40x128xf32, #tpu.memory_space<vmem>>, vector<1x16xf32>,
        %swap3A_383 = vector.shape_cast %swap3A_382 : vector<1x16xf32> to vector<16xf32>
        %swap3A_384 = vector.shape_cast %max3A_379 : vector<16xf32> to vector<1x16xf32>
        tpu.vector_store %arg16[%swap3A_380, %swap3A_381], %swap3A_384 {strides = array<i32>} : memref<40x128xf32, #tpu.memory_space<vmem>>, vector<1x16xf32>,
        %get3A_385 = arith.index_cast %scan3A_232 : i32 to index
        %get3A_386 = arith.constant 112 : index
        %get3A_387 = tpu.vector_load %arg14[%get3A_385, %get3A_386] {strides = array<i32>} : memref<40x128xf32, #tpu.memory_space<vmem>>, vector<1x16xf32>,
        %get3A_388 = vector.shape_cast %get3A_387 : vector<1x16xf32> to vector<16xf32>
        %get3A_389 = arith.index_cast %scan3A_232 : i32 to index
        %get3A_390 = arith.constant 112 : index
        %get3A_391 = tpu.vector_load %arg15[%get3A_389, %get3A_390] {strides = array<i32>} : memref<40x128xf32, #tpu.memory_space<vmem>>, vector<1x16xf32>,
        %get3A_392 = vector.shape_cast %get3A_391 : vector<1x16xf32> to vector<16xf32>
        %add3A_393 = arith.addf %get3A_388, %get3A_392 : vector<16xf32>
        %get3A_394 = arith.index_cast %scan3A_232 : i32 to index
        %get3A_395 = arith.constant 112 : index
        %get3A_396 = tpu.vector_load %arg16[%get3A_394, %get3A_395] {strides = array<i32>} : memref<40x128xf32, #tpu.memory_space<vmem>>, vector<1x16xf32>,
        %get3A_397 = vector.shape_cast %get3A_396 : vector<1x16xf32> to vector<16xf32>
        %add3A_398 = arith.addf %add3A_393, %get3A_397 : vector<16xf32>
        %max3A_399 = arith.constant 0.000000e+00 : f32
        %max3A_400 = vector.broadcast %max3A_399 : f32 to vector<16xf32>
        %max3A_401 = arith.maximumf %add3A_398, %max3A_400 : vector<16xf32>
        %swap3A_402 = arith.index_cast %scan3A_232 : i32 to index
        %swap3A_403 = arith.constant 112 : index
        %swap3A_404 = tpu.vector_load %arg16[%swap3A_402, %swap3A_403] {strides = array<i32>} : memref<40x128xf32, #tpu.memory_space<vmem>>, vector<1x16xf32>,
        %swap3A_405 = vector.shape_cast %swap3A_404 : vector<1x16xf32> to vector<16xf32>
        %swap3A_406 = vector.shape_cast %max3A_401 : vector<16xf32> to vector<1x16xf32>
        tpu.vector_store %arg16[%swap3A_402, %swap3A_403], %swap3A_406 {strides = array<i32>} : memref<40x128xf32, #tpu.memory_space<vmem>>, vector<1x16xf32>,
        %scan3A_407 = arith.constant 0 : i32
        scf.yield %scan3A_407 : i32
      }
      %scan3A_112 = arith.constant 40 : i32
      %dma_start3A_113 = arith.constant 0 : i32
      %dma_start3A_114 = arith.constant 0 : i32
      %dma_start3A_115 = tpu.memref_slice %arg23[%dma_start3A_113, %dma_start3A_114] : memref<10000x128xf32, #tpu.memory_space<vmem_shared>> -> memref<10000x128xf32, #tpu.memory_space<vmem_shared>>
      tpu.enqueue_indirect_dma source(%arg16 : memref<40x128xf32, #tpu.memory_space<vmem>>) target(%dma_start3A_115 : memref<10000x128xf32, #tpu.memory_space<vmem_shared>>) offsets(%arg8 : memref<40xi32, #tpu.memory_space<vmem>>) semaphore(%arg26 : memref<!tpu.dma_semaphore, #tpu.memory_space<semaphore_mem>>) {add = true}
      %ge3A = arith.constant 1 : i32
      %ge3A_116 = arith.cmpi sge, %add3A_89, %ge3A : i32
      %add3A_117 = arith.constant 2 : i32
      %add3A_118 = arith.addi %add3A_89, %add3A_117 : i32
      %lt3A_119 = arith.constant 250 : i32
      %lt3A_120 = arith.cmpi slt, %add3A_118, %lt3A_119 : i32
      %and3A = arith.andi %ge3A_116, %lt3A_120 : i1
      %convert_element_type3A_121 = arith.extui %and3A : i1 to i32
      %cond3A_122 = arith.constant 0 : i32
      %cond3A_123 = arith.cmpi ne, %convert_element_type3A_121, %cond3A_122 : i32
      scf.if %cond3A_123 {
        %dma_wait3A_232 = arith.constant 0 : i32
        %dma_wait3A_233 = arith.constant 0 : i32
        %dma_wait3A_234 = tpu.memref_slice %arg23[%dma_wait3A_232, %dma_wait3A_233] : memref<10000x128xf32, #tpu.memory_space<vmem_shared>> -> memref<10000x128xf32, #tpu.memory_space<vmem_shared>>
        tpu.wait_indirect_dma semaphore(%arg32 : memref<!tpu.dma_semaphore, #tpu.memory_space<semaphore_mem>>) src(%arg22 : memref<40x128xf32, #tpu.memory_space<vmem>>) dst(%dma_wait3A_234 : memref<10000x128xf32, #tpu.memory_space<vmem_shared>>)
      } else {
      }
      %add3A_124 = arith.constant 2 : i32
      %add3A_125 = arith.addi %add3A_89, %add3A_124 : i32
      %lt3A_126 = arith.constant 250 : i32
      %lt3A_127 = arith.cmpi slt, %add3A_125, %lt3A_126 : i32
      %convert_element_type3A_128 = arith.extui %lt3A_127 : i1 to i32
      %cond3A_129 = arith.constant 0 : i32
      %cond3A_130 = arith.cmpi ne, %convert_element_type3A_128, %cond3A_129 : i32
      scf.if %cond3A_130 {
        %add3A_232 = arith.constant 2 : i32
        %add3A_233 = arith.addi %add3A_89, %add3A_232 : i32
        %mul3A_234 = arith.constant 10000 : i32
        %mul3A_235 = arith.muli %add3A, %mul3A_234 : i32
        %mul3A_236 = arith.constant 40 : i32
        %mul3A_237 = arith.muli %add3A_233, %mul3A_236 : i32
        %add3A_238 = arith.addi %mul3A_235, %mul3A_237 : i32
        %dma_start3A_239 = tpu.memref_slice %arg5[%add3A_238] : memref<320000xi32, #tpu.memory_space<hbm>> -> memref<40xi32, #tpu.memory_space<hbm>>
        %dma_start3A_240 = tpu.memref_slice %arg5[%add3A_238] : memref<320000xi32, #tpu.memory_space<hbm>> -> memref<40xi32, #tpu.memory_space<hbm>>
        tpu.enqueue_dma source(%dma_start3A_240 : memref<40xi32, #tpu.memory_space<hbm>>) target(%arg12 : memref<40xi32, #tpu.memory_space<vmem>>) target_semaphore(%arg31 : memref<!tpu.dma_semaphore, #tpu.memory_space<semaphore_mem>>)
        %dma_start3A_241 = tpu.memref_slice %arg6[%add3A_238] : memref<320000xi32, #tpu.memory_space<hbm>> -> memref<40xi32, #tpu.memory_space<hbm>>
        %dma_start3A_242 = tpu.memref_slice %arg6[%add3A_238] : memref<320000xi32, #tpu.memory_space<hbm>> -> memref<40xi32, #tpu.memory_space<hbm>>
        tpu.enqueue_dma source(%dma_start3A_242 : memref<40xi32, #tpu.memory_space<hbm>>) target(%arg13 : memref<40xi32, #tpu.memory_space<vmem>>) target_semaphore(%arg31 : memref<!tpu.dma_semaphore, #tpu.memory_space<semaphore_mem>>)
      } else {
      }
      %mul3A_131 = arith.constant 3 : i32
      %mul3A_132 = arith.muli %mul3A_131, %scan3A_84 : i32
      %add3A_133 = arith.constant 1 : i32
      %add3A_134 = arith.addi %mul3A_132, %add3A_133 : i32
      %add3A_135 = arith.constant 1 : i32
      %add3A_136 = arith.addi %add3A_134, %add3A_135 : i32
      %lt3A_137 = arith.constant 250 : i32
      %lt3A_138 = arith.cmpi slt, %add3A_136, %lt3A_137 : i32
      %convert_element_type3A_139 = arith.extui %lt3A_138 : i1 to i32
      %cond3A_140 = arith.constant 0 : i32
      %cond3A_141 = arith.cmpi ne, %convert_element_type3A_139, %cond3A_140 : i32
      scf.if %cond3A_141 {
        %dma_wait3A_232 = arith.constant 0 : i32
        %dma_wait3A_233 = tpu.memref_slice %arg5[%dma_wait3A_232] : memref<320000xi32, #tpu.memory_space<hbm>> -> memref<40xi32, #tpu.memory_space<hbm>>
        %dma_wait3A_234 = arith.constant 0 : i32
        %dma_wait3A_235 = tpu.memref_slice %arg5[%dma_wait3A_234] : memref<320000xi32, #tpu.memory_space<hbm>> -> memref<40xi32, #tpu.memory_space<hbm>>
        tpu.wait_dma2 semaphore(%arg31 : memref<!tpu.dma_semaphore, #tpu.memory_space<semaphore_mem>>) src(%dma_wait3A_235 : memref<40xi32, #tpu.memory_space<hbm>>) dst(%arg12 : memref<40xi32, #tpu.memory_space<vmem>>)
        %dma_wait3A_236 = arith.constant 0 : i32
        %dma_wait3A_237 = tpu.memref_slice %arg6[%dma_wait3A_236] : memref<320000xi32, #tpu.memory_space<hbm>> -> memref<40xi32, #tpu.memory_space<hbm>>
        %dma_wait3A_238 = arith.constant 0 : i32
        %dma_wait3A_239 = tpu.memref_slice %arg6[%dma_wait3A_238] : memref<320000xi32, #tpu.memory_space<hbm>> -> memref<40xi32, #tpu.memory_space<hbm>>
        tpu.wait_dma2 semaphore(%arg31 : memref<!tpu.dma_semaphore, #tpu.memory_space<semaphore_mem>>) src(%dma_wait3A_239 : memref<40xi32, #tpu.memory_space<hbm>>) dst(%arg13 : memref<40xi32, #tpu.memory_space<vmem>>)
        %add3A_240 = arith.constant 1 : i32
        %add3A_241 = arith.addi %add3A_134, %add3A_240 : i32
        %mul3A_242 = arith.constant 10000 : i32
        %mul3A_243 = arith.muli %add3A, %mul3A_242 : i32
        %mul3A_244 = arith.constant 40 : i32
        %mul3A_245 = arith.muli %add3A_241, %mul3A_244 : i32
        %add3A_246 = arith.addi %mul3A_243, %mul3A_245 : i32
        %dma_start3A_247 = arith.constant 0 : i32
        %dma_start3A_248 = arith.constant 0 : i32
        %dma_start3A_249 = tpu.memref_slice %arg2[%dma_start3A_247, %dma_start3A_248] : memref<10000x128xf32, #tpu.memory_space<hbm>> -> memref<10000x128xf32, #tpu.memory_space<hbm>>
        tpu.enqueue_indirect_dma source(%dma_start3A_249 : memref<10000x128xf32, #tpu.memory_space<hbm>>) target(%arg20 : memref<40x128xf32, #tpu.memory_space<vmem>>) offsets(%arg12 : memref<40xi32, #tpu.memory_space<vmem>>) semaphore(%arg30 : memref<!tpu.dma_semaphore, #tpu.memory_space<semaphore_mem>>)
        %dma_start3A_250 = arith.constant 0 : i32
        %dma_start3A_251 = arith.constant 0 : i32
        %dma_start3A_252 = tpu.memref_slice %arg3[%dma_start3A_250, %dma_start3A_251] : memref<10000x128xf32, #tpu.memory_space<hbm>> -> memref<10000x128xf32, #tpu.memory_space<hbm>>
        tpu.enqueue_indirect_dma source(%dma_start3A_252 : memref<10000x128xf32, #tpu.memory_space<hbm>>) target(%arg21 : memref<40x128xf32, #tpu.memory_space<vmem>>) offsets(%arg13 : memref<40xi32, #tpu.memory_space<vmem>>) semaphore(%arg30 : memref<!tpu.dma_semaphore, #tpu.memory_space<semaphore_mem>>)
        %dma_start3A_253 = arith.constant 0 : i32
        %dma_start3A_254 = tpu.memref_slice %arg4[%add3A_246, %dma_start3A_253] : memref<320000x128xf32, #tpu.memory_space<hbm>> -> memref<40x128xf32, #tpu.memory_space<hbm>>
        %dma_start3A_255 = arith.constant 0 : i32
        %dma_start3A_256 = tpu.memref_slice %arg4[%add3A_246, %dma_start3A_255] : memref<320000x128xf32, #tpu.memory_space<hbm>> -> memref<40x128xf32, #tpu.memory_space<hbm>>
        tpu.enqueue_dma source(%dma_start3A_256 : memref<40x128xf32, #tpu.memory_space<hbm>>) target(%arg22 : memref<40x128xf32, #tpu.memory_space<vmem>>) target_semaphore(%arg30 : memref<!tpu.dma_semaphore, #tpu.memory_space<semaphore_mem>>)
      } else {
      }
      %dma_wait3A_142 = arith.constant 0 : i32
      %dma_wait3A_143 = arith.constant 0 : i32
      %dma_wait3A_144 = tpu.memref_slice %arg2[%dma_wait3A_142, %dma_wait3A_143] : memref<10000x128xf32, #tpu.memory_space<hbm>> -> memref<10000x128xf32, #tpu.memory_space<hbm>>
      tpu.wait_indirect_dma semaphore(%arg27 : memref<!tpu.dma_semaphore, #tpu.memory_space<semaphore_mem>>) src(%dma_wait3A_144 : memref<10000x128xf32, #tpu.memory_space<hbm>>) dst(%arg17 : memref<40x128xf32, #tpu.memory_space<vmem>>)
      %dma_wait3A_145 = arith.constant 0 : i32
      %dma_wait3A_146 = arith.constant 0 : i32
      %dma_wait3A_147 = tpu.memref_slice %arg3[%dma_wait3A_145, %dma_wait3A_146] : memref<10000x128xf32, #tpu.memory_space<hbm>> -> memref<10000x128xf32, #tpu.memory_space<hbm>>
      tpu.wait_indirect_dma semaphore(%arg27 : memref<!tpu.dma_semaphore, #tpu.memory_space<semaphore_mem>>) src(%dma_wait3A_147 : memref<10000x128xf32, #tpu.memory_space<hbm>>) dst(%arg18 : memref<40x128xf32, #tpu.memory_space<vmem>>)
      %dma_wait3A_148 = arith.constant 0 : i32
      %dma_wait3A_149 = arith.constant 0 : i32
      %dma_wait3A_150 = tpu.memref_slice %arg4[%dma_wait3A_148, %dma_wait3A_149] : memref<320000x128xf32, #tpu.memory_space<hbm>> -> memref<40x128xf32, #tpu.memory_space<hbm>>
      %dma_wait3A_151 = arith.constant 0 : i32
      %dma_wait3A_152 = arith.constant 0 : i32
      %dma_wait3A_153 = tpu.memref_slice %arg4[%dma_wait3A_151, %dma_wait3A_152] : memref<320000x128xf32, #tpu.memory_space<hbm>> -> memref<40x128xf32, #tpu.memory_space<hbm>>
      tpu.wait_dma2 semaphore(%arg27 : memref<!tpu.dma_semaphore, #tpu.memory_space<semaphore_mem>>) src(%dma_wait3A_153 : memref<40x128xf32, #tpu.memory_space<hbm>>) dst(%arg19 : memref<40x128xf32, #tpu.memory_space<vmem>>)
      %scan3A_154 = arith.constant 0 : i32
      %scan3A_155 = arith.constant 0 : i32
      %scan3A_156 = arith.constant 40 : i32
      %scan3A_157 = arith.addi %scan3A_155, %scan3A_156 : i32
      %scan3A_158 = arith.constant 1 : i32
      %scan3A_159 = scf.for %scan3A_232 = %scan3A_155 to %scan3A_157 step %scan3A_158 iter_args(%scan3A_233 = %scan3A_154) -> (i32)  : i32 {
        %get3A = arith.index_cast %scan3A_232 : i32 to index
        %get3A_234 = arith.constant 0 : index
        %get3A_235 = tpu.vector_load %arg17[%get3A, %get3A_234] {strides = array<i32>} : memref<40x128xf32, #tpu.memory_space<vmem>>, vector<1x16xf32>,
        %get3A_236 = vector.shape_cast %get3A_235 : vector<1x16xf32> to vector<16xf32>
        %get3A_237 = arith.index_cast %scan3A_232 : i32 to index
        %get3A_238 = arith.constant 0 : index
        %get3A_239 = tpu.vector_load %arg18[%get3A_237, %get3A_238] {strides = array<i32>} : memref<40x128xf32, #tpu.memory_space<vmem>>, vector<1x16xf32>,
        %get3A_240 = vector.shape_cast %get3A_239 : vector<1x16xf32> to vector<16xf32>
        %add3A_241 = arith.addf %get3A_236, %get3A_240 : vector<16xf32>
        %get3A_242 = arith.index_cast %scan3A_232 : i32 to index
        %get3A_243 = arith.constant 0 : index
        %get3A_244 = tpu.vector_load %arg19[%get3A_242, %get3A_243] {strides = array<i32>} : memref<40x128xf32, #tpu.memory_space<vmem>>, vector<1x16xf32>,
        %get3A_245 = vector.shape_cast %get3A_244 : vector<1x16xf32> to vector<16xf32>
        %add3A_246 = arith.addf %add3A_241, %get3A_245 : vector<16xf32>
        %max3A = arith.constant 0.000000e+00 : f32
        %max3A_247 = vector.broadcast %max3A : f32 to vector<16xf32>
        %max3A_248 = arith.maximumf %add3A_246, %max3A_247 : vector<16xf32>
        %swap3A = arith.index_cast %scan3A_232 : i32 to index
        %swap3A_249 = arith.constant 0 : index
        %swap3A_250 = tpu.vector_load %arg19[%swap3A, %swap3A_249] {strides = array<i32>} : memref<40x128xf32, #tpu.memory_space<vmem>>, vector<1x16xf32>,
        %swap3A_251 = vector.shape_cast %swap3A_250 : vector<1x16xf32> to vector<16xf32>
        %swap3A_252 = vector.shape_cast %max3A_248 : vector<16xf32> to vector<1x16xf32>
        tpu.vector_store %arg19[%swap3A, %swap3A_249], %swap3A_252 {strides = array<i32>} : memref<40x128xf32, #tpu.memory_space<vmem>>, vector<1x16xf32>,
        %get3A_253 = arith.index_cast %scan3A_232 : i32 to index
        %get3A_254 = arith.constant 16 : index
        %get3A_255 = tpu.vector_load %arg17[%get3A_253, %get3A_254] {strides = array<i32>} : memref<40x128xf32, #tpu.memory_space<vmem>>, vector<1x16xf32>,
        %get3A_256 = vector.shape_cast %get3A_255 : vector<1x16xf32> to vector<16xf32>
        %get3A_257 = arith.index_cast %scan3A_232 : i32 to index
        %get3A_258 = arith.constant 16 : index
        %get3A_259 = tpu.vector_load %arg18[%get3A_257, %get3A_258] {strides = array<i32>} : memref<40x128xf32, #tpu.memory_space<vmem>>, vector<1x16xf32>,
        %get3A_260 = vector.shape_cast %get3A_259 : vector<1x16xf32> to vector<16xf32>
        %add3A_261 = arith.addf %get3A_256, %get3A_260 : vector<16xf32>
        %get3A_262 = arith.index_cast %scan3A_232 : i32 to index
        %get3A_263 = arith.constant 16 : index
        %get3A_264 = tpu.vector_load %arg19[%get3A_262, %get3A_263] {strides = array<i32>} : memref<40x128xf32, #tpu.memory_space<vmem>>, vector<1x16xf32>,
        %get3A_265 = vector.shape_cast %get3A_264 : vector<1x16xf32> to vector<16xf32>
        %add3A_266 = arith.addf %add3A_261, %get3A_265 : vector<16xf32>
        %max3A_267 = arith.constant 0.000000e+00 : f32
        %max3A_268 = vector.broadcast %max3A_267 : f32 to vector<16xf32>
        %max3A_269 = arith.maximumf %add3A_266, %max3A_268 : vector<16xf32>
        %swap3A_270 = arith.index_cast %scan3A_232 : i32 to index
        %swap3A_271 = arith.constant 16 : index
        %swap3A_272 = tpu.vector_load %arg19[%swap3A_270, %swap3A_271] {strides = array<i32>} : memref<40x128xf32, #tpu.memory_space<vmem>>, vector<1x16xf32>,
        %swap3A_273 = vector.shape_cast %swap3A_272 : vector<1x16xf32> to vector<16xf32>
        %swap3A_274 = vector.shape_cast %max3A_269 : vector<16xf32> to vector<1x16xf32>
        tpu.vector_store %arg19[%swap3A_270, %swap3A_271], %swap3A_274 {strides = array<i32>} : memref<40x128xf32, #tpu.memory_space<vmem>>, vector<1x16xf32>,
        %get3A_275 = arith.index_cast %scan3A_232 : i32 to index
        %get3A_276 = arith.constant 32 : index
        %get3A_277 = tpu.vector_load %arg17[%get3A_275, %get3A_276] {strides = array<i32>} : memref<40x128xf32, #tpu.memory_space<vmem>>, vector<1x16xf32>,
        %get3A_278 = vector.shape_cast %get3A_277 : vector<1x16xf32> to vector<16xf32>
        %get3A_279 = arith.index_cast %scan3A_232 : i32 to index
        %get3A_280 = arith.constant 32 : index
        %get3A_281 = tpu.vector_load %arg18[%get3A_279, %get3A_280] {strides = array<i32>} : memref<40x128xf32, #tpu.memory_space<vmem>>, vector<1x16xf32>,
        %get3A_282 = vector.shape_cast %get3A_281 : vector<1x16xf32> to vector<16xf32>
        %add3A_283 = arith.addf %get3A_278, %get3A_282 : vector<16xf32>
        %get3A_284 = arith.index_cast %scan3A_232 : i32 to index
        %get3A_285 = arith.constant 32 : index
        %get3A_286 = tpu.vector_load %arg19[%get3A_284, %get3A_285] {strides = array<i32>} : memref<40x128xf32, #tpu.memory_space<vmem>>, vector<1x16xf32>,
        %get3A_287 = vector.shape_cast %get3A_286 : vector<1x16xf32> to vector<16xf32>
        %add3A_288 = arith.addf %add3A_283, %get3A_287 : vector<16xf32>
        %max3A_289 = arith.constant 0.000000e+00 : f32
        %max3A_290 = vector.broadcast %max3A_289 : f32 to vector<16xf32>
        %max3A_291 = arith.maximumf %add3A_288, %max3A_290 : vector<16xf32>
        %swap3A_292 = arith.index_cast %scan3A_232 : i32 to index
        %swap3A_293 = arith.constant 32 : index
        %swap3A_294 = tpu.vector_load %arg19[%swap3A_292, %swap3A_293] {strides = array<i32>} : memref<40x128xf32, #tpu.memory_space<vmem>>, vector<1x16xf32>,
        %swap3A_295 = vector.shape_cast %swap3A_294 : vector<1x16xf32> to vector<16xf32>
        %swap3A_296 = vector.shape_cast %max3A_291 : vector<16xf32> to vector<1x16xf32>
        tpu.vector_store %arg19[%swap3A_292, %swap3A_293], %swap3A_296 {strides = array<i32>} : memref<40x128xf32, #tpu.memory_space<vmem>>, vector<1x16xf32>,
        %get3A_297 = arith.index_cast %scan3A_232 : i32 to index
        %get3A_298 = arith.constant 48 : index
        %get3A_299 = tpu.vector_load %arg17[%get3A_297, %get3A_298] {strides = array<i32>} : memref<40x128xf32, #tpu.memory_space<vmem>>, vector<1x16xf32>,
        %get3A_300 = vector.shape_cast %get3A_299 : vector<1x16xf32> to vector<16xf32>
        %get3A_301 = arith.index_cast %scan3A_232 : i32 to index
        %get3A_302 = arith.constant 48 : index
        %get3A_303 = tpu.vector_load %arg18[%get3A_301, %get3A_302] {strides = array<i32>} : memref<40x128xf32, #tpu.memory_space<vmem>>, vector<1x16xf32>,
        %get3A_304 = vector.shape_cast %get3A_303 : vector<1x16xf32> to vector<16xf32>
        %add3A_305 = arith.addf %get3A_300, %get3A_304 : vector<16xf32>
        %get3A_306 = arith.index_cast %scan3A_232 : i32 to index
        %get3A_307 = arith.constant 48 : index
        %get3A_308 = tpu.vector_load %arg19[%get3A_306, %get3A_307] {strides = array<i32>} : memref<40x128xf32, #tpu.memory_space<vmem>>, vector<1x16xf32>,
        %get3A_309 = vector.shape_cast %get3A_308 : vector<1x16xf32> to vector<16xf32>
        %add3A_310 = arith.addf %add3A_305, %get3A_309 : vector<16xf32>
        %max3A_311 = arith.constant 0.000000e+00 : f32
        %max3A_312 = vector.broadcast %max3A_311 : f32 to vector<16xf32>
        %max3A_313 = arith.maximumf %add3A_310, %max3A_312 : vector<16xf32>
        %swap3A_314 = arith.index_cast %scan3A_232 : i32 to index
        %swap3A_315 = arith.constant 48 : index
        %swap3A_316 = tpu.vector_load %arg19[%swap3A_314, %swap3A_315] {strides = array<i32>} : memref<40x128xf32, #tpu.memory_space<vmem>>, vector<1x16xf32>,
        %swap3A_317 = vector.shape_cast %swap3A_316 : vector<1x16xf32> to vector<16xf32>
        %swap3A_318 = vector.shape_cast %max3A_313 : vector<16xf32> to vector<1x16xf32>
        tpu.vector_store %arg19[%swap3A_314, %swap3A_315], %swap3A_318 {strides = array<i32>} : memref<40x128xf32, #tpu.memory_space<vmem>>, vector<1x16xf32>,
        %get3A_319 = arith.index_cast %scan3A_232 : i32 to index
        %get3A_320 = arith.constant 64 : index
        %get3A_321 = tpu.vector_load %arg17[%get3A_319, %get3A_320] {strides = array<i32>} : memref<40x128xf32, #tpu.memory_space<vmem>>, vector<1x16xf32>,
        %get3A_322 = vector.shape_cast %get3A_321 : vector<1x16xf32> to vector<16xf32>
        %get3A_323 = arith.index_cast %scan3A_232 : i32 to index
        %get3A_324 = arith.constant 64 : index
        %get3A_325 = tpu.vector_load %arg18[%get3A_323, %get3A_324] {strides = array<i32>} : memref<40x128xf32, #tpu.memory_space<vmem>>, vector<1x16xf32>,
        %get3A_326 = vector.shape_cast %get3A_325 : vector<1x16xf32> to vector<16xf32>
        %add3A_327 = arith.addf %get3A_322, %get3A_326 : vector<16xf32>
        %get3A_328 = arith.index_cast %scan3A_232 : i32 to index
        %get3A_329 = arith.constant 64 : index
        %get3A_330 = tpu.vector_load %arg19[%get3A_328, %get3A_329] {strides = array<i32>} : memref<40x128xf32, #tpu.memory_space<vmem>>, vector<1x16xf32>,
        %get3A_331 = vector.shape_cast %get3A_330 : vector<1x16xf32> to vector<16xf32>
        %add3A_332 = arith.addf %add3A_327, %get3A_331 : vector<16xf32>
        %max3A_333 = arith.constant 0.000000e+00 : f32
        %max3A_334 = vector.broadcast %max3A_333 : f32 to vector<16xf32>
        %max3A_335 = arith.maximumf %add3A_332, %max3A_334 : vector<16xf32>
        %swap3A_336 = arith.index_cast %scan3A_232 : i32 to index
        %swap3A_337 = arith.constant 64 : index
        %swap3A_338 = tpu.vector_load %arg19[%swap3A_336, %swap3A_337] {strides = array<i32>} : memref<40x128xf32, #tpu.memory_space<vmem>>, vector<1x16xf32>,
        %swap3A_339 = vector.shape_cast %swap3A_338 : vector<1x16xf32> to vector<16xf32>
        %swap3A_340 = vector.shape_cast %max3A_335 : vector<16xf32> to vector<1x16xf32>
        tpu.vector_store %arg19[%swap3A_336, %swap3A_337], %swap3A_340 {strides = array<i32>} : memref<40x128xf32, #tpu.memory_space<vmem>>, vector<1x16xf32>,
        %get3A_341 = arith.index_cast %scan3A_232 : i32 to index
        %get3A_342 = arith.constant 80 : index
        %get3A_343 = tpu.vector_load %arg17[%get3A_341, %get3A_342] {strides = array<i32>} : memref<40x128xf32, #tpu.memory_space<vmem>>, vector<1x16xf32>,
        %get3A_344 = vector.shape_cast %get3A_343 : vector<1x16xf32> to vector<16xf32>
        %get3A_345 = arith.index_cast %scan3A_232 : i32 to index
        %get3A_346 = arith.constant 80 : index
        %get3A_347 = tpu.vector_load %arg18[%get3A_345, %get3A_346] {strides = array<i32>} : memref<40x128xf32, #tpu.memory_space<vmem>>, vector<1x16xf32>,
        %get3A_348 = vector.shape_cast %get3A_347 : vector<1x16xf32> to vector<16xf32>
        %add3A_349 = arith.addf %get3A_344, %get3A_348 : vector<16xf32>
        %get3A_350 = arith.index_cast %scan3A_232 : i32 to index
        %get3A_351 = arith.constant 80 : index
        %get3A_352 = tpu.vector_load %arg19[%get3A_350, %get3A_351] {strides = array<i32>} : memref<40x128xf32, #tpu.memory_space<vmem>>, vector<1x16xf32>,
        %get3A_353 = vector.shape_cast %get3A_352 : vector<1x16xf32> to vector<16xf32>
        %add3A_354 = arith.addf %add3A_349, %get3A_353 : vector<16xf32>
        %max3A_355 = arith.constant 0.000000e+00 : f32
        %max3A_356 = vector.broadcast %max3A_355 : f32 to vector<16xf32>
        %max3A_357 = arith.maximumf %add3A_354, %max3A_356 : vector<16xf32>
        %swap3A_358 = arith.index_cast %scan3A_232 : i32 to index
        %swap3A_359 = arith.constant 80 : index
        %swap3A_360 = tpu.vector_load %arg19[%swap3A_358, %swap3A_359] {strides = array<i32>} : memref<40x128xf32, #tpu.memory_space<vmem>>, vector<1x16xf32>,
        %swap3A_361 = vector.shape_cast %swap3A_360 : vector<1x16xf32> to vector<16xf32>
        %swap3A_362 = vector.shape_cast %max3A_357 : vector<16xf32> to vector<1x16xf32>
        tpu.vector_store %arg19[%swap3A_358, %swap3A_359], %swap3A_362 {strides = array<i32>} : memref<40x128xf32, #tpu.memory_space<vmem>>, vector<1x16xf32>,
        %get3A_363 = arith.index_cast %scan3A_232 : i32 to index
        %get3A_364 = arith.constant 96 : index
        %get3A_365 = tpu.vector_load %arg17[%get3A_363, %get3A_364] {strides = array<i32>} : memref<40x128xf32, #tpu.memory_space<vmem>>, vector<1x16xf32>,
        %get3A_366 = vector.shape_cast %get3A_365 : vector<1x16xf32> to vector<16xf32>
        %get3A_367 = arith.index_cast %scan3A_232 : i32 to index
        %get3A_368 = arith.constant 96 : index
        %get3A_369 = tpu.vector_load %arg18[%get3A_367, %get3A_368] {strides = array<i32>} : memref<40x128xf32, #tpu.memory_space<vmem>>, vector<1x16xf32>,
        %get3A_370 = vector.shape_cast %get3A_369 : vector<1x16xf32> to vector<16xf32>
        %add3A_371 = arith.addf %get3A_366, %get3A_370 : vector<16xf32>
        %get3A_372 = arith.index_cast %scan3A_232 : i32 to index
        %get3A_373 = arith.constant 96 : index
        %get3A_374 = tpu.vector_load %arg19[%get3A_372, %get3A_373] {strides = array<i32>} : memref<40x128xf32, #tpu.memory_space<vmem>>, vector<1x16xf32>,
        %get3A_375 = vector.shape_cast %get3A_374 : vector<1x16xf32> to vector<16xf32>
        %add3A_376 = arith.addf %add3A_371, %get3A_375 : vector<16xf32>
        %max3A_377 = arith.constant 0.000000e+00 : f32
        %max3A_378 = vector.broadcast %max3A_377 : f32 to vector<16xf32>
        %max3A_379 = arith.maximumf %add3A_376, %max3A_378 : vector<16xf32>
        %swap3A_380 = arith.index_cast %scan3A_232 : i32 to index
        %swap3A_381 = arith.constant 96 : index
        %swap3A_382 = tpu.vector_load %arg19[%swap3A_380, %swap3A_381] {strides = array<i32>} : memref<40x128xf32, #tpu.memory_space<vmem>>, vector<1x16xf32>,
        %swap3A_383 = vector.shape_cast %swap3A_382 : vector<1x16xf32> to vector<16xf32>
        %swap3A_384 = vector.shape_cast %max3A_379 : vector<16xf32> to vector<1x16xf32>
        tpu.vector_store %arg19[%swap3A_380, %swap3A_381], %swap3A_384 {strides = array<i32>} : memref<40x128xf32, #tpu.memory_space<vmem>>, vector<1x16xf32>,
        %get3A_385 = arith.index_cast %scan3A_232 : i32 to index
        %get3A_386 = arith.constant 112 : index
        %get3A_387 = tpu.vector_load %arg17[%get3A_385, %get3A_386] {strides = array<i32>} : memref<40x128xf32, #tpu.memory_space<vmem>>, vector<1x16xf32>,
        %get3A_388 = vector.shape_cast %get3A_387 : vector<1x16xf32> to vector<16xf32>
        %get3A_389 = arith.index_cast %scan3A_232 : i32 to index
        %get3A_390 = arith.constant 112 : index
        %get3A_391 = tpu.vector_load %arg18[%get3A_389, %get3A_390] {strides = array<i32>} : memref<40x128xf32, #tpu.memory_space<vmem>>, vector<1x16xf32>,
        %get3A_392 = vector.shape_cast %get3A_391 : vector<1x16xf32> to vector<16xf32>
        %add3A_393 = arith.addf %get3A_388, %get3A_392 : vector<16xf32>
        %get3A_394 = arith.index_cast %scan3A_232 : i32 to index
        %get3A_395 = arith.constant 112 : index
        %get3A_396 = tpu.vector_load %arg19[%get3A_394, %get3A_395] {strides = array<i32>} : memref<40x128xf32, #tpu.memory_space<vmem>>, vector<1x16xf32>,
        %get3A_397 = vector.shape_cast %get3A_396 : vector<1x16xf32> to vector<16xf32>
        %add3A_398 = arith.addf %add3A_393, %get3A_397 : vector<16xf32>
        %max3A_399 = arith.constant 0.000000e+00 : f32
        %max3A_400 = vector.broadcast %max3A_399 : f32 to vector<16xf32>
        %max3A_401 = arith.maximumf %add3A_398, %max3A_400 : vector<16xf32>
        %swap3A_402 = arith.index_cast %scan3A_232 : i32 to index
        %swap3A_403 = arith.constant 112 : index
        %swap3A_404 = tpu.vector_load %arg19[%swap3A_402, %swap3A_403] {strides = array<i32>} : memref<40x128xf32, #tpu.memory_space<vmem>>, vector<1x16xf32>,
        %swap3A_405 = vector.shape_cast %swap3A_404 : vector<1x16xf32> to vector<16xf32>
        %swap3A_406 = vector.shape_cast %max3A_401 : vector<16xf32> to vector<1x16xf32>
        tpu.vector_store %arg19[%swap3A_402, %swap3A_403], %swap3A_406 {strides = array<i32>} : memref<40x128xf32, #tpu.memory_space<vmem>>, vector<1x16xf32>,
        %scan3A_407 = arith.constant 0 : i32
        scf.yield %scan3A_407 : i32
      }
      %scan3A_160 = arith.constant 40 : i32
      %dma_start3A_161 = arith.constant 0 : i32
      %dma_start3A_162 = arith.constant 0 : i32
      %dma_start3A_163 = tpu.memref_slice %arg23[%dma_start3A_161, %dma_start3A_162] : memref<10000x128xf32, #tpu.memory_space<vmem_shared>> -> memref<10000x128xf32, #tpu.memory_space<vmem_shared>>
      tpu.enqueue_indirect_dma source(%arg19 : memref<40x128xf32, #tpu.memory_space<vmem>>) target(%dma_start3A_163 : memref<10000x128xf32, #tpu.memory_space<vmem_shared>>) offsets(%arg10 : memref<40xi32, #tpu.memory_space<vmem>>) semaphore(%arg29 : memref<!tpu.dma_semaphore, #tpu.memory_space<semaphore_mem>>) {add = true}
      %ge3A_164 = arith.constant 1 : i32
      %ge3A_165 = arith.cmpi sge, %add3A_134, %ge3A_164 : i32
      %add3A_166 = arith.constant 2 : i32
      %add3A_167 = arith.addi %add3A_134, %add3A_166 : i32
      %lt3A_168 = arith.constant 250 : i32
      %lt3A_169 = arith.cmpi slt, %add3A_167, %lt3A_168 : i32
      %and3A_170 = arith.andi %ge3A_165, %lt3A_169 : i1
      %convert_element_type3A_171 = arith.extui %and3A_170 : i1 to i32
      %cond3A_172 = arith.constant 0 : i32
      %cond3A_173 = arith.cmpi ne, %convert_element_type3A_171, %cond3A_172 : i32
      scf.if %cond3A_173 {
        %dma_wait3A_232 = arith.constant 0 : i32
        %dma_wait3A_233 = arith.constant 0 : i32
        %dma_wait3A_234 = tpu.memref_slice %arg23[%dma_wait3A_232, %dma_wait3A_233] : memref<10000x128xf32, #tpu.memory_space<vmem_shared>> -> memref<10000x128xf32, #tpu.memory_space<vmem_shared>>
        tpu.wait_indirect_dma semaphore(%arg26 : memref<!tpu.dma_semaphore, #tpu.memory_space<semaphore_mem>>) src(%arg16 : memref<40x128xf32, #tpu.memory_space<vmem>>) dst(%dma_wait3A_234 : memref<10000x128xf32, #tpu.memory_space<vmem_shared>>)
      } else {
      }
      %add3A_174 = arith.constant 2 : i32
      %add3A_175 = arith.addi %add3A_134, %add3A_174 : i32
      %lt3A_176 = arith.constant 250 : i32
      %lt3A_177 = arith.cmpi slt, %add3A_175, %lt3A_176 : i32
      %convert_element_type3A_178 = arith.extui %lt3A_177 : i1 to i32
      %cond3A_179 = arith.constant 0 : i32
      %cond3A_180 = arith.cmpi ne, %convert_element_type3A_178, %cond3A_179 : i32
      scf.if %cond3A_180 {
        %add3A_232 = arith.constant 2 : i32
        %add3A_233 = arith.addi %add3A_134, %add3A_232 : i32
        %mul3A_234 = arith.constant 10000 : i32
        %mul3A_235 = arith.muli %add3A, %mul3A_234 : i32
        %mul3A_236 = arith.constant 40 : i32
        %mul3A_237 = arith.muli %add3A_233, %mul3A_236 : i32
        %add3A_238 = arith.addi %mul3A_235, %mul3A_237 : i32
        %dma_start3A_239 = tpu.memref_slice %arg5[%add3A_238] : memref<320000xi32, #tpu.memory_space<hbm>> -> memref<40xi32, #tpu.memory_space<hbm>>
        %dma_start3A_240 = tpu.memref_slice %arg5[%add3A_238] : memref<320000xi32, #tpu.memory_space<hbm>> -> memref<40xi32, #tpu.memory_space<hbm>>
        tpu.enqueue_dma source(%dma_start3A_240 : memref<40xi32, #tpu.memory_space<hbm>>) target(%arg8 : memref<40xi32, #tpu.memory_space<vmem>>) target_semaphore(%arg25 : memref<!tpu.dma_semaphore, #tpu.memory_space<semaphore_mem>>)
        %dma_start3A_241 = tpu.memref_slice %arg6[%add3A_238] : memref<320000xi32, #tpu.memory_space<hbm>> -> memref<40xi32, #tpu.memory_space<hbm>>
        %dma_start3A_242 = tpu.memref_slice %arg6[%add3A_238] : memref<320000xi32, #tpu.memory_space<hbm>> -> memref<40xi32, #tpu.memory_space<hbm>>
        tpu.enqueue_dma source(%dma_start3A_242 : memref<40xi32, #tpu.memory_space<hbm>>) target(%arg9 : memref<40xi32, #tpu.memory_space<vmem>>) target_semaphore(%arg25 : memref<!tpu.dma_semaphore, #tpu.memory_space<semaphore_mem>>)
      } else {
      }
      %mul3A_181 = arith.constant 3 : i32
      %mul3A_182 = arith.muli %mul3A_181, %scan3A_84 : i32
      %add3A_183 = arith.constant 2 : i32
      %add3A_184 = arith.addi %mul3A_182, %add3A_183 : i32
      %add3A_185 = arith.constant 1 : i32
      %add3A_186 = arith.addi %add3A_184, %add3A_185 : i32
      %lt3A_187 = arith.constant 250 : i32
      %lt3A_188 = arith.cmpi slt, %add3A_186, %lt3A_187 : i32
      %convert_element_type3A_189 = arith.extui %lt3A_188 : i1 to i32
      %cond3A_190 = arith.constant 0 : i32
      %cond3A_191 = arith.cmpi ne, %convert_element_type3A_189, %cond3A_190 : i32
      scf.if %cond3A_191 {
        %dma_wait3A_232 = arith.constant 0 : i32
        %dma_wait3A_233 = tpu.memref_slice %arg5[%dma_wait3A_232] : memref<320000xi32, #tpu.memory_space<hbm>> -> memref<40xi32, #tpu.memory_space<hbm>>
        %dma_wait3A_234 = arith.constant 0 : i32
        %dma_wait3A_235 = tpu.memref_slice %arg5[%dma_wait3A_234] : memref<320000xi32, #tpu.memory_space<hbm>> -> memref<40xi32, #tpu.memory_space<hbm>>
        tpu.wait_dma2 semaphore(%arg25 : memref<!tpu.dma_semaphore, #tpu.memory_space<semaphore_mem>>) src(%dma_wait3A_235 : memref<40xi32, #tpu.memory_space<hbm>>) dst(%arg8 : memref<40xi32, #tpu.memory_space<vmem>>)
        %dma_wait3A_236 = arith.constant 0 : i32
        %dma_wait3A_237 = tpu.memref_slice %arg6[%dma_wait3A_236] : memref<320000xi32, #tpu.memory_space<hbm>> -> memref<40xi32, #tpu.memory_space<hbm>>
        %dma_wait3A_238 = arith.constant 0 : i32
        %dma_wait3A_239 = tpu.memref_slice %arg6[%dma_wait3A_238] : memref<320000xi32, #tpu.memory_space<hbm>> -> memref<40xi32, #tpu.memory_space<hbm>>
        tpu.wait_dma2 semaphore(%arg25 : memref<!tpu.dma_semaphore, #tpu.memory_space<semaphore_mem>>) src(%dma_wait3A_239 : memref<40xi32, #tpu.memory_space<hbm>>) dst(%arg9 : memref<40xi32, #tpu.memory_space<vmem>>)
        %add3A_240 = arith.constant 1 : i32
        %add3A_241 = arith.addi %add3A_184, %add3A_240 : i32
        %mul3A_242 = arith.constant 10000 : i32
        %mul3A_243 = arith.muli %add3A, %mul3A_242 : i32
        %mul3A_244 = arith.constant 40 : i32
        %mul3A_245 = arith.muli %add3A_241, %mul3A_244 : i32
        %add3A_246 = arith.addi %mul3A_243, %mul3A_245 : i32
        %dma_start3A_247 = arith.constant 0 : i32
        %dma_start3A_248 = arith.constant 0 : i32
        %dma_start3A_249 = tpu.memref_slice %arg2[%dma_start3A_247, %dma_start3A_248] : memref<10000x128xf32, #tpu.memory_space<hbm>> -> memref<10000x128xf32, #tpu.memory_space<hbm>>
        tpu.enqueue_indirect_dma source(%dma_start3A_249 : memref<10000x128xf32, #tpu.memory_space<hbm>>) target(%arg14 : memref<40x128xf32, #tpu.memory_space<vmem>>) offsets(%arg8 : memref<40xi32, #tpu.memory_space<vmem>>) semaphore(%arg24 : memref<!tpu.dma_semaphore, #tpu.memory_space<semaphore_mem>>)
        %dma_start3A_250 = arith.constant 0 : i32
        %dma_start3A_251 = arith.constant 0 : i32
        %dma_start3A_252 = tpu.memref_slice %arg3[%dma_start3A_250, %dma_start3A_251] : memref<10000x128xf32, #tpu.memory_space<hbm>> -> memref<10000x128xf32, #tpu.memory_space<hbm>>
        tpu.enqueue_indirect_dma source(%dma_start3A_252 : memref<10000x128xf32, #tpu.memory_space<hbm>>) target(%arg15 : memref<40x128xf32, #tpu.memory_space<vmem>>) offsets(%arg9 : memref<40xi32, #tpu.memory_space<vmem>>) semaphore(%arg24 : memref<!tpu.dma_semaphore, #tpu.memory_space<semaphore_mem>>)
        %dma_start3A_253 = arith.constant 0 : i32
        %dma_start3A_254 = tpu.memref_slice %arg4[%add3A_246, %dma_start3A_253] : memref<320000x128xf32, #tpu.memory_space<hbm>> -> memref<40x128xf32, #tpu.memory_space<hbm>>
        %dma_start3A_255 = arith.constant 0 : i32
        %dma_start3A_256 = tpu.memref_slice %arg4[%add3A_246, %dma_start3A_255] : memref<320000x128xf32, #tpu.memory_space<hbm>> -> memref<40x128xf32, #tpu.memory_space<hbm>>
        tpu.enqueue_dma source(%dma_start3A_256 : memref<40x128xf32, #tpu.memory_space<hbm>>) target(%arg16 : memref<40x128xf32, #tpu.memory_space<vmem>>) target_semaphore(%arg24 : memref<!tpu.dma_semaphore, #tpu.memory_space<semaphore_mem>>)
      } else {
      }
      %dma_wait3A_192 = arith.constant 0 : i32
      %dma_wait3A_193 = arith.constant 0 : i32
      %dma_wait3A_194 = tpu.memref_slice %arg2[%dma_wait3A_192, %dma_wait3A_193] : memref<10000x128xf32, #tpu.memory_space<hbm>> -> memref<10000x128xf32, #tpu.memory_space<hbm>>
      tpu.wait_indirect_dma semaphore(%arg30 : memref<!tpu.dma_semaphore, #tpu.memory_space<semaphore_mem>>) src(%dma_wait3A_194 : memref<10000x128xf32, #tpu.memory_space<hbm>>) dst(%arg20 : memref<40x128xf32, #tpu.memory_space<vmem>>)
      %dma_wait3A_195 = arith.constant 0 : i32
      %dma_wait3A_196 = arith.constant 0 : i32
      %dma_wait3A_197 = tpu.memref_slice %arg3[%dma_wait3A_195, %dma_wait3A_196] : memref<10000x128xf32, #tpu.memory_space<hbm>> -> memref<10000x128xf32, #tpu.memory_space<hbm>>
      tpu.wait_indirect_dma semaphore(%arg30 : memref<!tpu.dma_semaphore, #tpu.memory_space<semaphore_mem>>) src(%dma_wait3A_197 : memref<10000x128xf32, #tpu.memory_space<hbm>>) dst(%arg21 : memref<40x128xf32, #tpu.memory_space<vmem>>)
      %dma_wait3A_198 = arith.constant 0 : i32
      %dma_wait3A_199 = arith.constant 0 : i32
      %dma_wait3A_200 = tpu.memref_slice %arg4[%dma_wait3A_198, %dma_wait3A_199] : memref<320000x128xf32, #tpu.memory_space<hbm>> -> memref<40x128xf32, #tpu.memory_space<hbm>>
      %dma_wait3A_201 = arith.constant 0 : i32
      %dma_wait3A_202 = arith.constant 0 : i32
      %dma_wait3A_203 = tpu.memref_slice %arg4[%dma_wait3A_201, %dma_wait3A_202] : memref<320000x128xf32, #tpu.memory_space<hbm>> -> memref<40x128xf32, #tpu.memory_space<hbm>>
      tpu.wait_dma2 semaphore(%arg30 : memref<!tpu.dma_semaphore, #tpu.memory_space<semaphore_mem>>) src(%dma_wait3A_203 : memref<40x128xf32, #tpu.memory_space<hbm>>) dst(%arg22 : memref<40x128xf32, #tpu.memory_space<vmem>>)
      %scan3A_204 = arith.constant 0 : i32
      %scan3A_205 = arith.constant 0 : i32
      %scan3A_206 = arith.constant 40 : i32
      %scan3A_207 = arith.addi %scan3A_205, %scan3A_206 : i32
      %scan3A_208 = arith.constant 1 : i32
      %scan3A_209 = scf.for %scan3A_232 = %scan3A_205 to %scan3A_207 step %scan3A_208 iter_args(%scan3A_233 = %scan3A_204) -> (i32)  : i32 {
        %get3A = arith.index_cast %scan3A_232 : i32 to index
        %get3A_234 = arith.constant 0 : index
        %get3A_235 = tpu.vector_load %arg20[%get3A, %get3A_234] {strides = array<i32>} : memref<40x128xf32, #tpu.memory_space<vmem>>, vector<1x16xf32>,
        %get3A_236 = vector.shape_cast %get3A_235 : vector<1x16xf32> to vector<16xf32>
        %get3A_237 = arith.index_cast %scan3A_232 : i32 to index
        %get3A_238 = arith.constant 0 : index
        %get3A_239 = tpu.vector_load %arg21[%get3A_237, %get3A_238] {strides = array<i32>} : memref<40x128xf32, #tpu.memory_space<vmem>>, vector<1x16xf32>,
        %get3A_240 = vector.shape_cast %get3A_239 : vector<1x16xf32> to vector<16xf32>
        %add3A_241 = arith.addf %get3A_236, %get3A_240 : vector<16xf32>
        %get3A_242 = arith.index_cast %scan3A_232 : i32 to index
        %get3A_243 = arith.constant 0 : index
        %get3A_244 = tpu.vector_load %arg22[%get3A_242, %get3A_243] {strides = array<i32>} : memref<40x128xf32, #tpu.memory_space<vmem>>, vector<1x16xf32>,
        %get3A_245 = vector.shape_cast %get3A_244 : vector<1x16xf32> to vector<16xf32>
        %add3A_246 = arith.addf %add3A_241, %get3A_245 : vector<16xf32>
        %max3A = arith.constant 0.000000e+00 : f32
        %max3A_247 = vector.broadcast %max3A : f32 to vector<16xf32>
        %max3A_248 = arith.maximumf %add3A_246, %max3A_247 : vector<16xf32>
        %swap3A = arith.index_cast %scan3A_232 : i32 to index
        %swap3A_249 = arith.constant 0 : index
        %swap3A_250 = tpu.vector_load %arg22[%swap3A, %swap3A_249] {strides = array<i32>} : memref<40x128xf32, #tpu.memory_space<vmem>>, vector<1x16xf32>,
        %swap3A_251 = vector.shape_cast %swap3A_250 : vector<1x16xf32> to vector<16xf32>
        %swap3A_252 = vector.shape_cast %max3A_248 : vector<16xf32> to vector<1x16xf32>
        tpu.vector_store %arg22[%swap3A, %swap3A_249], %swap3A_252 {strides = array<i32>} : memref<40x128xf32, #tpu.memory_space<vmem>>, vector<1x16xf32>,
        %get3A_253 = arith.index_cast %scan3A_232 : i32 to index
        %get3A_254 = arith.constant 16 : index
        %get3A_255 = tpu.vector_load %arg20[%get3A_253, %get3A_254] {strides = array<i32>} : memref<40x128xf32, #tpu.memory_space<vmem>>, vector<1x16xf32>,
        %get3A_256 = vector.shape_cast %get3A_255 : vector<1x16xf32> to vector<16xf32>
        %get3A_257 = arith.index_cast %scan3A_232 : i32 to index
        %get3A_258 = arith.constant 16 : index
        %get3A_259 = tpu.vector_load %arg21[%get3A_257, %get3A_258] {strides = array<i32>} : memref<40x128xf32, #tpu.memory_space<vmem>>, vector<1x16xf32>,
        %get3A_260 = vector.shape_cast %get3A_259 : vector<1x16xf32> to vector<16xf32>
        %add3A_261 = arith.addf %get3A_256, %get3A_260 : vector<16xf32>
        %get3A_262 = arith.index_cast %scan3A_232 : i32 to index
        %get3A_263 = arith.constant 16 : index
        %get3A_264 = tpu.vector_load %arg22[%get3A_262, %get3A_263] {strides = array<i32>} : memref<40x128xf32, #tpu.memory_space<vmem>>, vector<1x16xf32>,
        %get3A_265 = vector.shape_cast %get3A_264 : vector<1x16xf32> to vector<16xf32>
        %add3A_266 = arith.addf %add3A_261, %get3A_265 : vector<16xf32>
        %max3A_267 = arith.constant 0.000000e+00 : f32
        %max3A_268 = vector.broadcast %max3A_267 : f32 to vector<16xf32>
        %max3A_269 = arith.maximumf %add3A_266, %max3A_268 : vector<16xf32>
        %swap3A_270 = arith.index_cast %scan3A_232 : i32 to index
        %swap3A_271 = arith.constant 16 : index
        %swap3A_272 = tpu.vector_load %arg22[%swap3A_270, %swap3A_271] {strides = array<i32>} : memref<40x128xf32, #tpu.memory_space<vmem>>, vector<1x16xf32>,
        %swap3A_273 = vector.shape_cast %swap3A_272 : vector<1x16xf32> to vector<16xf32>
        %swap3A_274 = vector.shape_cast %max3A_269 : vector<16xf32> to vector<1x16xf32>
        tpu.vector_store %arg22[%swap3A_270, %swap3A_271], %swap3A_274 {strides = array<i32>} : memref<40x128xf32, #tpu.memory_space<vmem>>, vector<1x16xf32>,
        %get3A_275 = arith.index_cast %scan3A_232 : i32 to index
        %get3A_276 = arith.constant 32 : index
        %get3A_277 = tpu.vector_load %arg20[%get3A_275, %get3A_276] {strides = array<i32>} : memref<40x128xf32, #tpu.memory_space<vmem>>, vector<1x16xf32>,
        %get3A_278 = vector.shape_cast %get3A_277 : vector<1x16xf32> to vector<16xf32>
        %get3A_279 = arith.index_cast %scan3A_232 : i32 to index
        %get3A_280 = arith.constant 32 : index
        %get3A_281 = tpu.vector_load %arg21[%get3A_279, %get3A_280] {strides = array<i32>} : memref<40x128xf32, #tpu.memory_space<vmem>>, vector<1x16xf32>,
        %get3A_282 = vector.shape_cast %get3A_281 : vector<1x16xf32> to vector<16xf32>
        %add3A_283 = arith.addf %get3A_278, %get3A_282 : vector<16xf32>
        %get3A_284 = arith.index_cast %scan3A_232 : i32 to index
        %get3A_285 = arith.constant 32 : index
        %get3A_286 = tpu.vector_load %arg22[%get3A_284, %get3A_285] {strides = array<i32>} : memref<40x128xf32, #tpu.memory_space<vmem>>, vector<1x16xf32>,
        %get3A_287 = vector.shape_cast %get3A_286 : vector<1x16xf32> to vector<16xf32>
        %add3A_288 = arith.addf %add3A_283, %get3A_287 : vector<16xf32>
        %max3A_289 = arith.constant 0.000000e+00 : f32
        %max3A_290 = vector.broadcast %max3A_289 : f32 to vector<16xf32>
        %max3A_291 = arith.maximumf %add3A_288, %max3A_290 : vector<16xf32>
        %swap3A_292 = arith.index_cast %scan3A_232 : i32 to index
        %swap3A_293 = arith.constant 32 : index
        %swap3A_294 = tpu.vector_load %arg22[%swap3A_292, %swap3A_293] {strides = array<i32>} : memref<40x128xf32, #tpu.memory_space<vmem>>, vector<1x16xf32>,
        %swap3A_295 = vector.shape_cast %swap3A_294 : vector<1x16xf32> to vector<16xf32>
        %swap3A_296 = vector.shape_cast %max3A_291 : vector<16xf32> to vector<1x16xf32>
        tpu.vector_store %arg22[%swap3A_292, %swap3A_293], %swap3A_296 {strides = array<i32>} : memref<40x128xf32, #tpu.memory_space<vmem>>, vector<1x16xf32>,
        %get3A_297 = arith.index_cast %scan3A_232 : i32 to index
        %get3A_298 = arith.constant 48 : index
        %get3A_299 = tpu.vector_load %arg20[%get3A_297, %get3A_298] {strides = array<i32>} : memref<40x128xf32, #tpu.memory_space<vmem>>, vector<1x16xf32>,
        %get3A_300 = vector.shape_cast %get3A_299 : vector<1x16xf32> to vector<16xf32>
        %get3A_301 = arith.index_cast %scan3A_232 : i32 to index
        %get3A_302 = arith.constant 48 : index
        %get3A_303 = tpu.vector_load %arg21[%get3A_301, %get3A_302] {strides = array<i32>} : memref<40x128xf32, #tpu.memory_space<vmem>>, vector<1x16xf32>,
        %get3A_304 = vector.shape_cast %get3A_303 : vector<1x16xf32> to vector<16xf32>
        %add3A_305 = arith.addf %get3A_300, %get3A_304 : vector<16xf32>
        %get3A_306 = arith.index_cast %scan3A_232 : i32 to index
        %get3A_307 = arith.constant 48 : index
        %get3A_308 = tpu.vector_load %arg22[%get3A_306, %get3A_307] {strides = array<i32>} : memref<40x128xf32, #tpu.memory_space<vmem>>, vector<1x16xf32>,
        %get3A_309 = vector.shape_cast %get3A_308 : vector<1x16xf32> to vector<16xf32>
        %add3A_310 = arith.addf %add3A_305, %get3A_309 : vector<16xf32>
        %max3A_311 = arith.constant 0.000000e+00 : f32
        %max3A_312 = vector.broadcast %max3A_311 : f32 to vector<16xf32>
        %max3A_313 = arith.maximumf %add3A_310, %max3A_312 : vector<16xf32>
        %swap3A_314 = arith.index_cast %scan3A_232 : i32 to index
        %swap3A_315 = arith.constant 48 : index
        %swap3A_316 = tpu.vector_load %arg22[%swap3A_314, %swap3A_315] {strides = array<i32>} : memref<40x128xf32, #tpu.memory_space<vmem>>, vector<1x16xf32>,
        %swap3A_317 = vector.shape_cast %swap3A_316 : vector<1x16xf32> to vector<16xf32>
        %swap3A_318 = vector.shape_cast %max3A_313 : vector<16xf32> to vector<1x16xf32>
        tpu.vector_store %arg22[%swap3A_314, %swap3A_315], %swap3A_318 {strides = array<i32>} : memref<40x128xf32, #tpu.memory_space<vmem>>, vector<1x16xf32>,
        %get3A_319 = arith.index_cast %scan3A_232 : i32 to index
        %get3A_320 = arith.constant 64 : index
        %get3A_321 = tpu.vector_load %arg20[%get3A_319, %get3A_320] {strides = array<i32>} : memref<40x128xf32, #tpu.memory_space<vmem>>, vector<1x16xf32>,
        %get3A_322 = vector.shape_cast %get3A_321 : vector<1x16xf32> to vector<16xf32>
        %get3A_323 = arith.index_cast %scan3A_232 : i32 to index
        %get3A_324 = arith.constant 64 : index
        %get3A_325 = tpu.vector_load %arg21[%get3A_323, %get3A_324] {strides = array<i32>} : memref<40x128xf32, #tpu.memory_space<vmem>>, vector<1x16xf32>,
        %get3A_326 = vector.shape_cast %get3A_325 : vector<1x16xf32> to vector<16xf32>
        %add3A_327 = arith.addf %get3A_322, %get3A_326 : vector<16xf32>
        %get3A_328 = arith.index_cast %scan3A_232 : i32 to index
        %get3A_329 = arith.constant 64 : index
        %get3A_330 = tpu.vector_load %arg22[%get3A_328, %get3A_329] {strides = array<i32>} : memref<40x128xf32, #tpu.memory_space<vmem>>, vector<1x16xf32>,
        %get3A_331 = vector.shape_cast %get3A_330 : vector<1x16xf32> to vector<16xf32>
        %add3A_332 = arith.addf %add3A_327, %get3A_331 : vector<16xf32>
        %max3A_333 = arith.constant 0.000000e+00 : f32
        %max3A_334 = vector.broadcast %max3A_333 : f32 to vector<16xf32>
        %max3A_335 = arith.maximumf %add3A_332, %max3A_334 : vector<16xf32>
        %swap3A_336 = arith.index_cast %scan3A_232 : i32 to index
        %swap3A_337 = arith.constant 64 : index
        %swap3A_338 = tpu.vector_load %arg22[%swap3A_336, %swap3A_337] {strides = array<i32>} : memref<40x128xf32, #tpu.memory_space<vmem>>, vector<1x16xf32>,
        %swap3A_339 = vector.shape_cast %swap3A_338 : vector<1x16xf32> to vector<16xf32>
        %swap3A_340 = vector.shape_cast %max3A_335 : vector<16xf32> to vector<1x16xf32>
        tpu.vector_store %arg22[%swap3A_336, %swap3A_337], %swap3A_340 {strides = array<i32>} : memref<40x128xf32, #tpu.memory_space<vmem>>, vector<1x16xf32>,
        %get3A_341 = arith.index_cast %scan3A_232 : i32 to index
        %get3A_342 = arith.constant 80 : index
        %get3A_343 = tpu.vector_load %arg20[%get3A_341, %get3A_342] {strides = array<i32>} : memref<40x128xf32, #tpu.memory_space<vmem>>, vector<1x16xf32>,
        %get3A_344 = vector.shape_cast %get3A_343 : vector<1x16xf32> to vector<16xf32>
        %get3A_345 = arith.index_cast %scan3A_232 : i32 to index
        %get3A_346 = arith.constant 80 : index
        %get3A_347 = tpu.vector_load %arg21[%get3A_345, %get3A_346] {strides = array<i32>} : memref<40x128xf32, #tpu.memory_space<vmem>>, vector<1x16xf32>,
        %get3A_348 = vector.shape_cast %get3A_347 : vector<1x16xf32> to vector<16xf32>
        %add3A_349 = arith.addf %get3A_344, %get3A_348 : vector<16xf32>
        %get3A_350 = arith.index_cast %scan3A_232 : i32 to index
        %get3A_351 = arith.constant 80 : index
        %get3A_352 = tpu.vector_load %arg22[%get3A_350, %get3A_351] {strides = array<i32>} : memref<40x128xf32, #tpu.memory_space<vmem>>, vector<1x16xf32>,
        %get3A_353 = vector.shape_cast %get3A_352 : vector<1x16xf32> to vector<16xf32>
        %add3A_354 = arith.addf %add3A_349, %get3A_353 : vector<16xf32>
        %max3A_355 = arith.constant 0.000000e+00 : f32
        %max3A_356 = vector.broadcast %max3A_355 : f32 to vector<16xf32>
        %max3A_357 = arith.maximumf %add3A_354, %max3A_356 : vector<16xf32>
        %swap3A_358 = arith.index_cast %scan3A_232 : i32 to index
        %swap3A_359 = arith.constant 80 : index
        %swap3A_360 = tpu.vector_load %arg22[%swap3A_358, %swap3A_359] {strides = array<i32>} : memref<40x128xf32, #tpu.memory_space<vmem>>, vector<1x16xf32>,
        %swap3A_361 = vector.shape_cast %swap3A_360 : vector<1x16xf32> to vector<16xf32>
        %swap3A_362 = vector.shape_cast %max3A_357 : vector<16xf32> to vector<1x16xf32>
        tpu.vector_store %arg22[%swap3A_358, %swap3A_359], %swap3A_362 {strides = array<i32>} : memref<40x128xf32, #tpu.memory_space<vmem>>, vector<1x16xf32>,
        %get3A_363 = arith.index_cast %scan3A_232 : i32 to index
        %get3A_364 = arith.constant 96 : index
        %get3A_365 = tpu.vector_load %arg20[%get3A_363, %get3A_364] {strides = array<i32>} : memref<40x128xf32, #tpu.memory_space<vmem>>, vector<1x16xf32>,
        %get3A_366 = vector.shape_cast %get3A_365 : vector<1x16xf32> to vector<16xf32>
        %get3A_367 = arith.index_cast %scan3A_232 : i32 to index
        %get3A_368 = arith.constant 96 : index
        %get3A_369 = tpu.vector_load %arg21[%get3A_367, %get3A_368] {strides = array<i32>} : memref<40x128xf32, #tpu.memory_space<vmem>>, vector<1x16xf32>,
        %get3A_370 = vector.shape_cast %get3A_369 : vector<1x16xf32> to vector<16xf32>
        %add3A_371 = arith.addf %get3A_366, %get3A_370 : vector<16xf32>
        %get3A_372 = arith.index_cast %scan3A_232 : i32 to index
        %get3A_373 = arith.constant 96 : index
        %get3A_374 = tpu.vector_load %arg22[%get3A_372, %get3A_373] {strides = array<i32>} : memref<40x128xf32, #tpu.memory_space<vmem>>, vector<1x16xf32>,
        %get3A_375 = vector.shape_cast %get3A_374 : vector<1x16xf32> to vector<16xf32>
        %add3A_376 = arith.addf %add3A_371, %get3A_375 : vector<16xf32>
        %max3A_377 = arith.constant 0.000000e+00 : f32
        %max3A_378 = vector.broadcast %max3A_377 : f32 to vector<16xf32>
        %max3A_379 = arith.maximumf %add3A_376, %max3A_378 : vector<16xf32>
        %swap3A_380 = arith.index_cast %scan3A_232 : i32 to index
        %swap3A_381 = arith.constant 96 : index
        %swap3A_382 = tpu.vector_load %arg22[%swap3A_380, %swap3A_381] {strides = array<i32>} : memref<40x128xf32, #tpu.memory_space<vmem>>, vector<1x16xf32>,
        %swap3A_383 = vector.shape_cast %swap3A_382 : vector<1x16xf32> to vector<16xf32>
        %swap3A_384 = vector.shape_cast %max3A_379 : vector<16xf32> to vector<1x16xf32>
        tpu.vector_store %arg22[%swap3A_380, %swap3A_381], %swap3A_384 {strides = array<i32>} : memref<40x128xf32, #tpu.memory_space<vmem>>, vector<1x16xf32>,
        %get3A_385 = arith.index_cast %scan3A_232 : i32 to index
        %get3A_386 = arith.constant 112 : index
        %get3A_387 = tpu.vector_load %arg20[%get3A_385, %get3A_386] {strides = array<i32>} : memref<40x128xf32, #tpu.memory_space<vmem>>, vector<1x16xf32>,
        %get3A_388 = vector.shape_cast %get3A_387 : vector<1x16xf32> to vector<16xf32>
        %get3A_389 = arith.index_cast %scan3A_232 : i32 to index
        %get3A_390 = arith.constant 112 : index
        %get3A_391 = tpu.vector_load %arg21[%get3A_389, %get3A_390] {strides = array<i32>} : memref<40x128xf32, #tpu.memory_space<vmem>>, vector<1x16xf32>,
        %get3A_392 = vector.shape_cast %get3A_391 : vector<1x16xf32> to vector<16xf32>
        %add3A_393 = arith.addf %get3A_388, %get3A_392 : vector<16xf32>
        %get3A_394 = arith.index_cast %scan3A_232 : i32 to index
        %get3A_395 = arith.constant 112 : index
        %get3A_396 = tpu.vector_load %arg22[%get3A_394, %get3A_395] {strides = array<i32>} : memref<40x128xf32, #tpu.memory_space<vmem>>, vector<1x16xf32>,
        %get3A_397 = vector.shape_cast %get3A_396 : vector<1x16xf32> to vector<16xf32>
        %add3A_398 = arith.addf %add3A_393, %get3A_397 : vector<16xf32>
        %max3A_399 = arith.constant 0.000000e+00 : f32
        %max3A_400 = vector.broadcast %max3A_399 : f32 to vector<16xf32>
        %max3A_401 = arith.maximumf %add3A_398, %max3A_400 : vector<16xf32>
        %swap3A_402 = arith.index_cast %scan3A_232 : i32 to index
        %swap3A_403 = arith.constant 112 : index
        %swap3A_404 = tpu.vector_load %arg22[%swap3A_402, %swap3A_403] {strides = array<i32>} : memref<40x128xf32, #tpu.memory_space<vmem>>, vector<1x16xf32>,
        %swap3A_405 = vector.shape_cast %swap3A_404 : vector<1x16xf32> to vector<16xf32>
        %swap3A_406 = vector.shape_cast %max3A_401 : vector<16xf32> to vector<1x16xf32>
        tpu.vector_store %arg22[%swap3A_402, %swap3A_403], %swap3A_406 {strides = array<i32>} : memref<40x128xf32, #tpu.memory_space<vmem>>, vector<1x16xf32>,
        %scan3A_407 = arith.constant 0 : i32
        scf.yield %scan3A_407 : i32
      }
      %scan3A_210 = arith.constant 40 : i32
      %dma_start3A_211 = arith.constant 0 : i32
      %dma_start3A_212 = arith.constant 0 : i32
      %dma_start3A_213 = tpu.memref_slice %arg23[%dma_start3A_211, %dma_start3A_212] : memref<10000x128xf32, #tpu.memory_space<vmem_shared>> -> memref<10000x128xf32, #tpu.memory_space<vmem_shared>>
      tpu.enqueue_indirect_dma source(%arg22 : memref<40x128xf32, #tpu.memory_space<vmem>>) target(%dma_start3A_213 : memref<10000x128xf32, #tpu.memory_space<vmem_shared>>) offsets(%arg12 : memref<40xi32, #tpu.memory_space<vmem>>) semaphore(%arg32 : memref<!tpu.dma_semaphore, #tpu.memory_space<semaphore_mem>>) {add = true}
      %ge3A_214 = arith.constant 1 : i32
      %ge3A_215 = arith.cmpi sge, %add3A_184, %ge3A_214 : i32
      %add3A_216 = arith.constant 2 : i32
      %add3A_217 = arith.addi %add3A_184, %add3A_216 : i32
      %lt3A_218 = arith.constant 250 : i32
      %lt3A_219 = arith.cmpi slt, %add3A_217, %lt3A_218 : i32
      %and3A_220 = arith.andi %ge3A_215, %lt3A_219 : i1
      %convert_element_type3A_221 = arith.extui %and3A_220 : i1 to i32
      %cond3A_222 = arith.constant 0 : i32
      %cond3A_223 = arith.cmpi ne, %convert_element_type3A_221, %cond3A_222 : i32
      scf.if %cond3A_223 {
        %dma_wait3A_232 = arith.constant 0 : i32
        %dma_wait3A_233 = arith.constant 0 : i32
        %dma_wait3A_234 = tpu.memref_slice %arg23[%dma_wait3A_232, %dma_wait3A_233] : memref<10000x128xf32, #tpu.memory_space<vmem_shared>> -> memref<10000x128xf32, #tpu.memory_space<vmem_shared>>
        tpu.wait_indirect_dma semaphore(%arg29 : memref<!tpu.dma_semaphore, #tpu.memory_space<semaphore_mem>>) src(%arg19 : memref<40x128xf32, #tpu.memory_space<vmem>>) dst(%dma_wait3A_234 : memref<10000x128xf32, #tpu.memory_space<vmem_shared>>)
      } else {
      }
      %add3A_224 = arith.constant 2 : i32
      %add3A_225 = arith.addi %add3A_184, %add3A_224 : i32
      %lt3A_226 = arith.constant 250 : i32
      %lt3A_227 = arith.cmpi slt, %add3A_225, %lt3A_226 : i32
      %convert_element_type3A_228 = arith.extui %lt3A_227 : i1 to i32
      %cond3A_229 = arith.constant 0 : i32
      %cond3A_230 = arith.cmpi ne, %convert_element_type3A_228, %cond3A_229 : i32
      scf.if %cond3A_230 {
        %add3A_232 = arith.constant 2 : i32
        %add3A_233 = arith.addi %add3A_184, %add3A_232 : i32
        %mul3A_234 = arith.constant 10000 : i32
        %mul3A_235 = arith.muli %add3A, %mul3A_234 : i32
        %mul3A_236 = arith.constant 40 : i32
        %mul3A_237 = arith.muli %add3A_233, %mul3A_236 : i32
        %add3A_238 = arith.addi %mul3A_235, %mul3A_237 : i32
        %dma_start3A_239 = tpu.memref_slice %arg5[%add3A_238] : memref<320000xi32, #tpu.memory_space<hbm>> -> memref<40xi32, #tpu.memory_space<hbm>>
        %dma_start3A_240 = tpu.memref_slice %arg5[%add3A_238] : memref<320000xi32, #tpu.memory_space<hbm>> -> memref<40xi32, #tpu.memory_space<hbm>>
        tpu.enqueue_dma source(%dma_start3A_240 : memref<40xi32, #tpu.memory_space<hbm>>) target(%arg10 : memref<40xi32, #tpu.memory_space<vmem>>) target_semaphore(%arg28 : memref<!tpu.dma_semaphore, #tpu.memory_space<semaphore_mem>>)
        %dma_start3A_241 = tpu.memref_slice %arg6[%add3A_238] : memref<320000xi32, #tpu.memory_space<hbm>> -> memref<40xi32, #tpu.memory_space<hbm>>
        %dma_start3A_242 = tpu.memref_slice %arg6[%add3A_238] : memref<320000xi32, #tpu.memory_space<hbm>> -> memref<40xi32, #tpu.memory_space<hbm>>
        tpu.enqueue_dma source(%dma_start3A_242 : memref<40xi32, #tpu.memory_space<hbm>>) target(%arg11 : memref<40xi32, #tpu.memory_space<vmem>>) target_semaphore(%arg28 : memref<!tpu.dma_semaphore, #tpu.memory_space<semaphore_mem>>)
      } else {
      }
      %scan3A_231 = arith.constant 0 : i32
      scf.yield %scan3A_231 : i32
    }
    %scan3A_45 = arith.constant 83 : i32
    %dma_wait3A = arith.constant 0 : i32
    %dma_wait3A_46 = arith.constant 0 : i32
    %dma_wait3A_47 = tpu.memref_slice %arg2[%dma_wait3A, %dma_wait3A_46] : memref<10000x128xf32, #tpu.memory_space<hbm>> -> memref<10000x128xf32, #tpu.memory_space<hbm>>
    tpu.wait_indirect_dma semaphore(%arg24 : memref<!tpu.dma_semaphore, #tpu.memory_space<semaphore_mem>>) src(%dma_wait3A_47 : memref<10000x128xf32, #tpu.memory_space<hbm>>) dst(%arg14 : memref<40x128xf32, #tpu.memory_space<vmem>>)
    %dma_wait3A_48 = arith.constant 0 : i32
    %dma_wait3A_49 = arith.constant 0 : i32
    %dma_wait3A_50 = tpu.memref_slice %arg3[%dma_wait3A_48, %dma_wait3A_49] : memref<10000x128xf32, #tpu.memory_space<hbm>> -> memref<10000x128xf32, #tpu.memory_space<hbm>>
    tpu.wait_indirect_dma semaphore(%arg24 : memref<!tpu.dma_semaphore, #tpu.memory_space<semaphore_mem>>) src(%dma_wait3A_50 : memref<10000x128xf32, #tpu.memory_space<hbm>>) dst(%arg15 : memref<40x128xf32, #tpu.memory_space<vmem>>)
    %dma_wait3A_51 = arith.constant 0 : i32
    %dma_wait3A_52 = arith.constant 0 : i32
    %dma_wait3A_53 = tpu.memref_slice %arg4[%dma_wait3A_51, %dma_wait3A_52] : memref<320000x128xf32, #tpu.memory_space<hbm>> -> memref<40x128xf32, #tpu.memory_space<hbm>>
    %dma_wait3A_54 = arith.constant 0 : i32
    %dma_wait3A_55 = arith.constant 0 : i32
    %dma_wait3A_56 = tpu.memref_slice %arg4[%dma_wait3A_54, %dma_wait3A_55] : memref<320000x128xf32, #tpu.memory_space<hbm>> -> memref<40x128xf32, #tpu.memory_space<hbm>>
    tpu.wait_dma2 semaphore(%arg24 : memref<!tpu.dma_semaphore, #tpu.memory_space<semaphore_mem>>) src(%dma_wait3A_56 : memref<40x128xf32, #tpu.memory_space<hbm>>) dst(%arg16 : memref<40x128xf32, #tpu.memory_space<vmem>>)
    %scan3A_57 = arith.constant 0 : i32
    %scan3A_58 = arith.constant 0 : i32
    %scan3A_59 = arith.constant 40 : i32
    %scan3A_60 = arith.addi %scan3A_58, %scan3A_59 : i32
    %scan3A_61 = arith.constant 1 : i32
    %scan3A_62 = scf.for %scan3A_84 = %scan3A_58 to %scan3A_60 step %scan3A_61 iter_args(%scan3A_85 = %scan3A_57) -> (i32)  : i32 {
      %get3A = arith.index_cast %scan3A_84 : i32 to index
      %get3A_86 = arith.constant 0 : index
      %get3A_87 = tpu.vector_load %arg14[%get3A, %get3A_86] {strides = array<i32>} : memref<40x128xf32, #tpu.memory_space<vmem>>, vector<1x16xf32>,
      %get3A_88 = vector.shape_cast %get3A_87 : vector<1x16xf32> to vector<16xf32>
      %get3A_89 = arith.index_cast %scan3A_84 : i32 to index
      %get3A_90 = arith.constant 0 : index
      %get3A_91 = tpu.vector_load %arg15[%get3A_89, %get3A_90] {strides = array<i32>} : memref<40x128xf32, #tpu.memory_space<vmem>>, vector<1x16xf32>,
      %get3A_92 = vector.shape_cast %get3A_91 : vector<1x16xf32> to vector<16xf32>
      %add3A_93 = arith.addf %get3A_88, %get3A_92 : vector<16xf32>
      %get3A_94 = arith.index_cast %scan3A_84 : i32 to index
      %get3A_95 = arith.constant 0 : index
      %get3A_96 = tpu.vector_load %arg16[%get3A_94, %get3A_95] {strides = array<i32>} : memref<40x128xf32, #tpu.memory_space<vmem>>, vector<1x16xf32>,
      %get3A_97 = vector.shape_cast %get3A_96 : vector<1x16xf32> to vector<16xf32>
      %add3A_98 = arith.addf %add3A_93, %get3A_97 : vector<16xf32>
      %max3A = arith.constant 0.000000e+00 : f32
      %max3A_99 = vector.broadcast %max3A : f32 to vector<16xf32>
      %max3A_100 = arith.maximumf %add3A_98, %max3A_99 : vector<16xf32>
      %swap3A = arith.index_cast %scan3A_84 : i32 to index
      %swap3A_101 = arith.constant 0 : index
      %swap3A_102 = tpu.vector_load %arg16[%swap3A, %swap3A_101] {strides = array<i32>} : memref<40x128xf32, #tpu.memory_space<vmem>>, vector<1x16xf32>,
      %swap3A_103 = vector.shape_cast %swap3A_102 : vector<1x16xf32> to vector<16xf32>
      %swap3A_104 = vector.shape_cast %max3A_100 : vector<16xf32> to vector<1x16xf32>
      tpu.vector_store %arg16[%swap3A, %swap3A_101], %swap3A_104 {strides = array<i32>} : memref<40x128xf32, #tpu.memory_space<vmem>>, vector<1x16xf32>,
      %get3A_105 = arith.index_cast %scan3A_84 : i32 to index
      %get3A_106 = arith.constant 16 : index
      %get3A_107 = tpu.vector_load %arg14[%get3A_105, %get3A_106] {strides = array<i32>} : memref<40x128xf32, #tpu.memory_space<vmem>>, vector<1x16xf32>,
      %get3A_108 = vector.shape_cast %get3A_107 : vector<1x16xf32> to vector<16xf32>
      %get3A_109 = arith.index_cast %scan3A_84 : i32 to index
      %get3A_110 = arith.constant 16 : index
      %get3A_111 = tpu.vector_load %arg15[%get3A_109, %get3A_110] {strides = array<i32>} : memref<40x128xf32, #tpu.memory_space<vmem>>, vector<1x16xf32>,
      %get3A_112 = vector.shape_cast %get3A_111 : vector<1x16xf32> to vector<16xf32>
      %add3A_113 = arith.addf %get3A_108, %get3A_112 : vector<16xf32>
      %get3A_114 = arith.index_cast %scan3A_84 : i32 to index
      %get3A_115 = arith.constant 16 : index
      %get3A_116 = tpu.vector_load %arg16[%get3A_114, %get3A_115] {strides = array<i32>} : memref<40x128xf32, #tpu.memory_space<vmem>>, vector<1x16xf32>,
      %get3A_117 = vector.shape_cast %get3A_116 : vector<1x16xf32> to vector<16xf32>
      %add3A_118 = arith.addf %add3A_113, %get3A_117 : vector<16xf32>
      %max3A_119 = arith.constant 0.000000e+00 : f32
      %max3A_120 = vector.broadcast %max3A_119 : f32 to vector<16xf32>
      %max3A_121 = arith.maximumf %add3A_118, %max3A_120 : vector<16xf32>
      %swap3A_122 = arith.index_cast %scan3A_84 : i32 to index
      %swap3A_123 = arith.constant 16 : index
      %swap3A_124 = tpu.vector_load %arg16[%swap3A_122, %swap3A_123] {strides = array<i32>} : memref<40x128xf32, #tpu.memory_space<vmem>>, vector<1x16xf32>,
      %swap3A_125 = vector.shape_cast %swap3A_124 : vector<1x16xf32> to vector<16xf32>
      %swap3A_126 = vector.shape_cast %max3A_121 : vector<16xf32> to vector<1x16xf32>
      tpu.vector_store %arg16[%swap3A_122, %swap3A_123], %swap3A_126 {strides = array<i32>} : memref<40x128xf32, #tpu.memory_space<vmem>>, vector<1x16xf32>,
      %get3A_127 = arith.index_cast %scan3A_84 : i32 to index
      %get3A_128 = arith.constant 32 : index
      %get3A_129 = tpu.vector_load %arg14[%get3A_127, %get3A_128] {strides = array<i32>} : memref<40x128xf32, #tpu.memory_space<vmem>>, vector<1x16xf32>,
      %get3A_130 = vector.shape_cast %get3A_129 : vector<1x16xf32> to vector<16xf32>
      %get3A_131 = arith.index_cast %scan3A_84 : i32 to index
      %get3A_132 = arith.constant 32 : index
      %get3A_133 = tpu.vector_load %arg15[%get3A_131, %get3A_132] {strides = array<i32>} : memref<40x128xf32, #tpu.memory_space<vmem>>, vector<1x16xf32>,
      %get3A_134 = vector.shape_cast %get3A_133 : vector<1x16xf32> to vector<16xf32>
      %add3A_135 = arith.addf %get3A_130, %get3A_134 : vector<16xf32>
      %get3A_136 = arith.index_cast %scan3A_84 : i32 to index
      %get3A_137 = arith.constant 32 : index
      %get3A_138 = tpu.vector_load %arg16[%get3A_136, %get3A_137] {strides = array<i32>} : memref<40x128xf32, #tpu.memory_space<vmem>>, vector<1x16xf32>,
      %get3A_139 = vector.shape_cast %get3A_138 : vector<1x16xf32> to vector<16xf32>
      %add3A_140 = arith.addf %add3A_135, %get3A_139 : vector<16xf32>
      %max3A_141 = arith.constant 0.000000e+00 : f32
      %max3A_142 = vector.broadcast %max3A_141 : f32 to vector<16xf32>
      %max3A_143 = arith.maximumf %add3A_140, %max3A_142 : vector<16xf32>
      %swap3A_144 = arith.index_cast %scan3A_84 : i32 to index
      %swap3A_145 = arith.constant 32 : index
      %swap3A_146 = tpu.vector_load %arg16[%swap3A_144, %swap3A_145] {strides = array<i32>} : memref<40x128xf32, #tpu.memory_space<vmem>>, vector<1x16xf32>,
      %swap3A_147 = vector.shape_cast %swap3A_146 : vector<1x16xf32> to vector<16xf32>
      %swap3A_148 = vector.shape_cast %max3A_143 : vector<16xf32> to vector<1x16xf32>
      tpu.vector_store %arg16[%swap3A_144, %swap3A_145], %swap3A_148 {strides = array<i32>} : memref<40x128xf32, #tpu.memory_space<vmem>>, vector<1x16xf32>,
      %get3A_149 = arith.index_cast %scan3A_84 : i32 to index
      %get3A_150 = arith.constant 48 : index
      %get3A_151 = tpu.vector_load %arg14[%get3A_149, %get3A_150] {strides = array<i32>} : memref<40x128xf32, #tpu.memory_space<vmem>>, vector<1x16xf32>,
      %get3A_152 = vector.shape_cast %get3A_151 : vector<1x16xf32> to vector<16xf32>
      %get3A_153 = arith.index_cast %scan3A_84 : i32 to index
      %get3A_154 = arith.constant 48 : index
      %get3A_155 = tpu.vector_load %arg15[%get3A_153, %get3A_154] {strides = array<i32>} : memref<40x128xf32, #tpu.memory_space<vmem>>, vector<1x16xf32>,
      %get3A_156 = vector.shape_cast %get3A_155 : vector<1x16xf32> to vector<16xf32>
      %add3A_157 = arith.addf %get3A_152, %get3A_156 : vector<16xf32>
      %get3A_158 = arith.index_cast %scan3A_84 : i32 to index
      %get3A_159 = arith.constant 48 : index
      %get3A_160 = tpu.vector_load %arg16[%get3A_158, %get3A_159] {strides = array<i32>} : memref<40x128xf32, #tpu.memory_space<vmem>>, vector<1x16xf32>,
      %get3A_161 = vector.shape_cast %get3A_160 : vector<1x16xf32> to vector<16xf32>
      %add3A_162 = arith.addf %add3A_157, %get3A_161 : vector<16xf32>
      %max3A_163 = arith.constant 0.000000e+00 : f32
      %max3A_164 = vector.broadcast %max3A_163 : f32 to vector<16xf32>
      %max3A_165 = arith.maximumf %add3A_162, %max3A_164 : vector<16xf32>
      %swap3A_166 = arith.index_cast %scan3A_84 : i32 to index
      %swap3A_167 = arith.constant 48 : index
      %swap3A_168 = tpu.vector_load %arg16[%swap3A_166, %swap3A_167] {strides = array<i32>} : memref<40x128xf32, #tpu.memory_space<vmem>>, vector<1x16xf32>,
      %swap3A_169 = vector.shape_cast %swap3A_168 : vector<1x16xf32> to vector<16xf32>
      %swap3A_170 = vector.shape_cast %max3A_165 : vector<16xf32> to vector<1x16xf32>
      tpu.vector_store %arg16[%swap3A_166, %swap3A_167], %swap3A_170 {strides = array<i32>} : memref<40x128xf32, #tpu.memory_space<vmem>>, vector<1x16xf32>,
      %get3A_171 = arith.index_cast %scan3A_84 : i32 to index
      %get3A_172 = arith.constant 64 : index
      %get3A_173 = tpu.vector_load %arg14[%get3A_171, %get3A_172] {strides = array<i32>} : memref<40x128xf32, #tpu.memory_space<vmem>>, vector<1x16xf32>,
      %get3A_174 = vector.shape_cast %get3A_173 : vector<1x16xf32> to vector<16xf32>
      %get3A_175 = arith.index_cast %scan3A_84 : i32 to index
      %get3A_176 = arith.constant 64 : index
      %get3A_177 = tpu.vector_load %arg15[%get3A_175, %get3A_176] {strides = array<i32>} : memref<40x128xf32, #tpu.memory_space<vmem>>, vector<1x16xf32>,
      %get3A_178 = vector.shape_cast %get3A_177 : vector<1x16xf32> to vector<16xf32>
      %add3A_179 = arith.addf %get3A_174, %get3A_178 : vector<16xf32>
      %get3A_180 = arith.index_cast %scan3A_84 : i32 to index
      %get3A_181 = arith.constant 64 : index
      %get3A_182 = tpu.vector_load %arg16[%get3A_180, %get3A_181] {strides = array<i32>} : memref<40x128xf32, #tpu.memory_space<vmem>>, vector<1x16xf32>,
      %get3A_183 = vector.shape_cast %get3A_182 : vector<1x16xf32> to vector<16xf32>
      %add3A_184 = arith.addf %add3A_179, %get3A_183 : vector<16xf32>
      %max3A_185 = arith.constant 0.000000e+00 : f32
      %max3A_186 = vector.broadcast %max3A_185 : f32 to vector<16xf32>
      %max3A_187 = arith.maximumf %add3A_184, %max3A_186 : vector<16xf32>
      %swap3A_188 = arith.index_cast %scan3A_84 : i32 to index
      %swap3A_189 = arith.constant 64 : index
      %swap3A_190 = tpu.vector_load %arg16[%swap3A_188, %swap3A_189] {strides = array<i32>} : memref<40x128xf32, #tpu.memory_space<vmem>>, vector<1x16xf32>,
      %swap3A_191 = vector.shape_cast %swap3A_190 : vector<1x16xf32> to vector<16xf32>
      %swap3A_192 = vector.shape_cast %max3A_187 : vector<16xf32> to vector<1x16xf32>
      tpu.vector_store %arg16[%swap3A_188, %swap3A_189], %swap3A_192 {strides = array<i32>} : memref<40x128xf32, #tpu.memory_space<vmem>>, vector<1x16xf32>,
      %get3A_193 = arith.index_cast %scan3A_84 : i32 to index
      %get3A_194 = arith.constant 80 : index
      %get3A_195 = tpu.vector_load %arg14[%get3A_193, %get3A_194] {strides = array<i32>} : memref<40x128xf32, #tpu.memory_space<vmem>>, vector<1x16xf32>,
      %get3A_196 = vector.shape_cast %get3A_195 : vector<1x16xf32> to vector<16xf32>
      %get3A_197 = arith.index_cast %scan3A_84 : i32 to index
      %get3A_198 = arith.constant 80 : index
      %get3A_199 = tpu.vector_load %arg15[%get3A_197, %get3A_198] {strides = array<i32>} : memref<40x128xf32, #tpu.memory_space<vmem>>, vector<1x16xf32>,
      %get3A_200 = vector.shape_cast %get3A_199 : vector<1x16xf32> to vector<16xf32>
      %add3A_201 = arith.addf %get3A_196, %get3A_200 : vector<16xf32>
      %get3A_202 = arith.index_cast %scan3A_84 : i32 to index
      %get3A_203 = arith.constant 80 : index
      %get3A_204 = tpu.vector_load %arg16[%get3A_202, %get3A_203] {strides = array<i32>} : memref<40x128xf32, #tpu.memory_space<vmem>>, vector<1x16xf32>,
      %get3A_205 = vector.shape_cast %get3A_204 : vector<1x16xf32> to vector<16xf32>
      %add3A_206 = arith.addf %add3A_201, %get3A_205 : vector<16xf32>
      %max3A_207 = arith.constant 0.000000e+00 : f32
      %max3A_208 = vector.broadcast %max3A_207 : f32 to vector<16xf32>
      %max3A_209 = arith.maximumf %add3A_206, %max3A_208 : vector<16xf32>
      %swap3A_210 = arith.index_cast %scan3A_84 : i32 to index
      %swap3A_211 = arith.constant 80 : index
      %swap3A_212 = tpu.vector_load %arg16[%swap3A_210, %swap3A_211] {strides = array<i32>} : memref<40x128xf32, #tpu.memory_space<vmem>>, vector<1x16xf32>,
      %swap3A_213 = vector.shape_cast %swap3A_212 : vector<1x16xf32> to vector<16xf32>
      %swap3A_214 = vector.shape_cast %max3A_209 : vector<16xf32> to vector<1x16xf32>
      tpu.vector_store %arg16[%swap3A_210, %swap3A_211], %swap3A_214 {strides = array<i32>} : memref<40x128xf32, #tpu.memory_space<vmem>>, vector<1x16xf32>,
      %get3A_215 = arith.index_cast %scan3A_84 : i32 to index
      %get3A_216 = arith.constant 96 : index
      %get3A_217 = tpu.vector_load %arg14[%get3A_215, %get3A_216] {strides = array<i32>} : memref<40x128xf32, #tpu.memory_space<vmem>>, vector<1x16xf32>,
      %get3A_218 = vector.shape_cast %get3A_217 : vector<1x16xf32> to vector<16xf32>
      %get3A_219 = arith.index_cast %scan3A_84 : i32 to index
      %get3A_220 = arith.constant 96 : index
      %get3A_221 = tpu.vector_load %arg15[%get3A_219, %get3A_220] {strides = array<i32>} : memref<40x128xf32, #tpu.memory_space<vmem>>, vector<1x16xf32>,
      %get3A_222 = vector.shape_cast %get3A_221 : vector<1x16xf32> to vector<16xf32>
      %add3A_223 = arith.addf %get3A_218, %get3A_222 : vector<16xf32>
      %get3A_224 = arith.index_cast %scan3A_84 : i32 to index
      %get3A_225 = arith.constant 96 : index
      %get3A_226 = tpu.vector_load %arg16[%get3A_224, %get3A_225] {strides = array<i32>} : memref<40x128xf32, #tpu.memory_space<vmem>>, vector<1x16xf32>,
      %get3A_227 = vector.shape_cast %get3A_226 : vector<1x16xf32> to vector<16xf32>
      %add3A_228 = arith.addf %add3A_223, %get3A_227 : vector<16xf32>
      %max3A_229 = arith.constant 0.000000e+00 : f32
      %max3A_230 = vector.broadcast %max3A_229 : f32 to vector<16xf32>
      %max3A_231 = arith.maximumf %add3A_228, %max3A_230 : vector<16xf32>
      %swap3A_232 = arith.index_cast %scan3A_84 : i32 to index
      %swap3A_233 = arith.constant 96 : index
      %swap3A_234 = tpu.vector_load %arg16[%swap3A_232, %swap3A_233] {strides = array<i32>} : memref<40x128xf32, #tpu.memory_space<vmem>>, vector<1x16xf32>,
      %swap3A_235 = vector.shape_cast %swap3A_234 : vector<1x16xf32> to vector<16xf32>
      %swap3A_236 = vector.shape_cast %max3A_231 : vector<16xf32> to vector<1x16xf32>
      tpu.vector_store %arg16[%swap3A_232, %swap3A_233], %swap3A_236 {strides = array<i32>} : memref<40x128xf32, #tpu.memory_space<vmem>>, vector<1x16xf32>,
      %get3A_237 = arith.index_cast %scan3A_84 : i32 to index
      %get3A_238 = arith.constant 112 : index
      %get3A_239 = tpu.vector_load %arg14[%get3A_237, %get3A_238] {strides = array<i32>} : memref<40x128xf32, #tpu.memory_space<vmem>>, vector<1x16xf32>,
      %get3A_240 = vector.shape_cast %get3A_239 : vector<1x16xf32> to vector<16xf32>
      %get3A_241 = arith.index_cast %scan3A_84 : i32 to index
      %get3A_242 = arith.constant 112 : index
      %get3A_243 = tpu.vector_load %arg15[%get3A_241, %get3A_242] {strides = array<i32>} : memref<40x128xf32, #tpu.memory_space<vmem>>, vector<1x16xf32>,
      %get3A_244 = vector.shape_cast %get3A_243 : vector<1x16xf32> to vector<16xf32>
      %add3A_245 = arith.addf %get3A_240, %get3A_244 : vector<16xf32>
      %get3A_246 = arith.index_cast %scan3A_84 : i32 to index
      %get3A_247 = arith.constant 112 : index
      %get3A_248 = tpu.vector_load %arg16[%get3A_246, %get3A_247] {strides = array<i32>} : memref<40x128xf32, #tpu.memory_space<vmem>>, vector<1x16xf32>,
      %get3A_249 = vector.shape_cast %get3A_248 : vector<1x16xf32> to vector<16xf32>
      %add3A_250 = arith.addf %add3A_245, %get3A_249 : vector<16xf32>
      %max3A_251 = arith.constant 0.000000e+00 : f32
      %max3A_252 = vector.broadcast %max3A_251 : f32 to vector<16xf32>
      %max3A_253 = arith.maximumf %add3A_250, %max3A_252 : vector<16xf32>
      %swap3A_254 = arith.index_cast %scan3A_84 : i32 to index
      %swap3A_255 = arith.constant 112 : index
      %swap3A_256 = tpu.vector_load %arg16[%swap3A_254, %swap3A_255] {strides = array<i32>} : memref<40x128xf32, #tpu.memory_space<vmem>>, vector<1x16xf32>,
      %swap3A_257 = vector.shape_cast %swap3A_256 : vector<1x16xf32> to vector<16xf32>
      %swap3A_258 = vector.shape_cast %max3A_253 : vector<16xf32> to vector<1x16xf32>
      tpu.vector_store %arg16[%swap3A_254, %swap3A_255], %swap3A_258 {strides = array<i32>} : memref<40x128xf32, #tpu.memory_space<vmem>>, vector<1x16xf32>,
      %scan3A_259 = arith.constant 0 : i32
      scf.yield %scan3A_259 : i32
    }
    %scan3A_63 = arith.constant 40 : i32
    %dma_start3A_64 = arith.constant 0 : i32
    %dma_start3A_65 = arith.constant 0 : i32
    %dma_start3A_66 = tpu.memref_slice %arg23[%dma_start3A_64, %dma_start3A_65] : memref<10000x128xf32, #tpu.memory_space<vmem_shared>> -> memref<10000x128xf32, #tpu.memory_space<vmem_shared>>
    tpu.enqueue_indirect_dma source(%arg16 : memref<40x128xf32, #tpu.memory_space<vmem>>) target(%dma_start3A_66 : memref<10000x128xf32, #tpu.memory_space<vmem_shared>>) offsets(%arg8 : memref<40xi32, #tpu.memory_space<vmem>>) semaphore(%arg26 : memref<!tpu.dma_semaphore, #tpu.memory_space<semaphore_mem>>) {add = true}
    %dma_wait3A_67 = arith.constant 0 : i32
    %dma_wait3A_68 = arith.constant 0 : i32
    %dma_wait3A_69 = tpu.memref_slice %arg23[%dma_wait3A_67, %dma_wait3A_68] : memref<10000x128xf32, #tpu.memory_space<vmem_shared>> -> memref<10000x128xf32, #tpu.memory_space<vmem_shared>>
    tpu.wait_indirect_dma semaphore(%arg29 : memref<!tpu.dma_semaphore, #tpu.memory_space<semaphore_mem>>) src(%arg19 : memref<40x128xf32, #tpu.memory_space<vmem>>) dst(%dma_wait3A_69 : memref<10000x128xf32, #tpu.memory_space<vmem_shared>>)
    %dma_wait3A_70 = arith.constant 0 : i32
    %dma_wait3A_71 = arith.constant 0 : i32
    %dma_wait3A_72 = tpu.memref_slice %arg23[%dma_wait3A_70, %dma_wait3A_71] : memref<10000x128xf32, #tpu.memory_space<vmem_shared>> -> memref<10000x128xf32, #tpu.memory_space<vmem_shared>>
    tpu.wait_indirect_dma semaphore(%arg32 : memref<!tpu.dma_semaphore, #tpu.memory_space<semaphore_mem>>) src(%arg22 : memref<40x128xf32, #tpu.memory_space<vmem>>) dst(%dma_wait3A_72 : memref<10000x128xf32, #tpu.memory_space<vmem_shared>>)
    %dma_wait3A_73 = arith.constant 0 : i32
    %dma_wait3A_74 = arith.constant 0 : i32
    %dma_wait3A_75 = tpu.memref_slice %arg23[%dma_wait3A_73, %dma_wait3A_74] : memref<10000x128xf32, #tpu.memory_space<vmem_shared>> -> memref<10000x128xf32, #tpu.memory_space<vmem_shared>>
    tpu.wait_indirect_dma semaphore(%arg26 : memref<!tpu.dma_semaphore, #tpu.memory_space<semaphore_mem>>) src(%arg16 : memref<40x128xf32, #tpu.memory_space<vmem>>) dst(%dma_wait3A_75 : memref<10000x128xf32, #tpu.memory_space<vmem_shared>>)
    %barrier3A_76 = arith.constant 0 : index
    tpu.barrier barrier_id(%barrier3A_76)
    %scan3A_77 = arith.constant 0 : i32
    %scan3A_78 = arith.constant 0 : i32
    %scan3A_79 = arith.constant 250 : i32
    %scan3A_80 = arith.addi %scan3A_78, %scan3A_79 : i32
    %scan3A_81 = arith.constant 1 : i32
    %scan3A_82 = scf.for %scan3A_84 = %scan3A_78 to %scan3A_80 step %scan3A_81 iter_args(%scan3A_85 = %scan3A_77) -> (i32)  : i32 {
      %jit3A = arith.constant 16 : i32
      %eq3A = arith.constant 0 : i32
      %eq3A_86 = arith.cmpi eq, %jit3A, %eq3A : i32
      %jit3A_87 = arith.constant 1 : i32
      %select_n3A = arith.select %eq3A_86, %jit3A_87, %jit3A : i32
      %rem3A = arith.remsi %scan3A_84, %select_n3A : i32
      %ne3A = arith.constant 0 : i32
      %ne3A_88 = arith.cmpi ne, %rem3A, %ne3A : i32
      %lt3A = arith.constant 0 : i32
      %lt3A_89 = arith.cmpi slt, %rem3A, %lt3A : i32
      %lt3A_90 = arith.constant 0 : i32
      %lt3A_91 = arith.cmpi slt, %select_n3A, %lt3A_90 : i32
      %ne3A_92 = arith.xori %lt3A_89, %lt3A_91 : i1
      %and3A = arith.andi %ne3A_92, %ne3A_88 : i1
      %add3A_93 = arith.addi %rem3A, %select_n3A : i32
      %select_n3A_94 = arith.select %and3A, %add3A_93, %rem3A : i32
      %eq3A_95 = arith.cmpi eq, %select_n3A_94, %arg1 : i32
      %convert_element_type3A = arith.extui %eq3A_95 : i1 to i32
      %cond3A = arith.constant 0 : i32
      %cond3A_96 = arith.cmpi ne, %convert_element_type3A, %cond3A : i32
      scf.if %cond3A_96 {
        %mul3A_98 = arith.constant 40 : i32
        %mul3A_99 = arith.muli %scan3A_84, %mul3A_98 : i32
        "tpu.region"() ({
          %run_scoped3A = tpu.sem_alloc : memref<!tpu.dma_semaphore, #tpu.memory_space<semaphore_mem>>
          %dma_start3A_100 = arith.constant 0 : i32
          %dma_start3A_101 = tpu.memref_slice %arg7[%arg0, %mul3A_99, %dma_start3A_100] : memref<2x10000x128xf32, #tpu.memory_space<hbm>> -> memref<1x40x128xf32, #tpu.memory_space<hbm>>
          %dma_start3A_102 = tpu.memref_squeeze %dma_start3A_101 : memref<1x40x128xf32, #tpu.memory_space<hbm>> -> memref<40x128xf32, #tpu.memory_space<hbm>>
          %dma_start3A_103 = arith.constant 0 : i32
          %dma_start3A_104 = tpu.memref_slice %arg23[%mul3A_99, %dma_start3A_103] : memref<10000x128xf32, #tpu.memory_space<vmem_shared>> -> memref<40x128xf32, #tpu.memory_space<vmem_shared>>
          tpu.enqueue_dma source(%dma_start3A_104 : memref<40x128xf32, #tpu.memory_space<vmem_shared>>) target(%dma_start3A_102 : memref<40x128xf32, #tpu.memory_space<hbm>>) target_semaphore(%run_scoped3A : memref<!tpu.dma_semaphore, #tpu.memory_space<semaphore_mem>>)
          %dma_wait3A_105 = arith.constant 0 : i32
          %dma_wait3A_106 = tpu.memref_slice %arg7[%arg0, %mul3A_99, %dma_wait3A_105] : memref<2x10000x128xf32, #tpu.memory_space<hbm>> -> memref<1x40x128xf32, #tpu.memory_space<hbm>>
          %dma_wait3A_107 = tpu.memref_squeeze %dma_wait3A_106 : memref<1x40x128xf32, #tpu.memory_space<hbm>> -> memref<40x128xf32, #tpu.memory_space<hbm>>
          %dma_wait3A_108 = arith.constant 0 : i32
          %dma_wait3A_109 = tpu.memref_slice %arg23[%mul3A_99, %dma_wait3A_108] : memref<10000x128xf32, #tpu.memory_space<vmem_shared>> -> memref<40x128xf32, #tpu.memory_space<vmem_shared>>
          tpu.wait_dma2 semaphore(%run_scoped3A : memref<!tpu.dma_semaphore, #tpu.memory_space<semaphore_mem>>) src(%dma_wait3A_109 : memref<40x128xf32, #tpu.memory_space<vmem_shared>>) dst(%dma_wait3A_107 : memref<40x128xf32, #tpu.memory_space<hbm>>)
          tpu.yield
        }) : () -> ()
      } else {
      }
      %scan3A_97 = arith.constant 0 : i32
      scf.yield %scan3A_97 : i32
    }
    %scan3A_83 = arith.constant 250 : i32
    return
  }
}

module attributes {stable_mosaic.version = 14 : i64} {
  func.func @_node_body(%arg0: i32, %arg1: memref<1000x128xf32, #tpu.memory_space<vmem>>, %arg2: memref<1000x128xf32, #tpu.memory_space<vmem>>, %arg3: memref<1000x128xf32, #tpu.memory_space<vmem>>, %arg4: memref<128x128xf32, #tpu.memory_space<vmem>>, %arg5: memref<128x128xf32, #tpu.memory_space<vmem>>, %arg6: memref<128x128xf32, #tpu.memory_space<vmem>>, %arg7: memref<128x128xf32, #tpu.memory_space<vmem>>, %arg8: memref<1000x128xf32, #tpu.memory_space<vmem>>, %arg9: memref<1000x128xf32, #tpu.memory_space<vmem>>, %arg10: memref<1000x128xf32, #tpu.memory_space<vmem>>, %arg11: memref<1000x128xf32, #tpu.memory_space<vmem>>) attributes {dimension_semantics = [#tpu.dimension_semantics<arbitrary>], iteration_bounds = array<i64: 10>, scalar_prefetch = 0 : i64, scratch_operands = 0 : i64, tpu.core_type = #tpu.core_type<tc>, window_params = [{transform_indices = @transform_0, window_bounds = array<i64: 1000, 128>}, {transform_indices = @transform_1, window_bounds = array<i64: 1000, 128>}, {transform_indices = @transform_2, window_bounds = array<i64: 1000, 128>}, {pipeline_mode = #tpu.pipeline_mode<synchronous>, transform_indices = @transform_3, window_bounds = array<i64: 128, 128>}, {pipeline_mode = #tpu.pipeline_mode<synchronous>, transform_indices = @transform_4, window_bounds = array<i64: 128, 128>}, {pipeline_mode = #tpu.pipeline_mode<synchronous>, transform_indices = @transform_5, window_bounds = array<i64: 128, 128>}, {pipeline_mode = #tpu.pipeline_mode<synchronous>, transform_indices = @transform_6, window_bounds = array<i64: 128, 128>}, {transform_indices = @transform_7, window_bounds = array<i64: 1000, 128>}, {transform_indices = @transform_8, window_bounds = array<i64: 1000, 128>}, {transform_indices = @transform_9, window_bounds = array<i64: 1000, 128>}, {transform_indices = @transform_10, window_bounds = array<i64: 1000, 128>}]} {
    %get3A = arith.constant 0 : index
    %get3A_0 = arith.constant 0 : index
    %get3A_1 = vector.load %arg1[%get3A, %get3A_0] : memref<1000x128xf32, #tpu.memory_space<vmem>>, vector<1000x128xf32>
    %get3A_2 = arith.constant 0 : index
    %get3A_3 = arith.constant 0 : index
    %get3A_4 = vector.load %arg4[%get3A_2, %get3A_3] : memref<128x128xf32, #tpu.memory_space<vmem>>, vector<128x128xf32>
    %dot_general3A = arith.constant dense<0.000000e+00> : vector<1000x128xf32>
    %dot_general3A_5 = tpu.matmul %get3A_1, %get3A_4, %dot_general3A {dimension_numbers = #tpu.dot_dimension_numbers<[1], [0], [0], [1], [0, 0, 1, 1], [], []>, transpose_lhs_hint = false} : vector<1000x128xf32>, vector<128x128xf32>, vector<1000x128xf32> -> vector<1000x128xf32>
    %swap3A = arith.constant 0 : index
    %swap3A_6 = arith.constant 0 : index
    %swap3A_7 = vector.load %arg8[%swap3A, %swap3A_6] : memref<1000x128xf32, #tpu.memory_space<vmem>>, vector<1000x128xf32>
    tpu.vector_store %arg8[%swap3A, %swap3A_6], %dot_general3A_5 {strides = array<i32>} : memref<1000x128xf32, #tpu.memory_space<vmem>>, vector<1000x128xf32>,
    %get3A_8 = arith.constant 0 : index
    %get3A_9 = arith.constant 0 : index
    %get3A_10 = vector.load %arg6[%get3A_8, %get3A_9] : memref<128x128xf32, #tpu.memory_space<vmem>>, vector<128x128xf32>
    %dot_general3A_11 = arith.constant dense<0.000000e+00> : vector<1000x128xf32>
    %dot_general3A_12 = tpu.matmul %get3A_1, %get3A_10, %dot_general3A_11 {dimension_numbers = #tpu.dot_dimension_numbers<[1], [0], [0], [1], [0, 0, 1, 1], [], []>, transpose_lhs_hint = false} : vector<1000x128xf32>, vector<128x128xf32>, vector<1000x128xf32> -> vector<1000x128xf32>
    %swap3A_13 = arith.constant 0 : index
    %swap3A_14 = arith.constant 0 : index
    %swap3A_15 = vector.load %arg10[%swap3A_13, %swap3A_14] : memref<1000x128xf32, #tpu.memory_space<vmem>>, vector<1000x128xf32>
    tpu.vector_store %arg10[%swap3A_13, %swap3A_14], %dot_general3A_12 {strides = array<i32>} : memref<1000x128xf32, #tpu.memory_space<vmem>>, vector<1000x128xf32>,
    %get3A_16 = arith.constant 0 : index
    %get3A_17 = arith.constant 0 : index
    %get3A_18 = vector.load %arg2[%get3A_16, %get3A_17] : memref<1000x128xf32, #tpu.memory_space<vmem>>, vector<1000x128xf32>
    %get3A_19 = arith.constant 0 : index
    %get3A_20 = arith.constant 0 : index
    %get3A_21 = vector.load %arg5[%get3A_19, %get3A_20] : memref<128x128xf32, #tpu.memory_space<vmem>>, vector<128x128xf32>
    %dot_general3A_22 = arith.constant dense<0.000000e+00> : vector<1000x128xf32>
    %dot_general3A_23 = tpu.matmul %get3A_18, %get3A_21, %dot_general3A_22 {dimension_numbers = #tpu.dot_dimension_numbers<[1], [0], [0], [1], [0, 0, 1, 1], [], []>, transpose_lhs_hint = false} : vector<1000x128xf32>, vector<128x128xf32>, vector<1000x128xf32> -> vector<1000x128xf32>
    %swap3A_24 = arith.constant 0 : index
    %swap3A_25 = arith.constant 0 : index
    %swap3A_26 = vector.load %arg9[%swap3A_24, %swap3A_25] : memref<1000x128xf32, #tpu.memory_space<vmem>>, vector<1000x128xf32>
    tpu.vector_store %arg9[%swap3A_24, %swap3A_25], %dot_general3A_23 {strides = array<i32>} : memref<1000x128xf32, #tpu.memory_space<vmem>>, vector<1000x128xf32>,
    %get3A_27 = arith.constant 0 : index
    %get3A_28 = arith.constant 0 : index
    %get3A_29 = vector.load %arg3[%get3A_27, %get3A_28] : memref<1000x128xf32, #tpu.memory_space<vmem>>, vector<1000x128xf32>
    %get3A_30 = arith.constant 0 : index
    %get3A_31 = arith.constant 0 : index
    %get3A_32 = vector.load %arg7[%get3A_30, %get3A_31] : memref<128x128xf32, #tpu.memory_space<vmem>>, vector<128x128xf32>
    %dot_general3A_33 = arith.constant dense<0.000000e+00> : vector<1000x128xf32>
    %dot_general3A_34 = tpu.matmul %get3A_29, %get3A_32, %dot_general3A_33 {dimension_numbers = #tpu.dot_dimension_numbers<[1], [0], [0], [1], [0, 0, 1, 1], [], []>, transpose_lhs_hint = false} : vector<1000x128xf32>, vector<128x128xf32>, vector<1000x128xf32> -> vector<1000x128xf32>
    %swap3A_35 = arith.constant 0 : index
    %swap3A_36 = arith.constant 0 : index
    %swap3A_37 = vector.load %arg11[%swap3A_35, %swap3A_36] : memref<1000x128xf32, #tpu.memory_space<vmem>>, vector<1000x128xf32>
    tpu.vector_store %arg11[%swap3A_35, %swap3A_36], %dot_general3A_34 {strides = array<i32>} : memref<1000x128xf32, #tpu.memory_space<vmem>>, vector<1000x128xf32>,
    return
  }
  func.func @transform_0(%arg0: i32) -> (i32, i32) {
    %c0_i32 = arith.constant 0 : i32
    %c0_i32_0 = arith.constant 0 : i32
    return %arg0, %c0_i32 : i32, i32
  }
  func.func @transform_1(%arg0: i32) -> (i32, i32) {
    %c0_i32 = arith.constant 0 : i32
    %c0_i32_0 = arith.constant 0 : i32
    return %arg0, %c0_i32 : i32, i32
  }
  func.func @transform_2(%arg0: i32) -> (i32, i32) {
    %c0_i32 = arith.constant 0 : i32
    %c0_i32_0 = arith.constant 0 : i32
    return %arg0, %c0_i32 : i32, i32
  }
  func.func @transform_3(%arg0: i32) -> (i32, i32) {
    %c0_i32 = arith.constant 0 : i32
    %c0_i32_0 = arith.constant 0 : i32
    %c0_i32_1 = arith.constant 0 : i32
    return %c0_i32, %c0_i32_0 : i32, i32
  }
  func.func @transform_4(%arg0: i32) -> (i32, i32) {
    %c0_i32 = arith.constant 0 : i32
    %c0_i32_0 = arith.constant 0 : i32
    %c0_i32_1 = arith.constant 0 : i32
    return %c0_i32, %c0_i32_0 : i32, i32
  }
  func.func @transform_5(%arg0: i32) -> (i32, i32) {
    %c0_i32 = arith.constant 0 : i32
    %c0_i32_0 = arith.constant 0 : i32
    %c0_i32_1 = arith.constant 0 : i32
    return %c0_i32, %c0_i32_0 : i32, i32
  }
  func.func @transform_6(%arg0: i32) -> (i32, i32) {
    %c0_i32 = arith.constant 0 : i32
    %c0_i32_0 = arith.constant 0 : i32
    %c0_i32_1 = arith.constant 0 : i32
    return %c0_i32, %c0_i32_0 : i32, i32
  }
  func.func @transform_7(%arg0: i32) -> (i32, i32) {
    %c0_i32 = arith.constant 0 : i32
    %c0_i32_0 = arith.constant 0 : i32
    return %arg0, %c0_i32 : i32, i32
  }
  func.func @transform_8(%arg0: i32) -> (i32, i32) {
    %c0_i32 = arith.constant 0 : i32
    %c0_i32_0 = arith.constant 0 : i32
    return %arg0, %c0_i32 : i32, i32
  }
  func.func @transform_9(%arg0: i32) -> (i32, i32) {
    %c0_i32 = arith.constant 0 : i32
    %c0_i32_0 = arith.constant 0 : i32
    return %arg0, %c0_i32 : i32, i32
  }
  func.func @transform_10(%arg0: i32) -> (i32, i32) {
    %c0_i32 = arith.constant 0 : i32
    %c0_i32_0 = arith.constant 0 : i32
    return %arg0, %c0_i32 : i32, i32
  }
}

module attributes {stable_mosaic.version = 14 : i64} {
  func.func @_edge_body(%arg0: i32, %arg1: memref<8000x16xf32, #tpu.memory_space<vmem>>, %arg2: memref<16x128xf32, #tpu.memory_space<vmem>>, %arg3: memref<1x128xf32, #tpu.memory_space<vmem>>, %arg4: memref<8000x128xf32, #tpu.memory_space<vmem>>) attributes {dimension_semantics = [#tpu.dimension_semantics<arbitrary>], iteration_bounds = array<i64: 40>, scalar_prefetch = 0 : i64, scratch_operands = 0 : i64, tpu.core_type = #tpu.core_type<tc>, window_params = [{transform_indices = @transform_0, window_bounds = array<i64: 8000, 16>}, {pipeline_mode = #tpu.pipeline_mode<synchronous>, transform_indices = @transform_1, window_bounds = array<i64: 16, 128>}, {pipeline_mode = #tpu.pipeline_mode<synchronous>, transform_indices = @transform_2, window_bounds = array<i64: 1, 128>}, {transform_indices = @transform_3, window_bounds = array<i64: 8000, 128>}]} {
    %get3A = arith.constant 0 : index
    %get3A_0 = arith.constant 0 : index
    %get3A_1 = vector.load %arg1[%get3A, %get3A_0] : memref<8000x16xf32, #tpu.memory_space<vmem>>, vector<8000x16xf32>
    %get3A_2 = arith.constant 0 : index
    %get3A_3 = arith.constant 0 : index
    %get3A_4 = vector.load %arg2[%get3A_2, %get3A_3] : memref<16x128xf32, #tpu.memory_space<vmem>>, vector<16x128xf32>
    %dot_general3A = arith.constant dense<0.000000e+00> : vector<8000x128xf32>
    %dot_general3A_5 = tpu.matmul %get3A_1, %get3A_4, %dot_general3A {dimension_numbers = #tpu.dot_dimension_numbers<[1], [0], [0], [1], [0, 0, 1, 1], [], []>, transpose_lhs_hint = false} : vector<8000x16xf32>, vector<16x128xf32>, vector<8000x128xf32> -> vector<8000x128xf32>
    %get3A_6 = arith.constant 0 : index
    %get3A_7 = arith.constant 0 : index
    %get3A_8 = vector.load %arg3[%get3A_6, %get3A_7] : memref<1x128xf32, #tpu.memory_space<vmem>>, vector<1x128xf32>
    %add3A = vector.broadcast %get3A_8 : vector<1x128xf32> to vector<8000x128xf32>
    %add3A_9 = arith.addf %dot_general3A_5, %add3A : vector<8000x128xf32>
    %swap3A = arith.constant 0 : index
    %swap3A_10 = arith.constant 0 : index
    %swap3A_11 = vector.load %arg4[%swap3A, %swap3A_10] : memref<8000x128xf32, #tpu.memory_space<vmem>>, vector<8000x128xf32>
    tpu.vector_store %arg4[%swap3A, %swap3A_10], %add3A_9 {strides = array<i32>} : memref<8000x128xf32, #tpu.memory_space<vmem>>, vector<8000x128xf32>,
    return
  }
  func.func @transform_0(%arg0: i32) -> (i32, i32) {
    %c0_i32 = arith.constant 0 : i32
    %c0_i32_0 = arith.constant 0 : i32
    return %arg0, %c0_i32 : i32, i32
  }
  func.func @transform_1(%arg0: i32) -> (i32, i32) {
    %c0_i32 = arith.constant 0 : i32
    %c0_i32_0 = arith.constant 0 : i32
    %c0_i32_1 = arith.constant 0 : i32
    return %c0_i32, %c0_i32_0 : i32, i32
  }
  func.func @transform_2(%arg0: i32) -> (i32, i32) {
    %c0_i32 = arith.constant 0 : i32
    %c0_i32_0 = arith.constant 0 : i32
    %c0_i32_1 = arith.constant 0 : i32
    return %c0_i32, %c0_i32_0 : i32, i32
  }
  func.func @transform_3(%arg0: i32) -> (i32, i32) {
    %c0_i32 = arith.constant 0 : i32
    %c0_i32_0 = arith.constant 0 : i32
    return %arg0, %c0_i32 : i32, i32
  }
}

module attributes {stable_mosaic.version = 14 : i64} {
  func.func @_half_body(%arg0: i32, %arg1: memref<2x1000x128xf32, #tpu.memory_space<vmem>>, %arg2: memref<128x128xf32, #tpu.memory_space<vmem>>, %arg3: memref<1x128xf32, #tpu.memory_space<vmem>>, %arg4: memref<1000x128xf32, #tpu.memory_space<vmem>>) attributes {dimension_semantics = [#tpu.dimension_semantics<arbitrary>], iteration_bounds = array<i64: 10>, scalar_prefetch = 0 : i64, scratch_operands = 0 : i64, tpu.core_type = #tpu.core_type<tc>, window_params = [{transform_indices = @transform_0, window_bounds = array<i64: 2, 1000, 128>}, {pipeline_mode = #tpu.pipeline_mode<synchronous>, transform_indices = @transform_1, window_bounds = array<i64: 128, 128>}, {pipeline_mode = #tpu.pipeline_mode<synchronous>, transform_indices = @transform_2, window_bounds = array<i64: 1, 128>}, {transform_indices = @transform_3, window_bounds = array<i64: 1000, 128>}]} {
    %get3A = arith.constant 0 : index
    %get3A_0 = arith.constant 0 : index
    %get3A_1 = arith.constant 0 : index
    %get3A_2 = vector.load %arg1[%get3A, %get3A_0, %get3A_1] : memref<2x1000x128xf32, #tpu.memory_space<vmem>>, vector<1x1000x128xf32>
    %get3A_3 = vector.shape_cast %get3A_2 : vector<1x1000x128xf32> to vector<1000x128xf32>
    %get3A_4 = arith.constant 1 : index
    %get3A_5 = arith.constant 0 : index
    %get3A_6 = arith.constant 0 : index
    %get3A_7 = vector.load %arg1[%get3A_4, %get3A_5, %get3A_6] : memref<2x1000x128xf32, #tpu.memory_space<vmem>>, vector<1x1000x128xf32>
    %get3A_8 = vector.shape_cast %get3A_7 : vector<1x1000x128xf32> to vector<1000x128xf32>
    %add3A = arith.addf %get3A_3, %get3A_8 : vector<1000x128xf32>
    %get3A_9 = arith.constant 0 : index
    %get3A_10 = arith.constant 0 : index
    %get3A_11 = vector.load %arg2[%get3A_9, %get3A_10] : memref<128x128xf32, #tpu.memory_space<vmem>>, vector<128x128xf32>
    %dot_general3A = arith.constant dense<0.000000e+00> : vector<1000x128xf32>
    %dot_general3A_12 = tpu.matmul %add3A, %get3A_11, %dot_general3A {dimension_numbers = #tpu.dot_dimension_numbers<[1], [0], [0], [1], [0, 0, 1, 1], [], []>, transpose_lhs_hint = false} : vector<1000x128xf32>, vector<128x128xf32>, vector<1000x128xf32> -> vector<1000x128xf32>
    %get3A_13 = arith.constant 0 : index
    %get3A_14 = arith.constant 0 : index
    %get3A_15 = vector.load %arg3[%get3A_13, %get3A_14] : memref<1x128xf32, #tpu.memory_space<vmem>>, vector<1x128xf32>
    %add3A_16 = vector.broadcast %get3A_15 : vector<1x128xf32> to vector<1000x128xf32>
    %add3A_17 = arith.addf %dot_general3A_12, %add3A_16 : vector<1000x128xf32>
    %swap3A = arith.constant 0 : index
    %swap3A_18 = arith.constant 0 : index
    %swap3A_19 = vector.load %arg4[%swap3A, %swap3A_18] : memref<1000x128xf32, #tpu.memory_space<vmem>>, vector<1000x128xf32>
    tpu.vector_store %arg4[%swap3A, %swap3A_18], %add3A_17 {strides = array<i32>} : memref<1000x128xf32, #tpu.memory_space<vmem>>, vector<1000x128xf32>,
    return
  }
  func.func @transform_0(%arg0: i32) -> (i32, i32, i32) {
    %c0_i32 = arith.constant 0 : i32
    %c0_i32_0 = arith.constant 0 : i32
    %c0_i32_1 = arith.constant 0 : i32
    return %c0_i32, %arg0, %c0_i32_0 : i32, i32, i32
  }
  func.func @transform_1(%arg0: i32) -> (i32, i32) {
    %c0_i32 = arith.constant 0 : i32
    %c0_i32_0 = arith.constant 0 : i32
    %c0_i32_1 = arith.constant 0 : i32
    return %c0_i32, %c0_i32_0 : i32, i32
  }
  func.func @transform_2(%arg0: i32) -> (i32, i32) {
    %c0_i32 = arith.constant 0 : i32
    %c0_i32_0 = arith.constant 0 : i32
    %c0_i32_1 = arith.constant 0 : i32
    return %c0_i32, %c0_i32_0 : i32, i32
  }
  func.func @transform_3(%arg0: i32) -> (i32, i32) {
    %c0_i32 = arith.constant 0 : i32
    %c0_i32_0 = arith.constant 0 : i32
    return %arg0, %c0_i32 : i32, i32
  }
}

module attributes {stable_mosaic.version = 14 : i64} {
  func.func @_half_add_body(%arg0: i32, %arg1: memref<2x1000x128xf32, #tpu.memory_space<vmem>>, %arg2: memref<128x128xf32, #tpu.memory_space<vmem>>, %arg3: memref<1000x128xf32, #tpu.memory_space<vmem>>, %arg4: memref<1000x128xf32, #tpu.memory_space<vmem>>) attributes {dimension_semantics = [#tpu.dimension_semantics<arbitrary>], iteration_bounds = array<i64: 10>, scalar_prefetch = 0 : i64, scratch_operands = 0 : i64, tpu.core_type = #tpu.core_type<tc>, window_params = [{transform_indices = @transform_0, window_bounds = array<i64: 2, 1000, 128>}, {pipeline_mode = #tpu.pipeline_mode<synchronous>, transform_indices = @transform_1, window_bounds = array<i64: 128, 128>}, {transform_indices = @transform_2, window_bounds = array<i64: 1000, 128>}, {transform_indices = @transform_3, window_bounds = array<i64: 1000, 128>}]} {
    %get3A = arith.constant 0 : index
    %get3A_0 = arith.constant 0 : index
    %get3A_1 = arith.constant 0 : index
    %get3A_2 = vector.load %arg1[%get3A, %get3A_0, %get3A_1] : memref<2x1000x128xf32, #tpu.memory_space<vmem>>, vector<1x1000x128xf32>
    %get3A_3 = vector.shape_cast %get3A_2 : vector<1x1000x128xf32> to vector<1000x128xf32>
    %get3A_4 = arith.constant 1 : index
    %get3A_5 = arith.constant 0 : index
    %get3A_6 = arith.constant 0 : index
    %get3A_7 = vector.load %arg1[%get3A_4, %get3A_5, %get3A_6] : memref<2x1000x128xf32, #tpu.memory_space<vmem>>, vector<1x1000x128xf32>
    %get3A_8 = vector.shape_cast %get3A_7 : vector<1x1000x128xf32> to vector<1000x128xf32>
    %add3A = arith.addf %get3A_3, %get3A_8 : vector<1000x128xf32>
    %get3A_9 = arith.constant 0 : index
    %get3A_10 = arith.constant 0 : index
    %get3A_11 = vector.load %arg2[%get3A_9, %get3A_10] : memref<128x128xf32, #tpu.memory_space<vmem>>, vector<128x128xf32>
    %dot_general3A = arith.constant dense<0.000000e+00> : vector<1000x128xf32>
    %dot_general3A_12 = tpu.matmul %add3A, %get3A_11, %dot_general3A {dimension_numbers = #tpu.dot_dimension_numbers<[1], [0], [0], [1], [0, 0, 1, 1], [], []>, transpose_lhs_hint = false} : vector<1000x128xf32>, vector<128x128xf32>, vector<1000x128xf32> -> vector<1000x128xf32>
    %get3A_13 = arith.constant 0 : index
    %get3A_14 = arith.constant 0 : index
    %get3A_15 = vector.load %arg3[%get3A_13, %get3A_14] : memref<1000x128xf32, #tpu.memory_space<vmem>>, vector<1000x128xf32>
    %add3A_16 = arith.addf %dot_general3A_12, %get3A_15 : vector<1000x128xf32>
    %swap3A = arith.constant 0 : index
    %swap3A_17 = arith.constant 0 : index
    %swap3A_18 = vector.load %arg4[%swap3A, %swap3A_17] : memref<1000x128xf32, #tpu.memory_space<vmem>>, vector<1000x128xf32>
    tpu.vector_store %arg4[%swap3A, %swap3A_17], %add3A_16 {strides = array<i32>} : memref<1000x128xf32, #tpu.memory_space<vmem>>, vector<1000x128xf32>,
    return
  }
  func.func @transform_0(%arg0: i32) -> (i32, i32, i32) {
    %c0_i32 = arith.constant 0 : i32
    %c0_i32_0 = arith.constant 0 : i32
    %c0_i32_1 = arith.constant 0 : i32
    return %c0_i32, %arg0, %c0_i32_0 : i32, i32, i32
  }
  func.func @transform_1(%arg0: i32) -> (i32, i32) {
    %c0_i32 = arith.constant 0 : i32
    %c0_i32_0 = arith.constant 0 : i32
    %c0_i32_1 = arith.constant 0 : i32
    return %c0_i32, %c0_i32_0 : i32, i32
  }
  func.func @transform_2(%arg0: i32) -> (i32, i32) {
    %c0_i32 = arith.constant 0 : i32
    %c0_i32_0 = arith.constant 0 : i32
    return %arg0, %c0_i32 : i32, i32
  }
  func.func @transform_3(%arg0: i32) -> (i32, i32) {
    %c0_i32 = arith.constant 0 : i32
    %c0_i32_0 = arith.constant 0 : i32
    return %arg0, %c0_i32 : i32, i32
  }
}

</mosaic_0001>

<sc_bundles>
// kernel: kernel.12.cloned.1.call-start
scs
__scs_entry_jumppad:
0x0: {  	(pc) =	sbr.rel $0x88, $3  }
0x1: {  	(tag) =	ssettag $0x0;
	lr =	simm.s32 $0x1  }
0x2: {  	[smem:$0x3F90] =	sst lr;
	_ =	strace $0xD0000000  }
0x3: {  	_ = 	snop  }
0x4: {  	_ = 	snop  }
0x5: {  	_ = 	snop  }
0x6: {  	_ = 	snop  }
0x7: {  	_ = 	snop  }
__scs_overlays_trampoline_lowered:
0x8: {  	[smem:$0x3F9F] =	sst s0  }
0x9: {  	[smem:$0x3FA0] =	sst s1  }
0xa: {  	[smem:$0x3FA1] =	sst s2  }
0xb: {  	[smem:$0x3FA2] =	sst s3  }
0xc: {  	[smem:$0x3FA3] =	sst s4  }
0xd: {  	[smem:$0x3FA4] =	sst s5  }
0xe: {  	[smem:$0x3FA5] =	sst s6  }
0xf: {  	[smem:$0x3FA6] =	sst s7  }
0x10: {  	[smem:$0x3FA7] =	sst s8  }
0x11: {  	[smem:$0x3FA8] =	sst s9;
	s0 =	simm.s32 @!p0 $0x0  }
0x12: {  	s1 =	sld [smem:$0x3F8E];
	s0 =	simm.s32 @p0 $0x1  }
0x13: {  	[smem:$0x3FA9] =	sst s0;
	s0 =	simm.s32 @!p1 $0x0  }
0x14: {  	s2 =	sld [smem:$0x3F8D];
	s0 =	simm.s32 @p1 $0x1  }
0x15: {  	[smem:$0x3FAA] =	sst s0;
	s0 =	simm.s32 @!p2 $0x0  }
0x16: {  	s3 =	sld [smem:$0x3FDB];
	s0 =	simm.s32 @p2 $0x1  }
0x17: {  	s4 =	simm.s32 $0x1BF5;
	[smem:$0x3FAC] =	sst s0  }
0x18: {  	s0 =	sld [smem:$0x3F8F];
	_ =	swait.ge [sflag:s4], $0x0  }
0x19: {  	s7 =	sld [smem:$0x3F90]  }
0x1a: {  	s8 =	sadd.s32 $0xFFFFE003, lr  }
0x1b: {  	s9 =	sadd.s32 $0xFFFFFEF7, lr;
	s5 =	simm.s32 $0xFFFFFFFF;
	p2 =	slt.u32 s8, $0xFFFFF086  }
0x1c: {  	p1 =	slt.u32 s9, $0xF7A;
	s5 =	simm.s32 @!p2 $0x0  }
0x1d: {  	s5 =	simm.s32 @p1 $0x1;
	p0 =	seq.s32 s7, s2  }
0x1e: {  	s7 =	smul.u32 @!p0 $0xF7A, s2;
	p2 =	seq.s32 @!p0 s5, $0x0  }
0x1f: {  	s9 =	smul.u32 $0xF7A, s1;
	s8 =	simm.s32 @!p0 $0x1BF5;
	p2 =	por !p2, p0  }
0x20: {  	[sflag:s8] =	ssyncset.s32 @!p0 $0xFFFFF086;
	s6 =	sadd.s32 @!p0 s3, s7;
	s7 =	simm.s32 @!p0 $0x108  }
0x21: {  	s3 =	sadd.s32 s3, s9;
	s6 =	sadd.s32 @!p0 $0x88, s6;
	s7 =	simm.s32 @p2 $0x1082  }
0x22: {  	[simem:s7], [sflag:s8] =	dma.local @!p0 [hbm:s6], $0xF7A  }
0x23: {  	s9 =	sor.u32 $0xD0000000, s2;
	s6 =	simm.s32 $0x108;
	_ =	swait.ge @!p0 [sflag:s8], $0x0  }
0x24: {  	s3 =	sadd.s32 $0x88, s3;
	s6 =	simm.s32 @!p1 $0x1082;
	[sflag:s4] =	ssyncset.s32 $0xFFFFF086  }
0x25: {  	[simem:s6], [sflag:s4] =	dma.local [hbm:s3], $0xF7A  }
0x26: {  	[smem:$0x3F90] =	sst s1;
	(tag) =	ssettag s2;
	_ =	strace s9  }
0x27: {  	s1 =	sld [smem:$0x3FA0]  }
0x28: {  	s2 =	sld [smem:$0x3FA1]  }
0x29: {  	s4 =	sld [smem:$0x3FA3]  }
0x2a: {  	p0 =	seq.s32 s5, $0x0;
	s5 =	sld [smem:$0x3FA4]  }
0x2b: {  	s6 =	sld [smem:$0x3FA5]  }
0x2c: {  	s7 =	sld [smem:$0x3FA6]  }
0x2d: {  	s3 =	simm.s32 $0x108;
	s8 =	sld [smem:$0x3FA7]  }
0x2e: {  	s3 =	simm.s32 @!p0 $0x1082;
	s9 =	sld [smem:$0x3FA8]  }
0x2f: {  	lr =	sadd.s32 s0, s3;
	s0 =	sld [smem:$0x3F9F]  }
0x30: {  	s3 =	sld [smem:$0x3FA2]  }
0x31: {  	[smem:$0x3FAB] =	sst s10  }
0x32: {  	s10 =	sld [smem:$0x3FA9];
	_ =	sdelay $0x3  }
0x33: {  	p0 =	seq.s32 s10, $0x1;
	s10 =	sld [smem:$0x3FAB];
	_ =	sdelay $0x3  }
0x34: {  	[smem:$0x3FAB] =	sst s10  }
0x35: {  	s10 =	sld [smem:$0x3FAA];
	_ =	sdelay $0x3  }
0x36: {  	p1 =	seq.s32 s10, $0x1;
	s10 =	sld [smem:$0x3FAB];
	_ =	sdelay $0x3  }
0x37: {  	[smem:$0x3FAB] =	sst s10  }
0x38: {  	s10 =	sld [smem:$0x3FAC]  }
0x39: {  	_ = 	snop;
	(pc) =	sbr.ind lr, $3  }
0x3a: {  	_ = 	snop  }
0x3b: {  	_ = 	snop  }
0x3c: {  	p2 =	seq.s32 s10, $0x1;
	s10 =	sld [smem:$0x3FAB]  }
0x3d: {  	_ =	shalt  }
0x3e: {  	_ =	shalt  }
0x3f: {  	_ =	shalt  }
0x40: {  	_ =	shalt  }
0x41: {  	_ =	shalt  }
0x42: {  	_ =	shalt  }
0x43: {  	_ =	shalt  }
0x44: {  	_ =	shalt  }
0x45: {  	_ =	shalt  }
0x46: {  	_ =	shalt  }
0x47: {  	_ =	shalt  }
0x48: {  	_ =	shalt  }
0x49: {  	_ =	shalt  }
0x4a: {  	_ =	shalt  }
0x4b: {  	_ =	shalt  }
0x4c: {  	_ =	shalt  }
0x4d: {  	_ =	shalt  }
0x4e: {  	_ =	shalt  }
0x4f: {  	_ =	shalt  }
0x50: {  	_ =	shalt  }
0x51: {  	_ =	shalt  }
0x52: {  	_ =	shalt  }
0x53: {  	_ =	shalt  }
0x54: {  	_ =	shalt  }
0x55: {  	_ =	shalt  }
0x56: {  	_ =	shalt  }
0x57: {  	_ =	shalt  }
0x58: {  	_ =	shalt  }
0x59: {  	_ =	shalt  }
0x5a: {  	_ =	shalt  }
0x5b: {  	_ =	shalt  }
0x5c: {  	_ =	shalt  }
0x5d: {  	_ =	shalt  }
0x5e: {  	_ =	shalt  }
0x5f: {  	_ =	shalt  }
0x60: {  	_ =	shalt  }
0x61: {  	_ =	shalt  }
0x62: {  	_ =	shalt  }
0x63: {  	_ =	shalt  }
0x64: {  	_ =	shalt  }
0x65: {  	_ =	shalt  }
0x66: {  	_ =	shalt  }
0x67: {  	_ =	shalt  }
0x68: {  	_ =	shalt  }
0x69: {  	_ =	shalt  }
0x6a: {  	_ =	shalt  }
0x6b: {  	_ =	shalt  }
0x6c: {  	_ =	shalt  }
0x6d: {  	_ =	shalt  }
0x6e: {  	_ =	shalt  }
0x6f: {  	_ =	shalt  }
0x70: {  	_ =	shalt  }
0x71: {  	_ =	shalt  }
0x72: {  	_ =	shalt  }
0x73: {  	_ =	shalt  }
0x74: {  	_ =	shalt  }
0x75: {  	_ =	shalt  }
0x76: {  	_ =	shalt  }
0x77: {  	_ =	shalt  }
0x78: {  	_ =	shalt  }
0x79: {  	_ =	shalt  }
0x7a: {  	_ =	shalt  }
0x7b: {  	_ =	shalt  }
0x7c: {  	_ =	shalt  }
0x7d: {  	_ =	shalt  }
0x7e: {  	_ =	shalt  }
0x7f: {  	_ =	shalt  }
0x80: {  	_ =	shalt  }
0x81: {  	_ =	shalt  }
0x82: {  	_ =	shalt  }
0x83: {  	_ =	shalt  }
0x84: {  	_ =	shalt  }
0x85: {  	_ =	shalt  }
0x86: {  	_ =	shalt  }
0x87: {  	_ =	shalt  }
.Lfunc_end0:
.L_simem_size_0:
called_computation.1_lowered:
.L_overlay_start_0:
0x88: {  	s2 =	sld [smem:$0x3FD9]  }
0x89: {  	s3 =	sld [smem:$0x3FFE];
	_ =	sdelay $0x1  }
0x8a: {  	s1 =	srdreg.scid  }
0x8b: {  	s0 =	sand.u32 $0x1, s1  }
0x8c: {  	s17 =	sshll.u32 s0, $0xA;
	s2 =	sadd.s32 s3, s2  }
0x8d: {  	s2 =	sadd.s32 s2, s17  }
0x8e: {  	[smem:$0x3FB7] =	sst s2  }
0x8f: {  	_ = 	snop  }
0x90: {  	s18 =	sld [smem:$0x3FD0];
	(tm) =	ssettm $0x1  }
0x91: {  	s19 =	sld [smem:$0x3FFB];
	_ =	sdelay $0x3  }
0x92: {  	_ =	strace s19  }
0x93: {  	s2 =	sld [smem:$0x3FFC];
	_ =	sdelay $0x3  }
0x94: {  	_ =	strace s2  }
0x95: {  	s2 =	sld [smem:$0x3FFD];
	_ =	sdelay $0x3  }
0x96: {  	_ =	strace s2  }
0x97: {  	_ =	strace $0x8FFFFFFF  }
0x98: {  	s20 =	sld [smem:$0x3FDB];
	_ =	sdelay $0x1  }
0x99: {  	s4 =	simm.s32 $_scs_section_size  }
0x9a: {  	s5 =	simm.s32 $_size__tile_overlayer_lowered;
	s6 =	simm.s32 $_tile_overlayer_lowered  }
0x9b: {  	s7 =	simm.s32 $0x1BFF;
	s21 =	sshll.u32 s6, $0x1;
	s4 =	sadd.s32 s4, s20  }
0x9c: {  	s22 =	simm.s32 $0x0;
	s5 =	sshll.u32 s5, $0x1;
	s6 =	sadd.s32 s21, s4  }
0x9d: {  	[timem:s22], [sflag:s7] =	dma.local [hbm:s6], s5  }
0x9e: {  	_ =	swait.ge [sflag:s7], s5  }
0x9f: {  	s5 =	ssub.s32 $0x0, s5;
	[sflag:s7] =	ssyncset.done $0x0  }
0xa0: {  	[sflag:s7] =	ssyncadd.s32 s5;
	_ =	sdelay $0x1  }
0xa1: {  	s23 =	simm.s32 $0x1B8B  }
0xa2: {  	_ =	swait.ge [sflag:s23], $0x1  }
0xa3: {  	[sflag:s23] =	ssyncset.done $0x0  }
0xa4: {  	[sflag:s23] =	ssyncadd.s32 $0xFFFFFFFF  }
0xa5: {  	s5 =	sld [smem:$0x0]  }
0xa6: {  	s6 =	sand.u32 $0xFFFFFFFE, s1  }
0xa7: {  	p0 =	sne.s32 s1, s6  }
0xa8: {  	s6 =	sshll.u32 @p0 s6, $0xE  }
0xa9: {  	s6 =	sadd.s32 @p0 $0x11B8D, s6;
	s7 =	sshll.u32 @p0 s5, $0x11  }
0xaa: {  	s6 =	sor.u32 @p0 s7, s6  }
0xab: {  	[sflag:s6] =	ssyncadd.remote.s32 @p0 $0x1;
	_ =	sdelay $0x1  }
0xac: {  	s6 =	simm.s32 @p0 $0x1B8D  }
0xad: {  	_ =	swait.eq @p0 [sflag:s6], $0x1  }
0xae: {  	[sflag:s6] =	ssyncadd.s32 @p0 $0xFFFFFFFF  }
0xaf: {  	s7 =	sshll.u32 @!p0 s1, $0xE  }
0xb0: {  	s7 =	sor.u32 @!p0 $0x4000, s7;
	s6 =	simm.s32 @!p0 $0x1B8D  }
0xb1: {  	s5 =	sshll.u32 @!p0 s5, $0x11;
	s7 =	sadd.s32 @!p0 $0x11B8D, s7;
	_ =	swait.eq @!p0 [sflag:s6], $0x1  }
0xb2: {  	s5 =	sor.u32 @!p0 s5, s7;
	[sflag:s6] =	ssyncadd.s32 @!p0 $0xFFFFFFFF  }
0xb3: {  	s25 =	simm.s32 $0x1B8E;
	s24 =	sld [smem:$0x3FFE];
	[sflag:s5] =	ssyncadd.remote.s32 @!p0 $0x1  }
0xb4: {  	s26 =	simm.s32 $execute0_lowered;
	[smem:$0x3FD2] =	sst s25  }
0xb5: {  	s6 =	sshll.u32 s26, $0x1;
	_ =	strace $0x80000049;
	[dreg:$0x1] =	wrdreg $0xFFFFFFFF  }
0xb6: {  	s28 =	simm.s32 $_size_execute0_lowered;
	s4 =	sadd.s32 s4, s6;
	[dreg:$0x0] =	wrdreg $0x0  }
0xb7: {  	s6 =	sshll.u32 s28, $0x1;
	[dreg:$0x2] =	wrdreg s4  }
0xb8: {  	[dreg:$0x3] =	wrdreg s6  }
0xb9: {  	[dreg:$0x4] =	wrdreg $0xC0  }
0xba: {  	_ =	task [dreg:s22], $0x5FFFF  }
0xbb: {  	[dreg:$0x1] =	wrdreg $0xFFFFFFFF  }
0xbc: {  	[dreg:$0x0] =	wrdreg $0x60  }
0xbd: {  	[dreg:$0x2] =	wrdreg s18  }
0xbe: {  	[dreg:$0x3] =	wrdreg s24  }
0xbf: {  	[dreg:$0x4] =	wrdreg $0xB7000  }
0xc0: {  	[dreg:$0x5] =	wrdreg $0xA  }
0xc1: {  	_ =	task.clear_ibuf [dreg:s22], $0x6FFFF;
	_ =	strace $0x90000049  }
0xc2: {  	s29 =	simm.s32 $0xA;
	_ =	strace $0x8000004B  }
0xc3: {  	_ =	swait.ge [sflag:s29], $0x1  }
0xc4: {  	[sflag:s29] =	ssyncadd.s32 $0xFFFFFFFF  }
0xc5: {  	_ =	strace $0x9000004B  }
0xc6: {  	_ =	sfence  }
0xc7: {  	s30 =	sld [smem:$0x0];
	_ =	sdelay $0x2  }
0xc8: {  	s31 =	sshll.u32 s1, $0xD;
	s1 =	sshrl.u32 s1, $0x2  }
0xc9: {  	s4 =	sand.u32 $0x4000, s31;
	s1 =	sadd.s32 s1, s30  }
0xca: {  	s0 =	sor.u32 s4, s0;
	s1 =	sshll.u32 s1, $0x11  }
0xcb: {  	s0 =	sor.u32 s1, s0  }
0xcc: {  	s0 =	sadd.s32 $0x8F2B, s0  }
0xcd: {  	[sflag:s0] =	ssyncadd.remote.s32 $0x1  }
0xce: {  	_ =	sfence.sel $0xFFFF  }
0xcf: {  	[dreg:$0x0] =	wrdreg $0xFFFFFFFF;
	(pc) =	sbr.abs _section_cstart, $3  }
0xd0: {  	[dreg:$0x1] =	wrdreg $0xFFFFFFFF  }
0xd1: {  	_ =	task.clear_ibuf [dreg:s22], $0x2FFFF;
	_ =	strace $0x9FFFFFFF  }
0xd2: {  	(tm) =	ssettm $0x7FFFFFFF  }
0xd3: {  	_ =	shalt  }
tec
execute0_lowered:
.L_overlay_start_1:
0x0: {  	(tag) =	ssettag $0x1  }
0x1: {  	s1 =	rddreg [dreg:$0x0]  }
0x2: {  	s0 =	rddreg [dreg:$0x1]  }
0x3: {  	s2 =	rddreg [dreg:$0x2]  }
0x4: {  	s4 =	simm.s32 $0x0;
	s5 =	srdreg.scid;
	s3 =	stileid.u32  }
0x5: {  	s29 =	simm.s32 $0x5;
	s30 =	simm.s32 $0x3;
	s31 =	simm.s32 $0x2  }
0x6: {  	s14 =	simm.s32 $0x7;
	s15 =	simm.s32 $0x0;
	[smem:$0x7FF] =	sst s4  }
0x7: {  	s9 =	sand.u32 $0x1, s5;
	s6 =	sshll.u32 s3, $0x1;
	s5 =	sadd.s32 $0x50200, s0  }
0x8: {  	s7 =	sadd.s32 $0xCF400, s0;
	s10 =	smul.u32 $0x27100, s9;
	s11 =	sor.u32 s9, s6  }
0x9: {  	s8 =	sadd.s32 $0xC5600, s0;
	s9 =	ssub.s32 $0x2, s9;
	s12 =	smul.u32 $0x2710, s11  }
0xa: {  	_ =	strace $0x8000004A;
	s18 =	sshrl.u32 s9, $0x1;
	s11 =	smul.u32 $0x27100, s11  }
0xb: {  	s6 =	sadd.s32 $0xEBBA00, s0;
	s0 =	sadd.s32 s10, s0;
	s9 =	ssub.s32 s9, s18  }
0xc: {  	s18 =	simm.s32 $0x6;
	s13 =	sshrl.u32 s12, $0x3;
	s21 =	sadd.s32 s6, s11  }
0xd: {  	s28 =	sadd.s32 $0x28, s12;
	s24 =	sadd.s32 $0x50, s12;
	[dreg:$0x7] =	wrdreg s21  }
0xe: {  	s25 =	sadd.s32 $0x78, s12;
	s26 =	sadd.s32 $0xA0, s12;
	[dreg:$0xa] =	wrdreg s24  }
0xf: {  	s9 =	smax.u32 s9, $0x1;
	s0 =	sadd.s32 $0xD9200, s0;
	[dreg:$0xb] =	wrdreg s25  }
0x10: {  	s11 =	simm.s32 $0x200;
	s12 =	simm.s32 $0x280;
	[dreg:$0xc] =	wrdreg s26  }
0x11: {  	s19 =	sadd.s32 s7, s13;
	s20 =	sadd.s32 s8, s13;
	[dreg:$0xd] =	wrdreg s9  }
0x12: {  	s22 =	sshrl.u32 s28, $0x3;
	[dreg:$0xe] =	wrdreg s0;
	s21 =	simm.s32 $0x80  }
0x13: {  	s25 =	simm.s32 $0x2B00;
	s26 =	simm.s32 $0x100;
	[dreg:$0x5] =	wrdreg s28  }
0x14: {  	s0 =	simm.s32 $0x6700;
	s9 =	simm.s32 $0x1;
	[dreg:$0x4] =	wrdreg s19  }
0x15: {  	s13 =	simm.s32 $0x8;
	[dreg:$0x6] =	wrdreg s20;
	s23 =	sadd.s32 s7, s22  }
0x16: {  	s10 =	sadd.s32 s8, s22;
	s22 =	simm.s32 $0x28;
	[dreg:$0x8] =	wrdreg s23  }
0x17: {  	v0 =	vimm.f32 $0.0e+00;
	s19 =	simm.s32 $0xA300;
	s20 =	simm.s32 $0x4;
	[dreg:$0x9] =	wrdreg s10  }
.LBB2_1:
0x18: {  	[dreg:$0xf] =	wrdreg s15;
	s10 =	simm.s32 $0x0;
	s17 =	simm.s32 $0x200  }
.LBB2_2:
0x19: {  	p0 =	sne.s32 s17, $0x4E00;
	[tilespmem:s10+$0x2B70] =	vst v0  }
0x1a: {  	[tilespmem:s10+$0x2B00] =	vst v0  }
0x1b: {  	[tilespmem:s10+$0x2B10] =	vst v0  }
.Ltmp0:
0x1c: {  	[tilespmem:s10+$0x2B20] =	vst v0;
	(pc) =	sbr.rel @p0 .LBB2_2-.Ltmp0, $4  }
0x1d: {  	[tilespmem:s10+$0x2B30] =	vst v0  }
0x1e: {  	[tilespmem:s10+$0x2B40] =	vst v0  }
0x1f: {  	[tilespmem:s10+$0x2B50] =	vst v0  }
0x20: {  	[tilespmem:s10+$0x2B60] =	vst v0;
	s10 =	sshra.s32 s17, $0x2;
	s17 =	sadd.s32 $0x200, s17  }
0x21: {  	[tilespmem:s10+$0x2B70] =	vst v0  }
0x22: {  	[tilespmem:s10+$0x2B00] =	vst v0  }
0x23: {  	[tilespmem:s10+$0x2B10] =	vst v0  }
0x24: {  	[tilespmem:s10+$0x2B20] =	vst v0  }
0x25: {  	[tilespmem:s10+$0x2B30] =	vst v0;
	s15 =	simm.s32 $0x0  }
0x26: {  	[tilespmem:s10+$0x2B40] =	vst v0;
	s15 =	sand.u32 $0xF, s15  }
0x27: {  	[tilespmem:s10+$0x2B50] =	vst v0;
	p0 =	sne.s32 s15, s3  }
0x28: {  	[tilespmem:s10+$0x2B60] =	vst v0;
	s10 =	simm.s32 @!p0 $0x2B00;
	s24 =	simm.s32 @!p0 $0xA  }
0x29: {  	[spmem:s2] =	stream.linear.scatter @!p0 [tilespmem:s10], [sflag:$0xA], $0x1400, $0x38;
	[tilespmem:$0x1EF80] =	vst v63  }
0x2a: {  	s17 =	simm.s32 $0x1;
	_ =	swait.ge @!p0 [sflag:s24], $0x1400  }
0x2b: {  	s23 =	simm.s32 $0x2;
	s10 =	sadd.s32 $0x1400, s2;
	[sflag:s24] =	ssyncset.done @!p0 $0x0  }
.LBB2_4:
0x2c: {  	s15 =	sand.u32 $0xF, s17;
	s17 =	smov.u32 s23;
	s23 =	sadd.s32 $0x1, s23  }
0x2d: {  	[sflag:s24] =	ssyncadd.s32 @!p0 $0xFFFFEC00;
	p1 =	sne.s32 s23, $0xFA  }
.Ltmp1:
0x2e: {  	p0 =	sne.s32 s15, s3;
	(pc) =	sbr.rel @p1 .LBB2_4-.Ltmp1, $4  }
0x2f: {  	s15 =	simm.s32 @!p0 $0x2B00;
	s24 =	simm.s32 @!p0 $0xA  }
0x30: {  	[spmem:s10] =	stream.linear.scatter @!p0 [tilespmem:s15], [sflag:$0xA], $0x1400, $0x38;
	[tilespmem:$0x1EF80] =	vst v63  }
0x31: {  	_ =	swait.ge @!p0 [sflag:s24], $0x1400  }
0x32: {  	s10 =	sadd.s32 $0x1400, s10;
	[sflag:s24] =	ssyncset.done @!p0 $0x0  }
0x33: {  	s15 =	sand.u32 $0xF, s17  }
0x34: {  	p1 =	sne.s32 s15, s3  }
0x35: {  	[sflag:s24] =	ssyncadd.s32 @!p0 $0xFFFFEC00;
	s15 =	simm.s32 @!p1 $0x2B00;
	s17 =	simm.s32 @!p1 $0xA  }
0x36: {  	[spmem:s10] =	stream.linear.scatter @!p1 [tilespmem:s15], [sflag:$0xA], $0x1400, $0x38;
	[tilespmem:$0x1EF80] =	vst v63  }
0x37: {  	_ =	swait.ge @!p1 [sflag:s17], $0x1400  }
0x38: {  	[sflag:s17] =	ssyncset.done @!p1 $0x0  }
0x39: {  	[sflag:s17] =	ssyncadd.s32 @!p1 $0xFFFFEC00  }
0x3a: {  	[bflag:$0x0] =	sbarrier.arrive $0xFFFF  }
0x3b: {  	s16 =	simm.s32 $0x0;
	s24 =	simm.s32 $0xA;
	s23 =	rddreg [dreg:$0x4]  }
0x3c: {  	[tilespmem:s16], [sflag:$0xA] =	stream.linear.gather [hbm4b:s23+s16], $0x28, $0x38;
	[tilespmem:$0x1EF80] =	vst v63  }
0x3d: {  	_ =	swait.ge [sflag:s24], $0x28  }
0x3e: {  	[sflag:s24] =	ssyncset.done $0x0  }
0x3f: {  	s17 =	rddreg [dreg:$0x6];
	[sflag:s24] =	ssyncadd.s32 $0xFFFFFFD8  }
0x40: {  	[tilespmem:s21], [sflag:$0xA] =	stream.linear.gather [hbm4b:s17+s16], $0x28, $0x38;
	[tilespmem:$0x1EF80] =	vst v63  }
0x41: {  	_ =	swait.ge [sflag:s24], $0x28  }
0x42: {  	[sflag:s24] =	ssyncset.done $0x0  }
0x43: {  	s23 =	simm.s32 $0x300;
	[sflag:s24] =	ssyncadd.s32 $0xFFFFFFD8  }
0x44: {  	[tilespmem:s23], [sflag:$0x1] =	stream.indirect.gather [hbm4b:s1+s22], $0x80, s16, s22, $0xb8;
	[tilespmem:$0x1EF80] =	vst v63  }
0x45: {  	s24 =	simm.s32 $0x1700  }
0x46: {  	[tilespmem:s24], [sflag:$0x1] =	stream.indirect.gather [hbm4b:s5+s22], $0x80, s21, s22, $0xb8;
	[tilespmem:$0x1EF80] =	vst v63  }
0x47: {  	s15 =	rddreg [dreg:$0x7]  }
0x48: {  	[tilespmem:s25], [sflag:$0x1] =	stream.linear.gather [hbm4b:s15+s16], $0x1400, $0x38;
	[tilespmem:$0x1EF80] =	vst v63  }
0x49: {  	s17 =	rddreg [dreg:$0x8]  }
0x4a: {  	[tilespmem:s26], [sflag:$0x5] =	stream.linear.gather [hbm4b:s17+s16], $0x28, $0x38;
	[tilespmem:$0x1EF80] =	vst v63  }
0x4b: {  	s23 =	rddreg [dreg:$0x9];
	s24 =	simm.s32 $0x180  }
0x4c: {  	[tilespmem:s24], [sflag:$0x5] =	stream.linear.gather [hbm4b:s23+s16], $0x28, $0x38;
	[tilespmem:$0x1EF80] =	vst v63  }
0x4d: {  	s10 =	simm.s32 $0x180;
	s24 =	simm.s32 $0x0  }
.LBB2_6:
0x4e: {  	_ =	swait.ge [sflag:s29], $0x28  }
0x4f: {  	[sflag:s29] =	ssyncset.done $0x0  }
0x50: {  	[sflag:s29] =	ssyncadd.s32 $0xFFFFFFD8  }
0x51: {  	_ =	swait.ge [sflag:s29], $0x28  }
0x52: {  	[sflag:s29] =	ssyncset.done $0x0  }
0x53: {  	s15 =	simm.s32 $0x3F00;
	s23 =	smul.u32 $0x78, s24;
	[sflag:s29] =	ssyncadd.s32 $0xFFFFFFD8  }
0x54: {  	[tilespmem:s15], [sflag:$0x4] =	stream.indirect.gather [hbm4b:s1+s22], $0x80, s26, s22, $0xb8;
	[tilespmem:$0x1EF80] =	vst v63  }
0x55: {  	s17 =	simm.s32 $0x5300;
	s16 =	sadd.s32 s23, s28  }
0x56: {  	[tilespmem:s17], [sflag:$0x4] =	stream.indirect.gather [hbm4b:s5+s22], $0x80, s10, s22, $0xb8;
	[tilespmem:$0x1EF80] =	vst v63  }
0x57: {  	s10 =	sshll.u32 s16, $0x4  }
0x58: {  	s17 =	simm.s32 $0x0;
	s10 =	sadd.s32 s6, s10  }
0x59: {  	[tilespmem:s0], [sflag:$0x4] =	stream.linear.gather [hbm4b:s10+s17], $0x1400, $0x38;
	[tilespmem:$0x1EF80] =	vst v63  }
0x5a: {  	_ =	swait.ge [sflag:s9], $0x1400  }
0x5b: {  	[sflag:s9] =	ssyncset.done $0x0  }
0x5c: {  	[sflag:s9] =	ssyncadd.s32 $0xFFFFEC00  }
0x5d: {  	_ =	swait.ge [sflag:s9], $0x1400  }
0x5e: {  	[sflag:s9] =	ssyncset.done $0x0  }
0x5f: {  	[sflag:s9] =	ssyncadd.s32 $0xFFFFEC00  }
0x60: {  	_ =	swait.ge [sflag:s9], $0x1400  }
0x61: {  	[sflag:s9] =	ssyncset.done $0x0  }
0x62: {  	s17 =	simm.s32 $0x0;
	[sflag:s9] =	ssyncadd.s32 $0xFFFFEC00  }
0x63: {  	v13 =	vld [tilespmem:s17+$0x300]  }
0x64: {  	v18 =	vld [tilespmem:s17+$0x1700]  }
0x65: {  	v20 =	vld [tilespmem:s17+$0x310]  }
0x66: {  	v21 =	vld [tilespmem:s17+$0x1710]  }
0x67: {  	v6 =	vld [tilespmem:s17+$0x320]  }
0x68: {  	v10 =	vld [tilespmem:s17+$0x1720]  }
0x69: {  	v8 =	vld [tilespmem:s17+$0x330]  }
0x6a: {  	v12 =	vld [tilespmem:s17+$0x1730]  }
0x6b: {  	v9 =	vld [tilespmem:s17+$0x340]  }
0x6c: {  	v11 =	vld [tilespmem:s17+$0x1740]  }
0x6d: {  	v5 =	vld [tilespmem:s17+$0x350]  }
0x6e: {  	v7 =	vld [tilespmem:s17+$0x1750]  }
0x6f: {  	v3 =	vld [tilespmem:s17+$0x360]  }
0x70: {  	v4 =	vld [tilespmem:s17+$0x1760]  }
0x71: {  	v1 =	vld [tilespmem:s17+$0x370]  }
0x72: {  	v2 =	vld [tilespmem:s17+$0x1770]  }
0x73: {  	v17 =	vld [tilespmem:s17+$0x2B00]  }
0x74: {  	v16 =	vld [tilespmem:s17+$0x2B10]  }
0x75: {  	v15 =	vld [tilespmem:s17+$0x2B20]  }
0x76: {  	v14 =	vld [tilespmem:s17+$0x2B30];
	v19 =	vadd.f32 v18, v13  }
0x77: {  	s10 =	simm.s32 $0x200;
	v18 =	vadd.f32 v21, v20;
	v13 =	vld [tilespmem:s17+$0x2B40]  }
.LBB2_7:
0x78: {  	p0 =	sne.s32 s10, $0x4E00;
	v17 =	vadd.f32 v17, v19;
	v6 =	vadd.f32 v10, v6;
	v10 =	vld [tilespmem:s17+$0x2B50]  }
0x79: {  	v8 =	vadd.f32 v12, v8;
	v16 =	vadd.f32 v16, v18;
	v12 =	vld [tilespmem:s17+$0x2B60]  }
0x7a: {  	s15 =	sshra.s32 s10, $0x2;
	v9 =	vadd.f32 v11, v9;
	v17 =	vmax.f32 v17, $0.0e+00;
	v6 =	vadd.f32 v15, v6;
	v11 =	vld [tilespmem:s17+$0x2B70]  }
0x7b: {  	v5 =	vadd.f32 v7, v5;
	v18 =	vld [tilespmem:s15+$0x300];
	[tilespmem:s17+$0x2B00] =	vst v17;
	v15 =	vmax.f32 v16, $0.0e+00;
	v8 =	vadd.f32 v14, v8  }
0x7c: {  	v3 =	vadd.f32 v4, v3;
	v14 =	vld [tilespmem:s15+$0x1700];
	[tilespmem:s17+$0x2B10] =	vst v15;
	v6 =	vmax.f32 v6, $0.0e+00;
	v7 =	vadd.f32 v13, v9  }
0x7d: {  	v1 =	vadd.f32 v2, v1;
	v13 =	vld [tilespmem:s15+$0x310];
	[tilespmem:s17+$0x2B20] =	vst v6;
	v4 =	vmax.f32 v8, $0.0e+00;
	v5 =	vadd.f32 v10, v5  }
0x7e: {  	v20 =	vld [tilespmem:s15+$0x1710];
	[tilespmem:s17+$0x2B30] =	vst v4;
	v2 =	vmax.f32 v7, $0.0e+00;
	v3 =	vadd.f32 v12, v3  }
0x7f: {  	v6 =	vld [tilespmem:s15+$0x320];
	[tilespmem:s17+$0x2B40] =	vst v2;
	v2 =	vmax.f32 v5, $0.0e+00;
	v1 =	vadd.f32 v11, v1  }
0x80: {  	v10 =	vld [tilespmem:s15+$0x1720];
	[tilespmem:s17+$0x2B50] =	vst v2;
	v2 =	vmax.f32 v3, $0.0e+00  }
0x81: {  	v8 =	vld [tilespmem:s15+$0x330];
	[tilespmem:s17+$0x2B60] =	vst v2;
	v1 =	vmax.f32 v1, $0.0e+00  }
0x82: {  	v12 =	vld [tilespmem:s15+$0x1730];
	[tilespmem:s17+$0x2B70] =	vst v1;
	s17 =	smov.u32 s15  }
0x83: {  	v9 =	vld [tilespmem:s17+$0x340]  }
0x84: {  	v11 =	vld [tilespmem:s17+$0x1740]  }
0x85: {  	v5 =	vld [tilespmem:s17+$0x350]  }
0x86: {  	v7 =	vld [tilespmem:s17+$0x1750]  }
0x87: {  	v3 =	vld [tilespmem:s17+$0x360]  }
0x88: {  	v4 =	vld [tilespmem:s17+$0x1760]  }
0x89: {  	v1 =	vld [tilespmem:s17+$0x370]  }
0x8a: {  	v2 =	vld [tilespmem:s17+$0x1770]  }
.Ltmp2:
0x8b: {  	v17 =	vld [tilespmem:s17+$0x2B00];
	(pc) =	sbr.rel @p0 .LBB2_7-.Ltmp2, $4  }
0x8c: {  	v16 =	vld [tilespmem:s17+$0x2B10]  }
0x8d: {  	v15 =	vld [tilespmem:s17+$0x2B20]  }
0x8e: {  	v19 =	vadd.f32 v14, v18;
	v14 =	vld [tilespmem:s17+$0x2B30]  }
0x8f: {  	s10 =	sadd.s32 $0x200, s10;
	v18 =	vadd.f32 v20, v13;
	v13 =	vld [tilespmem:s17+$0x2B40]  }
0x90: {  	v17 =	vadd.f32 v17, v19  }
0x91: {  	v6 =	vadd.f32 v10, v6;
	v10 =	vld [tilespmem:s17+$0x2B50];
	v8 =	vadd.f32 v12, v8  }
0x92: {  	v9 =	vadd.f32 v11, v9;
	v11 =	vld [tilespmem:s17+$0x2B70];
	v16 =	vadd.f32 v16, v18  }
0x93: {  	v12 =	vld [tilespmem:s17+$0x2B60];
	v17 =	vmax.f32 v17, $0.0e+00;
	v6 =	vadd.f32 v15, v6  }
0x94: {  	v5 =	vadd.f32 v7, v5;
	[tilespmem:s17+$0x2B00] =	vst v17;
	v15 =	vmax.f32 v16, $0.0e+00;
	v8 =	vadd.f32 v14, v8  }
0x95: {  	v1 =	vadd.f32 v2, v1;
	[tilespmem:s17+$0x2B10] =	vst v15;
	v6 =	vmax.f32 v6, $0.0e+00;
	v7 =	vadd.f32 v13, v9  }
0x96: {  	v3 =	vadd.f32 v4, v3;
	[tilespmem:s17+$0x2B20] =	vst v6;
	v4 =	vmax.f32 v8, $0.0e+00;
	v5 =	vadd.f32 v10, v5  }
0x97: {  	v1 =	vadd.f32 v11, v1;
	[tilespmem:s17+$0x2B30] =	vst v4;
	v2 =	vmax.f32 v7, $0.0e+00  }
0x98: {  	v3 =	vadd.f32 v12, v3;
	[tilespmem:s17+$0x2B40] =	vst v2;
	v2 =	vmax.f32 v5, $0.0e+00  }
0x99: {  	v1 =	vmax.f32 v1, $0.0e+00;
	[tilespmem:s17+$0x2B50] =	vst v2  }
0x9a: {  	p0 =	seq.s32 s24, $0x0;
	v2 =	vmax.f32 v3, $0.0e+00;
	[tilespmem:s17+$0x2B70] =	vst v1  }
0x9b: {  	s10 =	simm.s32 @!p0 $0x9;
	[tilespmem:s17+$0x2B60] =	vst v2  }
0x9c: {  	[spmem:s2] =	stream.indirect.scatter.add.f32 [tilespmem:s25], [sflag:$0x3], $0x80, s4, s22, $0xb8;
	[tilespmem:$0x1EF80] =	vst v63  }
0x9d: {  	_ =	swait.ge @!p0 [sflag:s10], $0x1400  }
0x9e: {  	s15 =	rddreg [dreg:$0xa]  }
0x9f: {  	s15 =	sadd.s32 s23, s15  }
0xa0: {  	[sflag:s10] =	ssyncset.done @!p0 $0x0;
	s17 =	sshrl.u32 s15, $0x3  }
0xa1: {  	s16 =	simm.s32 $0x0;
	[sflag:s10] =	ssyncadd.s32 @!p0 $0xFFFFEC00;
	s10 =	sadd.s32 s7, s17  }
0xa2: {  	[tilespmem:s11], [sflag:$0x8] =	stream.linear.gather [hbm4b:s10+s16], $0x28, $0x38;
	[tilespmem:$0x1EF80] =	vst v63  }
0xa3: {  	s17 =	sadd.s32 s8, s17  }
0xa4: {  	[tilespmem:s12], [sflag:$0x8] =	stream.linear.gather [hbm4b:s17+s16], $0x28, $0x38;
	[tilespmem:$0x1EF80] =	vst v63  }
0xa5: {  	_ =	swait.ge [sflag:s13], $0x28  }
0xa6: {  	[sflag:s13] =	ssyncset.done $0x0  }
0xa7: {  	[sflag:s13] =	ssyncadd.s32 $0xFFFFFFD8  }
0xa8: {  	_ =	swait.ge [sflag:s13], $0x28  }
0xa9: {  	[sflag:s13] =	ssyncset.done $0x0  }
0xaa: {  	s17 =	simm.s32 $0x7B00;
	[sflag:s13] =	ssyncadd.s32 $0xFFFFFFD8  }
0xab: {  	[tilespmem:s17], [sflag:$0x7] =	stream.indirect.gather [hbm4b:s1+s22], $0x80, s11, s22, $0xb8;
	[tilespmem:$0x1EF80] =	vst v63  }
0xac: {  	s17 =	simm.s32 $0x8F00  }
0xad: {  	[tilespmem:s17], [sflag:$0x7] =	stream.indirect.gather [hbm4b:s5+s22], $0x80, s12, s22, $0xb8;
	[tilespmem:$0x1EF80] =	vst v63  }
0xae: {  	s17 =	sshll.u32 s15, $0x4  }
0xaf: {  	s10 =	sadd.s32 s6, s17  }
0xb0: {  	[tilespmem:s19], [sflag:$0x7] =	stream.linear.gather [hbm4b:s10+s16], $0x1400, $0x38;
	[tilespmem:$0x1EF80] =	vst v63  }
0xb1: {  	_ =	swait.ge [sflag:s20], $0x1400  }
0xb2: {  	[sflag:s20] =	ssyncset.done $0x0  }
0xb3: {  	[sflag:s20] =	ssyncadd.s32 $0xFFFFEC00  }
0xb4: {  	_ =	swait.ge [sflag:s20], $0x1400  }
0xb5: {  	[sflag:s20] =	ssyncset.done $0x0  }
0xb6: {  	[sflag:s20] =	ssyncadd.s32 $0xFFFFEC00  }
0xb7: {  	_ =	swait.ge [sflag:s20], $0x1400  }
0xb8: {  	[sflag:s20] =	ssyncset.done $0x0  }
0xb9: {  	s17 =	simm.s32 $0x0;
	[sflag:s20] =	ssyncadd.s32 $0xFFFFEC00  }
0xba: {  	v13 =	vld [tilespmem:s17+$0x3F00]  }
0xbb: {  	v18 =	vld [tilespmem:s17+$0x5300]  }
0xbc: {  	v20 =	vld [tilespmem:s17+$0x3F10]  }
0xbd: {  	v21 =	vld [tilespmem:s17+$0x5310]  }
0xbe: {  	v6 =	vld [tilespmem:s17+$0x3F20]  }
0xbf: {  	v10 =	vld [tilespmem:s17+$0x5320]  }
0xc0: {  	v8 =	vld [tilespmem:s17+$0x3F30]  }
0xc1: {  	v12 =	vld [tilespmem:s17+$0x5330]  }
0xc2: {  	v9 =	vld [tilespmem:s17+$0x3F40]  }
0xc3: {  	v11 =	vld [tilespmem:s17+$0x5340]  }
0xc4: {  	v5 =	vld [tilespmem:s17+$0x3F50]  }
0xc5: {  	v7 =	vld [tilespmem:s17+$0x5350]  }
0xc6: {  	v3 =	vld [tilespmem:s17+$0x3F60]  }
0xc7: {  	v4 =	vld [tilespmem:s17+$0x5360]  }
0xc8: {  	v1 =	vld [tilespmem:s17+$0x3F70]  }
0xc9: {  	v2 =	vld [tilespmem:s17+$0x5370]  }
0xca: {  	v17 =	vld [tilespmem:s17+$0x6700]  }
0xcb: {  	v16 =	vld [tilespmem:s17+$0x6710]  }
0xcc: {  	v15 =	vld [tilespmem:s17+$0x6720]  }
0xcd: {  	v14 =	vld [tilespmem:s17+$0x6730];
	v19 =	vadd.f32 v18, v13  }
0xce: {  	s10 =	simm.s32 $0x200;
	v18 =	vadd.f32 v21, v20;
	v13 =	vld [tilespmem:s17+$0x6740]  }
.LBB2_9:
0xcf: {  	p0 =	sne.s32 s10, $0x4E00;
	v17 =	vadd.f32 v17, v19;
	v6 =	vadd.f32 v10, v6;
	v10 =	vld [tilespmem:s17+$0x6750]  }
0xd0: {  	v8 =	vadd.f32 v12, v8;
	v16 =	vadd.f32 v16, v18;
	v12 =	vld [tilespmem:s17+$0x6760]  }
0xd1: {  	s15 =	sshra.s32 s10, $0x2;
	v9 =	vadd.f32 v11, v9;
	v17 =	vmax.f32 v17, $0.0e+00;
	v6 =	vadd.f32 v15, v6;
	v11 =	vld [tilespmem:s17+$0x6770]  }
0xd2: {  	v5 =	vadd.f32 v7, v5;
	v18 =	vld [tilespmem:s15+$0x3F00];
	[tilespmem:s17+$0x6700] =	vst v17;
	v15 =	vmax.f32 v16, $0.0e+00;
	v8 =	vadd.f32 v14, v8  }
0xd3: {  	v3 =	vadd.f32 v4, v3;
	v14 =	vld [tilespmem:s15+$0x5300];
	[tilespmem:s17+$0x6710] =	vst v15;
	v6 =	vmax.f32 v6, $0.0e+00;
	v7 =	vadd.f32 v13, v9  }
0xd4: {  	v1 =	vadd.f32 v2, v1;
	v13 =	vld [tilespmem:s15+$0x3F10];
	[tilespmem:s17+$0x6720] =	vst v6;
	v4 =	vmax.f32 v8, $0.0e+00;
	v5 =	vadd.f32 v10, v5  }
0xd5: {  	v20 =	vld [tilespmem:s15+$0x5310];
	[tilespmem:s17+$0x6730] =	vst v4;
	v2 =	vmax.f32 v7, $0.0e+00;
	v3 =	vadd.f32 v12, v3  }
0xd6: {  	v6 =	vld [tilespmem:s15+$0x3F20];
	[tilespmem:s17+$0x6740] =	vst v2;
	v2 =	vmax.f32 v5, $0.0e+00;
	v1 =	vadd.f32 v11, v1  }
0xd7: {  	v10 =	vld [tilespmem:s15+$0x5320];
	[tilespmem:s17+$0x6750] =	vst v2;
	v2 =	vmax.f32 v3, $0.0e+00  }
0xd8: {  	v8 =	vld [tilespmem:s15+$0x3F30];
	[tilespmem:s17+$0x6760] =	vst v2;
	v1 =	vmax.f32 v1, $0.0e+00  }
0xd9: {  	v12 =	vld [tilespmem:s15+$0x5330];
	[tilespmem:s17+$0x6770] =	vst v1;
	s17 =	smov.u32 s15  }
0xda: {  	v9 =	vld [tilespmem:s17+$0x3F40]  }
0xdb: {  	v11 =	vld [tilespmem:s17+$0x5340]  }
0xdc: {  	v5 =	vld [tilespmem:s17+$0x3F50]  }
0xdd: {  	v7 =	vld [tilespmem:s17+$0x5350]  }
0xde: {  	v3 =	vld [tilespmem:s17+$0x3F60]  }
0xdf: {  	v4 =	vld [tilespmem:s17+$0x5360]  }
0xe0: {  	v1 =	vld [tilespmem:s17+$0x3F70]  }
0xe1: {  	v2 =	vld [tilespmem:s17+$0x5370]  }
.Ltmp3:
0xe2: {  	v17 =	vld [tilespmem:s17+$0x6700];
	(pc) =	sbr.rel @p0 .LBB2_9-.Ltmp3, $4  }
0xe3: {  	v16 =	vld [tilespmem:s17+$0x6710]  }
0xe4: {  	v15 =	vld [tilespmem:s17+$0x6720]  }
0xe5: {  	v19 =	vadd.f32 v14, v18;
	v14 =	vld [tilespmem:s17+$0x6730]  }
0xe6: {  	s10 =	sadd.s32 $0x200, s10;
	v18 =	vadd.f32 v20, v13;
	v13 =	vld [tilespmem:s17+$0x6740]  }
0xe7: {  	v17 =	vadd.f32 v17, v19  }
0xe8: {  	v6 =	vadd.f32 v10, v6;
	v10 =	vld [tilespmem:s17+$0x6750];
	v8 =	vadd.f32 v12, v8  }
0xe9: {  	v9 =	vadd.f32 v11, v9;
	v11 =	vld [tilespmem:s17+$0x6770];
	v16 =	vadd.f32 v16, v18  }
0xea: {  	v12 =	vld [tilespmem:s17+$0x6760];
	v17 =	vmax.f32 v17, $0.0e+00;
	v6 =	vadd.f32 v15, v6  }
0xeb: {  	v5 =	vadd.f32 v7, v5;
	[tilespmem:s17+$0x6700] =	vst v17;
	v15 =	vmax.f32 v16, $0.0e+00;
	v8 =	vadd.f32 v14, v8  }
0xec: {  	v1 =	vadd.f32 v2, v1;
	[tilespmem:s17+$0x6710] =	vst v15;
	v6 =	vmax.f32 v6, $0.0e+00;
	v7 =	vadd.f32 v13, v9  }
0xed: {  	v3 =	vadd.f32 v4, v3;
	[tilespmem:s17+$0x6720] =	vst v6;
	v4 =	vmax.f32 v8, $0.0e+00;
	v5 =	vadd.f32 v10, v5  }
0xee: {  	v1 =	vadd.f32 v11, v1;
	[tilespmem:s17+$0x6730] =	vst v4;
	v2 =	vmax.f32 v7, $0.0e+00  }
0xef: {  	v3 =	vadd.f32 v12, v3;
	[tilespmem:s17+$0x6740] =	vst v2;
	v2 =	vmax.f32 v5, $0.0e+00  }
0xf0: {  	v1 =	vmax.f32 v1, $0.0e+00;
	[tilespmem:s17+$0x6750] =	vst v2  }
0xf1: {  	v2 =	vmax.f32 v3, $0.0e+00;
	[tilespmem:s17+$0x6770] =	vst v1  }
0xf2: {  	[tilespmem:s17+$0x6760] =	vst v2  }
0xf3: {  	[spmem:s2] =	stream.indirect.scatter.add.f32 [tilespmem:s0], [sflag:$0x6], $0x80, s26, s22, $0xb8;
	[tilespmem:$0x1EF80] =	vst v63  }
0xf4: {  	_ =	swait.ge [sflag:s30], $0x1400  }
0xf5: {  	s10 =	rddreg [dreg:$0xb]  }
0xf6: {  	s10 =	sadd.s32 s23, s10  }
0xf7: {  	[sflag:s30] =	ssyncset.done $0x0;
	s15 =	sshrl.u32 s10, $0x3  }
0xf8: {  	s17 =	simm.s32 $0x0;
	[sflag:s30] =	ssyncadd.s32 $0xFFFFEC00;
	s16 =	sadd.s32 s7, s15  }
0xf9: {  	[tilespmem:s17], [sflag:$0x2] =	stream.linear.gather [hbm4b:s16+s17], $0x28, $0x38;
	[tilespmem:$0x1EF80] =	vst v63  }
0xfa: {  	s15 =	sadd.s32 s8, s15  }
0xfb: {  	[tilespmem:s21], [sflag:$0x2] =	stream.linear.gather [hbm4b:s15+s17], $0x28, $0x38;
	[tilespmem:$0x1EF80] =	vst v63  }
0xfc: {  	_ =	swait.ge [sflag:s31], $0x28  }
0xfd: {  	[sflag:s31] =	ssyncset.done $0x0  }
0xfe: {  	[sflag:s31] =	ssyncadd.s32 $0xFFFFFFD8  }
0xff: {  	_ =	swait.ge [sflag:s31], $0x28  }
0x100: {  	[sflag:s31] =	ssyncset.done $0x0  }
0x101: {  	s16 =	simm.s32 $0x300;
	[sflag:s31] =	ssyncadd.s32 $0xFFFFFFD8  }
0x102: {  	[tilespmem:s16], [sflag:$0x1] =	stream.indirect.gather [hbm4b:s1+s22], $0x80, s17, s22, $0xb8;
	[tilespmem:$0x1EF80] =	vst v63  }
0x103: {  	s10 =	sshll.u32 s10, $0x4;
	s16 =	simm.s32 $0x1700  }
0x104: {  	[tilespmem:s16], [sflag:$0x1] =	stream.indirect.gather [hbm4b:s5+s22], $0x80, s21, s22, $0xb8;
	[tilespmem:$0x1EF80] =	vst v63  }
0x105: {  	s10 =	sadd.s32 s6, s10  }
0x106: {  	[tilespmem:s25], [sflag:$0x1] =	stream.linear.gather [hbm4b:s10+s17], $0x1400, $0x38;
	[tilespmem:$0x1EF80] =	vst v63  }
0x107: {  	_ =	swait.ge [sflag:s14], $0x1400  }
0x108: {  	[sflag:s14] =	ssyncset.done $0x0  }
0x109: {  	[sflag:s14] =	ssyncadd.s32 $0xFFFFEC00  }
0x10a: {  	_ =	swait.ge [sflag:s14], $0x1400  }
0x10b: {  	[sflag:s14] =	ssyncset.done $0x0  }
0x10c: {  	[sflag:s14] =	ssyncadd.s32 $0xFFFFEC00  }
0x10d: {  	_ =	swait.ge [sflag:s14], $0x1400  }
0x10e: {  	[sflag:s14] =	ssyncset.done $0x0  }
0x10f: {  	s17 =	simm.s32 $0x0;
	[sflag:s14] =	ssyncadd.s32 $0xFFFFEC00  }
0x110: {  	v13 =	vld [tilespmem:s17+$0x7B00]  }
0x111: {  	v18 =	vld [tilespmem:s17+$0x8F00]  }
0x112: {  	v20 =	vld [tilespmem:s17+$0x7B10]  }
0x113: {  	v21 =	vld [tilespmem:s17+$0x8F10]  }
0x114: {  	v6 =	vld [tilespmem:s17+$0x7B20]  }
0x115: {  	v10 =	vld [tilespmem:s17+$0x8F20]  }
0x116: {  	v8 =	vld [tilespmem:s17+$0x7B30]  }
0x117: {  	v12 =	vld [tilespmem:s17+$0x8F30]  }
0x118: {  	v9 =	vld [tilespmem:s17+$0x7B40]  }
0x119: {  	v11 =	vld [tilespmem:s17+$0x8F40]  }
0x11a: {  	v5 =	vld [tilespmem:s17+$0x7B50]  }
0x11b: {  	v7 =	vld [tilespmem:s17+$0x8F50]  }
0x11c: {  	v3 =	vld [tilespmem:s17+$0x7B60]  }
0x11d: {  	v4 =	vld [tilespmem:s17+$0x8F60]  }
0x11e: {  	v1 =	vld [tilespmem:s17+$0x7B70]  }
0x11f: {  	v2 =	vld [tilespmem:s17+$0x8F70]  }
0x120: {  	v17 =	vld [tilespmem:s17+$0xA300]  }
0x121: {  	v16 =	vld [tilespmem:s17+$0xA310]  }
0x122: {  	v15 =	vld [tilespmem:s17+$0xA320]  }
0x123: {  	v14 =	vld [tilespmem:s17+$0xA330];
	v19 =	vadd.f32 v18, v13  }
0x124: {  	s10 =	simm.s32 $0x200;
	v18 =	vadd.f32 v21, v20;
	v13 =	vld [tilespmem:s17+$0xA340]  }
.LBB2_11:
0x125: {  	p0 =	sne.s32 s10, $0x4E00;
	v17 =	vadd.f32 v17, v19;
	v6 =	vadd.f32 v10, v6;
	v10 =	vld [tilespmem:s17+$0xA350]  }
0x126: {  	v8 =	vadd.f32 v12, v8;
	v16 =	vadd.f32 v16, v18;
	v12 =	vld [tilespmem:s17+$0xA360]  }
0x127: {  	s15 =	sshra.s32 s10, $0x2;
	v9 =	vadd.f32 v11, v9;
	v17 =	vmax.f32 v17, $0.0e+00;
	v6 =	vadd.f32 v15, v6;
	v11 =	vld [tilespmem:s17+$0xA370]  }
0x128: {  	v5 =	vadd.f32 v7, v5;
	v18 =	vld [tilespmem:s15+$0x7B00];
	[tilespmem:s17+$0xA300] =	vst v17;
	v15 =	vmax.f32 v16, $0.0e+00;
	v8 =	vadd.f32 v14, v8  }
0x129: {  	v3 =	vadd.f32 v4, v3;
	v14 =	vld [tilespmem:s15+$0x8F00];
	[tilespmem:s17+$0xA310] =	vst v15;
	v6 =	vmax.f32 v6, $0.0e+00;
	v7 =	vadd.f32 v13, v9  }
0x12a: {  	v1 =	vadd.f32 v2, v1;
	v13 =	vld [tilespmem:s15+$0x7B10];
	[tilespmem:s17+$0xA320] =	vst v6;
	v4 =	vmax.f32 v8, $0.0e+00;
	v5 =	vadd.f32 v10, v5  }
0x12b: {  	v20 =	vld [tilespmem:s15+$0x8F10];
	[tilespmem:s17+$0xA330] =	vst v4;
	v2 =	vmax.f32 v7, $0.0e+00;
	v3 =	vadd.f32 v12, v3  }
0x12c: {  	v6 =	vld [tilespmem:s15+$0x7B20];
	[tilespmem:s17+$0xA340] =	vst v2;
	v2 =	vmax.f32 v5, $0.0e+00;
	v1 =	vadd.f32 v11, v1  }
0x12d: {  	v10 =	vld [tilespmem:s15+$0x8F20];
	[tilespmem:s17+$0xA350] =	vst v2;
	v2 =	vmax.f32 v3, $0.0e+00  }
0x12e: {  	v8 =	vld [tilespmem:s15+$0x7B30];
	[tilespmem:s17+$0xA360] =	vst v2;
	v1 =	vmax.f32 v1, $0.0e+00  }
0x12f: {  	v12 =	vld [tilespmem:s15+$0x8F30];
	[tilespmem:s17+$0xA370] =	vst v1;
	s17 =	smov.u32 s15  }
0x130: {  	v9 =	vld [tilespmem:s17+$0x7B40]  }
0x131: {  	v11 =	vld [tilespmem:s17+$0x8F40]  }
0x132: {  	v5 =	vld [tilespmem:s17+$0x7B50]  }
0x133: {  	v7 =	vld [tilespmem:s17+$0x8F50]  }
0x134: {  	v3 =	vld [tilespmem:s17+$0x7B60]  }
0x135: {  	v4 =	vld [tilespmem:s17+$0x8F60]  }
0x136: {  	v1 =	vld [tilespmem:s17+$0x7B70]  }
0x137: {  	v2 =	vld [tilespmem:s17+$0x8F70]  }
.Ltmp4:
0x138: {  	v17 =	vld [tilespmem:s17+$0xA300];
	(pc) =	sbr.rel @p0 .LBB2_11-.Ltmp4, $4  }
0x139: {  	v16 =	vld [tilespmem:s17+$0xA310]  }
0x13a: {  	v15 =	vld [tilespmem:s17+$0xA320]  }
0x13b: {  	v19 =	vadd.f32 v14, v18;
	v14 =	vld [tilespmem:s17+$0xA330]  }
0x13c: {  	s10 =	sadd.s32 $0x200, s10;
	v18 =	vadd.f32 v20, v13;
	v13 =	vld [tilespmem:s17+$0xA340]  }
0x13d: {  	v17 =	vadd.f32 v17, v19;
	v6 =	vadd.f32 v10, v6;
	v58 =	vld [tilespmem:s17+$0xA350]  }
0x13e: {  	v8 =	vadd.f32 v12, v8;
	v60 =	vld [tilespmem:s17+$0xA370];
	v16 =	vadd.f32 v16, v18  }
0x13f: {  	v59 =	vld [tilespmem:s17+$0xA360];
	v9 =	vadd.f32 v11, v9;
	v17 =	vmax.f32 v17, $0.0e+00;
	v6 =	vadd.f32 v15, v6  }
0x140: {  	v5 =	vadd.f32 v7, v5;
	[tilespmem:s17+$0xA300] =	vst v17;
	v61 =	vmax.f32 v16, $0.0e+00;
	v8 =	vadd.f32 v14, v8  }
0x141: {  	v1 =	vadd.f32 v2, v1;
	[tilespmem:s17+$0xA310] =	vst v61;
	v6 =	vmax.f32 v6, $0.0e+00;
	v62 =	vadd.f32 v13, v9  }
0x142: {  	v3 =	vadd.f32 v4, v3;
	[tilespmem:s17+$0xA320] =	vst v6;
	v63 =	vmax.f32 v8, $0.0e+00;
	v5 =	vadd.f32 v58, v5  }
0x143: {  	p0 =	seq.s32 s24, $0x52;
	v1 =	vadd.f32 v60, v1;
	[tilespmem:s17+$0xA330] =	vst v63;
	v2 =	vmax.f32 v62, $0.0e+00  }
.Ltmp5:
0x144: {  	v3 =	vadd.f32 v59, v3;
	[tilespmem:s17+$0xA340] =	vst v2;
	v2 =	vmax.f32 v5, $0.0e+00;
	(pc) =	sbr.rel @p0 .LBB2_14-.Ltmp5, $4  }
0x145: {  	v1 =	vmax.f32 v1, $0.0e+00;
	[tilespmem:s17+$0xA350] =	vst v2  }
0x146: {  	v2 =	vmax.f32 v3, $0.0e+00;
	[tilespmem:s17+$0xA370] =	vst v1  }
0x147: {  	[tilespmem:s17+$0xA360] =	vst v2  }
0x148: {  	[spmem:s2] =	stream.indirect.scatter.add.f32 [tilespmem:s19], [sflag:$0x9], $0x80, s11, s22, $0xb8;
	[tilespmem:$0x1EF80] =	vst v63  }
0x149: {  	_ =	swait.ge [sflag:s18], $0x1400  }
0x14a: {  	s10 =	rddreg [dreg:$0xc]  }
0x14b: {  	s10 =	sadd.s32 s23, s10  }
0x14c: {  	[sflag:s18] =	ssyncset.done $0x0;
	s10 =	sshrl.u32 s10, $0x3  }
.Ltmp6:
0x14d: {  	[sflag:s18] =	ssyncadd.s32 $0xFFFFEC00;
	s15 =	sadd.s32 s7, s10;
	(pc) =	sbr.rel .LBB2_6-.Ltmp6, $4  }
0x14e: {  	[tilespmem:s26], [sflag:$0x5] =	stream.linear.gather [hbm4b:s15+s4], $0x28, $0x38;
	[tilespmem:$0x1EF80] =	vst v63  }
0x14f: {  	s23 =	simm.s32 $0x180;
	s10 =	sadd.s32 s8, s10  }
0x150: {  	[tilespmem:s23], [sflag:$0x5] =	stream.linear.gather [hbm4b:s10+s4], $0x28, $0x38;
	[tilespmem:$0x1EF80] =	vst v63  }
0x151: {  	s24 =	sadd.s32 $0x1, s24;
	s10 =	simm.s32 $0x180  }
.LBB2_14:
0x152: {  	_ =	swait.ge [sflag:s9], $0x1400  }
0x153: {  	[sflag:s9] =	ssyncset.done $0x0  }
0x154: {  	[sflag:s9] =	ssyncadd.s32 $0xFFFFEC00  }
0x155: {  	_ =	swait.ge [sflag:s9], $0x1400  }
0x156: {  	[sflag:s9] =	ssyncset.done $0x0  }
0x157: {  	[sflag:s9] =	ssyncadd.s32 $0xFFFFEC00  }
0x158: {  	_ =	swait.ge [sflag:s9], $0x1400  }
0x159: {  	[sflag:s9] =	ssyncset.done $0x0  }
0x15a: {  	s17 =	simm.s32 $0x0;
	[sflag:s9] =	ssyncadd.s32 $0xFFFFEC00  }
0x15b: {  	v13 =	vld [tilespmem:s17+$0x300]  }
0x15c: {  	v18 =	vld [tilespmem:s17+$0x1700]  }
0x15d: {  	v20 =	vld [tilespmem:s17+$0x310]  }
0x15e: {  	v21 =	vld [tilespmem:s17+$0x1710]  }
0x15f: {  	v6 =	vld [tilespmem:s17+$0x320]  }
0x160: {  	v10 =	vld [tilespmem:s17+$0x1720]  }
0x161: {  	v8 =	vld [tilespmem:s17+$0x330]  }
0x162: {  	v12 =	vld [tilespmem:s17+$0x1730]  }
0x163: {  	v9 =	vld [tilespmem:s17+$0x340]  }
0x164: {  	v11 =	vld [tilespmem:s17+$0x1740]  }
0x165: {  	v5 =	vld [tilespmem:s17+$0x350]  }
0x166: {  	v7 =	vld [tilespmem:s17+$0x1750]  }
0x167: {  	v3 =	vld [tilespmem:s17+$0x360]  }
0x168: {  	v4 =	vld [tilespmem:s17+$0x1760]  }
0x169: {  	v1 =	vld [tilespmem:s17+$0x370]  }
0x16a: {  	v2 =	vld [tilespmem:s17+$0x1770]  }
0x16b: {  	v17 =	vld [tilespmem:s17+$0x2B00]  }
0x16c: {  	v16 =	vld [tilespmem:s17+$0x2B10]  }
0x16d: {  	v15 =	vld [tilespmem:s17+$0x2B20]  }
0x16e: {  	v14 =	vld [tilespmem:s17+$0x2B30];
	v19 =	vadd.f32 v18, v13  }
0x16f: {  	s10 =	simm.s32 $0x200;
	v18 =	vadd.f32 v21, v20;
	v13 =	vld [tilespmem:s17+$0x2B40]  }
.LBB2_15:
0x170: {  	p0 =	sne.s32 s10, $0x4E00;
	v17 =	vadd.f32 v17, v19;
	v6 =	vadd.f32 v10, v6;
	v10 =	vld [tilespmem:s17+$0x2B50]  }
0x171: {  	v8 =	vadd.f32 v12, v8;
	v16 =	vadd.f32 v16, v18;
	v12 =	vld [tilespmem:s17+$0x2B60]  }
0x172: {  	s15 =	sshra.s32 s10, $0x2;
	v9 =	vadd.f32 v11, v9;
	v17 =	vmax.f32 v17, $0.0e+00;
	v6 =	vadd.f32 v15, v6;
	v11 =	vld [tilespmem:s17+$0x2B70]  }
0x173: {  	v5 =	vadd.f32 v7, v5;
	v18 =	vld [tilespmem:s15+$0x300];
	[tilespmem:s17+$0x2B00] =	vst v17;
	v15 =	vmax.f32 v16, $0.0e+00;
	v8 =	vadd.f32 v14, v8  }
0x174: {  	v3 =	vadd.f32 v4, v3;
	v14 =	vld [tilespmem:s15+$0x1700];
	[tilespmem:s17+$0x2B10] =	vst v15;
	v6 =	vmax.f32 v6, $0.0e+00;
	v7 =	vadd.f32 v13, v9  }
0x175: {  	v1 =	vadd.f32 v2, v1;
	v13 =	vld [tilespmem:s15+$0x310];
	[tilespmem:s17+$0x2B20] =	vst v6;
	v4 =	vmax.f32 v8, $0.0e+00;
	v5 =	vadd.f32 v10, v5  }
0x176: {  	v20 =	vld [tilespmem:s15+$0x1710];
	[tilespmem:s17+$0x2B30] =	vst v4;
	v2 =	vmax.f32 v7, $0.0e+00;
	v3 =	vadd.f32 v12, v3  }
0x177: {  	v6 =	vld [tilespmem:s15+$0x320];
	[tilespmem:s17+$0x2B40] =	vst v2;
	v2 =	vmax.f32 v5, $0.0e+00;
	v1 =	vadd.f32 v11, v1  }
0x178: {  	v10 =	vld [tilespmem:s15+$0x1720];
	[tilespmem:s17+$0x2B50] =	vst v2;
	v2 =	vmax.f32 v3, $0.0e+00  }
0x179: {  	v8 =	vld [tilespmem:s15+$0x330];
	[tilespmem:s17+$0x2B60] =	vst v2;
	v1 =	vmax.f32 v1, $0.0e+00  }
0x17a: {  	v12 =	vld [tilespmem:s15+$0x1730];
	[tilespmem:s17+$0x2B70] =	vst v1;
	s17 =	smov.u32 s15  }
0x17b: {  	v9 =	vld [tilespmem:s17+$0x340]  }
0x17c: {  	v11 =	vld [tilespmem:s17+$0x1740]  }
0x17d: {  	v5 =	vld [tilespmem:s17+$0x350]  }
0x17e: {  	v7 =	vld [tilespmem:s17+$0x1750]  }
0x17f: {  	v3 =	vld [tilespmem:s17+$0x360]  }
0x180: {  	v4 =	vld [tilespmem:s17+$0x1760]  }
0x181: {  	v1 =	vld [tilespmem:s17+$0x370]  }
0x182: {  	v2 =	vld [tilespmem:s17+$0x1770]  }
.Ltmp7:
0x183: {  	v17 =	vld [tilespmem:s17+$0x2B00];
	(pc) =	sbr.rel @p0 .LBB2_15-.Ltmp7, $4  }
0x184: {  	v16 =	vld [tilespmem:s17+$0x2B10]  }
0x185: {  	v15 =	vld [tilespmem:s17+$0x2B20]  }
0x186: {  	v19 =	vadd.f32 v14, v18;
	v14 =	vld [tilespmem:s17+$0x2B30]  }
0x187: {  	s10 =	sadd.s32 $0x200, s10;
	v18 =	vadd.f32 v20, v13;
	v13 =	vld [tilespmem:s17+$0x2B40]  }
0x188: {  	v17 =	vadd.f32 v17, v19;
	v6 =	vadd.f32 v10, v6;
	v58 =	vld [tilespmem:s17+$0x2B50]  }
0x189: {  	v8 =	vadd.f32 v12, v8;
	v60 =	vld [tilespmem:s17+$0x2B70];
	v16 =	vadd.f32 v16, v18  }
0x18a: {  	v59 =	vld [tilespmem:s17+$0x2B60];
	v9 =	vadd.f32 v11, v9;
	v17 =	vmax.f32 v17, $0.0e+00;
	v6 =	vadd.f32 v15, v6  }
0x18b: {  	v5 =	vadd.f32 v7, v5;
	[tilespmem:s17+$0x2B00] =	vst v17;
	v61 =	vmax.f32 v16, $0.0e+00;
	v8 =	vadd.f32 v14, v8  }
0x18c: {  	v1 =	vadd.f32 v2, v1;
	[tilespmem:s17+$0x2B10] =	vst v61;
	v6 =	vmax.f32 v6, $0.0e+00;
	v62 =	vadd.f32 v13, v9  }
0x18d: {  	v3 =	vadd.f32 v4, v3;
	[tilespmem:s17+$0x2B20] =	vst v6;
	v63 =	vmax.f32 v8, $0.0e+00;
	v5 =	vadd.f32 v58, v5  }
0x18e: {  	v1 =	vadd.f32 v60, v1;
	[tilespmem:s17+$0x2B30] =	vst v63;
	v2 =	vmax.f32 v62, $0.0e+00  }
0x18f: {  	v3 =	vadd.f32 v59, v3;
	[tilespmem:s17+$0x2B40] =	vst v2;
	v2 =	vmax.f32 v5, $0.0e+00  }
0x190: {  	v1 =	vmax.f32 v1, $0.0e+00;
	[tilespmem:s17+$0x2B50] =	vst v2  }
0x191: {  	v2 =	vmax.f32 v3, $0.0e+00;
	[tilespmem:s17+$0x2B70] =	vst v1  }
0x192: {  	s10 =	simm.s32 $0x0;
	[tilespmem:s17+$0x2B60] =	vst v2  }
0x193: {  	[spmem:s2] =	stream.indirect.scatter.add.f32 [tilespmem:s25], [sflag:$0x3], $0x80, s10, s22, $0xb8;
	[tilespmem:$0x1EF80] =	vst v63  }
0x194: {  	_ =	swait.ge [sflag:s18], $0x1400  }
0x195: {  	[sflag:s18] =	ssyncset.done $0x0  }
0x196: {  	s15 =	simm.s32 $0x9;
	[sflag:s18] =	ssyncadd.s32 $0xFFFFEC00  }
0x197: {  	_ =	swait.ge [sflag:s15], $0x1400  }
0x198: {  	[sflag:s15] =	ssyncset.done $0x0  }
0x199: {  	[sflag:s15] =	ssyncadd.s32 $0xFFFFEC00  }
0x19a: {  	_ =	swait.ge [sflag:s30], $0x1400  }
0x19b: {  	s10 =	sand.u32 $0xF, s10;
	[sflag:s30] =	ssyncset.done $0x0  }
0x19c: {  	s28 =	simm.s32 $0x1;
	p0 =	sne.s32 s10, s3;
	[sflag:s30] =	ssyncadd.s32 $0xFFFFEC00  }
0x19d: {  	s10 =	sshll.u32 @!p0 s3, $0x6;
	s16 =	sshrl.u32 @!p0 s2, $0x3;
	[bflag:$0x0] =	sbarrier.arrive $0xFFFF  }
0x19e: {  	s24 =	simm.s32 @!p0 $0xA;
	s10 =	sor.u32 @!p0 $0x1C0A, s10;
	s23 =	rddreg [dreg:$0xe]  }
0x19f: {  	[hbm:s23], [sflag:s10] =	dma.local @!p0 [spmem:s16], $0x280  }
0x1a0: {  	s17 =	simm.s32 $0x2;
	s15 =	sand.u32 $0xF, s28;
	_ =	swait.ge @!p0 [sflag:s24], $0x280  }
0x1a1: {  	s10 =	sadd.s32 $0x280, s23;
	s23 =	sadd.s32 $0x1400, s2;
	[sflag:s24] =	ssyncset.done @!p0 $0x0  }
.LBB2_17:
0x1a2: {  	[sflag:s24] =	ssyncadd.s32 @!p0 $0xFFFFFD80  }
0x1a3: {  	p0 =	sne.s32 s15, s3;
	s15 =	smov.u32 s17;
	s17 =	sadd.s32 $0x1, s17  }
0x1a4: {  	p1 =	sne.s32 s17, $0xFA  }
.Ltmp8:
0x1a5: {  	s16 =	sshll.u32 @!p0 s3, $0x6;
	s28 =	sshrl.u32 @!p0 s23, $0x3;
	(pc) =	sbr.rel @p1 .LBB2_17-.Ltmp8, $4  }
0x1a6: {  	s24 =	simm.s32 @!p0 $0xA;
	s16 =	sor.u32 @!p0 $0x1C0A, s16  }
0x1a7: {  	[hbm:s10], [sflag:s16] =	dma.local @!p0 [spmem:s28], $0x280  }
0x1a8: {  	s10 =	sadd.s32 $0x280, s10;
	_ =	swait.ge @!p0 [sflag:s24], $0x280  }
0x1a9: {  	s15 =	sand.u32 $0xF, s15;
	s23 =	sadd.s32 $0x1400, s23;
	[sflag:s24] =	ssyncset.done @!p0 $0x0  }
0x1aa: {  	p1 =	sne.s32 s15, s3  }
0x1ab: {  	[sflag:s24] =	ssyncadd.s32 @!p0 $0xFFFFFD80;
	s15 =	sshll.u32 @!p1 s3, $0x6  }
0x1ac: {  	s16 =	sshrl.u32 @!p1 s23, $0x3;
	s17 =	simm.s32 @!p1 $0xA;
	s15 =	sor.u32 @!p1 $0x1C0A, s15  }
0x1ad: {  	[hbm:s10], [sflag:s15] =	dma.local @!p1 [spmem:s16], $0x280  }
0x1ae: {  	_ =	swait.ge @!p1 [sflag:s17], $0x280  }
0x1af: {  	s23 =	rddreg [dreg:$0xf]  }
0x1b0: {  	s24 =	rddreg [dreg:$0xd];
	s15 =	sadd.s32 $0x1, s23  }
0x1b1: {  	p0 =	sne.s32 s15, s24  }
.Ltmp9:
0x1b2: {  	_ = 	snop;
	(pc) =	sbr.rel @p0 .LBB2_1-.Ltmp9, $3  }
0x1b3: {  	_ =	sdelay $0x1  }
0x1b4: {  	[sflag:s17] =	ssyncset.done @!p1 $0x0  }
0x1b5: {  	s28 =	rddreg [dreg:$0x5];
	[sflag:s17] =	ssyncadd.s32 @!p1 $0xFFFFFD80  }
0x1b6: {  	_ =	sfence.sel $0x180000  }
0x1b7: {  	[bflag:$0x0] =	sbarrier.arrive $0xFFFF  }
0x1b8: {  	_ =	strace $0x9000004A  }
0x1b9: {  	[bflag:$0x2] =	sbarrier.arrive $0xFFFF  }
0x1ba: {  	p0 =	sne.s32 s3, $0x0;
	s0 =	rddreg [dreg:$0x3]  }
0x1bb: {  	s0 =	sadd.s32 @!p0 $0x100000, s0  }
0x1bc: {  	[sflag:s0] =	ssyncadd.tile.s32 @!p0 $0x1;
	_ =	shalt  }
.Lfunc_end2:
_tile_overlayer_lowered:
.L_overlay_start_2:
0x1bd: {  	(tag) =	ssettag $0x2  }
0x1be: {  	s0 =	rddreg [dreg:$0x0];
	s2 =	stileid.u32  }
0x1bf: {  	s1 =	rddreg [dreg:$0x1];
	p0 =	sne.s32 s2, $0x0  }
0x1c0: {  	s3 =	rddreg [dreg:$0x2];
	[bflag:$0x3] =	sbarrier.arrive $0xFFFF;
	s2 =	simm.s32 @!p0 $0x1C0A  }
0x1c1: {  	[timem:s3], [sflag:s2] =	dma.local @!p0 [hbm:s0], s1  }
0x1c2: {  	s0 =	simm.s32 @!p0 $0xA  }
0x1c3: {  	_ =	swait.ge @!p0 [sflag:s0], s1  }
0x1c4: {  	s1 =	ssub.s32 @!p0 $0x0, s1;
	[sflag:s0] =	ssyncset.done @!p0 $0x0  }
0x1c5: {  	[sflag:s0] =	ssyncadd.s32 @!p0 s1  }
0x1c6: {  	[bflag:$0x3] =	sbarrier.arrive $0xFFFF  }
0x1c7: {  	_ =	shalt  }

// kernel: kernel.9.cloned.1.call-start
scs
__scs_entry_jumppad:
0x0: {  	(pc) =	sbr.rel $0x88, $3  }
0x1: {  	(tag) =	ssettag $0x0;
	lr =	simm.s32 $0x1  }
0x2: {  	[smem:$0x3F90] =	sst lr;
	_ =	strace $0xD0000000  }
0x3: {  	_ = 	snop  }
0x4: {  	_ = 	snop  }
0x5: {  	_ = 	snop  }
0x6: {  	_ = 	snop  }
0x7: {  	_ = 	snop  }
__scs_overlays_trampoline_lowered:
0x8: {  	[smem:$0x3F9F] =	sst s0  }
0x9: {  	[smem:$0x3FA0] =	sst s1  }
0xa: {  	[smem:$0x3FA1] =	sst s2  }
0xb: {  	[smem:$0x3FA2] =	sst s3  }
0xc: {  	[smem:$0x3FA3] =	sst s4  }
0xd: {  	[smem:$0x3FA4] =	sst s5  }
0xe: {  	[smem:$0x3FA5] =	sst s6  }
0xf: {  	[smem:$0x3FA6] =	sst s7  }
0x10: {  	[smem:$0x3FA7] =	sst s8  }
0x11: {  	[smem:$0x3FA8] =	sst s9;
	s0 =	simm.s32 @!p0 $0x0  }
0x12: {  	s1 =	sld [smem:$0x3F8E];
	s0 =	simm.s32 @p0 $0x1  }
0x13: {  	[smem:$0x3FA9] =	sst s0;
	s0 =	simm.s32 @!p1 $0x0  }
0x14: {  	s2 =	sld [smem:$0x3F8D];
	s0 =	simm.s32 @p1 $0x1  }
0x15: {  	[smem:$0x3FAA] =	sst s0;
	s0 =	simm.s32 @!p2 $0x0  }
0x16: {  	s3 =	sld [smem:$0x3FDB];
	s0 =	simm.s32 @p2 $0x1  }
0x17: {  	s4 =	simm.s32 $0x1BF5;
	[smem:$0x3FAC] =	sst s0  }
0x18: {  	s0 =	sld [smem:$0x3F8F];
	_ =	swait.ge [sflag:s4], $0x0  }
0x19: {  	s7 =	sld [smem:$0x3F90]  }
0x1a: {  	s8 =	sadd.s32 $0xFFFFE003, lr  }
0x1b: {  	s9 =	sadd.s32 $0xFFFFFEF7, lr;
	s5 =	simm.s32 $0xFFFFFFFF;
	p2 =	slt.u32 s8, $0xFFFFF086  }
0x1c: {  	p1 =	slt.u32 s9, $0xF7A;
	s5 =	simm.s32 @!p2 $0x0  }
0x1d: {  	s5 =	simm.s32 @p1 $0x1;
	p0 =	seq.s32 s7, s2  }
0x1e: {  	s7 =	smul.u32 @!p0 $0xF7A, s2;
	p2 =	seq.s32 @!p0 s5, $0x0  }
0x1f: {  	s9 =	smul.u32 $0xF7A, s1;
	s8 =	simm.s32 @!p0 $0x1BF5;
	p2 =	por !p2, p0  }
0x20: {  	[sflag:s8] =	ssyncset.s32 @!p0 $0xFFFFF086;
	s6 =	sadd.s32 @!p0 s3, s7;
	s7 =	simm.s32 @!p0 $0x108  }
0x21: {  	s3 =	sadd.s32 s3, s9;
	s6 =	sadd.s32 @!p0 $0x88, s6;
	s7 =	simm.s32 @p2 $0x1082  }
0x22: {  	[simem:s7], [sflag:s8] =	dma.local @!p0 [hbm:s6], $0xF7A  }
0x23: {  	s9 =	sor.u32 $0xD0000000, s2;
	s6 =	simm.s32 $0x108;
	_ =	swait.ge @!p0 [sflag:s8], $0x0  }
0x24: {  	s3 =	sadd.s32 $0x88, s3;
	s6 =	simm.s32 @!p1 $0x1082;
	[sflag:s4] =	ssyncset.s32 $0xFFFFF086  }
0x25: {  	[simem:s6], [sflag:s4] =	dma.local [hbm:s3], $0xF7A  }
0x26: {  	[smem:$0x3F90] =	sst s1;
	(tag) =	ssettag s2;
	_ =	strace s9  }
0x27: {  	s1 =	sld [smem:$0x3FA0]  }
0x28: {  	s2 =	sld [smem:$0x3FA1]  }
0x29: {  	s4 =	sld [smem:$0x3FA3]  }
0x2a: {  	p0 =	seq.s32 s5, $0x0;
	s5 =	sld [smem:$0x3FA4]  }
0x2b: {  	s6 =	sld [smem:$0x3FA5]  }
0x2c: {  	s7 =	sld [smem:$0x3FA6]  }
0x2d: {  	s3 =	simm.s32 $0x108;
	s8 =	sld [smem:$0x3FA7]  }
0x2e: {  	s3 =	simm.s32 @!p0 $0x1082;
	s9 =	sld [smem:$0x3FA8]  }
0x2f: {  	lr =	sadd.s32 s0, s3;
	s0 =	sld [smem:$0x3F9F]  }
0x30: {  	s3 =	sld [smem:$0x3FA2]  }
0x31: {  	[smem:$0x3FAB] =	sst s10  }
0x32: {  	s10 =	sld [smem:$0x3FA9];
	_ =	sdelay $0x3  }
0x33: {  	p0 =	seq.s32 s10, $0x1;
	s10 =	sld [smem:$0x3FAB];
	_ =	sdelay $0x3  }
0x34: {  	[smem:$0x3FAB] =	sst s10  }
0x35: {  	s10 =	sld [smem:$0x3FAA];
	_ =	sdelay $0x3  }
0x36: {  	p1 =	seq.s32 s10, $0x1;
	s10 =	sld [smem:$0x3FAB];
	_ =	sdelay $0x3  }
0x37: {  	[smem:$0x3FAB] =	sst s10  }
0x38: {  	s10 =	sld [smem:$0x3FAC]  }
0x39: {  	_ = 	snop;
	(pc) =	sbr.ind lr, $3  }
0x3a: {  	_ = 	snop  }
0x3b: {  	_ = 	snop  }
0x3c: {  	p2 =	seq.s32 s10, $0x1;
	s10 =	sld [smem:$0x3FAB]  }
0x3d: {  	_ =	shalt  }
0x3e: {  	_ =	shalt  }
0x3f: {  	_ =	shalt  }
0x40: {  	_ =	shalt  }
0x41: {  	_ =	shalt  }
0x42: {  	_ =	shalt  }
0x43: {  	_ =	shalt  }
0x44: {  	_ =	shalt  }
0x45: {  	_ =	shalt  }
0x46: {  	_ =	shalt  }
0x47: {  	_ =	shalt  }
0x48: {  	_ =	shalt  }
0x49: {  	_ =	shalt  }
0x4a: {  	_ =	shalt  }
0x4b: {  	_ =	shalt  }
0x4c: {  	_ =	shalt  }
0x4d: {  	_ =	shalt  }
0x4e: {  	_ =	shalt  }
0x4f: {  	_ =	shalt  }
0x50: {  	_ =	shalt  }
0x51: {  	_ =	shalt  }
0x52: {  	_ =	shalt  }
0x53: {  	_ =	shalt  }
0x54: {  	_ =	shalt  }
0x55: {  	_ =	shalt  }
0x56: {  	_ =	shalt  }
0x57: {  	_ =	shalt  }
0x58: {  	_ =	shalt  }
0x59: {  	_ =	shalt  }
0x5a: {  	_ =	shalt  }
0x5b: {  	_ =	shalt  }
0x5c: {  	_ =	shalt  }
0x5d: {  	_ =	shalt  }
0x5e: {  	_ =	shalt  }
0x5f: {  	_ =	shalt  }
0x60: {  	_ =	shalt  }
0x61: {  	_ =	shalt  }
0x62: {  	_ =	shalt  }
0x63: {  	_ =	shalt  }
0x64: {  	_ =	shalt  }
0x65: {  	_ =	shalt  }
0x66: {  	_ =	shalt  }
0x67: {  	_ =	shalt  }
0x68: {  	_ =	shalt  }
0x69: {  	_ =	shalt  }
0x6a: {  	_ =	shalt  }
0x6b: {  	_ =	shalt  }
0x6c: {  	_ =	shalt  }
0x6d: {  	_ =	shalt  }
0x6e: {  	_ =	shalt  }
0x6f: {  	_ =	shalt  }
0x70: {  	_ =	shalt  }
0x71: {  	_ =	shalt  }
0x72: {  	_ =	shalt  }
0x73: {  	_ =	shalt  }
0x74: {  	_ =	shalt  }
0x75: {  	_ =	shalt  }
0x76: {  	_ =	shalt  }
0x77: {  	_ =	shalt  }
0x78: {  	_ =	shalt  }
0x79: {  	_ =	shalt  }
0x7a: {  	_ =	shalt  }
0x7b: {  	_ =	shalt  }
0x7c: {  	_ =	shalt  }
0x7d: {  	_ =	shalt  }
0x7e: {  	_ =	shalt  }
0x7f: {  	_ =	shalt  }
0x80: {  	_ =	shalt  }
0x81: {  	_ =	shalt  }
0x82: {  	_ =	shalt  }
0x83: {  	_ =	shalt  }
0x84: {  	_ =	shalt  }
0x85: {  	_ =	shalt  }
0x86: {  	_ =	shalt  }
0x87: {  	_ =	shalt  }
.Lfunc_end0:
.L_simem_size_0:
called_computation_lowered:
.L_overlay_start_0:
0x88: {  	s2 =	sld [smem:$0x3FD9]  }
0x89: {  	s3 =	sld [smem:$0x3FFE];
	_ =	sdelay $0x1  }
0x8a: {  	s1 =	srdreg.scid  }
0x8b: {  	s0 =	sand.u32 $0x1, s1  }
0x8c: {  	s16 =	sshll.u32 s0, $0xA;
	s2 =	sadd.s32 s3, s2  }
0x8d: {  	s2 =	sadd.s32 s2, s16  }
0x8e: {  	[smem:$0x3FB7] =	sst s2  }
0x8f: {  	_ = 	snop  }
0x90: {  	(tm) =	ssettm $0x1  }
0x91: {  	s17 =	sld [smem:$0x3FFB];
	_ =	sdelay $0x3  }
0x92: {  	_ =	strace s17  }
0x93: {  	s2 =	sld [smem:$0x3FFC];
	_ =	sdelay $0x3  }
0x94: {  	_ =	strace s2  }
0x95: {  	s2 =	sld [smem:$0x3FFD];
	_ =	sdelay $0x3  }
0x96: {  	_ =	strace s2  }
0x97: {  	_ =	strace $0x8FFFFFFF  }
0x98: {  	s18 =	sld [smem:$0x3FDB];
	_ =	sdelay $0x1  }
0x99: {  	s19 =	simm.s32 $_scs_section_size  }
0x9a: {  	s4 =	simm.s32 $_size__tile_overlayer_lowered;
	s5 =	simm.s32 $_tile_overlayer_lowered  }
0x9b: {  	s22 =	simm.s32 $0x1BFF;
	s21 =	sshll.u32 s5, $0x1;
	s2 =	sadd.s32 s19, s18  }
0x9c: {  	s6 =	simm.s32 $0x0;
	s20 =	sshll.u32 s4, $0x1;
	s4 =	sadd.s32 s21, s2  }
0x9d: {  	[timem:s6], [sflag:s22] =	dma.local [hbm:s4], s20  }
0x9e: {  	_ =	swait.ge [sflag:s22], s20  }
0x9f: {  	s3 =	ssub.s32 $0x0, s20;
	[sflag:s22] =	ssyncset.done $0x0  }
0xa0: {  	[sflag:s22] =	ssyncadd.s32 s3;
	_ =	sdelay $0x1  }
0xa1: {  	s23 =	simm.s32 $0x1B8B  }
0xa2: {  	_ =	swait.ge [sflag:s23], $0x1  }
0xa3: {  	[sflag:s23] =	ssyncset.done $0x0  }
0xa4: {  	s25 =	simm.s32 $0x1B8E;
	s24 =	sld [smem:$0x3FFE];
	[sflag:s23] =	ssyncadd.s32 $0xFFFFFFFF  }
0xa5: {  	s26 =	simm.s32 $execute0_lowered;
	[smem:$0x3FD2] =	sst s25  }
0xa6: {  	s4 =	sshll.u32 s26, $0x1;
	_ =	strace $0x80000046;
	[dreg:$0x1] =	wrdreg $0xFFFFFFFF  }
0xa7: {  	s28 =	simm.s32 $_size_execute0_lowered;
	s2 =	sadd.s32 s2, s4;
	[dreg:$0x0] =	wrdreg $0x0  }
0xa8: {  	s4 =	sshll.u32 s28, $0x1;
	[dreg:$0x2] =	wrdreg s2  }
0xa9: {  	[dreg:$0x3] =	wrdreg s4  }
0xaa: {  	[dreg:$0x4] =	wrdreg $0xC0  }
0xab: {  	_ =	task [dreg:s6], $0x5FFFF  }
0xac: {  	[dreg:$0x1] =	wrdreg $0xFFFFFFFF  }
0xad: {  	[dreg:$0x0] =	wrdreg $0x60  }
0xae: {  	[dreg:$0x2] =	wrdreg s24  }
0xaf: {  	[dreg:$0x3] =	wrdreg $0xB7000  }
0xb0: {  	[dreg:$0x4] =	wrdreg $0x9  }
0xb1: {  	_ =	task.clear_ibuf [dreg:s6], $0x5FFFF;
	_ =	strace $0x90000046  }
0xb2: {  	s29 =	simm.s32 $0x9;
	_ =	strace $0x80000048  }
0xb3: {  	_ =	swait.ge [sflag:s29], $0x1  }
0xb4: {  	[sflag:s29] =	ssyncadd.s32 $0xFFFFFFFF  }
0xb5: {  	_ =	strace $0x90000048  }
0xb6: {  	_ =	sfence  }
0xb7: {  	s30 =	sld [smem:$0x0];
	_ =	sdelay $0x2  }
0xb8: {  	s31 =	sshll.u32 s1, $0xD;
	s1 =	sshrl.u32 s1, $0x2  }
0xb9: {  	s3 =	sand.u32 $0x4000, s31;
	s1 =	sadd.s32 s1, s30  }
0xba: {  	s0 =	sor.u32 s3, s0;
	s1 =	sshll.u32 s1, $0x11  }
0xbb: {  	s0 =	sor.u32 s1, s0  }
0xbc: {  	s0 =	sadd.s32 $0x8F2B, s0  }
0xbd: {  	[sflag:s0] =	ssyncadd.remote.s32 $0x1  }
0xbe: {  	_ =	sfence.sel $0xFFFF  }
0xbf: {  	[dreg:$0x0] =	wrdreg $0xFFFFFFFF;
	(pc) =	sbr.abs _section_cstart, $3  }
0xc0: {  	[dreg:$0x1] =	wrdreg $0xFFFFFFFF  }
0xc1: {  	_ =	task.clear_ibuf [dreg:s6], $0x2FFFF;
	_ =	strace $0x9FFFFFFF  }
0xc2: {  	(tm) =	ssettm $0x7FFFFFFF  }
0xc3: {  	_ =	shalt  }
tec
execute0_lowered:
.L_overlay_start_1:
0x0: {  	(tag) =	ssettag $0x1  }
0x1: {  	s0 =	rddreg [dreg:$0x0]  }
0x2: {  	s1 =	rddreg [dreg:$0x1];
	s3 =	simm.s32 $0x0  }
0x3: {  	s5 =	srdreg.scid;
	s2 =	stileid.u32;
	s29 =	simm.s32 $0x5  }
0x4: {  	s30 =	simm.s32 $0x3;
	s31 =	simm.s32 $0x2;
	s14 =	simm.s32 $0x7  }
0x5: {  	s15 =	simm.s32 $0x0;
	[smem:$0x7FF] =	sst s3;
	s4 =	sadd.s32 $0x1E00, s0  }
0x6: {  	s9 =	sand.u32 $0x1, s5;
	s6 =	sshll.u32 s2, $0x1;
	s5 =	sadd.s32 $0x4F7A00, s0  }
0x7: {  	s7 =	sadd.s32 $0x4EDC00, s0;
	s10 =	smul.u32 $0x27100, s9;
	s11 =	sor.u32 s9, s6  }
0x8: {  	s8 =	sadd.s32 $0x4E3E00, s0;
	s9 =	ssub.s32 $0x2, s9;
	s12 =	smul.u32 $0x2710, s11  }
0x9: {  	_ =	strace $0x80000047;
	s18 =	sshrl.u32 s9, $0x1;
	s11 =	smul.u32 $0x27100, s11  }
0xa: {  	s6 =	sadd.s32 $0x29000, s0;
	s0 =	sadd.s32 s10, s0;
	s9 =	ssub.s32 s9, s18  }
0xb: {  	s18 =	simm.s32 $0x6;
	s13 =	sshrl.u32 s12, $0x3;
	s21 =	sadd.s32 s5, s11  }
0xc: {  	s28 =	sadd.s32 $0x28, s12;
	s24 =	sadd.s32 $0x50, s12;
	[dreg:$0x6] =	wrdreg s21  }
0xd: {  	s25 =	sadd.s32 $0x78, s12;
	s26 =	sadd.s32 $0xA0, s12;
	[dreg:$0x9] =	wrdreg s24  }
0xe: {  	s9 =	smax.u32 s9, $0x1;
	s0 =	sadd.s32 $0x77400, s0;
	[dreg:$0xa] =	wrdreg s25  }
0xf: {  	s11 =	simm.s32 $0x200;
	s12 =	simm.s32 $0x280;
	[dreg:$0xb] =	wrdreg s26  }
0x10: {  	s19 =	sadd.s32 s7, s13;
	s20 =	sadd.s32 s8, s13;
	[dreg:$0xc] =	wrdreg s9  }
0x11: {  	s22 =	sshrl.u32 s28, $0x3;
	[dreg:$0xd] =	wrdreg s0;
	s21 =	simm.s32 $0x80  }
0x12: {  	s25 =	simm.s32 $0x2B00;
	s26 =	simm.s32 $0x100;
	[dreg:$0x4] =	wrdreg s28  }
0x13: {  	s0 =	simm.s32 $0x6700;
	s9 =	simm.s32 $0x1;
	[dreg:$0x3] =	wrdreg s19  }
0x14: {  	s13 =	simm.s32 $0x8;
	[dreg:$0x5] =	wrdreg s20;
	s23 =	sadd.s32 s7, s22  }
0x15: {  	s10 =	sadd.s32 s8, s22;
	s22 =	simm.s32 $0x28;
	[dreg:$0x7] =	wrdreg s23  }
0x16: {  	v0 =	vimm.f32 $0.0e+00;
	s19 =	simm.s32 $0xA300;
	s20 =	simm.s32 $0x4;
	[dreg:$0x8] =	wrdreg s10  }
.LBB2_1:
0x17: {  	[dreg:$0xe] =	wrdreg s15;
	s10 =	simm.s32 $0x0;
	s17 =	simm.s32 $0x200  }
.LBB2_2:
0x18: {  	p0 =	sne.s32 s17, $0x4E00;
	[tilespmem:s10+$0x2B70] =	vst v0  }
0x19: {  	[tilespmem:s10+$0x2B00] =	vst v0  }
0x1a: {  	[tilespmem:s10+$0x2B10] =	vst v0  }
.Ltmp0:
0x1b: {  	[tilespmem:s10+$0x2B20] =	vst v0;
	(pc) =	sbr.rel @p0 .LBB2_2-.Ltmp0, $4  }
0x1c: {  	[tilespmem:s10+$0x2B30] =	vst v0  }
0x1d: {  	[tilespmem:s10+$0x2B40] =	vst v0  }
0x1e: {  	[tilespmem:s10+$0x2B50] =	vst v0  }
0x1f: {  	[tilespmem:s10+$0x2B60] =	vst v0;
	s10 =	sshra.s32 s17, $0x2;
	s17 =	sadd.s32 $0x200, s17  }
0x20: {  	[tilespmem:s10+$0x2B70] =	vst v0  }
0x21: {  	[tilespmem:s10+$0x2B00] =	vst v0  }
0x22: {  	[tilespmem:s10+$0x2B10] =	vst v0  }
0x23: {  	[tilespmem:s10+$0x2B20] =	vst v0  }
0x24: {  	[tilespmem:s10+$0x2B30] =	vst v0;
	s15 =	simm.s32 $0x0  }
0x25: {  	[tilespmem:s10+$0x2B40] =	vst v0;
	s15 =	sand.u32 $0xF, s15  }
0x26: {  	[tilespmem:s10+$0x2B50] =	vst v0;
	p0 =	sne.s32 s15, s2  }
0x27: {  	[tilespmem:s10+$0x2B60] =	vst v0;
	s10 =	simm.s32 @!p0 $0x2B00;
	s24 =	simm.s32 @!p0 $0xA  }
0x28: {  	[spmem:s1] =	stream.linear.scatter @!p0 [tilespmem:s10], [sflag:$0xA], $0x1400, $0x38;
	[tilespmem:$0x1EF80] =	vst v63  }
0x29: {  	s17 =	simm.s32 $0x1;
	_ =	swait.ge @!p0 [sflag:s24], $0x1400  }
0x2a: {  	s23 =	simm.s32 $0x2;
	s10 =	sadd.s32 $0x1400, s1;
	[sflag:s24] =	ssyncset.done @!p0 $0x0  }
.LBB2_4:
0x2b: {  	s15 =	sand.u32 $0xF, s17;
	s17 =	smov.u32 s23;
	s23 =	sadd.s32 $0x1, s23  }
0x2c: {  	[sflag:s24] =	ssyncadd.s32 @!p0 $0xFFFFEC00;
	p1 =	sne.s32 s23, $0xFA  }
.Ltmp1:
0x2d: {  	p0 =	sne.s32 s15, s2;
	(pc) =	sbr.rel @p1 .LBB2_4-.Ltmp1, $4  }
0x2e: {  	s15 =	simm.s32 @!p0 $0x2B00;
	s24 =	simm.s32 @!p0 $0xA  }
0x2f: {  	[spmem:s10] =	stream.linear.scatter @!p0 [tilespmem:s15], [sflag:$0xA], $0x1400, $0x38;
	[tilespmem:$0x1EF80] =	vst v63  }
0x30: {  	_ =	swait.ge @!p0 [sflag:s24], $0x1400  }
0x31: {  	s10 =	sadd.s32 $0x1400, s10;
	[sflag:s24] =	ssyncset.done @!p0 $0x0  }
0x32: {  	s15 =	sand.u32 $0xF, s17  }
0x33: {  	p1 =	sne.s32 s15, s2  }
0x34: {  	[sflag:s24] =	ssyncadd.s32 @!p0 $0xFFFFEC00;
	s15 =	simm.s32 @!p1 $0x2B00;
	s17 =	simm.s32 @!p1 $0xA  }
0x35: {  	[spmem:s10] =	stream.linear.scatter @!p1 [tilespmem:s15], [sflag:$0xA], $0x1400, $0x38;
	[tilespmem:$0x1EF80] =	vst v63  }
0x36: {  	_ =	swait.ge @!p1 [sflag:s17], $0x1400  }
0x37: {  	[sflag:s17] =	ssyncset.done @!p1 $0x0  }
0x38: {  	[sflag:s17] =	ssyncadd.s32 @!p1 $0xFFFFEC00  }
0x39: {  	[bflag:$0x0] =	sbarrier.arrive $0xFFFF  }
0x3a: {  	s16 =	simm.s32 $0x0;
	s24 =	simm.s32 $0xA;
	s23 =	rddreg [dreg:$0x3]  }
0x3b: {  	[tilespmem:s16], [sflag:$0xA] =	stream.linear.gather [hbm4b:s23+s16], $0x28, $0x38;
	[tilespmem:$0x1EF80] =	vst v63  }
0x3c: {  	_ =	swait.ge [sflag:s24], $0x28  }
0x3d: {  	[sflag:s24] =	ssyncset.done $0x0  }
0x3e: {  	s17 =	rddreg [dreg:$0x5];
	[sflag:s24] =	ssyncadd.s32 $0xFFFFFFD8  }
0x3f: {  	[tilespmem:s21], [sflag:$0xA] =	stream.linear.gather [hbm4b:s17+s16], $0x28, $0x38;
	[tilespmem:$0x1EF80] =	vst v63  }
0x40: {  	_ =	swait.ge [sflag:s24], $0x28  }
0x41: {  	[sflag:s24] =	ssyncset.done $0x0  }
0x42: {  	s23 =	simm.s32 $0x300;
	[sflag:s24] =	ssyncadd.s32 $0xFFFFFFD8  }
0x43: {  	[tilespmem:s23], [sflag:$0x1] =	stream.indirect.gather [hbm4b:s4+s22], $0x80, s16, s22, $0xb8;
	[tilespmem:$0x1EF80] =	vst v63  }
0x44: {  	s24 =	simm.s32 $0x1700  }
0x45: {  	[tilespmem:s24], [sflag:$0x1] =	stream.indirect.gather [hbm4b:s6+s22], $0x80, s21, s22, $0xb8;
	[tilespmem:$0x1EF80] =	vst v63  }
0x46: {  	s15 =	rddreg [dreg:$0x6]  }
0x47: {  	[tilespmem:s25], [sflag:$0x1] =	stream.linear.gather [hbm4b:s15+s16], $0x1400, $0x38;
	[tilespmem:$0x1EF80] =	vst v63  }
0x48: {  	s17 =	rddreg [dreg:$0x7]  }
0x49: {  	[tilespmem:s26], [sflag:$0x5] =	stream.linear.gather [hbm4b:s17+s16], $0x28, $0x38;
	[tilespmem:$0x1EF80] =	vst v63  }
0x4a: {  	s23 =	rddreg [dreg:$0x8];
	s24 =	simm.s32 $0x180  }
0x4b: {  	[tilespmem:s24], [sflag:$0x5] =	stream.linear.gather [hbm4b:s23+s16], $0x28, $0x38;
	[tilespmem:$0x1EF80] =	vst v63  }
0x4c: {  	s10 =	simm.s32 $0x180;
	s24 =	simm.s32 $0x0  }
.LBB2_6:
0x4d: {  	_ =	swait.ge [sflag:s29], $0x28  }
0x4e: {  	[sflag:s29] =	ssyncset.done $0x0  }
0x4f: {  	[sflag:s29] =	ssyncadd.s32 $0xFFFFFFD8  }
0x50: {  	_ =	swait.ge [sflag:s29], $0x28  }
0x51: {  	[sflag:s29] =	ssyncset.done $0x0  }
0x52: {  	s15 =	simm.s32 $0x3F00;
	s23 =	smul.u32 $0x78, s24;
	[sflag:s29] =	ssyncadd.s32 $0xFFFFFFD8  }
0x53: {  	[tilespmem:s15], [sflag:$0x4] =	stream.indirect.gather [hbm4b:s4+s22], $0x80, s26, s22, $0xb8;
	[tilespmem:$0x1EF80] =	vst v63  }
0x54: {  	s17 =	simm.s32 $0x5300;
	s16 =	sadd.s32 s23, s28  }
0x55: {  	[tilespmem:s17], [sflag:$0x4] =	stream.indirect.gather [hbm4b:s6+s22], $0x80, s10, s22, $0xb8;
	[tilespmem:$0x1EF80] =	vst v63  }
0x56: {  	s10 =	sshll.u32 s16, $0x4  }
0x57: {  	s17 =	simm.s32 $0x0;
	s10 =	sadd.s32 s5, s10  }
0x58: {  	[tilespmem:s0], [sflag:$0x4] =	stream.linear.gather [hbm4b:s10+s17], $0x1400, $0x38;
	[tilespmem:$0x1EF80] =	vst v63  }
0x59: {  	_ =	swait.ge [sflag:s9], $0x1400  }
0x5a: {  	[sflag:s9] =	ssyncset.done $0x0  }
0x5b: {  	[sflag:s9] =	ssyncadd.s32 $0xFFFFEC00  }
0x5c: {  	_ =	swait.ge [sflag:s9], $0x1400  }
0x5d: {  	[sflag:s9] =	ssyncset.done $0x0  }
0x5e: {  	[sflag:s9] =	ssyncadd.s32 $0xFFFFEC00  }
0x5f: {  	_ =	swait.ge [sflag:s9], $0x1400  }
0x60: {  	[sflag:s9] =	ssyncset.done $0x0  }
0x61: {  	s17 =	simm.s32 $0x0;
	[sflag:s9] =	ssyncadd.s32 $0xFFFFEC00  }
0x62: {  	v13 =	vld [tilespmem:s17+$0x300]  }
0x63: {  	v18 =	vld [tilespmem:s17+$0x1700]  }
0x64: {  	v20 =	vld [tilespmem:s17+$0x310]  }
0x65: {  	v21 =	vld [tilespmem:s17+$0x1710]  }
0x66: {  	v6 =	vld [tilespmem:s17+$0x320]  }
0x67: {  	v10 =	vld [tilespmem:s17+$0x1720]  }
0x68: {  	v8 =	vld [tilespmem:s17+$0x330]  }
0x69: {  	v12 =	vld [tilespmem:s17+$0x1730]  }
0x6a: {  	v9 =	vld [tilespmem:s17+$0x340]  }
0x6b: {  	v11 =	vld [tilespmem:s17+$0x1740]  }
0x6c: {  	v5 =	vld [tilespmem:s17+$0x350]  }
0x6d: {  	v7 =	vld [tilespmem:s17+$0x1750]  }
0x6e: {  	v3 =	vld [tilespmem:s17+$0x360]  }
0x6f: {  	v4 =	vld [tilespmem:s17+$0x1760]  }
0x70: {  	v1 =	vld [tilespmem:s17+$0x370]  }
0x71: {  	v2 =	vld [tilespmem:s17+$0x1770]  }
0x72: {  	v17 =	vld [tilespmem:s17+$0x2B00]  }
0x73: {  	v16 =	vld [tilespmem:s17+$0x2B10]  }
0x74: {  	v15 =	vld [tilespmem:s17+$0x2B20]  }
0x75: {  	v14 =	vld [tilespmem:s17+$0x2B30];
	v19 =	vadd.f32 v18, v13  }
0x76: {  	s10 =	simm.s32 $0x200;
	v18 =	vadd.f32 v21, v20;
	v13 =	vld [tilespmem:s17+$0x2B40]  }
.LBB2_7:
0x77: {  	p0 =	sne.s32 s10, $0x4E00;
	v17 =	vadd.f32 v17, v19;
	v6 =	vadd.f32 v10, v6;
	v10 =	vld [tilespmem:s17+$0x2B50]  }
0x78: {  	v8 =	vadd.f32 v12, v8;
	v16 =	vadd.f32 v16, v18;
	v12 =	vld [tilespmem:s17+$0x2B60]  }
0x79: {  	s15 =	sshra.s32 s10, $0x2;
	v9 =	vadd.f32 v11, v9;
	v17 =	vmax.f32 v17, $0.0e+00;
	v6 =	vadd.f32 v15, v6;
	v11 =	vld [tilespmem:s17+$0x2B70]  }
0x7a: {  	v5 =	vadd.f32 v7, v5;
	v18 =	vld [tilespmem:s15+$0x300];
	[tilespmem:s17+$0x2B00] =	vst v17;
	v15 =	vmax.f32 v16, $0.0e+00;
	v8 =	vadd.f32 v14, v8  }
0x7b: {  	v3 =	vadd.f32 v4, v3;
	v14 =	vld [tilespmem:s15+$0x1700];
	[tilespmem:s17+$0x2B10] =	vst v15;
	v6 =	vmax.f32 v6, $0.0e+00;
	v7 =	vadd.f32 v13, v9  }
0x7c: {  	v1 =	vadd.f32 v2, v1;
	v13 =	vld [tilespmem:s15+$0x310];
	[tilespmem:s17+$0x2B20] =	vst v6;
	v4 =	vmax.f32 v8, $0.0e+00;
	v5 =	vadd.f32 v10, v5  }
0x7d: {  	v20 =	vld [tilespmem:s15+$0x1710];
	[tilespmem:s17+$0x2B30] =	vst v4;
	v2 =	vmax.f32 v7, $0.0e+00;
	v3 =	vadd.f32 v12, v3  }
0x7e: {  	v6 =	vld [tilespmem:s15+$0x320];
	[tilespmem:s17+$0x2B40] =	vst v2;
	v2 =	vmax.f32 v5, $0.0e+00;
	v1 =	vadd.f32 v11, v1  }
0x7f: {  	v10 =	vld [tilespmem:s15+$0x1720];
	[tilespmem:s17+$0x2B50] =	vst v2;
	v2 =	vmax.f32 v3, $0.0e+00  }
0x80: {  	v8 =	vld [tilespmem:s15+$0x330];
	[tilespmem:s17+$0x2B60] =	vst v2;
	v1 =	vmax.f32 v1, $0.0e+00  }
0x81: {  	v12 =	vld [tilespmem:s15+$0x1730];
	[tilespmem:s17+$0x2B70] =	vst v1;
	s17 =	smov.u32 s15  }
0x82: {  	v9 =	vld [tilespmem:s17+$0x340]  }
0x83: {  	v11 =	vld [tilespmem:s17+$0x1740]  }
0x84: {  	v5 =	vld [tilespmem:s17+$0x350]  }
0x85: {  	v7 =	vld [tilespmem:s17+$0x1750]  }
0x86: {  	v3 =	vld [tilespmem:s17+$0x360]  }
0x87: {  	v4 =	vld [tilespmem:s17+$0x1760]  }
0x88: {  	v1 =	vld [tilespmem:s17+$0x370]  }
0x89: {  	v2 =	vld [tilespmem:s17+$0x1770]  }
.Ltmp2:
0x8a: {  	v17 =	vld [tilespmem:s17+$0x2B00];
	(pc) =	sbr.rel @p0 .LBB2_7-.Ltmp2, $4  }
0x8b: {  	v16 =	vld [tilespmem:s17+$0x2B10]  }
0x8c: {  	v15 =	vld [tilespmem:s17+$0x2B20]  }
0x8d: {  	v19 =	vadd.f32 v14, v18;
	v14 =	vld [tilespmem:s17+$0x2B30]  }
0x8e: {  	s10 =	sadd.s32 $0x200, s10;
	v18 =	vadd.f32 v20, v13;
	v13 =	vld [tilespmem:s17+$0x2B40]  }
0x8f: {  	v17 =	vadd.f32 v17, v19  }
0x90: {  	v6 =	vadd.f32 v10, v6;
	v10 =	vld [tilespmem:s17+$0x2B50];
	v8 =	vadd.f32 v12, v8  }
0x91: {  	v9 =	vadd.f32 v11, v9;
	v11 =	vld [tilespmem:s17+$0x2B70];
	v16 =	vadd.f32 v16, v18  }
0x92: {  	v12 =	vld [tilespmem:s17+$0x2B60];
	v17 =	vmax.f32 v17, $0.0e+00;
	v6 =	vadd.f32 v15, v6  }
0x93: {  	v5 =	vadd.f32 v7, v5;
	[tilespmem:s17+$0x2B00] =	vst v17;
	v15 =	vmax.f32 v16, $0.0e+00;
	v8 =	vadd.f32 v14, v8  }
0x94: {  	v1 =	vadd.f32 v2, v1;
	[tilespmem:s17+$0x2B10] =	vst v15;
	v6 =	vmax.f32 v6, $0.0e+00;
	v7 =	vadd.f32 v13, v9  }
0x95: {  	v3 =	vadd.f32 v4, v3;
	[tilespmem:s17+$0x2B20] =	vst v6;
	v4 =	vmax.f32 v8, $0.0e+00;
	v5 =	vadd.f32 v10, v5  }
0x96: {  	v1 =	vadd.f32 v11, v1;
	[tilespmem:s17+$0x2B30] =	vst v4;
	v2 =	vmax.f32 v7, $0.0e+00  }
0x97: {  	v3 =	vadd.f32 v12, v3;
	[tilespmem:s17+$0x2B40] =	vst v2;
	v2 =	vmax.f32 v5, $0.0e+00  }
0x98: {  	v1 =	vmax.f32 v1, $0.0e+00;
	[tilespmem:s17+$0x2B50] =	vst v2  }
0x99: {  	p0 =	seq.s32 s24, $0x0;
	v2 =	vmax.f32 v3, $0.0e+00;
	[tilespmem:s17+$0x2B70] =	vst v1  }
0x9a: {  	s10 =	simm.s32 @!p0 $0x9;
	[tilespmem:s17+$0x2B60] =	vst v2  }
0x9b: {  	[spmem:s1] =	stream.indirect.scatter.add.f32 [tilespmem:s25], [sflag:$0x3], $0x80, s3, s22, $0xb8;
	[tilespmem:$0x1EF80] =	vst v63  }
0x9c: {  	_ =	swait.ge @!p0 [sflag:s10], $0x1400  }
0x9d: {  	s15 =	rddreg [dreg:$0x9]  }
0x9e: {  	s15 =	sadd.s32 s23, s15  }
0x9f: {  	[sflag:s10] =	ssyncset.done @!p0 $0x0;
	s17 =	sshrl.u32 s15, $0x3  }
0xa0: {  	s16 =	simm.s32 $0x0;
	[sflag:s10] =	ssyncadd.s32 @!p0 $0xFFFFEC00;
	s10 =	sadd.s32 s7, s17  }
0xa1: {  	[tilespmem:s11], [sflag:$0x8] =	stream.linear.gather [hbm4b:s10+s16], $0x28, $0x38;
	[tilespmem:$0x1EF80] =	vst v63  }
0xa2: {  	s17 =	sadd.s32 s8, s17  }
0xa3: {  	[tilespmem:s12], [sflag:$0x8] =	stream.linear.gather [hbm4b:s17+s16], $0x28, $0x38;
	[tilespmem:$0x1EF80] =	vst v63  }
0xa4: {  	_ =	swait.ge [sflag:s13], $0x28  }
0xa5: {  	[sflag:s13] =	ssyncset.done $0x0  }
0xa6: {  	[sflag:s13] =	ssyncadd.s32 $0xFFFFFFD8  }
0xa7: {  	_ =	swait.ge [sflag:s13], $0x28  }
0xa8: {  	[sflag:s13] =	ssyncset.done $0x0  }
0xa9: {  	s17 =	simm.s32 $0x7B00;
	[sflag:s13] =	ssyncadd.s32 $0xFFFFFFD8  }
0xaa: {  	[tilespmem:s17], [sflag:$0x7] =	stream.indirect.gather [hbm4b:s4+s22], $0x80, s11, s22, $0xb8;
	[tilespmem:$0x1EF80] =	vst v63  }
0xab: {  	s17 =	simm.s32 $0x8F00  }
0xac: {  	[tilespmem:s17], [sflag:$0x7] =	stream.indirect.gather [hbm4b:s6+s22], $0x80, s12, s22, $0xb8;
	[tilespmem:$0x1EF80] =	vst v63  }
0xad: {  	s17 =	sshll.u32 s15, $0x4  }
0xae: {  	s10 =	sadd.s32 s5, s17  }
0xaf: {  	[tilespmem:s19], [sflag:$0x7] =	stream.linear.gather [hbm4b:s10+s16], $0x1400, $0x38;
	[tilespmem:$0x1EF80] =	vst v63  }
0xb0: {  	_ =	swait.ge [sflag:s20], $0x1400  }
0xb1: {  	[sflag:s20] =	ssyncset.done $0x0  }
0xb2: {  	[sflag:s20] =	ssyncadd.s32 $0xFFFFEC00  }
0xb3: {  	_ =	swait.ge [sflag:s20], $0x1400  }
0xb4: {  	[sflag:s20] =	ssyncset.done $0x0  }
0xb5: {  	[sflag:s20] =	ssyncadd.s32 $0xFFFFEC00  }
0xb6: {  	_ =	swait.ge [sflag:s20], $0x1400  }
0xb7: {  	[sflag:s20] =	ssyncset.done $0x0  }
0xb8: {  	s17 =	simm.s32 $0x0;
	[sflag:s20] =	ssyncadd.s32 $0xFFFFEC00  }
0xb9: {  	v13 =	vld [tilespmem:s17+$0x3F00]  }
0xba: {  	v18 =	vld [tilespmem:s17+$0x5300]  }
0xbb: {  	v20 =	vld [tilespmem:s17+$0x3F10]  }
0xbc: {  	v21 =	vld [tilespmem:s17+$0x5310]  }
0xbd: {  	v6 =	vld [tilespmem:s17+$0x3F20]  }
0xbe: {  	v10 =	vld [tilespmem:s17+$0x5320]  }
0xbf: {  	v8 =	vld [tilespmem:s17+$0x3F30]  }
0xc0: {  	v12 =	vld [tilespmem:s17+$0x5330]  }
0xc1: {  	v9 =	vld [tilespmem:s17+$0x3F40]  }
0xc2: {  	v11 =	vld [tilespmem:s17+$0x5340]  }
0xc3: {  	v5 =	vld [tilespmem:s17+$0x3F50]  }
0xc4: {  	v7 =	vld [tilespmem:s17+$0x5350]  }
0xc5: {  	v3 =	vld [tilespmem:s17+$0x3F60]  }
0xc6: {  	v4 =	vld [tilespmem:s17+$0x5360]  }
0xc7: {  	v1 =	vld [tilespmem:s17+$0x3F70]  }
0xc8: {  	v2 =	vld [tilespmem:s17+$0x5370]  }
0xc9: {  	v17 =	vld [tilespmem:s17+$0x6700]  }
0xca: {  	v16 =	vld [tilespmem:s17+$0x6710]  }
0xcb: {  	v15 =	vld [tilespmem:s17+$0x6720]  }
0xcc: {  	v14 =	vld [tilespmem:s17+$0x6730];
	v19 =	vadd.f32 v18, v13  }
0xcd: {  	s10 =	simm.s32 $0x200;
	v18 =	vadd.f32 v21, v20;
	v13 =	vld [tilespmem:s17+$0x6740]  }
.LBB2_9:
0xce: {  	p0 =	sne.s32 s10, $0x4E00;
	v17 =	vadd.f32 v17, v19;
	v6 =	vadd.f32 v10, v6;
	v10 =	vld [tilespmem:s17+$0x6750]  }
0xcf: {  	v8 =	vadd.f32 v12, v8;
	v16 =	vadd.f32 v16, v18;
	v12 =	vld [tilespmem:s17+$0x6760]  }
0xd0: {  	s15 =	sshra.s32 s10, $0x2;
	v9 =	vadd.f32 v11, v9;
	v17 =	vmax.f32 v17, $0.0e+00;
	v6 =	vadd.f32 v15, v6;
	v11 =	vld [tilespmem:s17+$0x6770]  }
0xd1: {  	v5 =	vadd.f32 v7, v5;
	v18 =	vld [tilespmem:s15+$0x3F00];
	[tilespmem:s17+$0x6700] =	vst v17;
	v15 =	vmax.f32 v16, $0.0e+00;
	v8 =	vadd.f32 v14, v8  }
0xd2: {  	v3 =	vadd.f32 v4, v3;
	v14 =	vld [tilespmem:s15+$0x5300];
	[tilespmem:s17+$0x6710] =	vst v15;
	v6 =	vmax.f32 v6, $0.0e+00;
	v7 =	vadd.f32 v13, v9  }
0xd3: {  	v1 =	vadd.f32 v2, v1;
	v13 =	vld [tilespmem:s15+$0x3F10];
	[tilespmem:s17+$0x6720] =	vst v6;
	v4 =	vmax.f32 v8, $0.0e+00;
	v5 =	vadd.f32 v10, v5  }
0xd4: {  	v20 =	vld [tilespmem:s15+$0x5310];
	[tilespmem:s17+$0x6730] =	vst v4;
	v2 =	vmax.f32 v7, $0.0e+00;
	v3 =	vadd.f32 v12, v3  }
0xd5: {  	v6 =	vld [tilespmem:s15+$0x3F20];
	[tilespmem:s17+$0x6740] =	vst v2;
	v2 =	vmax.f32 v5, $0.0e+00;
	v1 =	vadd.f32 v11, v1  }
0xd6: {  	v10 =	vld [tilespmem:s15+$0x5320];
	[tilespmem:s17+$0x6750] =	vst v2;
	v2 =	vmax.f32 v3, $0.0e+00  }
0xd7: {  	v8 =	vld [tilespmem:s15+$0x3F30];
	[tilespmem:s17+$0x6760] =	vst v2;
	v1 =	vmax.f32 v1, $0.0e+00  }
0xd8: {  	v12 =	vld [tilespmem:s15+$0x5330];
	[tilespmem:s17+$0x6770] =	vst v1;
	s17 =	smov.u32 s15  }
0xd9: {  	v9 =	vld [tilespmem:s17+$0x3F40]  }
0xda: {  	v11 =	vld [tilespmem:s17+$0x5340]  }
0xdb: {  	v5 =	vld [tilespmem:s17+$0x3F50]  }
0xdc: {  	v7 =	vld [tilespmem:s17+$0x5350]  }
0xdd: {  	v3 =	vld [tilespmem:s17+$0x3F60]  }
0xde: {  	v4 =	vld [tilespmem:s17+$0x5360]  }
0xdf: {  	v1 =	vld [tilespmem:s17+$0x3F70]  }
0xe0: {  	v2 =	vld [tilespmem:s17+$0x5370]  }
.Ltmp3:
0xe1: {  	v17 =	vld [tilespmem:s17+$0x6700];
	(pc) =	sbr.rel @p0 .LBB2_9-.Ltmp3, $4  }
0xe2: {  	v16 =	vld [tilespmem:s17+$0x6710]  }
0xe3: {  	v15 =	vld [tilespmem:s17+$0x6720]  }
0xe4: {  	v19 =	vadd.f32 v14, v18;
	v14 =	vld [tilespmem:s17+$0x6730]  }
0xe5: {  	s10 =	sadd.s32 $0x200, s10;
	v18 =	vadd.f32 v20, v13;
	v13 =	vld [tilespmem:s17+$0x6740]  }
0xe6: {  	v17 =	vadd.f32 v17, v19  }
0xe7: {  	v6 =	vadd.f32 v10, v6;
	v10 =	vld [tilespmem:s17+$0x6750];
	v8 =	vadd.f32 v12, v8  }
0xe8: {  	v9 =	vadd.f32 v11, v9;
	v11 =	vld [tilespmem:s17+$0x6770];
	v16 =	vadd.f32 v16, v18  }
0xe9: {  	v12 =	vld [tilespmem:s17+$0x6760];
	v17 =	vmax.f32 v17, $0.0e+00;
	v6 =	vadd.f32 v15, v6  }
0xea: {  	v5 =	vadd.f32 v7, v5;
	[tilespmem:s17+$0x6700] =	vst v17;
	v15 =	vmax.f32 v16, $0.0e+00;
	v8 =	vadd.f32 v14, v8  }
0xeb: {  	v1 =	vadd.f32 v2, v1;
	[tilespmem:s17+$0x6710] =	vst v15;
	v6 =	vmax.f32 v6, $0.0e+00;
	v7 =	vadd.f32 v13, v9  }
0xec: {  	v3 =	vadd.f32 v4, v3;
	[tilespmem:s17+$0x6720] =	vst v6;
	v4 =	vmax.f32 v8, $0.0e+00;
	v5 =	vadd.f32 v10, v5  }
0xed: {  	v1 =	vadd.f32 v11, v1;
	[tilespmem:s17+$0x6730] =	vst v4;
	v2 =	vmax.f32 v7, $0.0e+00  }
0xee: {  	v3 =	vadd.f32 v12, v3;
	[tilespmem:s17+$0x6740] =	vst v2;
	v2 =	vmax.f32 v5, $0.0e+00  }
0xef: {  	v1 =	vmax.f32 v1, $0.0e+00;
	[tilespmem:s17+$0x6750] =	vst v2  }
0xf0: {  	v2 =	vmax.f32 v3, $0.0e+00;
	[tilespmem:s17+$0x6770] =	vst v1  }
0xf1: {  	[tilespmem:s17+$0x6760] =	vst v2  }
0xf2: {  	[spmem:s1] =	stream.indirect.scatter.add.f32 [tilespmem:s0], [sflag:$0x6], $0x80, s26, s22, $0xb8;
	[tilespmem:$0x1EF80] =	vst v63  }
0xf3: {  	_ =	swait.ge [sflag:s30], $0x1400  }
0xf4: {  	s10 =	rddreg [dreg:$0xa]  }
0xf5: {  	s10 =	sadd.s32 s23, s10  }
0xf6: {  	[sflag:s30] =	ssyncset.done $0x0;
	s15 =	sshrl.u32 s10, $0x3  }
0xf7: {  	s17 =	simm.s32 $0x0;
	[sflag:s30] =	ssyncadd.s32 $0xFFFFEC00;
	s16 =	sadd.s32 s7, s15  }
0xf8: {  	[tilespmem:s17], [sflag:$0x2] =	stream.linear.gather [hbm4b:s16+s17], $0x28, $0x38;
	[tilespmem:$0x1EF80] =	vst v63  }
0xf9: {  	s15 =	sadd.s32 s8, s15  }
0xfa: {  	[tilespmem:s21], [sflag:$0x2] =	stream.linear.gather [hbm4b:s15+s17], $0x28, $0x38;
	[tilespmem:$0x1EF80] =	vst v63  }
0xfb: {  	_ =	swait.ge [sflag:s31], $0x28  }
0xfc: {  	[sflag:s31] =	ssyncset.done $0x0  }
0xfd: {  	[sflag:s31] =	ssyncadd.s32 $0xFFFFFFD8  }
0xfe: {  	_ =	swait.ge [sflag:s31], $0x28  }
0xff: {  	[sflag:s31] =	ssyncset.done $0x0  }
0x100: {  	s16 =	simm.s32 $0x300;
	[sflag:s31] =	ssyncadd.s32 $0xFFFFFFD8  }
0x101: {  	[tilespmem:s16], [sflag:$0x1] =	stream.indirect.gather [hbm4b:s4+s22], $0x80, s17, s22, $0xb8;
	[tilespmem:$0x1EF80] =	vst v63  }
0x102: {  	s10 =	sshll.u32 s10, $0x4;
	s16 =	simm.s32 $0x1700  }
0x103: {  	[tilespmem:s16], [sflag:$0x1] =	stream.indirect.gather [hbm4b:s6+s22], $0x80, s21, s22, $0xb8;
	[tilespmem:$0x1EF80] =	vst v63  }
0x104: {  	s10 =	sadd.s32 s5, s10  }
0x105: {  	[tilespmem:s25], [sflag:$0x1] =	stream.linear.gather [hbm4b:s10+s17], $0x1400, $0x38;
	[tilespmem:$0x1EF80] =	vst v63  }
0x106: {  	_ =	swait.ge [sflag:s14], $0x1400  }
0x107: {  	[sflag:s14] =	ssyncset.done $0x0  }
0x108: {  	[sflag:s14] =	ssyncadd.s32 $0xFFFFEC00  }
0x109: {  	_ =	swait.ge [sflag:s14], $0x1400  }
0x10a: {  	[sflag:s14] =	ssyncset.done $0x0  }
0x10b: {  	[sflag:s14] =	ssyncadd.s32 $0xFFFFEC00  }
0x10c: {  	_ =	swait.ge [sflag:s14], $0x1400  }
0x10d: {  	[sflag:s14] =	ssyncset.done $0x0  }
0x10e: {  	s17 =	simm.s32 $0x0;
	[sflag:s14] =	ssyncadd.s32 $0xFFFFEC00  }
0x10f: {  	v13 =	vld [tilespmem:s17+$0x7B00]  }
0x110: {  	v18 =	vld [tilespmem:s17+$0x8F00]  }
0x111: {  	v20 =	vld [tilespmem:s17+$0x7B10]  }
0x112: {  	v21 =	vld [tilespmem:s17+$0x8F10]  }
0x113: {  	v6 =	vld [tilespmem:s17+$0x7B20]  }
0x114: {  	v10 =	vld [tilespmem:s17+$0x8F20]  }
0x115: {  	v8 =	vld [tilespmem:s17+$0x7B30]  }
0x116: {  	v12 =	vld [tilespmem:s17+$0x8F30]  }
0x117: {  	v9 =	vld [tilespmem:s17+$0x7B40]  }
0x118: {  	v11 =	vld [tilespmem:s17+$0x8F40]  }
0x119: {  	v5 =	vld [tilespmem:s17+$0x7B50]  }
0x11a: {  	v7 =	vld [tilespmem:s17+$0x8F50]  }
0x11b: {  	v3 =	vld [tilespmem:s17+$0x7B60]  }
0x11c: {  	v4 =	vld [tilespmem:s17+$0x8F60]  }
0x11d: {  	v1 =	vld [tilespmem:s17+$0x7B70]  }
0x11e: {  	v2 =	vld [tilespmem:s17+$0x8F70]  }
0x11f: {  	v17 =	vld [tilespmem:s17+$0xA300]  }
0x120: {  	v16 =	vld [tilespmem:s17+$0xA310]  }
0x121: {  	v15 =	vld [tilespmem:s17+$0xA320]  }
0x122: {  	v14 =	vld [tilespmem:s17+$0xA330];
	v19 =	vadd.f32 v18, v13  }
0x123: {  	s10 =	simm.s32 $0x200;
	v18 =	vadd.f32 v21, v20;
	v13 =	vld [tilespmem:s17+$0xA340]  }
.LBB2_11:
0x124: {  	p0 =	sne.s32 s10, $0x4E00;
	v17 =	vadd.f32 v17, v19;
	v6 =	vadd.f32 v10, v6;
	v10 =	vld [tilespmem:s17+$0xA350]  }
0x125: {  	v8 =	vadd.f32 v12, v8;
	v16 =	vadd.f32 v16, v18;
	v12 =	vld [tilespmem:s17+$0xA360]  }
0x126: {  	s15 =	sshra.s32 s10, $0x2;
	v9 =	vadd.f32 v11, v9;
	v17 =	vmax.f32 v17, $0.0e+00;
	v6 =	vadd.f32 v15, v6;
	v11 =	vld [tilespmem:s17+$0xA370]  }
0x127: {  	v5 =	vadd.f32 v7, v5;
	v18 =	vld [tilespmem:s15+$0x7B00];
	[tilespmem:s17+$0xA300] =	vst v17;
	v15 =	vmax.f32 v16, $0.0e+00;
	v8 =	vadd.f32 v14, v8  }
0x128: {  	v3 =	vadd.f32 v4, v3;
	v14 =	vld [tilespmem:s15+$0x8F00];
	[tilespmem:s17+$0xA310] =	vst v15;
	v6 =	vmax.f32 v6, $0.0e+00;
	v7 =	vadd.f32 v13, v9  }
0x129: {  	v1 =	vadd.f32 v2, v1;
	v13 =	vld [tilespmem:s15+$0x7B10];
	[tilespmem:s17+$0xA320] =	vst v6;
	v4 =	vmax.f32 v8, $0.0e+00;
	v5 =	vadd.f32 v10, v5  }
0x12a: {  	v20 =	vld [tilespmem:s15+$0x8F10];
	[tilespmem:s17+$0xA330] =	vst v4;
	v2 =	vmax.f32 v7, $0.0e+00;
	v3 =	vadd.f32 v12, v3  }
0x12b: {  	v6 =	vld [tilespmem:s15+$0x7B20];
	[tilespmem:s17+$0xA340] =	vst v2;
	v2 =	vmax.f32 v5, $0.0e+00;
	v1 =	vadd.f32 v11, v1  }
0x12c: {  	v10 =	vld [tilespmem:s15+$0x8F20];
	[tilespmem:s17+$0xA350] =	vst v2;
	v2 =	vmax.f32 v3, $0.0e+00  }
0x12d: {  	v8 =	vld [tilespmem:s15+$0x7B30];
	[tilespmem:s17+$0xA360] =	vst v2;
	v1 =	vmax.f32 v1, $0.0e+00  }
0x12e: {  	v12 =	vld [tilespmem:s15+$0x8F30];
	[tilespmem:s17+$0xA370] =	vst v1;
	s17 =	smov.u32 s15  }
0x12f: {  	v9 =	vld [tilespmem:s17+$0x7B40]  }
0x130: {  	v11 =	vld [tilespmem:s17+$0x8F40]  }
0x131: {  	v5 =	vld [tilespmem:s17+$0x7B50]  }
0x132: {  	v7 =	vld [tilespmem:s17+$0x8F50]  }
0x133: {  	v3 =	vld [tilespmem:s17+$0x7B60]  }
0x134: {  	v4 =	vld [tilespmem:s17+$0x8F60]  }
0x135: {  	v1 =	vld [tilespmem:s17+$0x7B70]  }
0x136: {  	v2 =	vld [tilespmem:s17+$0x8F70]  }
.Ltmp4:
0x137: {  	v17 =	vld [tilespmem:s17+$0xA300];
	(pc) =	sbr.rel @p0 .LBB2_11-.Ltmp4, $4  }
0x138: {  	v16 =	vld [tilespmem:s17+$0xA310]  }
0x139: {  	v15 =	vld [tilespmem:s17+$0xA320]  }
0x13a: {  	v19 =	vadd.f32 v14, v18;
	v14 =	vld [tilespmem:s17+$0xA330]  }
0x13b: {  	s10 =	sadd.s32 $0x200, s10;
	v18 =	vadd.f32 v20, v13;
	v13 =	vld [tilespmem:s17+$0xA340]  }
0x13c: {  	v17 =	vadd.f32 v17, v19;
	v6 =	vadd.f32 v10, v6;
	v58 =	vld [tilespmem:s17+$0xA350]  }
0x13d: {  	v8 =	vadd.f32 v12, v8;
	v60 =	vld [tilespmem:s17+$0xA370];
	v16 =	vadd.f32 v16, v18  }
0x13e: {  	v59 =	vld [tilespmem:s17+$0xA360];
	v9 =	vadd.f32 v11, v9;
	v17 =	vmax.f32 v17, $0.0e+00;
	v6 =	vadd.f32 v15, v6  }
0x13f: {  	v5 =	vadd.f32 v7, v5;
	[tilespmem:s17+$0xA300] =	vst v17;
	v61 =	vmax.f32 v16, $0.0e+00;
	v8 =	vadd.f32 v14, v8  }
0x140: {  	v1 =	vadd.f32 v2, v1;
	[tilespmem:s17+$0xA310] =	vst v61;
	v6 =	vmax.f32 v6, $0.0e+00;
	v62 =	vadd.f32 v13, v9  }
0x141: {  	v3 =	vadd.f32 v4, v3;
	[tilespmem:s17+$0xA320] =	vst v6;
	v63 =	vmax.f32 v8, $0.0e+00;
	v5 =	vadd.f32 v58, v5  }
0x142: {  	p0 =	seq.s32 s24, $0x52;
	v1 =	vadd.f32 v60, v1;
	[tilespmem:s17+$0xA330] =	vst v63;
	v2 =	vmax.f32 v62, $0.0e+00  }
.Ltmp5:
0x143: {  	v3 =	vadd.f32 v59, v3;
	[tilespmem:s17+$0xA340] =	vst v2;
	v2 =	vmax.f32 v5, $0.0e+00;
	(pc) =	sbr.rel @p0 .LBB2_14-.Ltmp5, $4  }
0x144: {  	v1 =	vmax.f32 v1, $0.0e+00;
	[tilespmem:s17+$0xA350] =	vst v2  }
0x145: {  	v2 =	vmax.f32 v3, $0.0e+00;
	[tilespmem:s17+$0xA370] =	vst v1  }
0x146: {  	[tilespmem:s17+$0xA360] =	vst v2  }
0x147: {  	[spmem:s1] =	stream.indirect.scatter.add.f32 [tilespmem:s19], [sflag:$0x9], $0x80, s11, s22, $0xb8;
	[tilespmem:$0x1EF80] =	vst v63  }
0x148: {  	_ =	swait.ge [sflag:s18], $0x1400  }
0x149: {  	s10 =	rddreg [dreg:$0xb]  }
0x14a: {  	s10 =	sadd.s32 s23, s10  }
0x14b: {  	[sflag:s18] =	ssyncset.done $0x0;
	s10 =	sshrl.u32 s10, $0x3  }
.Ltmp6:
0x14c: {  	[sflag:s18] =	ssyncadd.s32 $0xFFFFEC00;
	s15 =	sadd.s32 s7, s10;
	(pc) =	sbr.rel .LBB2_6-.Ltmp6, $4  }
0x14d: {  	[tilespmem:s26], [sflag:$0x5] =	stream.linear.gather [hbm4b:s15+s3], $0x28, $0x38;
	[tilespmem:$0x1EF80] =	vst v63  }
0x14e: {  	s23 =	simm.s32 $0x180;
	s10 =	sadd.s32 s8, s10  }
0x14f: {  	[tilespmem:s23], [sflag:$0x5] =	stream.linear.gather [hbm4b:s10+s3], $0x28, $0x38;
	[tilespmem:$0x1EF80] =	vst v63  }
0x150: {  	s24 =	sadd.s32 $0x1, s24;
	s10 =	simm.s32 $0x180  }
.LBB2_14:
0x151: {  	_ =	swait.ge [sflag:s9], $0x1400  }
0x152: {  	[sflag:s9] =	ssyncset.done $0x0  }
0x153: {  	[sflag:s9] =	ssyncadd.s32 $0xFFFFEC00  }
0x154: {  	_ =	swait.ge [sflag:s9], $0x1400  }
0x155: {  	[sflag:s9] =	ssyncset.done $0x0  }
0x156: {  	[sflag:s9] =	ssyncadd.s32 $0xFFFFEC00  }
0x157: {  	_ =	swait.ge [sflag:s9], $0x1400  }
0x158: {  	[sflag:s9] =	ssyncset.done $0x0  }
0x159: {  	s17 =	simm.s32 $0x0;
	[sflag:s9] =	ssyncadd.s32 $0xFFFFEC00  }
0x15a: {  	v13 =	vld [tilespmem:s17+$0x300]  }
0x15b: {  	v18 =	vld [tilespmem:s17+$0x1700]  }
0x15c: {  	v20 =	vld [tilespmem:s17+$0x310]  }
0x15d: {  	v21 =	vld [tilespmem:s17+$0x1710]  }
0x15e: {  	v6 =	vld [tilespmem:s17+$0x320]  }
0x15f: {  	v10 =	vld [tilespmem:s17+$0x1720]  }
0x160: {  	v8 =	vld [tilespmem:s17+$0x330]  }
0x161: {  	v12 =	vld [tilespmem:s17+$0x1730]  }
0x162: {  	v9 =	vld [tilespmem:s17+$0x340]  }
0x163: {  	v11 =	vld [tilespmem:s17+$0x1740]  }
0x164: {  	v5 =	vld [tilespmem:s17+$0x350]  }
0x165: {  	v7 =	vld [tilespmem:s17+$0x1750]  }
0x166: {  	v3 =	vld [tilespmem:s17+$0x360]  }
0x167: {  	v4 =	vld [tilespmem:s17+$0x1760]  }
0x168: {  	v1 =	vld [tilespmem:s17+$0x370]  }
0x169: {  	v2 =	vld [tilespmem:s17+$0x1770]  }
0x16a: {  	v17 =	vld [tilespmem:s17+$0x2B00]  }
0x16b: {  	v16 =	vld [tilespmem:s17+$0x2B10]  }
0x16c: {  	v15 =	vld [tilespmem:s17+$0x2B20]  }
0x16d: {  	v14 =	vld [tilespmem:s17+$0x2B30];
	v19 =	vadd.f32 v18, v13  }
0x16e: {  	s10 =	simm.s32 $0x200;
	v18 =	vadd.f32 v21, v20;
	v13 =	vld [tilespmem:s17+$0x2B40]  }
.LBB2_15:
0x16f: {  	p0 =	sne.s32 s10, $0x4E00;
	v17 =	vadd.f32 v17, v19;
	v6 =	vadd.f32 v10, v6;
	v10 =	vld [tilespmem:s17+$0x2B50]  }
0x170: {  	v8 =	vadd.f32 v12, v8;
	v16 =	vadd.f32 v16, v18;
	v12 =	vld [tilespmem:s17+$0x2B60]  }
0x171: {  	s15 =	sshra.s32 s10, $0x2;
	v9 =	vadd.f32 v11, v9;
	v17 =	vmax.f32 v17, $0.0e+00;
	v6 =	vadd.f32 v15, v6;
	v11 =	vld [tilespmem:s17+$0x2B70]  }
0x172: {  	v5 =	vadd.f32 v7, v5;
	v18 =	vld [tilespmem:s15+$0x300];
	[tilespmem:s17+$0x2B00] =	vst v17;
	v15 =	vmax.f32 v16, $0.0e+00;
	v8 =	vadd.f32 v14, v8  }
0x173: {  	v3 =	vadd.f32 v4, v3;
	v14 =	vld [tilespmem:s15+$0x1700];
	[tilespmem:s17+$0x2B10] =	vst v15;
	v6 =	vmax.f32 v6, $0.0e+00;
	v7 =	vadd.f32 v13, v9  }
0x174: {  	v1 =	vadd.f32 v2, v1;
	v13 =	vld [tilespmem:s15+$0x310];
	[tilespmem:s17+$0x2B20] =	vst v6;
	v4 =	vmax.f32 v8, $0.0e+00;
	v5 =	vadd.f32 v10, v5  }
0x175: {  	v20 =	vld [tilespmem:s15+$0x1710];
	[tilespmem:s17+$0x2B30] =	vst v4;
	v2 =	vmax.f32 v7, $0.0e+00;
	v3 =	vadd.f32 v12, v3  }
0x176: {  	v6 =	vld [tilespmem:s15+$0x320];
	[tilespmem:s17+$0x2B40] =	vst v2;
	v2 =	vmax.f32 v5, $0.0e+00;
	v1 =	vadd.f32 v11, v1  }
0x177: {  	v10 =	vld [tilespmem:s15+$0x1720];
	[tilespmem:s17+$0x2B50] =	vst v2;
	v2 =	vmax.f32 v3, $0.0e+00  }
0x178: {  	v8 =	vld [tilespmem:s15+$0x330];
	[tilespmem:s17+$0x2B60] =	vst v2;
	v1 =	vmax.f32 v1, $0.0e+00  }
0x179: {  	v12 =	vld [tilespmem:s15+$0x1730];
	[tilespmem:s17+$0x2B70] =	vst v1;
	s17 =	smov.u32 s15  }
0x17a: {  	v9 =	vld [tilespmem:s17+$0x340]  }
0x17b: {  	v11 =	vld [tilespmem:s17+$0x1740]  }
0x17c: {  	v5 =	vld [tilespmem:s17+$0x350]  }
0x17d: {  	v7 =	vld [tilespmem:s17+$0x1750]  }
0x17e: {  	v3 =	vld [tilespmem:s17+$0x360]  }
0x17f: {  	v4 =	vld [tilespmem:s17+$0x1760]  }
0x180: {  	v1 =	vld [tilespmem:s17+$0x370]  }
0x181: {  	v2 =	vld [tilespmem:s17+$0x1770]  }
.Ltmp7:
0x182: {  	v17 =	vld [tilespmem:s17+$0x2B00];
	(pc) =	sbr.rel @p0 .LBB2_15-.Ltmp7, $4  }
0x183: {  	v16 =	vld [tilespmem:s17+$0x2B10]  }
0x184: {  	v15 =	vld [tilespmem:s17+$0x2B20]  }
0x185: {  	v19 =	vadd.f32 v14, v18;
	v14 =	vld [tilespmem:s17+$0x2B30]  }
0x186: {  	s10 =	sadd.s32 $0x200, s10;
	v18 =	vadd.f32 v20, v13;
	v13 =	vld [tilespmem:s17+$0x2B40]  }
0x187: {  	v17 =	vadd.f32 v17, v19;
	v6 =	vadd.f32 v10, v6;
	v58 =	vld [tilespmem:s17+$0x2B50]  }
0x188: {  	v8 =	vadd.f32 v12, v8;
	v60 =	vld [tilespmem:s17+$0x2B70];
	v16 =	vadd.f32 v16, v18  }
0x189: {  	v59 =	vld [tilespmem:s17+$0x2B60];
	v9 =	vadd.f32 v11, v9;
	v17 =	vmax.f32 v17, $0.0e+00;
	v6 =	vadd.f32 v15, v6  }
0x18a: {  	v5 =	vadd.f32 v7, v5;
	[tilespmem:s17+$0x2B00] =	vst v17;
	v61 =	vmax.f32 v16, $0.0e+00;
	v8 =	vadd.f32 v14, v8  }
0x18b: {  	v1 =	vadd.f32 v2, v1;
	[tilespmem:s17+$0x2B10] =	vst v61;
	v6 =	vmax.f32 v6, $0.0e+00;
	v62 =	vadd.f32 v13, v9  }
0x18c: {  	v3 =	vadd.f32 v4, v3;
	[tilespmem:s17+$0x2B20] =	vst v6;
	v63 =	vmax.f32 v8, $0.0e+00;
	v5 =	vadd.f32 v58, v5  }
0x18d: {  	v1 =	vadd.f32 v60, v1;
	[tilespmem:s17+$0x2B30] =	vst v63;
	v2 =	vmax.f32 v62, $0.0e+00  }
0x18e: {  	v3 =	vadd.f32 v59, v3;
	[tilespmem:s17+$0x2B40] =	vst v2;
	v2 =	vmax.f32 v5, $0.0e+00  }
0x18f: {  	v1 =	vmax.f32 v1, $0.0e+00;
	[tilespmem:s17+$0x2B50] =	vst v2  }
0x190: {  	v2 =	vmax.f32 v3, $0.0e+00;
	[tilespmem:s17+$0x2B70] =	vst v1  }
0x191: {  	s10 =	simm.s32 $0x0;
	[tilespmem:s17+$0x2B60] =	vst v2  }
0x192: {  	[spmem:s1] =	stream.indirect.scatter.add.f32 [tilespmem:s25], [sflag:$0x3], $0x80, s10, s22, $0xb8;
	[tilespmem:$0x1EF80] =	vst v63  }
0x193: {  	_ =	swait.ge [sflag:s18], $0x1400  }
0x194: {  	[sflag:s18] =	ssyncset.done $0x0  }
0x195: {  	s15 =	simm.s32 $0x9;
	[sflag:s18] =	ssyncadd.s32 $0xFFFFEC00  }
0x196: {  	_ =	swait.ge [sflag:s15], $0x1400  }
0x197: {  	[sflag:s15] =	ssyncset.done $0x0  }
0x198: {  	[sflag:s15] =	ssyncadd.s32 $0xFFFFEC00  }
0x199: {  	_ =	swait.ge [sflag:s30], $0x1400  }
0x19a: {  	s10 =	sand.u32 $0xF, s10;
	[sflag:s30] =	ssyncset.done $0x0  }
0x19b: {  	s28 =	simm.s32 $0x1;
	p0 =	sne.s32 s10, s2;
	[sflag:s30] =	ssyncadd.s32 $0xFFFFEC00  }
0x19c: {  	s10 =	sshll.u32 @!p0 s2, $0x6;
	s16 =	sshrl.u32 @!p0 s1, $0x3;
	[bflag:$0x0] =	sbarrier.arrive $0xFFFF  }
0x19d: {  	s24 =	simm.s32 @!p0 $0xA;
	s10 =	sor.u32 @!p0 $0x1C0A, s10;
	s23 =	rddreg [dreg:$0xd]  }
0x19e: {  	[hbm:s23], [sflag:s10] =	dma.local @!p0 [spmem:s16], $0x280  }
0x19f: {  	s17 =	simm.s32 $0x2;
	s15 =	sand.u32 $0xF, s28;
	_ =	swait.ge @!p0 [sflag:s24], $0x280  }
0x1a0: {  	s10 =	sadd.s32 $0x280, s23;
	s23 =	sadd.s32 $0x1400, s1;
	[sflag:s24] =	ssyncset.done @!p0 $0x0  }
.LBB2_17:
0x1a1: {  	[sflag:s24] =	ssyncadd.s32 @!p0 $0xFFFFFD80  }
0x1a2: {  	p0 =	sne.s32 s15, s2;
	s15 =	smov.u32 s17;
	s17 =	sadd.s32 $0x1, s17  }
0x1a3: {  	p1 =	sne.s32 s17, $0xFA  }
.Ltmp8:
0x1a4: {  	s16 =	sshll.u32 @!p0 s2, $0x6;
	s28 =	sshrl.u32 @!p0 s23, $0x3;
	(pc) =	sbr.rel @p1 .LBB2_17-.Ltmp8, $4  }
0x1a5: {  	s24 =	simm.s32 @!p0 $0xA;
	s16 =	sor.u32 @!p0 $0x1C0A, s16  }
0x1a6: {  	[hbm:s10], [sflag:s16] =	dma.local @!p0 [spmem:s28], $0x280  }
0x1a7: {  	s10 =	sadd.s32 $0x280, s10;
	_ =	swait.ge @!p0 [sflag:s24], $0x280  }
0x1a8: {  	s15 =	sand.u32 $0xF, s15;
	s23 =	sadd.s32 $0x1400, s23;
	[sflag:s24] =	ssyncset.done @!p0 $0x0  }
0x1a9: {  	p1 =	sne.s32 s15, s2  }
0x1aa: {  	[sflag:s24] =	ssyncadd.s32 @!p0 $0xFFFFFD80;
	s15 =	sshll.u32 @!p1 s2, $0x6  }
0x1ab: {  	s16 =	sshrl.u32 @!p1 s23, $0x3;
	s17 =	simm.s32 @!p1 $0xA;
	s15 =	sor.u32 @!p1 $0x1C0A, s15  }
0x1ac: {  	[hbm:s10], [sflag:s15] =	dma.local @!p1 [spmem:s16], $0x280  }
0x1ad: {  	_ =	swait.ge @!p1 [sflag:s17], $0x280  }
0x1ae: {  	s23 =	rddreg [dreg:$0xe]  }
0x1af: {  	s24 =	rddreg [dreg:$0xc];
	s15 =	sadd.s32 $0x1, s23  }
0x1b0: {  	p0 =	sne.s32 s15, s24  }
.Ltmp9:
0x1b1: {  	_ = 	snop;
	(pc) =	sbr.rel @p0 .LBB2_1-.Ltmp9, $3  }
0x1b2: {  	_ =	sdelay $0x1  }
0x1b3: {  	[sflag:s17] =	ssyncset.done @!p1 $0x0  }
0x1b4: {  	s28 =	rddreg [dreg:$0x4];
	[sflag:s17] =	ssyncadd.s32 @!p1 $0xFFFFFD80  }
0x1b5: {  	_ =	sfence.sel $0x180000  }
0x1b6: {  	[bflag:$0x0] =	sbarrier.arrive $0xFFFF  }
0x1b7: {  	_ =	strace $0x90000047  }
0x1b8: {  	[bflag:$0x2] =	sbarrier.arrive $0xFFFF  }
0x1b9: {  	p0 =	sne.s32 s2, $0x0;
	s0 =	rddreg [dreg:$0x2]  }
0x1ba: {  	s0 =	sadd.s32 @!p0 $0x100000, s0  }
0x1bb: {  	[sflag:s0] =	ssyncadd.tile.s32 @!p0 $0x1;
	_ =	shalt  }
.Lfunc_end2:
_tile_overlayer_lowered:
.L_overlay_start_2:
0x1bc: {  	(tag) =	ssettag $0x2  }
0x1bd: {  	s0 =	rddreg [dreg:$0x0];
	s2 =	stileid.u32  }
0x1be: {  	s1 =	rddreg [dreg:$0x1];
	p0 =	sne.s32 s2, $0x0  }
0x1bf: {  	s3 =	rddreg [dreg:$0x2];
	[bflag:$0x3] =	sbarrier.arrive $0xFFFF;
	s2 =	simm.s32 @!p0 $0x1C0A  }
0x1c0: {  	[timem:s3], [sflag:s2] =	dma.local @!p0 [hbm:s0], s1  }
0x1c1: {  	s0 =	simm.s32 @!p0 $0xA  }
0x1c2: {  	_ =	swait.ge @!p0 [sflag:s0], s1  }
0x1c3: {  	s1 =	ssub.s32 @!p0 $0x0, s1;
	[sflag:s0] =	ssyncset.done @!p0 $0x0  }
0x1c4: {  	[sflag:s0] =	ssyncadd.s32 @!p0 s1  }
0x1c5: {  	[bflag:$0x3] =	sbarrier.arrive $0xFFFF  }
0x1c6: {  	_ =	shalt  }

</sc_bundles>
